<compile_context>
chip_gen: v7x
topology: tpu7x:2x2x1
jax: 0.10.2.dev20260603
libtpu: 0.0.44.dev20260713+nightly
codegen_flags: <defaults>
</compile_context>

<pallas_src>
import functools

import jax
import jax.numpy as jnp
from jax import lax
from jax.experimental import pallas as pl
from jax.experimental.pallas import tpu as pltpu
from jax.experimental.pallas import tpu_sc as plsc

_K_NN = 5
_K_FINAL = 10
_ROW_TILE = 392


def _merge_topk(a, b, k):
    out = []
    for i in range(min(k, len(a) + len(b))):
        terms = []
        if i < len(a):
            terms.append(a[i])
        if i < len(b):
            terms.append(b[i])
        for j in range(i):
            bi = i - 1 - j
            if j < len(a) and bi < len(b):
                terms.append(jnp.minimum(a[j], b[bi]))
        m = terms[0]
        for t in terms[1:]:
            m = jnp.maximum(m, t)
        out.append(m)
    return out


def _sort_desc(slabs):
    s = list(slabs)
    for i in range(1, len(s)):
        for j in range(i, 0, -1):
            hi = jnp.maximum(s[j - 1], s[j])
            s[j] = jnp.minimum(s[j - 1], s[j])
            s[j - 1] = hi
    return s


def _top_sel(slabs, k):
    n = len(slabs)
    if k == 1:
        m = slabs[0]
        for t in slabs[1:]:
            m = jnp.maximum(m, t)
        return [m]
    if n <= k:
        return _sort_desc(slabs)
    winners, losers = [], []
    for i in range(n // 2):
        x, y = slabs[2 * i], slabs[2 * i + 1]
        winners.append(jnp.maximum(x, y))
        losers.append(jnp.minimum(x, y))
    if n % 2:
        winners.append(slabs[-1])
    return _merge_topk(_top_sel(winners, k), _top_sel(losers, k // 2), k)


def _score_tile_kernel(q_ref, mem_ref, out_ref, msqh_ref):
    m_total = mem_ref.shape[0]

    @pl.when(pl.program_id(0) == 0)
    def _():
        mem0 = mem_ref[...]
        ones_c = jnp.ones((1, mem0.shape[1]), jnp.float32)
        msqh_ref[...] = 0.5 * jax.lax.dot_general(
            ones_c, mem0 * mem0, (((1,), (1,)), ((), ())),
            preferred_element_type=jnp.float32)

    q = q_ref[...]
    qsqh = 0.5 * jnp.sum(q * q, axis=1, keepdims=True)
    qm = jax.lax.dot_general(
        q, mem_ref[...], (((1,), (1,)), ((), ())),
        preferred_element_type=jnp.float32)

    g = qm - qsqh - msqh_ref[...]

    e = jnp.exp(jnp.minimum(g, 0.0))
    ones_m = jnp.ones((m_total, 1), jnp.float32)
    kmean = jax.lax.dot_general(
        e, ones_m, (((1,), (0,)), ((), ())),
        preferred_element_type=jnp.float32) * (1.0 / m_total)

    w = 128
    slabs = [g[:, s * w:(s + 1) * w] for s in range(m_total // w)]
    tops = _top_sel(slabs, _K_NN)
    vals = jnp.concatenate(tops, axis=1)
    acc = jnp.zeros_like(kmean)
    rem = jnp.full_like(kmean, float(_K_NN))
    for _ in range(_K_NN):
        m = jnp.max(vals, axis=1, keepdims=True)
        eq = vals == m
        cnt = jnp.sum(eq.astype(jnp.float32), axis=1, keepdims=True)
        take = jnp.minimum(cnt, rem)
        d2m = jnp.maximum(-2.0 * m, 0.0)
        acc = acc + take * jnp.sqrt(d2m + 1e-12)
        rem = rem - take
        vals = jnp.where(eq, -jnp.inf, vals)
    knn = acc / float(_K_NN)
    out_ref[...] = 0.5 * knn + 0.5 * (1.0 - kmean)


def _layer_scores(q_flat, mem):
    n, c = q_flat.shape
    m = mem.shape[0]
    r = _ROW_TILE
    return pl.pallas_call(
        _score_tile_kernel,
        grid=(n // r,),
        in_specs=[
            pl.BlockSpec((r, c), lambda i: (i, 0)),
            pl.BlockSpec((m, c), lambda i: (0, 0)),
        ],
        out_specs=pl.BlockSpec((r, 1), lambda i: (i, 0)),
        out_shape=jax.ShapeDtypeStruct((n, 1), jnp.float32),
        scratch_shapes=[pltpu.VMEM((1, m), jnp.float32)],
    )(q_flat, mem)


def _final_sc(b, hw):
    lanes = 16
    nv = hw // lanes
    mesh = plsc.VectorSubcoreMesh(core_axis_name="c", subcore_axis_name="s")

    @functools.partial(
        pl.kernel,
        mesh=mesh,
        out_type=(
            jax.ShapeDtypeStruct((b * hw,), jnp.float32),
            jax.ShapeDtypeStruct((b, lanes), jnp.float32),
        ),
        scratch_types=[
            pltpu.VMEM((hw,), jnp.float32),
            pltpu.VMEM((hw,), jnp.float32),
            pltpu.VMEM((hw,), jnp.float32),
            pltpu.VMEM((lanes,), jnp.float32),
        ],
    )
    def k(c2_hbm, c3_hbm, cm_hbm, sc_hbm, a_v, b_v, o_v, s_v):
        wid = lax.axis_index("s") * 2 + lax.axis_index("c")

        @pl.when(wid < b)
        def _():
            base = wid * hw
            pltpu.sync_copy(c2_hbm.at[pl.ds(base, hw)], a_v)
            pltpu.sync_copy(c3_hbm.at[pl.ds(base, hw)], b_v)
            slabs = []
            for v in range(nv):
                x = 0.5 * (a_v[pl.ds(v * lanes, lanes)] +
                           b_v[pl.ds(v * lanes, lanes)])
                o_v[pl.ds(v * lanes, lanes)] = x
                slabs.append(x)
            pltpu.sync_copy(o_v, cm_hbm.at[pl.ds(base, hw)])
            vals = _top_sel(slabs, _K_FINAL)

            dnums = lax.GatherDimensionNumbers(
                offset_dims=(), collapsed_slice_dims=(0,),
                start_index_map=(0,))
            iota = lax.iota(jnp.int32, lanes)

            def _rot(x, sh):
                idx = ((iota + sh) & (lanes - 1))[:, None]
                return lax.gather(
                    x, idx, dnums, slice_sizes=(1,),
                    mode=lax.GatherScatterMode.PROMISE_IN_BOUNDS)

            def _max_splat(x):
                for sh in (1, 2, 4, 8):
                    x = jnp.maximum(x, _rot(x, sh))
                return x

            def _sum_splat(x):
                for sh in (1, 2, 4, 8):
                    x = x + _rot(x, sh)
                return x

            acc = jnp.zeros((lanes,), jnp.float32)
            rem = jnp.full((lanes,), float(_K_FINAL), jnp.float32)
            for _ in range(_K_FINAL):
                mx = vals[0]
                for t in vals[1:]:
                    mx = jnp.maximum(mx, t)
                m = _max_splat(mx)
                eqs = [v == m for v in vals]
                cvec = jnp.zeros((lanes,), jnp.float32)
                for e in eqs:
                    cvec = cvec + jnp.where(e, 1.0, 0.0)
                cnt = _sum_splat(cvec)
                take = jnp.minimum(cnt, rem)
                acc = acc + take * m
                rem = rem - take
                vals = [jnp.where(e, -jnp.inf, v)
                        for e, v in zip(eqs, vals)]
            s_v[...] = (1.0 / _K_FINAL) * acc
            pltpu.sync_copy(s_v, sc_hbm.at[wid])

    return k


def kernel(query_layer2, query_layer3, mem_layer2, mem_layer3):
    b, c2, h, w = query_layer2.shape
    c3 = query_layer3.shape[1]
    q2 = jnp.transpose(query_layer2, (0, 2, 3, 1)).reshape(-1, c2)
    q3 = jnp.transpose(query_layer3, (0, 2, 3, 1)).reshape(-1, c3)

    comb2 = _layer_scores(q2, mem_layer2)
    comb3 = _layer_scores(q3, mem_layer3)

    map2 = comb2.reshape(b, h, w)
    map3 = comb3.reshape(b, h, w)

    cm_flat, score_rows = _final_sc(b, h * w)(
        comb2.reshape(-1), comb3.reshape(-1))

    return (score_rows[:, 0], cm_flat.reshape(b, h, w), map2, map3)

# --- scband reference (transcript-rebuilt; emitter-appended) ---
"""Pipeline reference for scband-reg-mem-few-shot-model-6906307412403 (READ-ONLY COPY).

The authoritative reference and input builder live on the scoring server;
editing this copy changes nothing except your own understanding.
"""

import jax, jax.numpy as jnp
import numpy as np

NUM_NEIGHBORS = 5
MMD_SIGMA = 1.0


def setup_inputs(seed: int = 0) -> dict:
    key = jax.random.key(seed)
    k1, k2, k3, k4 = jax.random.split(key, 4)
    return {
        "query_layer2": jax.random.normal(k1, (4, 128, 28, 28), dtype=jnp.float32),
        "query_layer3": jax.random.normal(k2, (4, 256, 28, 28), dtype=jnp.float32),
        "mem_layer2": jax.random.normal(k3, (8192, 128), dtype=jnp.float32),
        "mem_layer3": jax.random.normal(k4, (8192, 256), dtype=jnp.float32),
    }


def _score_layer(query, mem):
    # query: [B, C, H, W]; mem: [M, C]
    B, C, H, W = query.shape
    query_flat = jnp.transpose(query, (0, 2, 3, 1)).reshape(-1, C)  # [B*H*W, C]
    # squared euclidean distances (torch.cdist p=2 equivalent)
    q_sq = jnp.sum(query_flat * query_flat, axis=1, keepdims=True)  # [N,1]
    m_sq = jnp.sum(mem * mem, axis=1)[None, :]  # [1,M]
    d2 = q_sq + m_sq - 2.0 * (query_flat @ mem.T)
    d2 = jnp.maximum(d2, 0.0)
    dist = jnp.sqrt(d2 + 1e-12)
    # kNN score: mean of k smallest distances
    k = min(NUM_NEIGHBORS, mem.shape[0])
    neg_top, _ = jax.lax.top_k(-dist, k)
    knn_score = jnp.mean(-neg_top, axis=1)
    # distribution score: Gaussian-kernel (MMD-style) dissimilarity to memory
    kernel_mean = jnp.mean(jnp.exp(-d2 / (2.0 * MMD_SIGMA * MMD_SIGMA)), axis=1)
    dist_score = 1.0 - kernel_mean
    combined = 0.5 * knn_score + 0.5 * dist_score
    return combined.reshape(B, H, W)


def reference(query_layer2, query_layer3, mem_layer2, mem_layer3):
    map2 = _score_layer(query_layer2, mem_layer2)
    map3 = _score_layer(query_layer3, mem_layer3)
    stacked = jnp.stack([map2, map3], axis=0)
    combined_map = jnp.mean(stacked, axis=0)  # [B, H, W]
    flattened = combined_map.reshape(combined_map.shape[0], -1)
    topk = min(10, flattened.shape[1])
    top_vals, _ = jax.lax.top_k(flattened, topk)
    final_scores = jnp.mean(top_vals, axis=1)
    return (final_scores, combined_map, map2, map3)

if __name__ == "__main__":
    import jax
    _d = setup_inputs()
    print(jax.jit(kernel)(*tuple(_d.values())))

</pallas_src>

<mosaic_0001>
#map = affine_map<(d0, d1) -> (0)>
#map1 = affine_map<(d0, d1) -> (0, 0)>
module attributes {stable_mosaic.version = 14 : i64} {
  func.func @k(%arg0: i32, %arg1: i32, %arg2: memref<3136xf32, #tpu.memory_space<hbm>>, %arg3: memref<3136xf32, #tpu.memory_space<hbm>>, %arg4: memref<3136xf32, #tpu.memory_space<hbm>>, %arg5: memref<4x16xf32, #tpu.memory_space<hbm>>, %arg6: memref<784xf32, #tpu.memory_space<vmem>>, %arg7: memref<784xf32, #tpu.memory_space<vmem>>, %arg8: memref<784xf32, #tpu.memory_space<vmem>>, %arg9: memref<16xf32, #tpu.memory_space<vmem>>) attributes {dimension_semantics = [#tpu.dimension_semantics<core_parallel>, #tpu.dimension_semantics<subcore_parallel>], iteration_bounds = array<i64: 2, 16>, scalar_prefetch = 0 : i64, scratch_operands = 4 : i64, tpu.core_type = #tpu.core_type<sc_vector_subcore>, window_params = [{transform_indices = #map}, {transform_indices = #map}, {transform_indices = #map}, {transform_indices = #map1}]} {
    %mul3A = arith.constant 2 : i32
    %mul3A_0 = arith.muli %arg1, %mul3A : i32
    %add3A = arith.addi %mul3A_0, %arg0 : i32
    %lt3A = arith.constant 4 : i32
    %lt3A_1 = arith.cmpi slt, %add3A, %lt3A : i32
    %convert_element_type3A = arith.extui %lt3A_1 : i1 to i32
    %cond3A = arith.constant 0 : i32
    %cond3A_2 = arith.cmpi ne, %convert_element_type3A, %cond3A : i32
    scf.if %cond3A_2 {
      %mul3A_3 = arith.constant 784 : i32
      %mul3A_4 = arith.muli %add3A, %mul3A_3 : i32
      "tpu.region"() ({
        %run_scoped3A = tpu.sem_alloc : memref<!tpu.dma_semaphore, #tpu.memory_space<semaphore_mem>>
        %dma_start3A = tpu.memref_slice %arg2[%mul3A_4] : memref<3136xf32, #tpu.memory_space<hbm>> -> memref<784xf32, #tpu.memory_space<hbm>>
        %dma_start3A_3246 = tpu.memref_slice %arg2[%mul3A_4] : memref<3136xf32, #tpu.memory_space<hbm>> -> memref<784xf32, #tpu.memory_space<hbm>>
        tpu.enqueue_dma source(%dma_start3A_3246 : memref<784xf32, #tpu.memory_space<hbm>>) target(%arg6 : memref<784xf32, #tpu.memory_space<vmem>>) target_semaphore(%run_scoped3A : memref<!tpu.dma_semaphore, #tpu.memory_space<semaphore_mem>>)
        %dma_wait3A = tpu.memref_slice %arg2[%mul3A_4] : memref<3136xf32, #tpu.memory_space<hbm>> -> memref<784xf32, #tpu.memory_space<hbm>>
        %dma_wait3A_3247 = tpu.memref_slice %arg2[%mul3A_4] : memref<3136xf32, #tpu.memory_space<hbm>> -> memref<784xf32, #tpu.memory_space<hbm>>
        tpu.wait_dma2 semaphore(%run_scoped3A : memref<!tpu.dma_semaphore, #tpu.memory_space<semaphore_mem>>) src(%dma_wait3A_3247 : memref<784xf32, #tpu.memory_space<hbm>>) dst(%arg6 : memref<784xf32, #tpu.memory_space<vmem>>)
        tpu.yield
      }) : () -> ()
      "tpu.region"() ({
        %run_scoped3A = tpu.sem_alloc : memref<!tpu.dma_semaphore, #tpu.memory_space<semaphore_mem>>
        %dma_start3A = tpu.memref_slice %arg3[%mul3A_4] : memref<3136xf32, #tpu.memory_space<hbm>> -> memref<784xf32, #tpu.memory_space<hbm>>
        %dma_start3A_3246 = tpu.memref_slice %arg3[%mul3A_4] : memref<3136xf32, #tpu.memory_space<hbm>> -> memref<784xf32, #tpu.memory_space<hbm>>
        tpu.enqueue_dma source(%dma_start3A_3246 : memref<784xf32, #tpu.memory_space<hbm>>) target(%arg7 : memref<784xf32, #tpu.memory_space<vmem>>) target_semaphore(%run_scoped3A : memref<!tpu.dma_semaphore, #tpu.memory_space<semaphore_mem>>)
        %dma_wait3A = tpu.memref_slice %arg3[%mul3A_4] : memref<3136xf32, #tpu.memory_space<hbm>> -> memref<784xf32, #tpu.memory_space<hbm>>
        %dma_wait3A_3247 = tpu.memref_slice %arg3[%mul3A_4] : memref<3136xf32, #tpu.memory_space<hbm>> -> memref<784xf32, #tpu.memory_space<hbm>>
        tpu.wait_dma2 semaphore(%run_scoped3A : memref<!tpu.dma_semaphore, #tpu.memory_space<semaphore_mem>>) src(%dma_wait3A_3247 : memref<784xf32, #tpu.memory_space<hbm>>) dst(%arg7 : memref<784xf32, #tpu.memory_space<vmem>>)
        tpu.yield
      }) : () -> ()
      %get3A = arith.constant 0 : index
      %get3A_5 = tpu.vector_load %arg6[%get3A] {strides = array<i32>} : memref<784xf32, #tpu.memory_space<vmem>>, vector<16xf32>,
      %get3A_6 = vector.shape_cast %get3A_5 : vector<16xf32> to vector<16xf32>
      %get3A_7 = arith.constant 0 : index
      %get3A_8 = tpu.vector_load %arg7[%get3A_7] {strides = array<i32>} : memref<784xf32, #tpu.memory_space<vmem>>, vector<16xf32>,
      %get3A_9 = vector.shape_cast %get3A_8 : vector<16xf32> to vector<16xf32>
      %add3A_10 = arith.addf %get3A_6, %get3A_9 : vector<16xf32>
      %mul3A_11 = arith.constant 5.000000e-01 : f32
      %mul3A_12 = vector.broadcast %mul3A_11 : f32 to vector<16xf32>
      %mul3A_13 = arith.mulf %mul3A_12, %add3A_10 : vector<16xf32>
      %swap3A = arith.constant 0 : index
      %swap3A_14 = tpu.vector_load %arg8[%swap3A] {strides = array<i32>} : memref<784xf32, #tpu.memory_space<vmem>>, vector<16xf32>,
      %swap3A_15 = vector.shape_cast %swap3A_14 : vector<16xf32> to vector<16xf32>
      %swap3A_16 = vector.shape_cast %mul3A_13 : vector<16xf32> to vector<16xf32>
      tpu.vector_store %arg8[%swap3A], %swap3A_16 {strides = array<i32>} : memref<784xf32, #tpu.memory_space<vmem>>, vector<16xf32>,
      %get3A_17 = arith.constant 16 : index
      %get3A_18 = tpu.vector_load %arg6[%get3A_17] {strides = array<i32>} : memref<784xf32, #tpu.memory_space<vmem>>, vector<16xf32>,
      %get3A_19 = vector.shape_cast %get3A_18 : vector<16xf32> to vector<16xf32>
      %get3A_20 = arith.constant 16 : index
      %get3A_21 = tpu.vector_load %arg7[%get3A_20] {strides = array<i32>} : memref<784xf32, #tpu.memory_space<vmem>>, vector<16xf32>,
      %get3A_22 = vector.shape_cast %get3A_21 : vector<16xf32> to vector<16xf32>
      %add3A_23 = arith.addf %get3A_19, %get3A_22 : vector<16xf32>
      %mul3A_24 = arith.constant 5.000000e-01 : f32
      %mul3A_25 = vector.broadcast %mul3A_24 : f32 to vector<16xf32>
      %mul3A_26 = arith.mulf %mul3A_25, %add3A_23 : vector<16xf32>
      %swap3A_27 = arith.constant 16 : index
      %swap3A_28 = tpu.vector_load %arg8[%swap3A_27] {strides = array<i32>} : memref<784xf32, #tpu.memory_space<vmem>>, vector<16xf32>,
      %swap3A_29 = vector.shape_cast %swap3A_28 : vector<16xf32> to vector<16xf32>
      %swap3A_30 = vector.shape_cast %mul3A_26 : vector<16xf32> to vector<16xf32>
      tpu.vector_store %arg8[%swap3A_27], %swap3A_30 {strides = array<i32>} : memref<784xf32, #tpu.memory_space<vmem>>, vector<16xf32>,
      %get3A_31 = arith.constant 32 : index
      %get3A_32 = tpu.vector_load %arg6[%get3A_31] {strides = array<i32>} : memref<784xf32, #tpu.memory_space<vmem>>, vector<16xf32>,
      %get3A_33 = vector.shape_cast %get3A_32 : vector<16xf32> to vector<16xf32>
      %get3A_34 = arith.constant 32 : index
      %get3A_35 = tpu.vector_load %arg7[%get3A_34] {strides = array<i32>} : memref<784xf32, #tpu.memory_space<vmem>>, vector<16xf32>,
      %get3A_36 = vector.shape_cast %get3A_35 : vector<16xf32> to vector<16xf32>
      %add3A_37 = arith.addf %get3A_33, %get3A_36 : vector<16xf32>
      %mul3A_38 = arith.constant 5.000000e-01 : f32
      %mul3A_39 = vector.broadcast %mul3A_38 : f32 to vector<16xf32>
      %mul3A_40 = arith.mulf %mul3A_39, %add3A_37 : vector<16xf32>
      %swap3A_41 = arith.constant 32 : index
      %swap3A_42 = tpu.vector_load %arg8[%swap3A_41] {strides = array<i32>} : memref<784xf32, #tpu.memory_space<vmem>>, vector<16xf32>,
      %swap3A_43 = vector.shape_cast %swap3A_42 : vector<16xf32> to vector<16xf32>
      %swap3A_44 = vector.shape_cast %mul3A_40 : vector<16xf32> to vector<16xf32>
      tpu.vector_store %arg8[%swap3A_41], %swap3A_44 {strides = array<i32>} : memref<784xf32, #tpu.memory_space<vmem>>, vector<16xf32>,
      %get3A_45 = arith.constant 48 : index
      %get3A_46 = tpu.vector_load %arg6[%get3A_45] {strides = array<i32>} : memref<784xf32, #tpu.memory_space<vmem>>, vector<16xf32>,
      %get3A_47 = vector.shape_cast %get3A_46 : vector<16xf32> to vector<16xf32>
      %get3A_48 = arith.constant 48 : index
      %get3A_49 = tpu.vector_load %arg7[%get3A_48] {strides = array<i32>} : memref<784xf32, #tpu.memory_space<vmem>>, vector<16xf32>,
      %get3A_50 = vector.shape_cast %get3A_49 : vector<16xf32> to vector<16xf32>
      %add3A_51 = arith.addf %get3A_47, %get3A_50 : vector<16xf32>
      %mul3A_52 = arith.constant 5.000000e-01 : f32
      %mul3A_53 = vector.broadcast %mul3A_52 : f32 to vector<16xf32>
      %mul3A_54 = arith.mulf %mul3A_53, %add3A_51 : vector<16xf32>
      %swap3A_55 = arith.constant 48 : index
      %swap3A_56 = tpu.vector_load %arg8[%swap3A_55] {strides = array<i32>} : memref<784xf32, #tpu.memory_space<vmem>>, vector<16xf32>,
      %swap3A_57 = vector.shape_cast %swap3A_56 : vector<16xf32> to vector<16xf32>
      %swap3A_58 = vector.shape_cast %mul3A_54 : vector<16xf32> to vector<16xf32>
      tpu.vector_store %arg8[%swap3A_55], %swap3A_58 {strides = array<i32>} : memref<784xf32, #tpu.memory_space<vmem>>, vector<16xf32>,
      %get3A_59 = arith.constant 64 : index
      %get3A_60 = tpu.vector_load %arg6[%get3A_59] {strides = array<i32>} : memref<784xf32, #tpu.memory_space<vmem>>, vector<16xf32>,
      %get3A_61 = vector.shape_cast %get3A_60 : vector<16xf32> to vector<16xf32>
      %get3A_62 = arith.constant 64 : index
      %get3A_63 = tpu.vector_load %arg7[%get3A_62] {strides = array<i32>} : memref<784xf32, #tpu.memory_space<vmem>>, vector<16xf32>,
      %get3A_64 = vector.shape_cast %get3A_63 : vector<16xf32> to vector<16xf32>
      %add3A_65 = arith.addf %get3A_61, %get3A_64 : vector<16xf32>
      %mul3A_66 = arith.constant 5.000000e-01 : f32
      %mul3A_67 = vector.broadcast %mul3A_66 : f32 to vector<16xf32>
      %mul3A_68 = arith.mulf %mul3A_67, %add3A_65 : vector<16xf32>
      %swap3A_69 = arith.constant 64 : index
      %swap3A_70 = tpu.vector_load %arg8[%swap3A_69] {strides = array<i32>} : memref<784xf32, #tpu.memory_space<vmem>>, vector<16xf32>,
      %swap3A_71 = vector.shape_cast %swap3A_70 : vector<16xf32> to vector<16xf32>
      %swap3A_72 = vector.shape_cast %mul3A_68 : vector<16xf32> to vector<16xf32>
      tpu.vector_store %arg8[%swap3A_69], %swap3A_72 {strides = array<i32>} : memref<784xf32, #tpu.memory_space<vmem>>, vector<16xf32>,
      %get3A_73 = arith.constant 80 : index
      %get3A_74 = tpu.vector_load %arg6[%get3A_73] {strides = array<i32>} : memref<784xf32, #tpu.memory_space<vmem>>, vector<16xf32>,
      %get3A_75 = vector.shape_cast %get3A_74 : vector<16xf32> to vector<16xf32>
      %get3A_76 = arith.constant 80 : index
      %get3A_77 = tpu.vector_load %arg7[%get3A_76] {strides = array<i32>} : memref<784xf32, #tpu.memory_space<vmem>>, vector<16xf32>,
      %get3A_78 = vector.shape_cast %get3A_77 : vector<16xf32> to vector<16xf32>
      %add3A_79 = arith.addf %get3A_75, %get3A_78 : vector<16xf32>
      %mul3A_80 = arith.constant 5.000000e-01 : f32
      %mul3A_81 = vector.broadcast %mul3A_80 : f32 to vector<16xf32>
      %mul3A_82 = arith.mulf %mul3A_81, %add3A_79 : vector<16xf32>
      %swap3A_83 = arith.constant 80 : index
      %swap3A_84 = tpu.vector_load %arg8[%swap3A_83] {strides = array<i32>} : memref<784xf32, #tpu.memory_space<vmem>>, vector<16xf32>,
      %swap3A_85 = vector.shape_cast %swap3A_84 : vector<16xf32> to vector<16xf32>
      %swap3A_86 = vector.shape_cast %mul3A_82 : vector<16xf32> to vector<16xf32>
      tpu.vector_store %arg8[%swap3A_83], %swap3A_86 {strides = array<i32>} : memref<784xf32, #tpu.memory_space<vmem>>, vector<16xf32>,
      %get3A_87 = arith.constant 96 : index
      %get3A_88 = tpu.vector_load %arg6[%get3A_87] {strides = array<i32>} : memref<784xf32, #tpu.memory_space<vmem>>, vector<16xf32>,
      %get3A_89 = vector.shape_cast %get3A_88 : vector<16xf32> to vector<16xf32>
      %get3A_90 = arith.constant 96 : index
      %get3A_91 = tpu.vector_load %arg7[%get3A_90] {strides = array<i32>} : memref<784xf32, #tpu.memory_space<vmem>>, vector<16xf32>,
      %get3A_92 = vector.shape_cast %get3A_91 : vector<16xf32> to vector<16xf32>
      %add3A_93 = arith.addf %get3A_89, %get3A_92 : vector<16xf32>
      %mul3A_94 = arith.constant 5.000000e-01 : f32
      %mul3A_95 = vector.broadcast %mul3A_94 : f32 to vector<16xf32>
      %mul3A_96 = arith.mulf %mul3A_95, %add3A_93 : vector<16xf32>
      %swap3A_97 = arith.constant 96 : index
      %swap3A_98 = tpu.vector_load %arg8[%swap3A_97] {strides = array<i32>} : memref<784xf32, #tpu.memory_space<vmem>>, vector<16xf32>,
      %swap3A_99 = vector.shape_cast %swap3A_98 : vector<16xf32> to vector<16xf32>
      %swap3A_100 = vector.shape_cast %mul3A_96 : vector<16xf32> to vector<16xf32>
      tpu.vector_store %arg8[%swap3A_97], %swap3A_100 {strides = array<i32>} : memref<784xf32, #tpu.memory_space<vmem>>, vector<16xf32>,
      %get3A_101 = arith.constant 112 : index
      %get3A_102 = tpu.vector_load %arg6[%get3A_101] {strides = array<i32>} : memref<784xf32, #tpu.memory_space<vmem>>, vector<16xf32>,
      %get3A_103 = vector.shape_cast %get3A_102 : vector<16xf32> to vector<16xf32>
      %get3A_104 = arith.constant 112 : index
      %get3A_105 = tpu.vector_load %arg7[%get3A_104] {strides = array<i32>} : memref<784xf32, #tpu.memory_space<vmem>>, vector<16xf32>,
      %get3A_106 = vector.shape_cast %get3A_105 : vector<16xf32> to vector<16xf32>
      %add3A_107 = arith.addf %get3A_103, %get3A_106 : vector<16xf32>
      %mul3A_108 = arith.constant 5.000000e-01 : f32
      %mul3A_109 = vector.broadcast %mul3A_108 : f32 to vector<16xf32>
      %mul3A_110 = arith.mulf %mul3A_109, %add3A_107 : vector<16xf32>
      %swap3A_111 = arith.constant 112 : index
      %swap3A_112 = tpu.vector_load %arg8[%swap3A_111] {strides = array<i32>} : memref<784xf32, #tpu.memory_space<vmem>>, vector<16xf32>,
      %swap3A_113 = vector.shape_cast %swap3A_112 : vector<16xf32> to vector<16xf32>
      %swap3A_114 = vector.shape_cast %mul3A_110 : vector<16xf32> to vector<16xf32>
      tpu.vector_store %arg8[%swap3A_111], %swap3A_114 {strides = array<i32>} : memref<784xf32, #tpu.memory_space<vmem>>, vector<16xf32>,
      %get3A_115 = arith.constant 128 : index
      %get3A_116 = tpu.vector_load %arg6[%get3A_115] {strides = array<i32>} : memref<784xf32, #tpu.memory_space<vmem>>, vector<16xf32>,
      %get3A_117 = vector.shape_cast %get3A_116 : vector<16xf32> to vector<16xf32>
      %get3A_118 = arith.constant 128 : index
      %get3A_119 = tpu.vector_load %arg7[%get3A_118] {strides = array<i32>} : memref<784xf32, #tpu.memory_space<vmem>>, vector<16xf32>,
      %get3A_120 = vector.shape_cast %get3A_119 : vector<16xf32> to vector<16xf32>
      %add3A_121 = arith.addf %get3A_117, %get3A_120 : vector<16xf32>
      %mul3A_122 = arith.constant 5.000000e-01 : f32
      %mul3A_123 = vector.broadcast %mul3A_122 : f32 to vector<16xf32>
      %mul3A_124 = arith.mulf %mul3A_123, %add3A_121 : vector<16xf32>
      %swap3A_125 = arith.constant 128 : index
      %swap3A_126 = tpu.vector_load %arg8[%swap3A_125] {strides = array<i32>} : memref<784xf32, #tpu.memory_space<vmem>>, vector<16xf32>,
      %swap3A_127 = vector.shape_cast %swap3A_126 : vector<16xf32> to vector<16xf32>
      %swap3A_128 = vector.shape_cast %mul3A_124 : vector<16xf32> to vector<16xf32>
      tpu.vector_store %arg8[%swap3A_125], %swap3A_128 {strides = array<i32>} : memref<784xf32, #tpu.memory_space<vmem>>, vector<16xf32>,
      %get3A_129 = arith.constant 144 : index
      %get3A_130 = tpu.vector_load %arg6[%get3A_129] {strides = array<i32>} : memref<784xf32, #tpu.memory_space<vmem>>, vector<16xf32>,
      %get3A_131 = vector.shape_cast %get3A_130 : vector<16xf32> to vector<16xf32>
      %get3A_132 = arith.constant 144 : index
      %get3A_133 = tpu.vector_load %arg7[%get3A_132] {strides = array<i32>} : memref<784xf32, #tpu.memory_space<vmem>>, vector<16xf32>,
      %get3A_134 = vector.shape_cast %get3A_133 : vector<16xf32> to vector<16xf32>
      %add3A_135 = arith.addf %get3A_131, %get3A_134 : vector<16xf32>
      %mul3A_136 = arith.constant 5.000000e-01 : f32
      %mul3A_137 = vector.broadcast %mul3A_136 : f32 to vector<16xf32>
      %mul3A_138 = arith.mulf %mul3A_137, %add3A_135 : vector<16xf32>
      %swap3A_139 = arith.constant 144 : index
      %swap3A_140 = tpu.vector_load %arg8[%swap3A_139] {strides = array<i32>} : memref<784xf32, #tpu.memory_space<vmem>>, vector<16xf32>,
      %swap3A_141 = vector.shape_cast %swap3A_140 : vector<16xf32> to vector<16xf32>
      %swap3A_142 = vector.shape_cast %mul3A_138 : vector<16xf32> to vector<16xf32>
      tpu.vector_store %arg8[%swap3A_139], %swap3A_142 {strides = array<i32>} : memref<784xf32, #tpu.memory_space<vmem>>, vector<16xf32>,
      %get3A_143 = arith.constant 160 : index
      %get3A_144 = tpu.vector_load %arg6[%get3A_143] {strides = array<i32>} : memref<784xf32, #tpu.memory_space<vmem>>, vector<16xf32>,
      %get3A_145 = vector.shape_cast %get3A_144 : vector<16xf32> to vector<16xf32>
      %get3A_146 = arith.constant 160 : index
      %get3A_147 = tpu.vector_load %arg7[%get3A_146] {strides = array<i32>} : memref<784xf32, #tpu.memory_space<vmem>>, vector<16xf32>,
      %get3A_148 = vector.shape_cast %get3A_147 : vector<16xf32> to vector<16xf32>
      %add3A_149 = arith.addf %get3A_145, %get3A_148 : vector<16xf32>
      %mul3A_150 = arith.constant 5.000000e-01 : f32
      %mul3A_151 = vector.broadcast %mul3A_150 : f32 to vector<16xf32>
      %mul3A_152 = arith.mulf %mul3A_151, %add3A_149 : vector<16xf32>
      %swap3A_153 = arith.constant 160 : index
      %swap3A_154 = tpu.vector_load %arg8[%swap3A_153] {strides = array<i32>} : memref<784xf32, #tpu.memory_space<vmem>>, vector<16xf32>,
      %swap3A_155 = vector.shape_cast %swap3A_154 : vector<16xf32> to vector<16xf32>
      %swap3A_156 = vector.shape_cast %mul3A_152 : vector<16xf32> to vector<16xf32>
      tpu.vector_store %arg8[%swap3A_153], %swap3A_156 {strides = array<i32>} : memref<784xf32, #tpu.memory_space<vmem>>, vector<16xf32>,
      %get3A_157 = arith.constant 176 : index
      %get3A_158 = tpu.vector_load %arg6[%get3A_157] {strides = array<i32>} : memref<784xf32, #tpu.memory_space<vmem>>, vector<16xf32>,
      %get3A_159 = vector.shape_cast %get3A_158 : vector<16xf32> to vector<16xf32>
      %get3A_160 = arith.constant 176 : index
      %get3A_161 = tpu.vector_load %arg7[%get3A_160] {strides = array<i32>} : memref<784xf32, #tpu.memory_space<vmem>>, vector<16xf32>,
      %get3A_162 = vector.shape_cast %get3A_161 : vector<16xf32> to vector<16xf32>
      %add3A_163 = arith.addf %get3A_159, %get3A_162 : vector<16xf32>
      %mul3A_164 = arith.constant 5.000000e-01 : f32
      %mul3A_165 = vector.broadcast %mul3A_164 : f32 to vector<16xf32>
      %mul3A_166 = arith.mulf %mul3A_165, %add3A_163 : vector<16xf32>
      %swap3A_167 = arith.constant 176 : index
      %swap3A_168 = tpu.vector_load %arg8[%swap3A_167] {strides = array<i32>} : memref<784xf32, #tpu.memory_space<vmem>>, vector<16xf32>,
      %swap3A_169 = vector.shape_cast %swap3A_168 : vector<16xf32> to vector<16xf32>
      %swap3A_170 = vector.shape_cast %mul3A_166 : vector<16xf32> to vector<16xf32>
      tpu.vector_store %arg8[%swap3A_167], %swap3A_170 {strides = array<i32>} : memref<784xf32, #tpu.memory_space<vmem>>, vector<16xf32>,
      %get3A_171 = arith.constant 192 : index
      %get3A_172 = tpu.vector_load %arg6[%get3A_171] {strides = array<i32>} : memref<784xf32, #tpu.memory_space<vmem>>, vector<16xf32>,
      %get3A_173 = vector.shape_cast %get3A_172 : vector<16xf32> to vector<16xf32>
      %get3A_174 = arith.constant 192 : index
      %get3A_175 = tpu.vector_load %arg7[%get3A_174] {strides = array<i32>} : memref<784xf32, #tpu.memory_space<vmem>>, vector<16xf32>,
      %get3A_176 = vector.shape_cast %get3A_175 : vector<16xf32> to vector<16xf32>
      %add3A_177 = arith.addf %get3A_173, %get3A_176 : vector<16xf32>
      %mul3A_178 = arith.constant 5.000000e-01 : f32
      %mul3A_179 = vector.broadcast %mul3A_178 : f32 to vector<16xf32>
      %mul3A_180 = arith.mulf %mul3A_179, %add3A_177 : vector<16xf32>
      %swap3A_181 = arith.constant 192 : index
      %swap3A_182 = tpu.vector_load %arg8[%swap3A_181] {strides = array<i32>} : memref<784xf32, #tpu.memory_space<vmem>>, vector<16xf32>,
      %swap3A_183 = vector.shape_cast %swap3A_182 : vector<16xf32> to vector<16xf32>
      %swap3A_184 = vector.shape_cast %mul3A_180 : vector<16xf32> to vector<16xf32>
      tpu.vector_store %arg8[%swap3A_181], %swap3A_184 {strides = array<i32>} : memref<784xf32, #tpu.memory_space<vmem>>, vector<16xf32>,
      %get3A_185 = arith.constant 208 : index
      %get3A_186 = tpu.vector_load %arg6[%get3A_185] {strides = array<i32>} : memref<784xf32, #tpu.memory_space<vmem>>, vector<16xf32>,
      %get3A_187 = vector.shape_cast %get3A_186 : vector<16xf32> to vector<16xf32>
      %get3A_188 = arith.constant 208 : index
      %get3A_189 = tpu.vector_load %arg7[%get3A_188] {strides = array<i32>} : memref<784xf32, #tpu.memory_space<vmem>>, vector<16xf32>,
      %get3A_190 = vector.shape_cast %get3A_189 : vector<16xf32> to vector<16xf32>
      %add3A_191 = arith.addf %get3A_187, %get3A_190 : vector<16xf32>
      %mul3A_192 = arith.constant 5.000000e-01 : f32
      %mul3A_193 = vector.broadcast %mul3A_192 : f32 to vector<16xf32>
      %mul3A_194 = arith.mulf %mul3A_193, %add3A_191 : vector<16xf32>
      %swap3A_195 = arith.constant 208 : index
      %swap3A_196 = tpu.vector_load %arg8[%swap3A_195] {strides = array<i32>} : memref<784xf32, #tpu.memory_space<vmem>>, vector<16xf32>,
      %swap3A_197 = vector.shape_cast %swap3A_196 : vector<16xf32> to vector<16xf32>
      %swap3A_198 = vector.shape_cast %mul3A_194 : vector<16xf32> to vector<16xf32>
      tpu.vector_store %arg8[%swap3A_195], %swap3A_198 {strides = array<i32>} : memref<784xf32, #tpu.memory_space<vmem>>, vector<16xf32>,
      %get3A_199 = arith.constant 224 : index
      %get3A_200 = tpu.vector_load %arg6[%get3A_199] {strides = array<i32>} : memref<784xf32, #tpu.memory_space<vmem>>, vector<16xf32>,
      %get3A_201 = vector.shape_cast %get3A_200 : vector<16xf32> to vector<16xf32>
      %get3A_202 = arith.constant 224 : index
      %get3A_203 = tpu.vector_load %arg7[%get3A_202] {strides = array<i32>} : memref<784xf32, #tpu.memory_space<vmem>>, vector<16xf32>,
      %get3A_204 = vector.shape_cast %get3A_203 : vector<16xf32> to vector<16xf32>
      %add3A_205 = arith.addf %get3A_201, %get3A_204 : vector<16xf32>
      %mul3A_206 = arith.constant 5.000000e-01 : f32
      %mul3A_207 = vector.broadcast %mul3A_206 : f32 to vector<16xf32>
      %mul3A_208 = arith.mulf %mul3A_207, %add3A_205 : vector<16xf32>
      %swap3A_209 = arith.constant 224 : index
      %swap3A_210 = tpu.vector_load %arg8[%swap3A_209] {strides = array<i32>} : memref<784xf32, #tpu.memory_space<vmem>>, vector<16xf32>,
      %swap3A_211 = vector.shape_cast %swap3A_210 : vector<16xf32> to vector<16xf32>
      %swap3A_212 = vector.shape_cast %mul3A_208 : vector<16xf32> to vector<16xf32>
      tpu.vector_store %arg8[%swap3A_209], %swap3A_212 {strides = array<i32>} : memref<784xf32, #tpu.memory_space<vmem>>, vector<16xf32>,
      %get3A_213 = arith.constant 240 : index
      %get3A_214 = tpu.vector_load %arg6[%get3A_213] {strides = array<i32>} : memref<784xf32, #tpu.memory_space<vmem>>, vector<16xf32>,
      %get3A_215 = vector.shape_cast %get3A_214 : vector<16xf32> to vector<16xf32>
      %get3A_216 = arith.constant 240 : index
      %get3A_217 = tpu.vector_load %arg7[%get3A_216] {strides = array<i32>} : memref<784xf32, #tpu.memory_space<vmem>>, vector<16xf32>,
      %get3A_218 = vector.shape_cast %get3A_217 : vector<16xf32> to vector<16xf32>
      %add3A_219 = arith.addf %get3A_215, %get3A_218 : vector<16xf32>
      %mul3A_220 = arith.constant 5.000000e-01 : f32
      %mul3A_221 = vector.broadcast %mul3A_220 : f32 to vector<16xf32>
      %mul3A_222 = arith.mulf %mul3A_221, %add3A_219 : vector<16xf32>
      %swap3A_223 = arith.constant 240 : index
      %swap3A_224 = tpu.vector_load %arg8[%swap3A_223] {strides = array<i32>} : memref<784xf32, #tpu.memory_space<vmem>>, vector<16xf32>,
      %swap3A_225 = vector.shape_cast %swap3A_224 : vector<16xf32> to vector<16xf32>
      %swap3A_226 = vector.shape_cast %mul3A_222 : vector<16xf32> to vector<16xf32>
      tpu.vector_store %arg8[%swap3A_223], %swap3A_226 {strides = array<i32>} : memref<784xf32, #tpu.memory_space<vmem>>, vector<16xf32>,
      %get3A_227 = arith.constant 256 : index
      %get3A_228 = tpu.vector_load %arg6[%get3A_227] {strides = array<i32>} : memref<784xf32, #tpu.memory_space<vmem>>, vector<16xf32>,
      %get3A_229 = vector.shape_cast %get3A_228 : vector<16xf32> to vector<16xf32>
      %get3A_230 = arith.constant 256 : index
      %get3A_231 = tpu.vector_load %arg7[%get3A_230] {strides = array<i32>} : memref<784xf32, #tpu.memory_space<vmem>>, vector<16xf32>,
      %get3A_232 = vector.shape_cast %get3A_231 : vector<16xf32> to vector<16xf32>
      %add3A_233 = arith.addf %get3A_229, %get3A_232 : vector<16xf32>
      %mul3A_234 = arith.constant 5.000000e-01 : f32
      %mul3A_235 = vector.broadcast %mul3A_234 : f32 to vector<16xf32>
      %mul3A_236 = arith.mulf %mul3A_235, %add3A_233 : vector<16xf32>
      %swap3A_237 = arith.constant 256 : index
      %swap3A_238 = tpu.vector_load %arg8[%swap3A_237] {strides = array<i32>} : memref<784xf32, #tpu.memory_space<vmem>>, vector<16xf32>,
      %swap3A_239 = vector.shape_cast %swap3A_238 : vector<16xf32> to vector<16xf32>
      %swap3A_240 = vector.shape_cast %mul3A_236 : vector<16xf32> to vector<16xf32>
      tpu.vector_store %arg8[%swap3A_237], %swap3A_240 {strides = array<i32>} : memref<784xf32, #tpu.memory_space<vmem>>, vector<16xf32>,
      %get3A_241 = arith.constant 272 : index
      %get3A_242 = tpu.vector_load %arg6[%get3A_241] {strides = array<i32>} : memref<784xf32, #tpu.memory_space<vmem>>, vector<16xf32>,
      %get3A_243 = vector.shape_cast %get3A_242 : vector<16xf32> to vector<16xf32>
      %get3A_244 = arith.constant 272 : index
      %get3A_245 = tpu.vector_load %arg7[%get3A_244] {strides = array<i32>} : memref<784xf32, #tpu.memory_space<vmem>>, vector<16xf32>,
      %get3A_246 = vector.shape_cast %get3A_245 : vector<16xf32> to vector<16xf32>
      %add3A_247 = arith.addf %get3A_243, %get3A_246 : vector<16xf32>
      %mul3A_248 = arith.constant 5.000000e-01 : f32
      %mul3A_249 = vector.broadcast %mul3A_248 : f32 to vector<16xf32>
      %mul3A_250 = arith.mulf %mul3A_249, %add3A_247 : vector<16xf32>
      %swap3A_251 = arith.constant 272 : index
      %swap3A_252 = tpu.vector_load %arg8[%swap3A_251] {strides = array<i32>} : memref<784xf32, #tpu.memory_space<vmem>>, vector<16xf32>,
      %swap3A_253 = vector.shape_cast %swap3A_252 : vector<16xf32> to vector<16xf32>
      %swap3A_254 = vector.shape_cast %mul3A_250 : vector<16xf32> to vector<16xf32>
      tpu.vector_store %arg8[%swap3A_251], %swap3A_254 {strides = array<i32>} : memref<784xf32, #tpu.memory_space<vmem>>, vector<16xf32>,
      %get3A_255 = arith.constant 288 : index
      %get3A_256 = tpu.vector_load %arg6[%get3A_255] {strides = array<i32>} : memref<784xf32, #tpu.memory_space<vmem>>, vector<16xf32>,
      %get3A_257 = vector.shape_cast %get3A_256 : vector<16xf32> to vector<16xf32>
      %get3A_258 = arith.constant 288 : index
      %get3A_259 = tpu.vector_load %arg7[%get3A_258] {strides = array<i32>} : memref<784xf32, #tpu.memory_space<vmem>>, vector<16xf32>,
      %get3A_260 = vector.shape_cast %get3A_259 : vector<16xf32> to vector<16xf32>
      %add3A_261 = arith.addf %get3A_257, %get3A_260 : vector<16xf32>
      %mul3A_262 = arith.constant 5.000000e-01 : f32
      %mul3A_263 = vector.broadcast %mul3A_262 : f32 to vector<16xf32>
      %mul3A_264 = arith.mulf %mul3A_263, %add3A_261 : vector<16xf32>
      %swap3A_265 = arith.constant 288 : index
      %swap3A_266 = tpu.vector_load %arg8[%swap3A_265] {strides = array<i32>} : memref<784xf32, #tpu.memory_space<vmem>>, vector<16xf32>,
      %swap3A_267 = vector.shape_cast %swap3A_266 : vector<16xf32> to vector<16xf32>
      %swap3A_268 = vector.shape_cast %mul3A_264 : vector<16xf32> to vector<16xf32>
      tpu.vector_store %arg8[%swap3A_265], %swap3A_268 {strides = array<i32>} : memref<784xf32, #tpu.memory_space<vmem>>, vector<16xf32>,
      %get3A_269 = arith.constant 304 : index
      %get3A_270 = tpu.vector_load %arg6[%get3A_269] {strides = array<i32>} : memref<784xf32, #tpu.memory_space<vmem>>, vector<16xf32>,
      %get3A_271 = vector.shape_cast %get3A_270 : vector<16xf32> to vector<16xf32>
      %get3A_272 = arith.constant 304 : index
      %get3A_273 = tpu.vector_load %arg7[%get3A_272] {strides = array<i32>} : memref<784xf32, #tpu.memory_space<vmem>>, vector<16xf32>,
      %get3A_274 = vector.shape_cast %get3A_273 : vector<16xf32> to vector<16xf32>
      %add3A_275 = arith.addf %get3A_271, %get3A_274 : vector<16xf32>
      %mul3A_276 = arith.constant 5.000000e-01 : f32
      %mul3A_277 = vector.broadcast %mul3A_276 : f32 to vector<16xf32>
      %mul3A_278 = arith.mulf %mul3A_277, %add3A_275 : vector<16xf32>
      %swap3A_279 = arith.constant 304 : index
      %swap3A_280 = tpu.vector_load %arg8[%swap3A_279] {strides = array<i32>} : memref<784xf32, #tpu.memory_space<vmem>>, vector<16xf32>,
      %swap3A_281 = vector.shape_cast %swap3A_280 : vector<16xf32> to vector<16xf32>
      %swap3A_282 = vector.shape_cast %mul3A_278 : vector<16xf32> to vector<16xf32>
      tpu.vector_store %arg8[%swap3A_279], %swap3A_282 {strides = array<i32>} : memref<784xf32, #tpu.memory_space<vmem>>, vector<16xf32>,
      %get3A_283 = arith.constant 320 : index
      %get3A_284 = tpu.vector_load %arg6[%get3A_283] {strides = array<i32>} : memref<784xf32, #tpu.memory_space<vmem>>, vector<16xf32>,
      %get3A_285 = vector.shape_cast %get3A_284 : vector<16xf32> to vector<16xf32>
      %get3A_286 = arith.constant 320 : index
      %get3A_287 = tpu.vector_load %arg7[%get3A_286] {strides = array<i32>} : memref<784xf32, #tpu.memory_space<vmem>>, vector<16xf32>,
      %get3A_288 = vector.shape_cast %get3A_287 : vector<16xf32> to vector<16xf32>
      %add3A_289 = arith.addf %get3A_285, %get3A_288 : vector<16xf32>
      %mul3A_290 = arith.constant 5.000000e-01 : f32
      %mul3A_291 = vector.broadcast %mul3A_290 : f32 to vector<16xf32>
      %mul3A_292 = arith.mulf %mul3A_291, %add3A_289 : vector<16xf32>
      %swap3A_293 = arith.constant 320 : index
      %swap3A_294 = tpu.vector_load %arg8[%swap3A_293] {strides = array<i32>} : memref<784xf32, #tpu.memory_space<vmem>>, vector<16xf32>,
      %swap3A_295 = vector.shape_cast %swap3A_294 : vector<16xf32> to vector<16xf32>
      %swap3A_296 = vector.shape_cast %mul3A_292 : vector<16xf32> to vector<16xf32>
      tpu.vector_store %arg8[%swap3A_293], %swap3A_296 {strides = array<i32>} : memref<784xf32, #tpu.memory_space<vmem>>, vector<16xf32>,
      %get3A_297 = arith.constant 336 : index
      %get3A_298 = tpu.vector_load %arg6[%get3A_297] {strides = array<i32>} : memref<784xf32, #tpu.memory_space<vmem>>, vector<16xf32>,
      %get3A_299 = vector.shape_cast %get3A_298 : vector<16xf32> to vector<16xf32>
      %get3A_300 = arith.constant 336 : index
      %get3A_301 = tpu.vector_load %arg7[%get3A_300] {strides = array<i32>} : memref<784xf32, #tpu.memory_space<vmem>>, vector<16xf32>,
      %get3A_302 = vector.shape_cast %get3A_301 : vector<16xf32> to vector<16xf32>
      %add3A_303 = arith.addf %get3A_299, %get3A_302 : vector<16xf32>
      %mul3A_304 = arith.constant 5.000000e-01 : f32
      %mul3A_305 = vector.broadcast %mul3A_304 : f32 to vector<16xf32>
      %mul3A_306 = arith.mulf %mul3A_305, %add3A_303 : vector<16xf32>
      %swap3A_307 = arith.constant 336 : index
      %swap3A_308 = tpu.vector_load %arg8[%swap3A_307] {strides = array<i32>} : memref<784xf32, #tpu.memory_space<vmem>>, vector<16xf32>,
      %swap3A_309 = vector.shape_cast %swap3A_308 : vector<16xf32> to vector<16xf32>
      %swap3A_310 = vector.shape_cast %mul3A_306 : vector<16xf32> to vector<16xf32>
      tpu.vector_store %arg8[%swap3A_307], %swap3A_310 {strides = array<i32>} : memref<784xf32, #tpu.memory_space<vmem>>, vector<16xf32>,
      %get3A_311 = arith.constant 352 : index
      %get3A_312 = tpu.vector_load %arg6[%get3A_311] {strides = array<i32>} : memref<784xf32, #tpu.memory_space<vmem>>, vector<16xf32>,
      %get3A_313 = vector.shape_cast %get3A_312 : vector<16xf32> to vector<16xf32>
      %get3A_314 = arith.constant 352 : index
      %get3A_315 = tpu.vector_load %arg7[%get3A_314] {strides = array<i32>} : memref<784xf32, #tpu.memory_space<vmem>>, vector<16xf32>,
      %get3A_316 = vector.shape_cast %get3A_315 : vector<16xf32> to vector<16xf32>
      %add3A_317 = arith.addf %get3A_313, %get3A_316 : vector<16xf32>
      %mul3A_318 = arith.constant 5.000000e-01 : f32
      %mul3A_319 = vector.broadcast %mul3A_318 : f32 to vector<16xf32>
      %mul3A_320 = arith.mulf %mul3A_319, %add3A_317 : vector<16xf32>
      %swap3A_321 = arith.constant 352 : index
      %swap3A_322 = tpu.vector_load %arg8[%swap3A_321] {strides = array<i32>} : memref<784xf32, #tpu.memory_space<vmem>>, vector<16xf32>,
      %swap3A_323 = vector.shape_cast %swap3A_322 : vector<16xf32> to vector<16xf32>
      %swap3A_324 = vector.shape_cast %mul3A_320 : vector<16xf32> to vector<16xf32>
      tpu.vector_store %arg8[%swap3A_321], %swap3A_324 {strides = array<i32>} : memref<784xf32, #tpu.memory_space<vmem>>, vector<16xf32>,
      %get3A_325 = arith.constant 368 : index
      %get3A_326 = tpu.vector_load %arg6[%get3A_325] {strides = array<i32>} : memref<784xf32, #tpu.memory_space<vmem>>, vector<16xf32>,
      %get3A_327 = vector.shape_cast %get3A_326 : vector<16xf32> to vector<16xf32>
      %get3A_328 = arith.constant 368 : index
      %get3A_329 = tpu.vector_load %arg7[%get3A_328] {strides = array<i32>} : memref<784xf32, #tpu.memory_space<vmem>>, vector<16xf32>,
      %get3A_330 = vector.shape_cast %get3A_329 : vector<16xf32> to vector<16xf32>
      %add3A_331 = arith.addf %get3A_327, %get3A_330 : vector<16xf32>
      %mul3A_332 = arith.constant 5.000000e-01 : f32
      %mul3A_333 = vector.broadcast %mul3A_332 : f32 to vector<16xf32>
      %mul3A_334 = arith.mulf %mul3A_333, %add3A_331 : vector<16xf32>
      %swap3A_335 = arith.constant 368 : index
      %swap3A_336 = tpu.vector_load %arg8[%swap3A_335] {strides = array<i32>} : memref<784xf32, #tpu.memory_space<vmem>>, vector<16xf32>,
      %swap3A_337 = vector.shape_cast %swap3A_336 : vector<16xf32> to vector<16xf32>
      %swap3A_338 = vector.shape_cast %mul3A_334 : vector<16xf32> to vector<16xf32>
      tpu.vector_store %arg8[%swap3A_335], %swap3A_338 {strides = array<i32>} : memref<784xf32, #tpu.memory_space<vmem>>, vector<16xf32>,
      %get3A_339 = arith.constant 384 : index
      %get3A_340 = tpu.vector_load %arg6[%get3A_339] {strides = array<i32>} : memref<784xf32, #tpu.memory_space<vmem>>, vector<16xf32>,
      %get3A_341 = vector.shape_cast %get3A_340 : vector<16xf32> to vector<16xf32>
      %get3A_342 = arith.constant 384 : index
      %get3A_343 = tpu.vector_load %arg7[%get3A_342] {strides = array<i32>} : memref<784xf32, #tpu.memory_space<vmem>>, vector<16xf32>,
      %get3A_344 = vector.shape_cast %get3A_343 : vector<16xf32> to vector<16xf32>
      %add3A_345 = arith.addf %get3A_341, %get3A_344 : vector<16xf32>
      %mul3A_346 = arith.constant 5.000000e-01 : f32
      %mul3A_347 = vector.broadcast %mul3A_346 : f32 to vector<16xf32>
      %mul3A_348 = arith.mulf %mul3A_347, %add3A_345 : vector<16xf32>
      %swap3A_349 = arith.constant 384 : index
      %swap3A_350 = tpu.vector_load %arg8[%swap3A_349] {strides = array<i32>} : memref<784xf32, #tpu.memory_space<vmem>>, vector<16xf32>,
      %swap3A_351 = vector.shape_cast %swap3A_350 : vector<16xf32> to vector<16xf32>
      %swap3A_352 = vector.shape_cast %mul3A_348 : vector<16xf32> to vector<16xf32>
      tpu.vector_store %arg8[%swap3A_349], %swap3A_352 {strides = array<i32>} : memref<784xf32, #tpu.memory_space<vmem>>, vector<16xf32>,
      %get3A_353 = arith.constant 400 : index
      %get3A_354 = tpu.vector_load %arg6[%get3A_353] {strides = array<i32>} : memref<784xf32, #tpu.memory_space<vmem>>, vector<16xf32>,
      %get3A_355 = vector.shape_cast %get3A_354 : vector<16xf32> to vector<16xf32>
      %get3A_356 = arith.constant 400 : index
      %get3A_357 = tpu.vector_load %arg7[%get3A_356] {strides = array<i32>} : memref<784xf32, #tpu.memory_space<vmem>>, vector<16xf32>,
      %get3A_358 = vector.shape_cast %get3A_357 : vector<16xf32> to vector<16xf32>
      %add3A_359 = arith.addf %get3A_355, %get3A_358 : vector<16xf32>
      %mul3A_360 = arith.constant 5.000000e-01 : f32
      %mul3A_361 = vector.broadcast %mul3A_360 : f32 to vector<16xf32>
      %mul3A_362 = arith.mulf %mul3A_361, %add3A_359 : vector<16xf32>
      %swap3A_363 = arith.constant 400 : index
      %swap3A_364 = tpu.vector_load %arg8[%swap3A_363] {strides = array<i32>} : memref<784xf32, #tpu.memory_space<vmem>>, vector<16xf32>,
      %swap3A_365 = vector.shape_cast %swap3A_364 : vector<16xf32> to vector<16xf32>
      %swap3A_366 = vector.shape_cast %mul3A_362 : vector<16xf32> to vector<16xf32>
      tpu.vector_store %arg8[%swap3A_363], %swap3A_366 {strides = array<i32>} : memref<784xf32, #tpu.memory_space<vmem>>, vector<16xf32>,
      %get3A_367 = arith.constant 416 : index
      %get3A_368 = tpu.vector_load %arg6[%get3A_367] {strides = array<i32>} : memref<784xf32, #tpu.memory_space<vmem>>, vector<16xf32>,
      %get3A_369 = vector.shape_cast %get3A_368 : vector<16xf32> to vector<16xf32>
      %get3A_370 = arith.constant 416 : index
      %get3A_371 = tpu.vector_load %arg7[%get3A_370] {strides = array<i32>} : memref<784xf32, #tpu.memory_space<vmem>>, vector<16xf32>,
      %get3A_372 = vector.shape_cast %get3A_371 : vector<16xf32> to vector<16xf32>
      %add3A_373 = arith.addf %get3A_369, %get3A_372 : vector<16xf32>
      %mul3A_374 = arith.constant 5.000000e-01 : f32
      %mul3A_375 = vector.broadcast %mul3A_374 : f32 to vector<16xf32>
      %mul3A_376 = arith.mulf %mul3A_375, %add3A_373 : vector<16xf32>
      %swap3A_377 = arith.constant 416 : index
      %swap3A_378 = tpu.vector_load %arg8[%swap3A_377] {strides = array<i32>} : memref<784xf32, #tpu.memory_space<vmem>>, vector<16xf32>,
      %swap3A_379 = vector.shape_cast %swap3A_378 : vector<16xf32> to vector<16xf32>
      %swap3A_380 = vector.shape_cast %mul3A_376 : vector<16xf32> to vector<16xf32>
      tpu.vector_store %arg8[%swap3A_377], %swap3A_380 {strides = array<i32>} : memref<784xf32, #tpu.memory_space<vmem>>, vector<16xf32>,
      %get3A_381 = arith.constant 432 : index
      %get3A_382 = tpu.vector_load %arg6[%get3A_381] {strides = array<i32>} : memref<784xf32, #tpu.memory_space<vmem>>, vector<16xf32>,
      %get3A_383 = vector.shape_cast %get3A_382 : vector<16xf32> to vector<16xf32>
      %get3A_384 = arith.constant 432 : index
      %get3A_385 = tpu.vector_load %arg7[%get3A_384] {strides = array<i32>} : memref<784xf32, #tpu.memory_space<vmem>>, vector<16xf32>,
      %get3A_386 = vector.shape_cast %get3A_385 : vector<16xf32> to vector<16xf32>
      %add3A_387 = arith.addf %get3A_383, %get3A_386 : vector<16xf32>
      %mul3A_388 = arith.constant 5.000000e-01 : f32
      %mul3A_389 = vector.broadcast %mul3A_388 : f32 to vector<16xf32>
      %mul3A_390 = arith.mulf %mul3A_389, %add3A_387 : vector<16xf32>
      %swap3A_391 = arith.constant 432 : index
      %swap3A_392 = tpu.vector_load %arg8[%swap3A_391] {strides = array<i32>} : memref<784xf32, #tpu.memory_space<vmem>>, vector<16xf32>,
      %swap3A_393 = vector.shape_cast %swap3A_392 : vector<16xf32> to vector<16xf32>
      %swap3A_394 = vector.shape_cast %mul3A_390 : vector<16xf32> to vector<16xf32>
      tpu.vector_store %arg8[%swap3A_391], %swap3A_394 {strides = array<i32>} : memref<784xf32, #tpu.memory_space<vmem>>, vector<16xf32>,
      %get3A_395 = arith.constant 448 : index
      %get3A_396 = tpu.vector_load %arg6[%get3A_395] {strides = array<i32>} : memref<784xf32, #tpu.memory_space<vmem>>, vector<16xf32>,
      %get3A_397 = vector.shape_cast %get3A_396 : vector<16xf32> to vector<16xf32>
      %get3A_398 = arith.constant 448 : index
      %get3A_399 = tpu.vector_load %arg7[%get3A_398] {strides = array<i32>} : memref<784xf32, #tpu.memory_space<vmem>>, vector<16xf32>,
      %get3A_400 = vector.shape_cast %get3A_399 : vector<16xf32> to vector<16xf32>
      %add3A_401 = arith.addf %get3A_397, %get3A_400 : vector<16xf32>
      %mul3A_402 = arith.constant 5.000000e-01 : f32
      %mul3A_403 = vector.broadcast %mul3A_402 : f32 to vector<16xf32>
      %mul3A_404 = arith.mulf %mul3A_403, %add3A_401 : vector<16xf32>
      %swap3A_405 = arith.constant 448 : index
      %swap3A_406 = tpu.vector_load %arg8[%swap3A_405] {strides = array<i32>} : memref<784xf32, #tpu.memory_space<vmem>>, vector<16xf32>,
      %swap3A_407 = vector.shape_cast %swap3A_406 : vector<16xf32> to vector<16xf32>
      %swap3A_408 = vector.shape_cast %mul3A_404 : vector<16xf32> to vector<16xf32>
      tpu.vector_store %arg8[%swap3A_405], %swap3A_408 {strides = array<i32>} : memref<784xf32, #tpu.memory_space<vmem>>, vector<16xf32>,
      %get3A_409 = arith.constant 464 : index
      %get3A_410 = tpu.vector_load %arg6[%get3A_409] {strides = array<i32>} : memref<784xf32, #tpu.memory_space<vmem>>, vector<16xf32>,
      %get3A_411 = vector.shape_cast %get3A_410 : vector<16xf32> to vector<16xf32>
      %get3A_412 = arith.constant 464 : index
      %get3A_413 = tpu.vector_load %arg7[%get3A_412] {strides = array<i32>} : memref<784xf32, #tpu.memory_space<vmem>>, vector<16xf32>,
      %get3A_414 = vector.shape_cast %get3A_413 : vector<16xf32> to vector<16xf32>
      %add3A_415 = arith.addf %get3A_411, %get3A_414 : vector<16xf32>
      %mul3A_416 = arith.constant 5.000000e-01 : f32
      %mul3A_417 = vector.broadcast %mul3A_416 : f32 to vector<16xf32>
      %mul3A_418 = arith.mulf %mul3A_417, %add3A_415 : vector<16xf32>
      %swap3A_419 = arith.constant 464 : index
      %swap3A_420 = tpu.vector_load %arg8[%swap3A_419] {strides = array<i32>} : memref<784xf32, #tpu.memory_space<vmem>>, vector<16xf32>,
      %swap3A_421 = vector.shape_cast %swap3A_420 : vector<16xf32> to vector<16xf32>
      %swap3A_422 = vector.shape_cast %mul3A_418 : vector<16xf32> to vector<16xf32>
      tpu.vector_store %arg8[%swap3A_419], %swap3A_422 {strides = array<i32>} : memref<784xf32, #tpu.memory_space<vmem>>, vector<16xf32>,
      %get3A_423 = arith.constant 480 : index
      %get3A_424 = tpu.vector_load %arg6[%get3A_423] {strides = array<i32>} : memref<784xf32, #tpu.memory_space<vmem>>, vector<16xf32>,
      %get3A_425 = vector.shape_cast %get3A_424 : vector<16xf32> to vector<16xf32>
      %get3A_426 = arith.constant 480 : index
      %get3A_427 = tpu.vector_load %arg7[%get3A_426] {strides = array<i32>} : memref<784xf32, #tpu.memory_space<vmem>>, vector<16xf32>,
      %get3A_428 = vector.shape_cast %get3A_427 : vector<16xf32> to vector<16xf32>
      %add3A_429 = arith.addf %get3A_425, %get3A_428 : vector<16xf32>
      %mul3A_430 = arith.constant 5.000000e-01 : f32
      %mul3A_431 = vector.broadcast %mul3A_430 : f32 to vector<16xf32>
      %mul3A_432 = arith.mulf %mul3A_431, %add3A_429 : vector<16xf32>
      %swap3A_433 = arith.constant 480 : index
      %swap3A_434 = tpu.vector_load %arg8[%swap3A_433] {strides = array<i32>} : memref<784xf32, #tpu.memory_space<vmem>>, vector<16xf32>,
      %swap3A_435 = vector.shape_cast %swap3A_434 : vector<16xf32> to vector<16xf32>
      %swap3A_436 = vector.shape_cast %mul3A_432 : vector<16xf32> to vector<16xf32>
      tpu.vector_store %arg8[%swap3A_433], %swap3A_436 {strides = array<i32>} : memref<784xf32, #tpu.memory_space<vmem>>, vector<16xf32>,
      %get3A_437 = arith.constant 496 : index
      %get3A_438 = tpu.vector_load %arg6[%get3A_437] {strides = array<i32>} : memref<784xf32, #tpu.memory_space<vmem>>, vector<16xf32>,
      %get3A_439 = vector.shape_cast %get3A_438 : vector<16xf32> to vector<16xf32>
      %get3A_440 = arith.constant 496 : index
      %get3A_441 = tpu.vector_load %arg7[%get3A_440] {strides = array<i32>} : memref<784xf32, #tpu.memory_space<vmem>>, vector<16xf32>,
      %get3A_442 = vector.shape_cast %get3A_441 : vector<16xf32> to vector<16xf32>
      %add3A_443 = arith.addf %get3A_439, %get3A_442 : vector<16xf32>
      %mul3A_444 = arith.constant 5.000000e-01 : f32
      %mul3A_445 = vector.broadcast %mul3A_444 : f32 to vector<16xf32>
      %mul3A_446 = arith.mulf %mul3A_445, %add3A_443 : vector<16xf32>
      %swap3A_447 = arith.constant 496 : index
      %swap3A_448 = tpu.vector_load %arg8[%swap3A_447] {strides = array<i32>} : memref<784xf32, #tpu.memory_space<vmem>>, vector<16xf32>,
      %swap3A_449 = vector.shape_cast %swap3A_448 : vector<16xf32> to vector<16xf32>
      %swap3A_450 = vector.shape_cast %mul3A_446 : vector<16xf32> to vector<16xf32>
      tpu.vector_store %arg8[%swap3A_447], %swap3A_450 {strides = array<i32>} : memref<784xf32, #tpu.memory_space<vmem>>, vector<16xf32>,
      %get3A_451 = arith.constant 512 : index
      %get3A_452 = tpu.vector_load %arg6[%get3A_451] {strides = array<i32>} : memref<784xf32, #tpu.memory_space<vmem>>, vector<16xf32>,
      %get3A_453 = vector.shape_cast %get3A_452 : vector<16xf32> to vector<16xf32>
      %get3A_454 = arith.constant 512 : index
      %get3A_455 = tpu.vector_load %arg7[%get3A_454] {strides = array<i32>} : memref<784xf32, #tpu.memory_space<vmem>>, vector<16xf32>,
      %get3A_456 = vector.shape_cast %get3A_455 : vector<16xf32> to vector<16xf32>
      %add3A_457 = arith.addf %get3A_453, %get3A_456 : vector<16xf32>
      %mul3A_458 = arith.constant 5.000000e-01 : f32
      %mul3A_459 = vector.broadcast %mul3A_458 : f32 to vector<16xf32>
      %mul3A_460 = arith.mulf %mul3A_459, %add3A_457 : vector<16xf32>
      %swap3A_461 = arith.constant 512 : index
      %swap3A_462 = tpu.vector_load %arg8[%swap3A_461] {strides = array<i32>} : memref<784xf32, #tpu.memory_space<vmem>>, vector<16xf32>,
      %swap3A_463 = vector.shape_cast %swap3A_462 : vector<16xf32> to vector<16xf32>
      %swap3A_464 = vector.shape_cast %mul3A_460 : vector<16xf32> to vector<16xf32>
      tpu.vector_store %arg8[%swap3A_461], %swap3A_464 {strides = array<i32>} : memref<784xf32, #tpu.memory_space<vmem>>, vector<16xf32>,
      %get3A_465 = arith.constant 528 : index
      %get3A_466 = tpu.vector_load %arg6[%get3A_465] {strides = array<i32>} : memref<784xf32, #tpu.memory_space<vmem>>, vector<16xf32>,
      %get3A_467 = vector.shape_cast %get3A_466 : vector<16xf32> to vector<16xf32>
      %get3A_468 = arith.constant 528 : index
      %get3A_469 = tpu.vector_load %arg7[%get3A_468] {strides = array<i32>} : memref<784xf32, #tpu.memory_space<vmem>>, vector<16xf32>,
      %get3A_470 = vector.shape_cast %get3A_469 : vector<16xf32> to vector<16xf32>
      %add3A_471 = arith.addf %get3A_467, %get3A_470 : vector<16xf32>
      %mul3A_472 = arith.constant 5.000000e-01 : f32
      %mul3A_473 = vector.broadcast %mul3A_472 : f32 to vector<16xf32>
      %mul3A_474 = arith.mulf %mul3A_473, %add3A_471 : vector<16xf32>
      %swap3A_475 = arith.constant 528 : index
      %swap3A_476 = tpu.vector_load %arg8[%swap3A_475] {strides = array<i32>} : memref<784xf32, #tpu.memory_space<vmem>>, vector<16xf32>,
      %swap3A_477 = vector.shape_cast %swap3A_476 : vector<16xf32> to vector<16xf32>
      %swap3A_478 = vector.shape_cast %mul3A_474 : vector<16xf32> to vector<16xf32>
      tpu.vector_store %arg8[%swap3A_475], %swap3A_478 {strides = array<i32>} : memref<784xf32, #tpu.memory_space<vmem>>, vector<16xf32>,
      %get3A_479 = arith.constant 544 : index
      %get3A_480 = tpu.vector_load %arg6[%get3A_479] {strides = array<i32>} : memref<784xf32, #tpu.memory_space<vmem>>, vector<16xf32>,
      %get3A_481 = vector.shape_cast %get3A_480 : vector<16xf32> to vector<16xf32>
      %get3A_482 = arith.constant 544 : index
      %get3A_483 = tpu.vector_load %arg7[%get3A_482] {strides = array<i32>} : memref<784xf32, #tpu.memory_space<vmem>>, vector<16xf32>,
      %get3A_484 = vector.shape_cast %get3A_483 : vector<16xf32> to vector<16xf32>
      %add3A_485 = arith.addf %get3A_481, %get3A_484 : vector<16xf32>
      %mul3A_486 = arith.constant 5.000000e-01 : f32
      %mul3A_487 = vector.broadcast %mul3A_486 : f32 to vector<16xf32>
      %mul3A_488 = arith.mulf %mul3A_487, %add3A_485 : vector<16xf32>
      %swap3A_489 = arith.constant 544 : index
      %swap3A_490 = tpu.vector_load %arg8[%swap3A_489] {strides = array<i32>} : memref<784xf32, #tpu.memory_space<vmem>>, vector<16xf32>,
      %swap3A_491 = vector.shape_cast %swap3A_490 : vector<16xf32> to vector<16xf32>
      %swap3A_492 = vector.shape_cast %mul3A_488 : vector<16xf32> to vector<16xf32>
      tpu.vector_store %arg8[%swap3A_489], %swap3A_492 {strides = array<i32>} : memref<784xf32, #tpu.memory_space<vmem>>, vector<16xf32>,
      %get3A_493 = arith.constant 560 : index
      %get3A_494 = tpu.vector_load %arg6[%get3A_493] {strides = array<i32>} : memref<784xf32, #tpu.memory_space<vmem>>, vector<16xf32>,
      %get3A_495 = vector.shape_cast %get3A_494 : vector<16xf32> to vector<16xf32>
      %get3A_496 = arith.constant 560 : index
      %get3A_497 = tpu.vector_load %arg7[%get3A_496] {strides = array<i32>} : memref<784xf32, #tpu.memory_space<vmem>>, vector<16xf32>,
      %get3A_498 = vector.shape_cast %get3A_497 : vector<16xf32> to vector<16xf32>
      %add3A_499 = arith.addf %get3A_495, %get3A_498 : vector<16xf32>
      %mul3A_500 = arith.constant 5.000000e-01 : f32
      %mul3A_501 = vector.broadcast %mul3A_500 : f32 to vector<16xf32>
      %mul3A_502 = arith.mulf %mul3A_501, %add3A_499 : vector<16xf32>
      %swap3A_503 = arith.constant 560 : index
      %swap3A_504 = tpu.vector_load %arg8[%swap3A_503] {strides = array<i32>} : memref<784xf32, #tpu.memory_space<vmem>>, vector<16xf32>,
      %swap3A_505 = vector.shape_cast %swap3A_504 : vector<16xf32> to vector<16xf32>
      %swap3A_506 = vector.shape_cast %mul3A_502 : vector<16xf32> to vector<16xf32>
      tpu.vector_store %arg8[%swap3A_503], %swap3A_506 {strides = array<i32>} : memref<784xf32, #tpu.memory_space<vmem>>, vector<16xf32>,
      %get3A_507 = arith.constant 576 : index
      %get3A_508 = tpu.vector_load %arg6[%get3A_507] {strides = array<i32>} : memref<784xf32, #tpu.memory_space<vmem>>, vector<16xf32>,
      %get3A_509 = vector.shape_cast %get3A_508 : vector<16xf32> to vector<16xf32>
      %get3A_510 = arith.constant 576 : index
      %get3A_511 = tpu.vector_load %arg7[%get3A_510] {strides = array<i32>} : memref<784xf32, #tpu.memory_space<vmem>>, vector<16xf32>,
      %get3A_512 = vector.shape_cast %get3A_511 : vector<16xf32> to vector<16xf32>
      %add3A_513 = arith.addf %get3A_509, %get3A_512 : vector<16xf32>
      %mul3A_514 = arith.constant 5.000000e-01 : f32
      %mul3A_515 = vector.broadcast %mul3A_514 : f32 to vector<16xf32>
      %mul3A_516 = arith.mulf %mul3A_515, %add3A_513 : vector<16xf32>
      %swap3A_517 = arith.constant 576 : index
      %swap3A_518 = tpu.vector_load %arg8[%swap3A_517] {strides = array<i32>} : memref<784xf32, #tpu.memory_space<vmem>>, vector<16xf32>,
      %swap3A_519 = vector.shape_cast %swap3A_518 : vector<16xf32> to vector<16xf32>
      %swap3A_520 = vector.shape_cast %mul3A_516 : vector<16xf32> to vector<16xf32>
      tpu.vector_store %arg8[%swap3A_517], %swap3A_520 {strides = array<i32>} : memref<784xf32, #tpu.memory_space<vmem>>, vector<16xf32>,
      %get3A_521 = arith.constant 592 : index
      %get3A_522 = tpu.vector_load %arg6[%get3A_521] {strides = array<i32>} : memref<784xf32, #tpu.memory_space<vmem>>, vector<16xf32>,
      %get3A_523 = vector.shape_cast %get3A_522 : vector<16xf32> to vector<16xf32>
      %get3A_524 = arith.constant 592 : index
      %get3A_525 = tpu.vector_load %arg7[%get3A_524] {strides = array<i32>} : memref<784xf32, #tpu.memory_space<vmem>>, vector<16xf32>,
      %get3A_526 = vector.shape_cast %get3A_525 : vector<16xf32> to vector<16xf32>
      %add3A_527 = arith.addf %get3A_523, %get3A_526 : vector<16xf32>
      %mul3A_528 = arith.constant 5.000000e-01 : f32
      %mul3A_529 = vector.broadcast %mul3A_528 : f32 to vector<16xf32>
      %mul3A_530 = arith.mulf %mul3A_529, %add3A_527 : vector<16xf32>
      %swap3A_531 = arith.constant 592 : index
      %swap3A_532 = tpu.vector_load %arg8[%swap3A_531] {strides = array<i32>} : memref<784xf32, #tpu.memory_space<vmem>>, vector<16xf32>,
      %swap3A_533 = vector.shape_cast %swap3A_532 : vector<16xf32> to vector<16xf32>
      %swap3A_534 = vector.shape_cast %mul3A_530 : vector<16xf32> to vector<16xf32>
      tpu.vector_store %arg8[%swap3A_531], %swap3A_534 {strides = array<i32>} : memref<784xf32, #tpu.memory_space<vmem>>, vector<16xf32>,
      %get3A_535 = arith.constant 608 : index
      %get3A_536 = tpu.vector_load %arg6[%get3A_535] {strides = array<i32>} : memref<784xf32, #tpu.memory_space<vmem>>, vector<16xf32>,
      %get3A_537 = vector.shape_cast %get3A_536 : vector<16xf32> to vector<16xf32>
      %get3A_538 = arith.constant 608 : index
      %get3A_539 = tpu.vector_load %arg7[%get3A_538] {strides = array<i32>} : memref<784xf32, #tpu.memory_space<vmem>>, vector<16xf32>,
      %get3A_540 = vector.shape_cast %get3A_539 : vector<16xf32> to vector<16xf32>
      %add3A_541 = arith.addf %get3A_537, %get3A_540 : vector<16xf32>
      %mul3A_542 = arith.constant 5.000000e-01 : f32
      %mul3A_543 = vector.broadcast %mul3A_542 : f32 to vector<16xf32>
      %mul3A_544 = arith.mulf %mul3A_543, %add3A_541 : vector<16xf32>
      %swap3A_545 = arith.constant 608 : index
      %swap3A_546 = tpu.vector_load %arg8[%swap3A_545] {strides = array<i32>} : memref<784xf32, #tpu.memory_space<vmem>>, vector<16xf32>,
      %swap3A_547 = vector.shape_cast %swap3A_546 : vector<16xf32> to vector<16xf32>
      %swap3A_548 = vector.shape_cast %mul3A_544 : vector<16xf32> to vector<16xf32>
      tpu.vector_store %arg8[%swap3A_545], %swap3A_548 {strides = array<i32>} : memref<784xf32, #tpu.memory_space<vmem>>, vector<16xf32>,
      %get3A_549 = arith.constant 624 : index
      %get3A_550 = tpu.vector_load %arg6[%get3A_549] {strides = array<i32>} : memref<784xf32, #tpu.memory_space<vmem>>, vector<16xf32>,
      %get3A_551 = vector.shape_cast %get3A_550 : vector<16xf32> to vector<16xf32>
      %get3A_552 = arith.constant 624 : index
      %get3A_553 = tpu.vector_load %arg7[%get3A_552] {strides = array<i32>} : memref<784xf32, #tpu.memory_space<vmem>>, vector<16xf32>,
      %get3A_554 = vector.shape_cast %get3A_553 : vector<16xf32> to vector<16xf32>
      %add3A_555 = arith.addf %get3A_551, %get3A_554 : vector<16xf32>
      %mul3A_556 = arith.constant 5.000000e-01 : f32
      %mul3A_557 = vector.broadcast %mul3A_556 : f32 to vector<16xf32>
      %mul3A_558 = arith.mulf %mul3A_557, %add3A_555 : vector<16xf32>
      %swap3A_559 = arith.constant 624 : index
      %swap3A_560 = tpu.vector_load %arg8[%swap3A_559] {strides = array<i32>} : memref<784xf32, #tpu.memory_space<vmem>>, vector<16xf32>,
      %swap3A_561 = vector.shape_cast %swap3A_560 : vector<16xf32> to vector<16xf32>
      %swap3A_562 = vector.shape_cast %mul3A_558 : vector<16xf32> to vector<16xf32>
      tpu.vector_store %arg8[%swap3A_559], %swap3A_562 {strides = array<i32>} : memref<784xf32, #tpu.memory_space<vmem>>, vector<16xf32>,
      %get3A_563 = arith.constant 640 : index
      %get3A_564 = tpu.vector_load %arg6[%get3A_563] {strides = array<i32>} : memref<784xf32, #tpu.memory_space<vmem>>, vector<16xf32>,
      %get3A_565 = vector.shape_cast %get3A_564 : vector<16xf32> to vector<16xf32>
      %get3A_566 = arith.constant 640 : index
      %get3A_567 = tpu.vector_load %arg7[%get3A_566] {strides = array<i32>} : memref<784xf32, #tpu.memory_space<vmem>>, vector<16xf32>,
      %get3A_568 = vector.shape_cast %get3A_567 : vector<16xf32> to vector<16xf32>
      %add3A_569 = arith.addf %get3A_565, %get3A_568 : vector<16xf32>
      %mul3A_570 = arith.constant 5.000000e-01 : f32
      %mul3A_571 = vector.broadcast %mul3A_570 : f32 to vector<16xf32>
      %mul3A_572 = arith.mulf %mul3A_571, %add3A_569 : vector<16xf32>
      %swap3A_573 = arith.constant 640 : index
      %swap3A_574 = tpu.vector_load %arg8[%swap3A_573] {strides = array<i32>} : memref<784xf32, #tpu.memory_space<vmem>>, vector<16xf32>,
      %swap3A_575 = vector.shape_cast %swap3A_574 : vector<16xf32> to vector<16xf32>
      %swap3A_576 = vector.shape_cast %mul3A_572 : vector<16xf32> to vector<16xf32>
      tpu.vector_store %arg8[%swap3A_573], %swap3A_576 {strides = array<i32>} : memref<784xf32, #tpu.memory_space<vmem>>, vector<16xf32>,
      %get3A_577 = arith.constant 656 : index
      %get3A_578 = tpu.vector_load %arg6[%get3A_577] {strides = array<i32>} : memref<784xf32, #tpu.memory_space<vmem>>, vector<16xf32>,
      %get3A_579 = vector.shape_cast %get3A_578 : vector<16xf32> to vector<16xf32>
      %get3A_580 = arith.constant 656 : index
      %get3A_581 = tpu.vector_load %arg7[%get3A_580] {strides = array<i32>} : memref<784xf32, #tpu.memory_space<vmem>>, vector<16xf32>,
      %get3A_582 = vector.shape_cast %get3A_581 : vector<16xf32> to vector<16xf32>
      %add3A_583 = arith.addf %get3A_579, %get3A_582 : vector<16xf32>
      %mul3A_584 = arith.constant 5.000000e-01 : f32
      %mul3A_585 = vector.broadcast %mul3A_584 : f32 to vector<16xf32>
      %mul3A_586 = arith.mulf %mul3A_585, %add3A_583 : vector<16xf32>
      %swap3A_587 = arith.constant 656 : index
      %swap3A_588 = tpu.vector_load %arg8[%swap3A_587] {strides = array<i32>} : memref<784xf32, #tpu.memory_space<vmem>>, vector<16xf32>,
      %swap3A_589 = vector.shape_cast %swap3A_588 : vector<16xf32> to vector<16xf32>
      %swap3A_590 = vector.shape_cast %mul3A_586 : vector<16xf32> to vector<16xf32>
      tpu.vector_store %arg8[%swap3A_587], %swap3A_590 {strides = array<i32>} : memref<784xf32, #tpu.memory_space<vmem>>, vector<16xf32>,
      %get3A_591 = arith.constant 672 : index
      %get3A_592 = tpu.vector_load %arg6[%get3A_591] {strides = array<i32>} : memref<784xf32, #tpu.memory_space<vmem>>, vector<16xf32>,
      %get3A_593 = vector.shape_cast %get3A_592 : vector<16xf32> to vector<16xf32>
      %get3A_594 = arith.constant 672 : index
      %get3A_595 = tpu.vector_load %arg7[%get3A_594] {strides = array<i32>} : memref<784xf32, #tpu.memory_space<vmem>>, vector<16xf32>,
      %get3A_596 = vector.shape_cast %get3A_595 : vector<16xf32> to vector<16xf32>
      %add3A_597 = arith.addf %get3A_593, %get3A_596 : vector<16xf32>
      %mul3A_598 = arith.constant 5.000000e-01 : f32
      %mul3A_599 = vector.broadcast %mul3A_598 : f32 to vector<16xf32>
      %mul3A_600 = arith.mulf %mul3A_599, %add3A_597 : vector<16xf32>
      %swap3A_601 = arith.constant 672 : index
      %swap3A_602 = tpu.vector_load %arg8[%swap3A_601] {strides = array<i32>} : memref<784xf32, #tpu.memory_space<vmem>>, vector<16xf32>,
      %swap3A_603 = vector.shape_cast %swap3A_602 : vector<16xf32> to vector<16xf32>
      %swap3A_604 = vector.shape_cast %mul3A_600 : vector<16xf32> to vector<16xf32>
      tpu.vector_store %arg8[%swap3A_601], %swap3A_604 {strides = array<i32>} : memref<784xf32, #tpu.memory_space<vmem>>, vector<16xf32>,
      %get3A_605 = arith.constant 688 : index
      %get3A_606 = tpu.vector_load %arg6[%get3A_605] {strides = array<i32>} : memref<784xf32, #tpu.memory_space<vmem>>, vector<16xf32>,
      %get3A_607 = vector.shape_cast %get3A_606 : vector<16xf32> to vector<16xf32>
      %get3A_608 = arith.constant 688 : index
      %get3A_609 = tpu.vector_load %arg7[%get3A_608] {strides = array<i32>} : memref<784xf32, #tpu.memory_space<vmem>>, vector<16xf32>,
      %get3A_610 = vector.shape_cast %get3A_609 : vector<16xf32> to vector<16xf32>
      %add3A_611 = arith.addf %get3A_607, %get3A_610 : vector<16xf32>
      %mul3A_612 = arith.constant 5.000000e-01 : f32
      %mul3A_613 = vector.broadcast %mul3A_612 : f32 to vector<16xf32>
      %mul3A_614 = arith.mulf %mul3A_613, %add3A_611 : vector<16xf32>
      %swap3A_615 = arith.constant 688 : index
      %swap3A_616 = tpu.vector_load %arg8[%swap3A_615] {strides = array<i32>} : memref<784xf32, #tpu.memory_space<vmem>>, vector<16xf32>,
      %swap3A_617 = vector.shape_cast %swap3A_616 : vector<16xf32> to vector<16xf32>
      %swap3A_618 = vector.shape_cast %mul3A_614 : vector<16xf32> to vector<16xf32>
      tpu.vector_store %arg8[%swap3A_615], %swap3A_618 {strides = array<i32>} : memref<784xf32, #tpu.memory_space<vmem>>, vector<16xf32>,
      %get3A_619 = arith.constant 704 : index
      %get3A_620 = tpu.vector_load %arg6[%get3A_619] {strides = array<i32>} : memref<784xf32, #tpu.memory_space<vmem>>, vector<16xf32>,
      %get3A_621 = vector.shape_cast %get3A_620 : vector<16xf32> to vector<16xf32>
      %get3A_622 = arith.constant 704 : index
      %get3A_623 = tpu.vector_load %arg7[%get3A_622] {strides = array<i32>} : memref<784xf32, #tpu.memory_space<vmem>>, vector<16xf32>,
      %get3A_624 = vector.shape_cast %get3A_623 : vector<16xf32> to vector<16xf32>
      %add3A_625 = arith.addf %get3A_621, %get3A_624 : vector<16xf32>
      %mul3A_626 = arith.constant 5.000000e-01 : f32
      %mul3A_627 = vector.broadcast %mul3A_626 : f32 to vector<16xf32>
      %mul3A_628 = arith.mulf %mul3A_627, %add3A_625 : vector<16xf32>
      %swap3A_629 = arith.constant 704 : index
      %swap3A_630 = tpu.vector_load %arg8[%swap3A_629] {strides = array<i32>} : memref<784xf32, #tpu.memory_space<vmem>>, vector<16xf32>,
      %swap3A_631 = vector.shape_cast %swap3A_630 : vector<16xf32> to vector<16xf32>
      %swap3A_632 = vector.shape_cast %mul3A_628 : vector<16xf32> to vector<16xf32>
      tpu.vector_store %arg8[%swap3A_629], %swap3A_632 {strides = array<i32>} : memref<784xf32, #tpu.memory_space<vmem>>, vector<16xf32>,
      %get3A_633 = arith.constant 720 : index
      %get3A_634 = tpu.vector_load %arg6[%get3A_633] {strides = array<i32>} : memref<784xf32, #tpu.memory_space<vmem>>, vector<16xf32>,
      %get3A_635 = vector.shape_cast %get3A_634 : vector<16xf32> to vector<16xf32>
      %get3A_636 = arith.constant 720 : index
      %get3A_637 = tpu.vector_load %arg7[%get3A_636] {strides = array<i32>} : memref<784xf32, #tpu.memory_space<vmem>>, vector<16xf32>,
      %get3A_638 = vector.shape_cast %get3A_637 : vector<16xf32> to vector<16xf32>
      %add3A_639 = arith.addf %get3A_635, %get3A_638 : vector<16xf32>
      %mul3A_640 = arith.constant 5.000000e-01 : f32
      %mul3A_641 = vector.broadcast %mul3A_640 : f32 to vector<16xf32>
      %mul3A_642 = arith.mulf %mul3A_641, %add3A_639 : vector<16xf32>
      %swap3A_643 = arith.constant 720 : index
      %swap3A_644 = tpu.vector_load %arg8[%swap3A_643] {strides = array<i32>} : memref<784xf32, #tpu.memory_space<vmem>>, vector<16xf32>,
      %swap3A_645 = vector.shape_cast %swap3A_644 : vector<16xf32> to vector<16xf32>
      %swap3A_646 = vector.shape_cast %mul3A_642 : vector<16xf32> to vector<16xf32>
      tpu.vector_store %arg8[%swap3A_643], %swap3A_646 {strides = array<i32>} : memref<784xf32, #tpu.memory_space<vmem>>, vector<16xf32>,
      %get3A_647 = arith.constant 736 : index
      %get3A_648 = tpu.vector_load %arg6[%get3A_647] {strides = array<i32>} : memref<784xf32, #tpu.memory_space<vmem>>, vector<16xf32>,
      %get3A_649 = vector.shape_cast %get3A_648 : vector<16xf32> to vector<16xf32>
      %get3A_650 = arith.constant 736 : index
      %get3A_651 = tpu.vector_load %arg7[%get3A_650] {strides = array<i32>} : memref<784xf32, #tpu.memory_space<vmem>>, vector<16xf32>,
      %get3A_652 = vector.shape_cast %get3A_651 : vector<16xf32> to vector<16xf32>
      %add3A_653 = arith.addf %get3A_649, %get3A_652 : vector<16xf32>
      %mul3A_654 = arith.constant 5.000000e-01 : f32
      %mul3A_655 = vector.broadcast %mul3A_654 : f32 to vector<16xf32>
      %mul3A_656 = arith.mulf %mul3A_655, %add3A_653 : vector<16xf32>
      %swap3A_657 = arith.constant 736 : index
      %swap3A_658 = tpu.vector_load %arg8[%swap3A_657] {strides = array<i32>} : memref<784xf32, #tpu.memory_space<vmem>>, vector<16xf32>,
      %swap3A_659 = vector.shape_cast %swap3A_658 : vector<16xf32> to vector<16xf32>
      %swap3A_660 = vector.shape_cast %mul3A_656 : vector<16xf32> to vector<16xf32>
      tpu.vector_store %arg8[%swap3A_657], %swap3A_660 {strides = array<i32>} : memref<784xf32, #tpu.memory_space<vmem>>, vector<16xf32>,
      %get3A_661 = arith.constant 752 : index
      %get3A_662 = tpu.vector_load %arg6[%get3A_661] {strides = array<i32>} : memref<784xf32, #tpu.memory_space<vmem>>, vector<16xf32>,
      %get3A_663 = vector.shape_cast %get3A_662 : vector<16xf32> to vector<16xf32>
      %get3A_664 = arith.constant 752 : index
      %get3A_665 = tpu.vector_load %arg7[%get3A_664] {strides = array<i32>} : memref<784xf32, #tpu.memory_space<vmem>>, vector<16xf32>,
      %get3A_666 = vector.shape_cast %get3A_665 : vector<16xf32> to vector<16xf32>
      %add3A_667 = arith.addf %get3A_663, %get3A_666 : vector<16xf32>
      %mul3A_668 = arith.constant 5.000000e-01 : f32
      %mul3A_669 = vector.broadcast %mul3A_668 : f32 to vector<16xf32>
      %mul3A_670 = arith.mulf %mul3A_669, %add3A_667 : vector<16xf32>
      %swap3A_671 = arith.constant 752 : index
      %swap3A_672 = tpu.vector_load %arg8[%swap3A_671] {strides = array<i32>} : memref<784xf32, #tpu.memory_space<vmem>>, vector<16xf32>,
      %swap3A_673 = vector.shape_cast %swap3A_672 : vector<16xf32> to vector<16xf32>
      %swap3A_674 = vector.shape_cast %mul3A_670 : vector<16xf32> to vector<16xf32>
      tpu.vector_store %arg8[%swap3A_671], %swap3A_674 {strides = array<i32>} : memref<784xf32, #tpu.memory_space<vmem>>, vector<16xf32>,
      %get3A_675 = arith.constant 768 : index
      %get3A_676 = tpu.vector_load %arg6[%get3A_675] {strides = array<i32>} : memref<784xf32, #tpu.memory_space<vmem>>, vector<16xf32>,
      %get3A_677 = vector.shape_cast %get3A_676 : vector<16xf32> to vector<16xf32>
      %get3A_678 = arith.constant 768 : index
      %get3A_679 = tpu.vector_load %arg7[%get3A_678] {strides = array<i32>} : memref<784xf32, #tpu.memory_space<vmem>>, vector<16xf32>,
      %get3A_680 = vector.shape_cast %get3A_679 : vector<16xf32> to vector<16xf32>
      %add3A_681 = arith.addf %get3A_677, %get3A_680 : vector<16xf32>
      %mul3A_682 = arith.constant 5.000000e-01 : f32
      %mul3A_683 = vector.broadcast %mul3A_682 : f32 to vector<16xf32>
      %mul3A_684 = arith.mulf %mul3A_683, %add3A_681 : vector<16xf32>
      %swap3A_685 = arith.constant 768 : index
      %swap3A_686 = tpu.vector_load %arg8[%swap3A_685] {strides = array<i32>} : memref<784xf32, #tpu.memory_space<vmem>>, vector<16xf32>,
      %swap3A_687 = vector.shape_cast %swap3A_686 : vector<16xf32> to vector<16xf32>
      %swap3A_688 = vector.shape_cast %mul3A_684 : vector<16xf32> to vector<16xf32>
      tpu.vector_store %arg8[%swap3A_685], %swap3A_688 {strides = array<i32>} : memref<784xf32, #tpu.memory_space<vmem>>, vector<16xf32>,
      "tpu.region"() ({
        %run_scoped3A = tpu.sem_alloc : memref<!tpu.dma_semaphore, #tpu.memory_space<semaphore_mem>>
        %dma_start3A = tpu.memref_slice %arg4[%mul3A_4] : memref<3136xf32, #tpu.memory_space<hbm>> -> memref<784xf32, #tpu.memory_space<hbm>>
        %dma_start3A_3246 = tpu.memref_slice %arg4[%mul3A_4] : memref<3136xf32, #tpu.memory_space<hbm>> -> memref<784xf32, #tpu.memory_space<hbm>>
        tpu.enqueue_dma source(%arg8 : memref<784xf32, #tpu.memory_space<vmem>>) target(%dma_start3A_3246 : memref<784xf32, #tpu.memory_space<hbm>>) target_semaphore(%run_scoped3A : memref<!tpu.dma_semaphore, #tpu.memory_space<semaphore_mem>>)
        %dma_wait3A = tpu.memref_slice %arg4[%mul3A_4] : memref<3136xf32, #tpu.memory_space<hbm>> -> memref<784xf32, #tpu.memory_space<hbm>>
        %dma_wait3A_3247 = tpu.memref_slice %arg4[%mul3A_4] : memref<3136xf32, #tpu.memory_space<hbm>> -> memref<784xf32, #tpu.memory_space<hbm>>
        tpu.wait_dma2 semaphore(%run_scoped3A : memref<!tpu.dma_semaphore, #tpu.memory_space<semaphore_mem>>) src(%arg8 : memref<784xf32, #tpu.memory_space<vmem>>) dst(%dma_wait3A_3247 : memref<784xf32, #tpu.memory_space<hbm>>)
        tpu.yield
      }) : () -> ()
      %max3A = arith.maximumf %mul3A_13, %mul3A_26 : vector<16xf32>
      %min3A = arith.minimumf %mul3A_13, %mul3A_26 : vector<16xf32>
      %max3A_689 = arith.maximumf %mul3A_40, %mul3A_54 : vector<16xf32>
      %min3A_690 = arith.minimumf %mul3A_40, %mul3A_54 : vector<16xf32>
      %max3A_691 = arith.maximumf %mul3A_68, %mul3A_82 : vector<16xf32>
      %min3A_692 = arith.minimumf %mul3A_68, %mul3A_82 : vector<16xf32>
      %max3A_693 = arith.maximumf %mul3A_96, %mul3A_110 : vector<16xf32>
      %min3A_694 = arith.minimumf %mul3A_96, %mul3A_110 : vector<16xf32>
      %max3A_695 = arith.maximumf %mul3A_124, %mul3A_138 : vector<16xf32>
      %min3A_696 = arith.minimumf %mul3A_124, %mul3A_138 : vector<16xf32>
      %max3A_697 = arith.maximumf %mul3A_152, %mul3A_166 : vector<16xf32>
      %min3A_698 = arith.minimumf %mul3A_152, %mul3A_166 : vector<16xf32>
      %max3A_699 = arith.maximumf %mul3A_180, %mul3A_194 : vector<16xf32>
      %min3A_700 = arith.minimumf %mul3A_180, %mul3A_194 : vector<16xf32>
      %max3A_701 = arith.maximumf %mul3A_208, %mul3A_222 : vector<16xf32>
      %min3A_702 = arith.minimumf %mul3A_208, %mul3A_222 : vector<16xf32>
      %max3A_703 = arith.maximumf %mul3A_236, %mul3A_250 : vector<16xf32>
      %min3A_704 = arith.minimumf %mul3A_236, %mul3A_250 : vector<16xf32>
      %max3A_705 = arith.maximumf %mul3A_264, %mul3A_278 : vector<16xf32>
      %min3A_706 = arith.minimumf %mul3A_264, %mul3A_278 : vector<16xf32>
      %max3A_707 = arith.maximumf %mul3A_292, %mul3A_306 : vector<16xf32>
      %min3A_708 = arith.minimumf %mul3A_292, %mul3A_306 : vector<16xf32>
      %max3A_709 = arith.maximumf %mul3A_320, %mul3A_334 : vector<16xf32>
      %min3A_710 = arith.minimumf %mul3A_320, %mul3A_334 : vector<16xf32>
      %max3A_711 = arith.maximumf %mul3A_348, %mul3A_362 : vector<16xf32>
      %min3A_712 = arith.minimumf %mul3A_348, %mul3A_362 : vector<16xf32>
      %max3A_713 = arith.maximumf %mul3A_376, %mul3A_390 : vector<16xf32>
      %min3A_714 = arith.minimumf %mul3A_376, %mul3A_390 : vector<16xf32>
      %max3A_715 = arith.maximumf %mul3A_404, %mul3A_418 : vector<16xf32>
      %min3A_716 = arith.minimumf %mul3A_404, %mul3A_418 : vector<16xf32>
      %max3A_717 = arith.maximumf %mul3A_432, %mul3A_446 : vector<16xf32>
      %min3A_718 = arith.minimumf %mul3A_432, %mul3A_446 : vector<16xf32>
      %max3A_719 = arith.maximumf %mul3A_460, %mul3A_474 : vector<16xf32>
      %min3A_720 = arith.minimumf %mul3A_460, %mul3A_474 : vector<16xf32>
      %max3A_721 = arith.maximumf %mul3A_488, %mul3A_502 : vector<16xf32>
      %min3A_722 = arith.minimumf %mul3A_488, %mul3A_502 : vector<16xf32>
      %max3A_723 = arith.maximumf %mul3A_516, %mul3A_530 : vector<16xf32>
      %min3A_724 = arith.minimumf %mul3A_516, %mul3A_530 : vector<16xf32>
      %max3A_725 = arith.maximumf %mul3A_544, %mul3A_558 : vector<16xf32>
      %min3A_726 = arith.minimumf %mul3A_544, %mul3A_558 : vector<16xf32>
      %max3A_727 = arith.maximumf %mul3A_572, %mul3A_586 : vector<16xf32>
      %min3A_728 = arith.minimumf %mul3A_572, %mul3A_586 : vector<16xf32>
      %max3A_729 = arith.maximumf %mul3A_600, %mul3A_614 : vector<16xf32>
      %min3A_730 = arith.minimumf %mul3A_600, %mul3A_614 : vector<16xf32>
      %max3A_731 = arith.maximumf %mul3A_628, %mul3A_642 : vector<16xf32>
      %min3A_732 = arith.minimumf %mul3A_628, %mul3A_642 : vector<16xf32>
      %max3A_733 = arith.maximumf %mul3A_656, %mul3A_670 : vector<16xf32>
      %min3A_734 = arith.minimumf %mul3A_656, %mul3A_670 : vector<16xf32>
      %max3A_735 = arith.maximumf %max3A, %max3A_689 : vector<16xf32>
      %min3A_736 = arith.minimumf %max3A, %max3A_689 : vector<16xf32>
      %max3A_737 = arith.maximumf %max3A_691, %max3A_693 : vector<16xf32>
      %min3A_738 = arith.minimumf %max3A_691, %max3A_693 : vector<16xf32>
      %max3A_739 = arith.maximumf %max3A_695, %max3A_697 : vector<16xf32>
      %min3A_740 = arith.minimumf %max3A_695, %max3A_697 : vector<16xf32>
      %max3A_741 = arith.maximumf %max3A_699, %max3A_701 : vector<16xf32>
      %min3A_742 = arith.minimumf %max3A_699, %max3A_701 : vector<16xf32>
      %max3A_743 = arith.maximumf %max3A_703, %max3A_705 : vector<16xf32>
      %min3A_744 = arith.minimumf %max3A_703, %max3A_705 : vector<16xf32>
      %max3A_745 = arith.maximumf %max3A_707, %max3A_709 : vector<16xf32>
      %min3A_746 = arith.minimumf %max3A_707, %max3A_709 : vector<16xf32>
      %max3A_747 = arith.maximumf %max3A_711, %max3A_713 : vector<16xf32>
      %min3A_748 = arith.minimumf %max3A_711, %max3A_713 : vector<16xf32>
      %max3A_749 = arith.maximumf %max3A_715, %max3A_717 : vector<16xf32>
      %min3A_750 = arith.minimumf %max3A_715, %max3A_717 : vector<16xf32>
      %max3A_751 = arith.maximumf %max3A_719, %max3A_721 : vector<16xf32>
      %min3A_752 = arith.minimumf %max3A_719, %max3A_721 : vector<16xf32>
      %max3A_753 = arith.maximumf %max3A_723, %max3A_725 : vector<16xf32>
      %min3A_754 = arith.minimumf %max3A_723, %max3A_725 : vector<16xf32>
      %max3A_755 = arith.maximumf %max3A_727, %max3A_729 : vector<16xf32>
      %min3A_756 = arith.minimumf %max3A_727, %max3A_729 : vector<16xf32>
      %max3A_757 = arith.maximumf %max3A_731, %max3A_733 : vector<16xf32>
      %min3A_758 = arith.minimumf %max3A_731, %max3A_733 : vector<16xf32>
      %max3A_759 = arith.maximumf %max3A_735, %max3A_737 : vector<16xf32>
      %min3A_760 = arith.minimumf %max3A_735, %max3A_737 : vector<16xf32>
      %max3A_761 = arith.maximumf %max3A_739, %max3A_741 : vector<16xf32>
      %min3A_762 = arith.minimumf %max3A_739, %max3A_741 : vector<16xf32>
      %max3A_763 = arith.maximumf %max3A_743, %max3A_745 : vector<16xf32>
      %min3A_764 = arith.minimumf %max3A_743, %max3A_745 : vector<16xf32>
      %max3A_765 = arith.maximumf %max3A_747, %max3A_749 : vector<16xf32>
      %min3A_766 = arith.minimumf %max3A_747, %max3A_749 : vector<16xf32>
      %max3A_767 = arith.maximumf %max3A_751, %max3A_753 : vector<16xf32>
      %min3A_768 = arith.minimumf %max3A_751, %max3A_753 : vector<16xf32>
      %max3A_769 = arith.maximumf %max3A_755, %max3A_757 : vector<16xf32>
      %min3A_770 = arith.minimumf %max3A_755, %max3A_757 : vector<16xf32>
      %max3A_771 = arith.maximumf %max3A_759, %max3A_761 : vector<16xf32>
      %min3A_772 = arith.minimumf %max3A_759, %max3A_761 : vector<16xf32>
      %max3A_773 = arith.maximumf %min3A_772, %max3A_763 : vector<16xf32>
      %min3A_774 = arith.minimumf %min3A_772, %max3A_763 : vector<16xf32>
      %max3A_775 = arith.maximumf %max3A_771, %max3A_773 : vector<16xf32>
      %min3A_776 = arith.minimumf %max3A_771, %max3A_773 : vector<16xf32>
      %max3A_777 = arith.maximumf %min3A_774, %max3A_765 : vector<16xf32>
      %min3A_778 = arith.minimumf %min3A_774, %max3A_765 : vector<16xf32>
      %max3A_779 = arith.maximumf %min3A_776, %max3A_777 : vector<16xf32>
      %min3A_780 = arith.minimumf %min3A_776, %max3A_777 : vector<16xf32>
      %max3A_781 = arith.maximumf %max3A_775, %max3A_779 : vector<16xf32>
      %min3A_782 = arith.minimumf %max3A_775, %max3A_779 : vector<16xf32>
      %max3A_783 = arith.maximumf %min3A_778, %max3A_767 : vector<16xf32>
      %min3A_784 = arith.minimumf %min3A_778, %max3A_767 : vector<16xf32>
      %max3A_785 = arith.maximumf %min3A_780, %max3A_783 : vector<16xf32>
      %min3A_786 = arith.minimumf %min3A_780, %max3A_783 : vector<16xf32>
      %max3A_787 = arith.maximumf %min3A_782, %max3A_785 : vector<16xf32>
      %min3A_788 = arith.minimumf %min3A_782, %max3A_785 : vector<16xf32>
      %max3A_789 = arith.maximumf %max3A_781, %max3A_787 : vector<16xf32>
      %min3A_790 = arith.minimumf %max3A_781, %max3A_787 : vector<16xf32>
      %max3A_791 = arith.maximumf %min3A_784, %max3A_769 : vector<16xf32>
      %min3A_792 = arith.minimumf %min3A_784, %max3A_769 : vector<16xf32>
      %max3A_793 = arith.maximumf %min3A_786, %max3A_791 : vector<16xf32>
      %min3A_794 = arith.minimumf %min3A_786, %max3A_791 : vector<16xf32>
      %max3A_795 = arith.maximumf %min3A_788, %max3A_793 : vector<16xf32>
      %min3A_796 = arith.minimumf %min3A_788, %max3A_793 : vector<16xf32>
      %max3A_797 = arith.maximumf %min3A_790, %max3A_795 : vector<16xf32>
      %min3A_798 = arith.minimumf %min3A_790, %max3A_795 : vector<16xf32>
      %max3A_799 = arith.maximumf %max3A_789, %max3A_797 : vector<16xf32>
      %min3A_800 = arith.minimumf %max3A_789, %max3A_797 : vector<16xf32>
      %max3A_801 = arith.maximumf %min3A_792, %mul3A_684 : vector<16xf32>
      %min3A_802 = arith.minimumf %min3A_792, %mul3A_684 : vector<16xf32>
      %max3A_803 = arith.maximumf %min3A_794, %max3A_801 : vector<16xf32>
      %min3A_804 = arith.minimumf %min3A_794, %max3A_801 : vector<16xf32>
      %max3A_805 = arith.maximumf %min3A_796, %max3A_803 : vector<16xf32>
      %min3A_806 = arith.minimumf %min3A_796, %max3A_803 : vector<16xf32>
      %max3A_807 = arith.maximumf %min3A_798, %max3A_805 : vector<16xf32>
      %min3A_808 = arith.minimumf %min3A_798, %max3A_805 : vector<16xf32>
      %max3A_809 = arith.maximumf %min3A_800, %max3A_807 : vector<16xf32>
      %min3A_810 = arith.minimumf %min3A_800, %max3A_807 : vector<16xf32>
      %max3A_811 = arith.maximumf %max3A_799, %max3A_809 : vector<16xf32>
      %min3A_812 = arith.minimumf %max3A_799, %max3A_809 : vector<16xf32>
      %max3A_813 = arith.maximumf %min3A_760, %min3A_762 : vector<16xf32>
      %min3A_814 = arith.minimumf %min3A_760, %min3A_762 : vector<16xf32>
      %max3A_815 = arith.maximumf %min3A_764, %min3A_766 : vector<16xf32>
      %min3A_816 = arith.minimumf %min3A_764, %min3A_766 : vector<16xf32>
      %max3A_817 = arith.maximumf %min3A_768, %min3A_770 : vector<16xf32>
      %min3A_818 = arith.minimumf %min3A_768, %min3A_770 : vector<16xf32>
      %max3A_819 = arith.maximumf %max3A_813, %max3A_815 : vector<16xf32>
      %min3A_820 = arith.minimumf %max3A_813, %max3A_815 : vector<16xf32>
      %max3A_821 = arith.maximumf %min3A_820, %max3A_817 : vector<16xf32>
      %min3A_822 = arith.minimumf %min3A_820, %max3A_817 : vector<16xf32>
      %max3A_823 = arith.maximumf %max3A_819, %max3A_821 : vector<16xf32>
      %min3A_824 = arith.minimumf %max3A_819, %max3A_821 : vector<16xf32>
      %max3A_825 = arith.maximumf %min3A_814, %min3A_816 : vector<16xf32>
      %min3A_826 = arith.minimumf %min3A_814, %min3A_816 : vector<16xf32>
      %max3A_827 = arith.maximumf %max3A_825, %min3A_818 : vector<16xf32>
      %min3A_828 = arith.minimumf %max3A_825, %min3A_818 : vector<16xf32>
      %max3A_829 = arith.maximumf %max3A_827, %min3A_826 : vector<16xf32>
      %min3A_830 = arith.minimumf %max3A_827, %min3A_826 : vector<16xf32>
      %max3A_831 = arith.maximumf %min3A_828, %min3A_830 : vector<16xf32>
      %max3A_832 = arith.maximumf %max3A_823, %max3A_829 : vector<16xf32>
      %min3A_833 = arith.minimumf %max3A_823, %max3A_829 : vector<16xf32>
      %max3A_834 = arith.maximumf %min3A_824, %max3A_831 : vector<16xf32>
      %max3A_835 = arith.maximumf %max3A_834, %min3A_833 : vector<16xf32>
      %min3A_836 = arith.minimumf %max3A_823, %max3A_831 : vector<16xf32>
      %min3A_837 = arith.minimumf %min3A_824, %max3A_829 : vector<16xf32>
      %max3A_838 = arith.maximumf %min3A_822, %min3A_836 : vector<16xf32>
      %max3A_839 = arith.maximumf %max3A_838, %min3A_837 : vector<16xf32>
      %min3A_840 = arith.minimumf %min3A_824, %max3A_831 : vector<16xf32>
      %min3A_841 = arith.minimumf %min3A_822, %max3A_829 : vector<16xf32>
      %max3A_842 = arith.maximumf %min3A_840, %min3A_841 : vector<16xf32>
      %min3A_843 = arith.minimumf %min3A_822, %max3A_831 : vector<16xf32>
      %max3A_844 = arith.maximumf %max3A_811, %max3A_832 : vector<16xf32>
      %min3A_845 = arith.minimumf %max3A_811, %max3A_832 : vector<16xf32>
      %max3A_846 = arith.maximumf %min3A_812, %max3A_835 : vector<16xf32>
      %max3A_847 = arith.maximumf %max3A_846, %min3A_845 : vector<16xf32>
      %min3A_848 = arith.minimumf %max3A_811, %max3A_835 : vector<16xf32>
      %min3A_849 = arith.minimumf %min3A_812, %max3A_832 : vector<16xf32>
      %max3A_850 = arith.maximumf %min3A_810, %max3A_839 : vector<16xf32>
      %max3A_851 = arith.maximumf %max3A_850, %min3A_848 : vector<16xf32>
      %max3A_852 = arith.maximumf %max3A_851, %min3A_849 : vector<16xf32>
      %min3A_853 = arith.minimumf %max3A_811, %max3A_839 : vector<16xf32>
      %min3A_854 = arith.minimumf %min3A_812, %max3A_835 : vector<16xf32>
      %min3A_855 = arith.minimumf %min3A_810, %max3A_832 : vector<16xf32>
      %max3A_856 = arith.maximumf %min3A_808, %max3A_842 : vector<16xf32>
      %max3A_857 = arith.maximumf %max3A_856, %min3A_853 : vector<16xf32>
      %max3A_858 = arith.maximumf %max3A_857, %min3A_854 : vector<16xf32>
      %max3A_859 = arith.maximumf %max3A_858, %min3A_855 : vector<16xf32>
      %min3A_860 = arith.minimumf %max3A_811, %max3A_842 : vector<16xf32>
      %min3A_861 = arith.minimumf %min3A_812, %max3A_839 : vector<16xf32>
      %min3A_862 = arith.minimumf %min3A_810, %max3A_835 : vector<16xf32>
      %min3A_863 = arith.minimumf %min3A_808, %max3A_832 : vector<16xf32>
      %max3A_864 = arith.maximumf %min3A_806, %min3A_843 : vector<16xf32>
      %max3A_865 = arith.maximumf %max3A_864, %min3A_860 : vector<16xf32>
      %max3A_866 = arith.maximumf %max3A_865, %min3A_861 : vector<16xf32>
      %max3A_867 = arith.maximumf %max3A_866, %min3A_862 : vector<16xf32>
      %max3A_868 = arith.maximumf %max3A_867, %min3A_863 : vector<16xf32>
      %min3A_869 = arith.minimumf %max3A_811, %min3A_843 : vector<16xf32>
      %min3A_870 = arith.minimumf %min3A_812, %max3A_842 : vector<16xf32>
      %min3A_871 = arith.minimumf %min3A_810, %max3A_839 : vector<16xf32>
      %min3A_872 = arith.minimumf %min3A_808, %max3A_835 : vector<16xf32>
      %min3A_873 = arith.minimumf %min3A_806, %max3A_832 : vector<16xf32>
      %max3A_874 = arith.maximumf %min3A_804, %min3A_869 : vector<16xf32>
      %max3A_875 = arith.maximumf %max3A_874, %min3A_870 : vector<16xf32>
      %max3A_876 = arith.maximumf %max3A_875, %min3A_871 : vector<16xf32>
      %max3A_877 = arith.maximumf %max3A_876, %min3A_872 : vector<16xf32>
      %max3A_878 = arith.maximumf %max3A_877, %min3A_873 : vector<16xf32>
      %min3A_879 = arith.minimumf %min3A_812, %min3A_843 : vector<16xf32>
      %min3A_880 = arith.minimumf %min3A_810, %max3A_842 : vector<16xf32>
      %min3A_881 = arith.minimumf %min3A_808, %max3A_839 : vector<16xf32>
      %min3A_882 = arith.minimumf %min3A_806, %max3A_835 : vector<16xf32>
      %min3A_883 = arith.minimumf %min3A_804, %max3A_832 : vector<16xf32>
      %max3A_884 = arith.maximumf %min3A_802, %min3A_879 : vector<16xf32>
      %max3A_885 = arith.maximumf %max3A_884, %min3A_880 : vector<16xf32>
      %max3A_886 = arith.maximumf %max3A_885, %min3A_881 : vector<16xf32>
      %max3A_887 = arith.maximumf %max3A_886, %min3A_882 : vector<16xf32>
      %max3A_888 = arith.maximumf %max3A_887, %min3A_883 : vector<16xf32>
      %min3A_889 = arith.minimumf %min3A_810, %min3A_843 : vector<16xf32>
      %min3A_890 = arith.minimumf %min3A_808, %max3A_842 : vector<16xf32>
      %min3A_891 = arith.minimumf %min3A_806, %max3A_839 : vector<16xf32>
      %min3A_892 = arith.minimumf %min3A_804, %max3A_835 : vector<16xf32>
      %min3A_893 = arith.minimumf %min3A_802, %max3A_832 : vector<16xf32>
      %max3A_894 = arith.maximumf %min3A_889, %min3A_890 : vector<16xf32>
      %max3A_895 = arith.maximumf %max3A_894, %min3A_891 : vector<16xf32>
      %max3A_896 = arith.maximumf %max3A_895, %min3A_892 : vector<16xf32>
      %max3A_897 = arith.maximumf %max3A_896, %min3A_893 : vector<16xf32>
      %min3A_898 = arith.minimumf %min3A_808, %min3A_843 : vector<16xf32>
      %min3A_899 = arith.minimumf %min3A_806, %max3A_842 : vector<16xf32>
      %min3A_900 = arith.minimumf %min3A_804, %max3A_839 : vector<16xf32>
      %min3A_901 = arith.minimumf %min3A_802, %max3A_835 : vector<16xf32>
      %max3A_902 = arith.maximumf %min3A_898, %min3A_899 : vector<16xf32>
      %max3A_903 = arith.maximumf %max3A_902, %min3A_900 : vector<16xf32>
      %max3A_904 = arith.maximumf %max3A_903, %min3A_901 : vector<16xf32>
      %min3A_905 = arith.minimumf %min3A_806, %min3A_843 : vector<16xf32>
      %min3A_906 = arith.minimumf %min3A_804, %max3A_842 : vector<16xf32>
      %min3A_907 = arith.minimumf %min3A_802, %max3A_839 : vector<16xf32>
      %max3A_908 = arith.maximumf %min3A_905, %min3A_906 : vector<16xf32>
      %max3A_909 = arith.maximumf %max3A_908, %min3A_907 : vector<16xf32>
      %max3A_910 = arith.maximumf %min3A_736, %min3A_738 : vector<16xf32>
      %min3A_911 = arith.minimumf %min3A_736, %min3A_738 : vector<16xf32>
      %max3A_912 = arith.maximumf %min3A_740, %min3A_742 : vector<16xf32>
      %min3A_913 = arith.minimumf %min3A_740, %min3A_742 : vector<16xf32>
      %max3A_914 = arith.maximumf %min3A_744, %min3A_746 : vector<16xf32>
      %min3A_915 = arith.minimumf %min3A_744, %min3A_746 : vector<16xf32>
      %max3A_916 = arith.maximumf %min3A_748, %min3A_750 : vector<16xf32>
      %min3A_917 = arith.minimumf %min3A_748, %min3A_750 : vector<16xf32>
      %max3A_918 = arith.maximumf %min3A_752, %min3A_754 : vector<16xf32>
      %min3A_919 = arith.minimumf %min3A_752, %min3A_754 : vector<16xf32>
      %max3A_920 = arith.maximumf %min3A_756, %min3A_758 : vector<16xf32>
      %min3A_921 = arith.minimumf %min3A_756, %min3A_758 : vector<16xf32>
      %max3A_922 = arith.maximumf %max3A_910, %max3A_912 : vector<16xf32>
      %min3A_923 = arith.minimumf %max3A_910, %max3A_912 : vector<16xf32>
      %max3A_924 = arith.maximumf %max3A_914, %max3A_916 : vector<16xf32>
      %min3A_925 = arith.minimumf %max3A_914, %max3A_916 : vector<16xf32>
      %max3A_926 = arith.maximumf %max3A_918, %max3A_920 : vector<16xf32>
      %min3A_927 = arith.minimumf %max3A_918, %max3A_920 : vector<16xf32>
      %max3A_928 = arith.maximumf %max3A_922, %max3A_924 : vector<16xf32>
      %min3A_929 = arith.minimumf %max3A_922, %max3A_924 : vector<16xf32>
      %max3A_930 = arith.maximumf %min3A_929, %max3A_926 : vector<16xf32>
      %min3A_931 = arith.minimumf %min3A_929, %max3A_926 : vector<16xf32>
      %max3A_932 = arith.maximumf %max3A_928, %max3A_930 : vector<16xf32>
      %min3A_933 = arith.minimumf %max3A_928, %max3A_930 : vector<16xf32>
      %max3A_934 = arith.maximumf %min3A_923, %min3A_925 : vector<16xf32>
      %min3A_935 = arith.minimumf %min3A_923, %min3A_925 : vector<16xf32>
      %max3A_936 = arith.maximumf %max3A_934, %min3A_927 : vector<16xf32>
      %min3A_937 = arith.minimumf %max3A_934, %min3A_927 : vector<16xf32>
      %max3A_938 = arith.maximumf %max3A_936, %min3A_935 : vector<16xf32>
      %min3A_939 = arith.minimumf %max3A_936, %min3A_935 : vector<16xf32>
      %max3A_940 = arith.maximumf %min3A_937, %min3A_939 : vector<16xf32>
      %max3A_941 = arith.maximumf %max3A_932, %max3A_938 : vector<16xf32>
      %min3A_942 = arith.minimumf %max3A_932, %max3A_938 : vector<16xf32>
      %max3A_943 = arith.maximumf %min3A_933, %max3A_940 : vector<16xf32>
      %max3A_944 = arith.maximumf %max3A_943, %min3A_942 : vector<16xf32>
      %min3A_945 = arith.minimumf %max3A_932, %max3A_940 : vector<16xf32>
      %min3A_946 = arith.minimumf %min3A_933, %max3A_938 : vector<16xf32>
      %max3A_947 = arith.maximumf %min3A_931, %min3A_945 : vector<16xf32>
      %max3A_948 = arith.maximumf %max3A_947, %min3A_946 : vector<16xf32>
      %min3A_949 = arith.minimumf %min3A_933, %max3A_940 : vector<16xf32>
      %min3A_950 = arith.minimumf %min3A_931, %max3A_938 : vector<16xf32>
      %max3A_951 = arith.maximumf %min3A_949, %min3A_950 : vector<16xf32>
      %min3A_952 = arith.minimumf %min3A_931, %max3A_940 : vector<16xf32>
      %max3A_953 = arith.maximumf %min3A_911, %min3A_913 : vector<16xf32>
      %min3A_954 = arith.minimumf %min3A_911, %min3A_913 : vector<16xf32>
      %max3A_955 = arith.maximumf %min3A_915, %min3A_917 : vector<16xf32>
      %min3A_956 = arith.minimumf %min3A_915, %min3A_917 : vector<16xf32>
      %max3A_957 = arith.maximumf %min3A_919, %min3A_921 : vector<16xf32>
      %min3A_958 = arith.minimumf %min3A_919, %min3A_921 : vector<16xf32>
      %max3A_959 = arith.maximumf %max3A_953, %max3A_955 : vector<16xf32>
      %min3A_960 = arith.minimumf %max3A_953, %max3A_955 : vector<16xf32>
      %max3A_961 = arith.maximumf %max3A_959, %max3A_957 : vector<16xf32>
      %min3A_962 = arith.minimumf %max3A_959, %max3A_957 : vector<16xf32>
      %max3A_963 = arith.maximumf %max3A_961, %min3A_960 : vector<16xf32>
      %min3A_964 = arith.minimumf %max3A_961, %min3A_960 : vector<16xf32>
      %max3A_965 = arith.maximumf %min3A_962, %min3A_964 : vector<16xf32>
      %max3A_966 = arith.maximumf %min3A_954, %min3A_956 : vector<16xf32>
      %max3A_967 = arith.maximumf %max3A_966, %min3A_958 : vector<16xf32>
      %max3A_968 = arith.maximumf %max3A_963, %max3A_967 : vector<16xf32>
      %min3A_969 = arith.minimumf %max3A_963, %max3A_967 : vector<16xf32>
      %max3A_970 = arith.maximumf %max3A_965, %min3A_969 : vector<16xf32>
      %max3A_971 = arith.maximumf %max3A_941, %max3A_968 : vector<16xf32>
      %min3A_972 = arith.minimumf %max3A_941, %max3A_968 : vector<16xf32>
      %max3A_973 = arith.maximumf %max3A_944, %max3A_970 : vector<16xf32>
      %max3A_974 = arith.maximumf %max3A_973, %min3A_972 : vector<16xf32>
      %min3A_975 = arith.minimumf %max3A_941, %max3A_970 : vector<16xf32>
      %min3A_976 = arith.minimumf %max3A_944, %max3A_968 : vector<16xf32>
      %max3A_977 = arith.maximumf %max3A_948, %min3A_975 : vector<16xf32>
      %max3A_978 = arith.maximumf %max3A_977, %min3A_976 : vector<16xf32>
      %min3A_979 = arith.minimumf %max3A_944, %max3A_970 : vector<16xf32>
      %min3A_980 = arith.minimumf %max3A_948, %max3A_968 : vector<16xf32>
      %max3A_981 = arith.maximumf %max3A_951, %min3A_979 : vector<16xf32>
      %max3A_982 = arith.maximumf %max3A_981, %min3A_980 : vector<16xf32>
      %min3A_983 = arith.minimumf %max3A_948, %max3A_970 : vector<16xf32>
      %min3A_984 = arith.minimumf %max3A_951, %max3A_968 : vector<16xf32>
      %max3A_985 = arith.maximumf %min3A_952, %min3A_983 : vector<16xf32>
      %max3A_986 = arith.maximumf %max3A_985, %min3A_984 : vector<16xf32>
      %max3A_987 = arith.maximumf %max3A_844, %max3A_971 : vector<16xf32>
      %min3A_988 = arith.minimumf %max3A_844, %max3A_971 : vector<16xf32>
      %max3A_989 = arith.maximumf %max3A_847, %max3A_974 : vector<16xf32>
      %max3A_990 = arith.maximumf %max3A_989, %min3A_988 : vector<16xf32>
      %min3A_991 = arith.minimumf %max3A_844, %max3A_974 : vector<16xf32>
      %min3A_992 = arith.minimumf %max3A_847, %max3A_971 : vector<16xf32>
      %max3A_993 = arith.maximumf %max3A_852, %max3A_978 : vector<16xf32>
      %max3A_994 = arith.maximumf %max3A_993, %min3A_991 : vector<16xf32>
      %max3A_995 = arith.maximumf %max3A_994, %min3A_992 : vector<16xf32>
      %min3A_996 = arith.minimumf %max3A_844, %max3A_978 : vector<16xf32>
      %min3A_997 = arith.minimumf %max3A_847, %max3A_974 : vector<16xf32>
      %min3A_998 = arith.minimumf %max3A_852, %max3A_971 : vector<16xf32>
      %max3A_999 = arith.maximumf %max3A_859, %max3A_982 : vector<16xf32>
      %max3A_1000 = arith.maximumf %max3A_999, %min3A_996 : vector<16xf32>
      %max3A_1001 = arith.maximumf %max3A_1000, %min3A_997 : vector<16xf32>
      %max3A_1002 = arith.maximumf %max3A_1001, %min3A_998 : vector<16xf32>
      %min3A_1003 = arith.minimumf %max3A_844, %max3A_982 : vector<16xf32>
      %min3A_1004 = arith.minimumf %max3A_847, %max3A_978 : vector<16xf32>
      %min3A_1005 = arith.minimumf %max3A_852, %max3A_974 : vector<16xf32>
      %min3A_1006 = arith.minimumf %max3A_859, %max3A_971 : vector<16xf32>
      %max3A_1007 = arith.maximumf %max3A_868, %max3A_986 : vector<16xf32>
      %max3A_1008 = arith.maximumf %max3A_1007, %min3A_1003 : vector<16xf32>
      %max3A_1009 = arith.maximumf %max3A_1008, %min3A_1004 : vector<16xf32>
      %max3A_1010 = arith.maximumf %max3A_1009, %min3A_1005 : vector<16xf32>
      %max3A_1011 = arith.maximumf %max3A_1010, %min3A_1006 : vector<16xf32>
      %min3A_1012 = arith.minimumf %max3A_844, %max3A_986 : vector<16xf32>
      %min3A_1013 = arith.minimumf %max3A_847, %max3A_982 : vector<16xf32>
      %min3A_1014 = arith.minimumf %max3A_852, %max3A_978 : vector<16xf32>
      %min3A_1015 = arith.minimumf %max3A_859, %max3A_974 : vector<16xf32>
      %min3A_1016 = arith.minimumf %max3A_868, %max3A_971 : vector<16xf32>
      %max3A_1017 = arith.maximumf %max3A_878, %min3A_1012 : vector<16xf32>
      %max3A_1018 = arith.maximumf %max3A_1017, %min3A_1013 : vector<16xf32>
      %max3A_1019 = arith.maximumf %max3A_1018, %min3A_1014 : vector<16xf32>
      %max3A_1020 = arith.maximumf %max3A_1019, %min3A_1015 : vector<16xf32>
      %max3A_1021 = arith.maximumf %max3A_1020, %min3A_1016 : vector<16xf32>
      %min3A_1022 = arith.minimumf %max3A_847, %max3A_986 : vector<16xf32>
      %min3A_1023 = arith.minimumf %max3A_852, %max3A_982 : vector<16xf32>
      %min3A_1024 = arith.minimumf %max3A_859, %max3A_978 : vector<16xf32>
      %min3A_1025 = arith.minimumf %max3A_868, %max3A_974 : vector<16xf32>
      %min3A_1026 = arith.minimumf %max3A_878, %max3A_971 : vector<16xf32>
      %max3A_1027 = arith.maximumf %max3A_888, %min3A_1022 : vector<16xf32>
      %max3A_1028 = arith.maximumf %max3A_1027, %min3A_1023 : vector<16xf32>
      %max3A_1029 = arith.maximumf %max3A_1028, %min3A_1024 : vector<16xf32>
      %max3A_1030 = arith.maximumf %max3A_1029, %min3A_1025 : vector<16xf32>
      %max3A_1031 = arith.maximumf %max3A_1030, %min3A_1026 : vector<16xf32>
      %min3A_1032 = arith.minimumf %max3A_852, %max3A_986 : vector<16xf32>
      %min3A_1033 = arith.minimumf %max3A_859, %max3A_982 : vector<16xf32>
      %min3A_1034 = arith.minimumf %max3A_868, %max3A_978 : vector<16xf32>
      %min3A_1035 = arith.minimumf %max3A_878, %max3A_974 : vector<16xf32>
      %min3A_1036 = arith.minimumf %max3A_888, %max3A_971 : vector<16xf32>
      %max3A_1037 = arith.maximumf %max3A_897, %min3A_1032 : vector<16xf32>
      %max3A_1038 = arith.maximumf %max3A_1037, %min3A_1033 : vector<16xf32>
      %max3A_1039 = arith.maximumf %max3A_1038, %min3A_1034 : vector<16xf32>
      %max3A_1040 = arith.maximumf %max3A_1039, %min3A_1035 : vector<16xf32>
      %max3A_1041 = arith.maximumf %max3A_1040, %min3A_1036 : vector<16xf32>
      %min3A_1042 = arith.minimumf %max3A_859, %max3A_986 : vector<16xf32>
      %min3A_1043 = arith.minimumf %max3A_868, %max3A_982 : vector<16xf32>
      %min3A_1044 = arith.minimumf %max3A_878, %max3A_978 : vector<16xf32>
      %min3A_1045 = arith.minimumf %max3A_888, %max3A_974 : vector<16xf32>
      %min3A_1046 = arith.minimumf %max3A_897, %max3A_971 : vector<16xf32>
      %max3A_1047 = arith.maximumf %max3A_904, %min3A_1042 : vector<16xf32>
      %max3A_1048 = arith.maximumf %max3A_1047, %min3A_1043 : vector<16xf32>
      %max3A_1049 = arith.maximumf %max3A_1048, %min3A_1044 : vector<16xf32>
      %max3A_1050 = arith.maximumf %max3A_1049, %min3A_1045 : vector<16xf32>
      %max3A_1051 = arith.maximumf %max3A_1050, %min3A_1046 : vector<16xf32>
      %min3A_1052 = arith.minimumf %max3A_868, %max3A_986 : vector<16xf32>
      %min3A_1053 = arith.minimumf %max3A_878, %max3A_982 : vector<16xf32>
      %min3A_1054 = arith.minimumf %max3A_888, %max3A_978 : vector<16xf32>
      %min3A_1055 = arith.minimumf %max3A_897, %max3A_974 : vector<16xf32>
      %min3A_1056 = arith.minimumf %max3A_904, %max3A_971 : vector<16xf32>
      %max3A_1057 = arith.maximumf %max3A_909, %min3A_1052 : vector<16xf32>
      %max3A_1058 = arith.maximumf %max3A_1057, %min3A_1053 : vector<16xf32>
      %max3A_1059 = arith.maximumf %max3A_1058, %min3A_1054 : vector<16xf32>
      %max3A_1060 = arith.maximumf %max3A_1059, %min3A_1055 : vector<16xf32>
      %max3A_1061 = arith.maximumf %max3A_1060, %min3A_1056 : vector<16xf32>
      %max3A_1062 = arith.maximumf %min3A, %min3A_690 : vector<16xf32>
      %min3A_1063 = arith.minimumf %min3A, %min3A_690 : vector<16xf32>
      %max3A_1064 = arith.maximumf %min3A_692, %min3A_694 : vector<16xf32>
      %min3A_1065 = arith.minimumf %min3A_692, %min3A_694 : vector<16xf32>
      %max3A_1066 = arith.maximumf %min3A_696, %min3A_698 : vector<16xf32>
      %min3A_1067 = arith.minimumf %min3A_696, %min3A_698 : vector<16xf32>
      %max3A_1068 = arith.maximumf %min3A_700, %min3A_702 : vector<16xf32>
      %min3A_1069 = arith.minimumf %min3A_700, %min3A_702 : vector<16xf32>
      %max3A_1070 = arith.maximumf %min3A_704, %min3A_706 : vector<16xf32>
      %min3A_1071 = arith.minimumf %min3A_704, %min3A_706 : vector<16xf32>
      %max3A_1072 = arith.maximumf %min3A_708, %min3A_710 : vector<16xf32>
      %min3A_1073 = arith.minimumf %min3A_708, %min3A_710 : vector<16xf32>
      %max3A_1074 = arith.maximumf %min3A_712, %min3A_714 : vector<16xf32>
      %min3A_1075 = arith.minimumf %min3A_712, %min3A_714 : vector<16xf32>
      %max3A_1076 = arith.maximumf %min3A_716, %min3A_718 : vector<16xf32>
      %min3A_1077 = arith.minimumf %min3A_716, %min3A_718 : vector<16xf32>
      %max3A_1078 = arith.maximumf %min3A_720, %min3A_722 : vector<16xf32>
      %min3A_1079 = arith.minimumf %min3A_720, %min3A_722 : vector<16xf32>
      %max3A_1080 = arith.maximumf %min3A_724, %min3A_726 : vector<16xf32>
      %min3A_1081 = arith.minimumf %min3A_724, %min3A_726 : vector<16xf32>
      %max3A_1082 = arith.maximumf %min3A_728, %min3A_730 : vector<16xf32>
      %min3A_1083 = arith.minimumf %min3A_728, %min3A_730 : vector<16xf32>
      %max3A_1084 = arith.maximumf %min3A_732, %min3A_734 : vector<16xf32>
      %min3A_1085 = arith.minimumf %min3A_732, %min3A_734 : vector<16xf32>
      %max3A_1086 = arith.maximumf %max3A_1062, %max3A_1064 : vector<16xf32>
      %min3A_1087 = arith.minimumf %max3A_1062, %max3A_1064 : vector<16xf32>
      %max3A_1088 = arith.maximumf %max3A_1066, %max3A_1068 : vector<16xf32>
      %min3A_1089 = arith.minimumf %max3A_1066, %max3A_1068 : vector<16xf32>
      %max3A_1090 = arith.maximumf %max3A_1070, %max3A_1072 : vector<16xf32>
      %min3A_1091 = arith.minimumf %max3A_1070, %max3A_1072 : vector<16xf32>
      %max3A_1092 = arith.maximumf %max3A_1074, %max3A_1076 : vector<16xf32>
      %min3A_1093 = arith.minimumf %max3A_1074, %max3A_1076 : vector<16xf32>
      %max3A_1094 = arith.maximumf %max3A_1078, %max3A_1080 : vector<16xf32>
      %min3A_1095 = arith.minimumf %max3A_1078, %max3A_1080 : vector<16xf32>
      %max3A_1096 = arith.maximumf %max3A_1082, %max3A_1084 : vector<16xf32>
      %min3A_1097 = arith.minimumf %max3A_1082, %max3A_1084 : vector<16xf32>
      %max3A_1098 = arith.maximumf %max3A_1086, %max3A_1088 : vector<16xf32>
      %min3A_1099 = arith.minimumf %max3A_1086, %max3A_1088 : vector<16xf32>
      %max3A_1100 = arith.maximumf %max3A_1090, %max3A_1092 : vector<16xf32>
      %min3A_1101 = arith.minimumf %max3A_1090, %max3A_1092 : vector<16xf32>
      %max3A_1102 = arith.maximumf %max3A_1094, %max3A_1096 : vector<16xf32>
      %min3A_1103 = arith.minimumf %max3A_1094, %max3A_1096 : vector<16xf32>
      %max3A_1104 = arith.maximumf %max3A_1098, %max3A_1100 : vector<16xf32>
      %min3A_1105 = arith.minimumf %max3A_1098, %max3A_1100 : vector<16xf32>
      %max3A_1106 = arith.maximumf %min3A_1105, %max3A_1102 : vector<16xf32>
      %min3A_1107 = arith.minimumf %min3A_1105, %max3A_1102 : vector<16xf32>
      %max3A_1108 = arith.maximumf %max3A_1104, %max3A_1106 : vector<16xf32>
      %min3A_1109 = arith.minimumf %max3A_1104, %max3A_1106 : vector<16xf32>
      %max3A_1110 = arith.maximumf %min3A_1099, %min3A_1101 : vector<16xf32>
      %min3A_1111 = arith.minimumf %min3A_1099, %min3A_1101 : vector<16xf32>
      %max3A_1112 = arith.maximumf %max3A_1110, %min3A_1103 : vector<16xf32>
      %min3A_1113 = arith.minimumf %max3A_1110, %min3A_1103 : vector<16xf32>
      %max3A_1114 = arith.maximumf %max3A_1112, %min3A_1111 : vector<16xf32>
      %min3A_1115 = arith.minimumf %max3A_1112, %min3A_1111 : vector<16xf32>
      %max3A_1116 = arith.maximumf %min3A_1113, %min3A_1115 : vector<16xf32>
      %max3A_1117 = arith.maximumf %max3A_1108, %max3A_1114 : vector<16xf32>
      %min3A_1118 = arith.minimumf %max3A_1108, %max3A_1114 : vector<16xf32>
      %max3A_1119 = arith.maximumf %min3A_1109, %max3A_1116 : vector<16xf32>
      %max3A_1120 = arith.maximumf %max3A_1119, %min3A_1118 : vector<16xf32>
      %min3A_1121 = arith.minimumf %max3A_1108, %max3A_1116 : vector<16xf32>
      %min3A_1122 = arith.minimumf %min3A_1109, %max3A_1114 : vector<16xf32>
      %max3A_1123 = arith.maximumf %min3A_1107, %min3A_1121 : vector<16xf32>
      %max3A_1124 = arith.maximumf %max3A_1123, %min3A_1122 : vector<16xf32>
      %min3A_1125 = arith.minimumf %min3A_1109, %max3A_1116 : vector<16xf32>
      %min3A_1126 = arith.minimumf %min3A_1107, %max3A_1114 : vector<16xf32>
      %max3A_1127 = arith.maximumf %min3A_1125, %min3A_1126 : vector<16xf32>
      %min3A_1128 = arith.minimumf %min3A_1107, %max3A_1116 : vector<16xf32>
      %max3A_1129 = arith.maximumf %min3A_1087, %min3A_1089 : vector<16xf32>
      %min3A_1130 = arith.minimumf %min3A_1087, %min3A_1089 : vector<16xf32>
      %max3A_1131 = arith.maximumf %min3A_1091, %min3A_1093 : vector<16xf32>
      %min3A_1132 = arith.minimumf %min3A_1091, %min3A_1093 : vector<16xf32>
      %max3A_1133 = arith.maximumf %min3A_1095, %min3A_1097 : vector<16xf32>
      %min3A_1134 = arith.minimumf %min3A_1095, %min3A_1097 : vector<16xf32>
      %max3A_1135 = arith.maximumf %max3A_1129, %max3A_1131 : vector<16xf32>
      %min3A_1136 = arith.minimumf %max3A_1129, %max3A_1131 : vector<16xf32>
      %max3A_1137 = arith.maximumf %max3A_1135, %max3A_1133 : vector<16xf32>
      %min3A_1138 = arith.minimumf %max3A_1135, %max3A_1133 : vector<16xf32>
      %max3A_1139 = arith.maximumf %max3A_1137, %min3A_1136 : vector<16xf32>
      %min3A_1140 = arith.minimumf %max3A_1137, %min3A_1136 : vector<16xf32>
      %max3A_1141 = arith.maximumf %min3A_1138, %min3A_1140 : vector<16xf32>
      %max3A_1142 = arith.maximumf %min3A_1130, %min3A_1132 : vector<16xf32>
      %max3A_1143 = arith.maximumf %max3A_1142, %min3A_1134 : vector<16xf32>
      %max3A_1144 = arith.maximumf %max3A_1139, %max3A_1143 : vector<16xf32>
      %min3A_1145 = arith.minimumf %max3A_1139, %max3A_1143 : vector<16xf32>
      %max3A_1146 = arith.maximumf %max3A_1141, %min3A_1145 : vector<16xf32>
      %max3A_1147 = arith.maximumf %max3A_1117, %max3A_1144 : vector<16xf32>
      %min3A_1148 = arith.minimumf %max3A_1117, %max3A_1144 : vector<16xf32>
      %max3A_1149 = arith.maximumf %max3A_1120, %max3A_1146 : vector<16xf32>
      %max3A_1150 = arith.maximumf %max3A_1149, %min3A_1148 : vector<16xf32>
      %min3A_1151 = arith.minimumf %max3A_1117, %max3A_1146 : vector<16xf32>
      %min3A_1152 = arith.minimumf %max3A_1120, %max3A_1144 : vector<16xf32>
      %max3A_1153 = arith.maximumf %max3A_1124, %min3A_1151 : vector<16xf32>
      %max3A_1154 = arith.maximumf %max3A_1153, %min3A_1152 : vector<16xf32>
      %min3A_1155 = arith.minimumf %max3A_1120, %max3A_1146 : vector<16xf32>
      %min3A_1156 = arith.minimumf %max3A_1124, %max3A_1144 : vector<16xf32>
      %max3A_1157 = arith.maximumf %max3A_1127, %min3A_1155 : vector<16xf32>
      %max3A_1158 = arith.maximumf %max3A_1157, %min3A_1156 : vector<16xf32>
      %min3A_1159 = arith.minimumf %max3A_1124, %max3A_1146 : vector<16xf32>
      %min3A_1160 = arith.minimumf %max3A_1127, %max3A_1144 : vector<16xf32>
      %max3A_1161 = arith.maximumf %min3A_1128, %min3A_1159 : vector<16xf32>
      %max3A_1162 = arith.maximumf %max3A_1161, %min3A_1160 : vector<16xf32>
      %max3A_1163 = arith.maximumf %min3A_1063, %min3A_1065 : vector<16xf32>
      %min3A_1164 = arith.minimumf %min3A_1063, %min3A_1065 : vector<16xf32>
      %max3A_1165 = arith.maximumf %min3A_1067, %min3A_1069 : vector<16xf32>
      %min3A_1166 = arith.minimumf %min3A_1067, %min3A_1069 : vector<16xf32>
      %max3A_1167 = arith.maximumf %min3A_1071, %min3A_1073 : vector<16xf32>
      %min3A_1168 = arith.minimumf %min3A_1071, %min3A_1073 : vector<16xf32>
      %max3A_1169 = arith.maximumf %min3A_1075, %min3A_1077 : vector<16xf32>
      %min3A_1170 = arith.minimumf %min3A_1075, %min3A_1077 : vector<16xf32>
      %max3A_1171 = arith.maximumf %min3A_1079, %min3A_1081 : vector<16xf32>
      %min3A_1172 = arith.minimumf %min3A_1079, %min3A_1081 : vector<16xf32>
      %max3A_1173 = arith.maximumf %min3A_1083, %min3A_1085 : vector<16xf32>
      %min3A_1174 = arith.minimumf %min3A_1083, %min3A_1085 : vector<16xf32>
      %max3A_1175 = arith.maximumf %max3A_1163, %max3A_1165 : vector<16xf32>
      %min3A_1176 = arith.minimumf %max3A_1163, %max3A_1165 : vector<16xf32>
      %max3A_1177 = arith.maximumf %max3A_1167, %max3A_1169 : vector<16xf32>
      %min3A_1178 = arith.minimumf %max3A_1167, %max3A_1169 : vector<16xf32>
      %max3A_1179 = arith.maximumf %max3A_1171, %max3A_1173 : vector<16xf32>
      %min3A_1180 = arith.minimumf %max3A_1171, %max3A_1173 : vector<16xf32>
      %max3A_1181 = arith.maximumf %max3A_1175, %max3A_1177 : vector<16xf32>
      %min3A_1182 = arith.minimumf %max3A_1175, %max3A_1177 : vector<16xf32>
      %max3A_1183 = arith.maximumf %max3A_1181, %max3A_1179 : vector<16xf32>
      %min3A_1184 = arith.minimumf %max3A_1181, %max3A_1179 : vector<16xf32>
      %max3A_1185 = arith.maximumf %max3A_1183, %min3A_1182 : vector<16xf32>
      %min3A_1186 = arith.minimumf %max3A_1183, %min3A_1182 : vector<16xf32>
      %max3A_1187 = arith.maximumf %min3A_1184, %min3A_1186 : vector<16xf32>
      %max3A_1188 = arith.maximumf %min3A_1176, %min3A_1178 : vector<16xf32>
      %max3A_1189 = arith.maximumf %max3A_1188, %min3A_1180 : vector<16xf32>
      %max3A_1190 = arith.maximumf %max3A_1185, %max3A_1189 : vector<16xf32>
      %min3A_1191 = arith.minimumf %max3A_1185, %max3A_1189 : vector<16xf32>
      %max3A_1192 = arith.maximumf %max3A_1187, %min3A_1191 : vector<16xf32>
      %max3A_1193 = arith.maximumf %min3A_1164, %min3A_1166 : vector<16xf32>
      %max3A_1194 = arith.maximumf %max3A_1193, %min3A_1168 : vector<16xf32>
      %max3A_1195 = arith.maximumf %max3A_1194, %min3A_1170 : vector<16xf32>
      %max3A_1196 = arith.maximumf %max3A_1195, %min3A_1172 : vector<16xf32>
      %max3A_1197 = arith.maximumf %max3A_1196, %min3A_1174 : vector<16xf32>
      %max3A_1198 = arith.maximumf %max3A_1190, %max3A_1197 : vector<16xf32>
      %min3A_1199 = arith.minimumf %max3A_1190, %max3A_1197 : vector<16xf32>
      %max3A_1200 = arith.maximumf %max3A_1192, %min3A_1199 : vector<16xf32>
      %max3A_1201 = arith.maximumf %max3A_1147, %max3A_1198 : vector<16xf32>
      %min3A_1202 = arith.minimumf %max3A_1147, %max3A_1198 : vector<16xf32>
      %max3A_1203 = arith.maximumf %max3A_1150, %max3A_1200 : vector<16xf32>
      %max3A_1204 = arith.maximumf %max3A_1203, %min3A_1202 : vector<16xf32>
      %min3A_1205 = arith.minimumf %max3A_1147, %max3A_1200 : vector<16xf32>
      %min3A_1206 = arith.minimumf %max3A_1150, %max3A_1198 : vector<16xf32>
      %max3A_1207 = arith.maximumf %max3A_1154, %min3A_1205 : vector<16xf32>
      %max3A_1208 = arith.maximumf %max3A_1207, %min3A_1206 : vector<16xf32>
      %min3A_1209 = arith.minimumf %max3A_1150, %max3A_1200 : vector<16xf32>
      %min3A_1210 = arith.minimumf %max3A_1154, %max3A_1198 : vector<16xf32>
      %max3A_1211 = arith.maximumf %max3A_1158, %min3A_1209 : vector<16xf32>
      %max3A_1212 = arith.maximumf %max3A_1211, %min3A_1210 : vector<16xf32>
      %min3A_1213 = arith.minimumf %max3A_1154, %max3A_1200 : vector<16xf32>
      %min3A_1214 = arith.minimumf %max3A_1158, %max3A_1198 : vector<16xf32>
      %max3A_1215 = arith.maximumf %max3A_1162, %min3A_1213 : vector<16xf32>
      %max3A_1216 = arith.maximumf %max3A_1215, %min3A_1214 : vector<16xf32>
      %max3A_1217 = arith.maximumf %max3A_987, %max3A_1201 : vector<16xf32>
      %min3A_1218 = arith.minimumf %max3A_987, %max3A_1201 : vector<16xf32>
      %max3A_1219 = arith.maximumf %max3A_990, %max3A_1204 : vector<16xf32>
      %max3A_1220 = arith.maximumf %max3A_1219, %min3A_1218 : vector<16xf32>
      %min3A_1221 = arith.minimumf %max3A_987, %max3A_1204 : vector<16xf32>
      %min3A_1222 = arith.minimumf %max3A_990, %max3A_1201 : vector<16xf32>
      %max3A_1223 = arith.maximumf %max3A_995, %max3A_1208 : vector<16xf32>
      %max3A_1224 = arith.maximumf %max3A_1223, %min3A_1221 : vector<16xf32>
      %max3A_1225 = arith.maximumf %max3A_1224, %min3A_1222 : vector<16xf32>
      %min3A_1226 = arith.minimumf %max3A_987, %max3A_1208 : vector<16xf32>
      %min3A_1227 = arith.minimumf %max3A_990, %max3A_1204 : vector<16xf32>
      %min3A_1228 = arith.minimumf %max3A_995, %max3A_1201 : vector<16xf32>
      %max3A_1229 = arith.maximumf %max3A_1002, %max3A_1212 : vector<16xf32>
      %max3A_1230 = arith.maximumf %max3A_1229, %min3A_1226 : vector<16xf32>
      %max3A_1231 = arith.maximumf %max3A_1230, %min3A_1227 : vector<16xf32>
      %max3A_1232 = arith.maximumf %max3A_1231, %min3A_1228 : vector<16xf32>
      %min3A_1233 = arith.minimumf %max3A_987, %max3A_1212 : vector<16xf32>
      %min3A_1234 = arith.minimumf %max3A_990, %max3A_1208 : vector<16xf32>
      %min3A_1235 = arith.minimumf %max3A_995, %max3A_1204 : vector<16xf32>
      %min3A_1236 = arith.minimumf %max3A_1002, %max3A_1201 : vector<16xf32>
      %max3A_1237 = arith.maximumf %max3A_1011, %max3A_1216 : vector<16xf32>
      %max3A_1238 = arith.maximumf %max3A_1237, %min3A_1233 : vector<16xf32>
      %max3A_1239 = arith.maximumf %max3A_1238, %min3A_1234 : vector<16xf32>
      %max3A_1240 = arith.maximumf %max3A_1239, %min3A_1235 : vector<16xf32>
      %max3A_1241 = arith.maximumf %max3A_1240, %min3A_1236 : vector<16xf32>
      %min3A_1242 = arith.minimumf %max3A_987, %max3A_1216 : vector<16xf32>
      %min3A_1243 = arith.minimumf %max3A_990, %max3A_1212 : vector<16xf32>
      %min3A_1244 = arith.minimumf %max3A_995, %max3A_1208 : vector<16xf32>
      %min3A_1245 = arith.minimumf %max3A_1002, %max3A_1204 : vector<16xf32>
      %min3A_1246 = arith.minimumf %max3A_1011, %max3A_1201 : vector<16xf32>
      %max3A_1247 = arith.maximumf %max3A_1021, %min3A_1242 : vector<16xf32>
      %max3A_1248 = arith.maximumf %max3A_1247, %min3A_1243 : vector<16xf32>
      %max3A_1249 = arith.maximumf %max3A_1248, %min3A_1244 : vector<16xf32>
      %max3A_1250 = arith.maximumf %max3A_1249, %min3A_1245 : vector<16xf32>
      %max3A_1251 = arith.maximumf %max3A_1250, %min3A_1246 : vector<16xf32>
      %min3A_1252 = arith.minimumf %max3A_990, %max3A_1216 : vector<16xf32>
      %min3A_1253 = arith.minimumf %max3A_995, %max3A_1212 : vector<16xf32>
      %min3A_1254 = arith.minimumf %max3A_1002, %max3A_1208 : vector<16xf32>
      %min3A_1255 = arith.minimumf %max3A_1011, %max3A_1204 : vector<16xf32>
      %min3A_1256 = arith.minimumf %max3A_1021, %max3A_1201 : vector<16xf32>
      %max3A_1257 = arith.maximumf %max3A_1031, %min3A_1252 : vector<16xf32>
      %max3A_1258 = arith.maximumf %max3A_1257, %min3A_1253 : vector<16xf32>
      %max3A_1259 = arith.maximumf %max3A_1258, %min3A_1254 : vector<16xf32>
      %max3A_1260 = arith.maximumf %max3A_1259, %min3A_1255 : vector<16xf32>
      %max3A_1261 = arith.maximumf %max3A_1260, %min3A_1256 : vector<16xf32>
      %min3A_1262 = arith.minimumf %max3A_995, %max3A_1216 : vector<16xf32>
      %min3A_1263 = arith.minimumf %max3A_1002, %max3A_1212 : vector<16xf32>
      %min3A_1264 = arith.minimumf %max3A_1011, %max3A_1208 : vector<16xf32>
      %min3A_1265 = arith.minimumf %max3A_1021, %max3A_1204 : vector<16xf32>
      %min3A_1266 = arith.minimumf %max3A_1031, %max3A_1201 : vector<16xf32>
      %max3A_1267 = arith.maximumf %max3A_1041, %min3A_1262 : vector<16xf32>
      %max3A_1268 = arith.maximumf %max3A_1267, %min3A_1263 : vector<16xf32>
      %max3A_1269 = arith.maximumf %max3A_1268, %min3A_1264 : vector<16xf32>
      %max3A_1270 = arith.maximumf %max3A_1269, %min3A_1265 : vector<16xf32>
      %max3A_1271 = arith.maximumf %max3A_1270, %min3A_1266 : vector<16xf32>
      %min3A_1272 = arith.minimumf %max3A_1002, %max3A_1216 : vector<16xf32>
      %min3A_1273 = arith.minimumf %max3A_1011, %max3A_1212 : vector<16xf32>
      %min3A_1274 = arith.minimumf %max3A_1021, %max3A_1208 : vector<16xf32>
      %min3A_1275 = arith.minimumf %max3A_1031, %max3A_1204 : vector<16xf32>
      %min3A_1276 = arith.minimumf %max3A_1041, %max3A_1201 : vector<16xf32>
      %max3A_1277 = arith.maximumf %max3A_1051, %min3A_1272 : vector<16xf32>
      %max3A_1278 = arith.maximumf %max3A_1277, %min3A_1273 : vector<16xf32>
      %max3A_1279 = arith.maximumf %max3A_1278, %min3A_1274 : vector<16xf32>
      %max3A_1280 = arith.maximumf %max3A_1279, %min3A_1275 : vector<16xf32>
      %max3A_1281 = arith.maximumf %max3A_1280, %min3A_1276 : vector<16xf32>
      %min3A_1282 = arith.minimumf %max3A_1011, %max3A_1216 : vector<16xf32>
      %min3A_1283 = arith.minimumf %max3A_1021, %max3A_1212 : vector<16xf32>
      %min3A_1284 = arith.minimumf %max3A_1031, %max3A_1208 : vector<16xf32>
      %min3A_1285 = arith.minimumf %max3A_1041, %max3A_1204 : vector<16xf32>
      %min3A_1286 = arith.minimumf %max3A_1051, %max3A_1201 : vector<16xf32>
      %max3A_1287 = arith.maximumf %max3A_1061, %min3A_1282 : vector<16xf32>
      %max3A_1288 = arith.maximumf %max3A_1287, %min3A_1283 : vector<16xf32>
      %max3A_1289 = arith.maximumf %max3A_1288, %min3A_1284 : vector<16xf32>
      %max3A_1290 = arith.maximumf %max3A_1289, %min3A_1285 : vector<16xf32>
      %max3A_1291 = arith.maximumf %max3A_1290, %min3A_1286 : vector<16xf32>
      %iota3A = tpu.iota {dimensions = array<i32: 0>} : vector<16xi32>
      %broadcast_in_dim3A = arith.constant 0.000000e+00 : f32
      %broadcast_in_dim3A_1292 = vector.broadcast %broadcast_in_dim3A : f32 to vector<16xf32>
      %broadcast_in_dim3A_1293 = arith.constant 1.000000e+01 : f32
      %broadcast_in_dim3A_1294 = vector.broadcast %broadcast_in_dim3A_1293 : f32 to vector<16xf32>
      %max3A_1295 = arith.maximumf %max3A_1217, %max3A_1220 : vector<16xf32>
      %max3A_1296 = arith.maximumf %max3A_1295, %max3A_1225 : vector<16xf32>
      %max3A_1297 = arith.maximumf %max3A_1296, %max3A_1232 : vector<16xf32>
      %max3A_1298 = arith.maximumf %max3A_1297, %max3A_1241 : vector<16xf32>
      %max3A_1299 = arith.maximumf %max3A_1298, %max3A_1251 : vector<16xf32>
      %max3A_1300 = arith.maximumf %max3A_1299, %max3A_1261 : vector<16xf32>
      %max3A_1301 = arith.maximumf %max3A_1300, %max3A_1271 : vector<16xf32>
      %max3A_1302 = arith.maximumf %max3A_1301, %max3A_1281 : vector<16xf32>
      %max3A_1303 = arith.maximumf %max3A_1302, %max3A_1291 : vector<16xf32>
      %add3A_1304 = arith.constant 1 : i32
      %add3A_1305 = vector.broadcast %add3A_1304 : i32 to vector<16xi32>
      %add3A_1306 = arith.addi %iota3A, %add3A_1305 : vector<16xi32>
      %and3A = arith.constant 15 : i32
      %and3A_1307 = vector.broadcast %and3A : i32 to vector<16xi32>
      %and3A_1308 = arith.andi %add3A_1306, %and3A_1307 : vector<16xi32>
      %broadcast_in_dim3A_1309 = vector.shape_cast %and3A_1308 : vector<16xi32> to vector<16x1xi32>
      %gather3A = vector.shape_cast %broadcast_in_dim3A_1309 : vector<16x1xi32> to vector<16xi32>
      %gather3A_1310 = tpu.dynamic_gather %max3A_1303[%gather3A] in [0] : vector<16xf32>, vector<16xi32> -> vector<16xf32>
      %max3A_1311 = arith.maximumf %max3A_1303, %gather3A_1310 : vector<16xf32>
      %add3A_1312 = arith.constant 2 : i32
      %add3A_1313 = vector.broadcast %add3A_1312 : i32 to vector<16xi32>
      %add3A_1314 = arith.addi %iota3A, %add3A_1313 : vector<16xi32>
      %and3A_1315 = arith.constant 15 : i32
      %and3A_1316 = vector.broadcast %and3A_1315 : i32 to vector<16xi32>
      %and3A_1317 = arith.andi %add3A_1314, %and3A_1316 : vector<16xi32>
      %broadcast_in_dim3A_1318 = vector.shape_cast %and3A_1317 : vector<16xi32> to vector<16x1xi32>
      %gather3A_1319 = vector.shape_cast %broadcast_in_dim3A_1318 : vector<16x1xi32> to vector<16xi32>
      %gather3A_1320 = tpu.dynamic_gather %max3A_1311[%gather3A_1319] in [0] : vector<16xf32>, vector<16xi32> -> vector<16xf32>
      %max3A_1321 = arith.maximumf %max3A_1311, %gather3A_1320 : vector<16xf32>
      %add3A_1322 = arith.constant 4 : i32
      %add3A_1323 = vector.broadcast %add3A_1322 : i32 to vector<16xi32>
      %add3A_1324 = arith.addi %iota3A, %add3A_1323 : vector<16xi32>
      %and3A_1325 = arith.constant 15 : i32
      %and3A_1326 = vector.broadcast %and3A_1325 : i32 to vector<16xi32>
      %and3A_1327 = arith.andi %add3A_1324, %and3A_1326 : vector<16xi32>
      %broadcast_in_dim3A_1328 = vector.shape_cast %and3A_1327 : vector<16xi32> to vector<16x1xi32>
      %gather3A_1329 = vector.shape_cast %broadcast_in_dim3A_1328 : vector<16x1xi32> to vector<16xi32>
      %gather3A_1330 = tpu.dynamic_gather %max3A_1321[%gather3A_1329] in [0] : vector<16xf32>, vector<16xi32> -> vector<16xf32>
      %max3A_1331 = arith.maximumf %max3A_1321, %gather3A_1330 : vector<16xf32>
      %add3A_1332 = arith.constant 8 : i32
      %add3A_1333 = vector.broadcast %add3A_1332 : i32 to vector<16xi32>
      %add3A_1334 = arith.addi %iota3A, %add3A_1333 : vector<16xi32>
      %and3A_1335 = arith.constant 15 : i32
      %and3A_1336 = vector.broadcast %and3A_1335 : i32 to vector<16xi32>
      %and3A_1337 = arith.andi %add3A_1334, %and3A_1336 : vector<16xi32>
      %broadcast_in_dim3A_1338 = vector.shape_cast %and3A_1337 : vector<16xi32> to vector<16x1xi32>
      %gather3A_1339 = vector.shape_cast %broadcast_in_dim3A_1338 : vector<16x1xi32> to vector<16xi32>
      %gather3A_1340 = tpu.dynamic_gather %max3A_1331[%gather3A_1339] in [0] : vector<16xf32>, vector<16xi32> -> vector<16xf32>
      %max3A_1341 = arith.maximumf %max3A_1331, %gather3A_1340 : vector<16xf32>
      %eq3A = arith.cmpf oeq, %max3A_1217, %max3A_1341 : vector<16xf32>
      %eq3A_1342 = arith.cmpf oeq, %max3A_1220, %max3A_1341 : vector<16xf32>
      %eq3A_1343 = arith.cmpf oeq, %max3A_1225, %max3A_1341 : vector<16xf32>
      %eq3A_1344 = arith.cmpf oeq, %max3A_1232, %max3A_1341 : vector<16xf32>
      %eq3A_1345 = arith.cmpf oeq, %max3A_1241, %max3A_1341 : vector<16xf32>
      %eq3A_1346 = arith.cmpf oeq, %max3A_1251, %max3A_1341 : vector<16xf32>
      %eq3A_1347 = arith.cmpf oeq, %max3A_1261, %max3A_1341 : vector<16xf32>
      %eq3A_1348 = arith.cmpf oeq, %max3A_1271, %max3A_1341 : vector<16xf32>
      %eq3A_1349 = arith.cmpf oeq, %max3A_1281, %max3A_1341 : vector<16xf32>
      %eq3A_1350 = arith.cmpf oeq, %max3A_1291, %max3A_1341 : vector<16xf32>
      %broadcast_in_dim3A_1351 = arith.constant 0.000000e+00 : f32
      %broadcast_in_dim3A_1352 = vector.broadcast %broadcast_in_dim3A_1351 : f32 to vector<16xf32>
      %jit3A = arith.constant 1.000000e+00 : f32
      %jit3A_1353 = arith.constant 0.000000e+00 : f32
      %broadcast_in_dim3A_1354 = vector.broadcast %jit3A : f32 to vector<16xf32>
      %broadcast_in_dim3A_1355 = vector.broadcast %jit3A_1353 : f32 to vector<16xf32>
      %select_n3A = arith.select %eq3A, %broadcast_in_dim3A_1354, %broadcast_in_dim3A_1355 : vector<16xi1>, vector<16xf32>
      %add3A_1356 = arith.addf %broadcast_in_dim3A_1352, %select_n3A : vector<16xf32>
      %jit3A_1357 = arith.constant 1.000000e+00 : f32
      %jit3A_1358 = arith.constant 0.000000e+00 : f32
      %broadcast_in_dim3A_1359 = vector.broadcast %jit3A_1357 : f32 to vector<16xf32>
      %broadcast_in_dim3A_1360 = vector.broadcast %jit3A_1358 : f32 to vector<16xf32>
      %select_n3A_1361 = arith.select %eq3A_1342, %broadcast_in_dim3A_1359, %broadcast_in_dim3A_1360 : vector<16xi1>, vector<16xf32>
      %add3A_1362 = arith.addf %add3A_1356, %select_n3A_1361 : vector<16xf32>
      %jit3A_1363 = arith.constant 1.000000e+00 : f32
      %jit3A_1364 = arith.constant 0.000000e+00 : f32
      %broadcast_in_dim3A_1365 = vector.broadcast %jit3A_1363 : f32 to vector<16xf32>
      %broadcast_in_dim3A_1366 = vector.broadcast %jit3A_1364 : f32 to vector<16xf32>
      %select_n3A_1367 = arith.select %eq3A_1343, %broadcast_in_dim3A_1365, %broadcast_in_dim3A_1366 : vector<16xi1>, vector<16xf32>
      %add3A_1368 = arith.addf %add3A_1362, %select_n3A_1367 : vector<16xf32>
      %jit3A_1369 = arith.constant 1.000000e+00 : f32
      %jit3A_1370 = arith.constant 0.000000e+00 : f32
      %broadcast_in_dim3A_1371 = vector.broadcast %jit3A_1369 : f32 to vector<16xf32>
      %broadcast_in_dim3A_1372 = vector.broadcast %jit3A_1370 : f32 to vector<16xf32>
      %select_n3A_1373 = arith.select %eq3A_1344, %broadcast_in_dim3A_1371, %broadcast_in_dim3A_1372 : vector<16xi1>, vector<16xf32>
      %add3A_1374 = arith.addf %add3A_1368, %select_n3A_1373 : vector<16xf32>
      %jit3A_1375 = arith.constant 1.000000e+00 : f32
      %jit3A_1376 = arith.constant 0.000000e+00 : f32
      %broadcast_in_dim3A_1377 = vector.broadcast %jit3A_1375 : f32 to vector<16xf32>
      %broadcast_in_dim3A_1378 = vector.broadcast %jit3A_1376 : f32 to vector<16xf32>
      %select_n3A_1379 = arith.select %eq3A_1345, %broadcast_in_dim3A_1377, %broadcast_in_dim3A_1378 : vector<16xi1>, vector<16xf32>
      %add3A_1380 = arith.addf %add3A_1374, %select_n3A_1379 : vector<16xf32>
      %jit3A_1381 = arith.constant 1.000000e+00 : f32
      %jit3A_1382 = arith.constant 0.000000e+00 : f32
      %broadcast_in_dim3A_1383 = vector.broadcast %jit3A_1381 : f32 to vector<16xf32>
      %broadcast_in_dim3A_1384 = vector.broadcast %jit3A_1382 : f32 to vector<16xf32>
      %select_n3A_1385 = arith.select %eq3A_1346, %broadcast_in_dim3A_1383, %broadcast_in_dim3A_1384 : vector<16xi1>, vector<16xf32>
      %add3A_1386 = arith.addf %add3A_1380, %select_n3A_1385 : vector<16xf32>
      %jit3A_1387 = arith.constant 1.000000e+00 : f32
      %jit3A_1388 = arith.constant 0.000000e+00 : f32
      %broadcast_in_dim3A_1389 = vector.broadcast %jit3A_1387 : f32 to vector<16xf32>
      %broadcast_in_dim3A_1390 = vector.broadcast %jit3A_1388 : f32 to vector<16xf32>
      %select_n3A_1391 = arith.select %eq3A_1347, %broadcast_in_dim3A_1389, %broadcast_in_dim3A_1390 : vector<16xi1>, vector<16xf32>
      %add3A_1392 = arith.addf %add3A_1386, %select_n3A_1391 : vector<16xf32>
      %jit3A_1393 = arith.constant 1.000000e+00 : f32
      %jit3A_1394 = arith.constant 0.000000e+00 : f32
      %broadcast_in_dim3A_1395 = vector.broadcast %jit3A_1393 : f32 to vector<16xf32>
      %broadcast_in_dim3A_1396 = vector.broadcast %jit3A_1394 : f32 to vector<16xf32>
      %select_n3A_1397 = arith.select %eq3A_1348, %broadcast_in_dim3A_1395, %broadcast_in_dim3A_1396 : vector<16xi1>, vector<16xf32>
      %add3A_1398 = arith.addf %add3A_1392, %select_n3A_1397 : vector<16xf32>
      %jit3A_1399 = arith.constant 1.000000e+00 : f32
      %jit3A_1400 = arith.constant 0.000000e+00 : f32
      %broadcast_in_dim3A_1401 = vector.broadcast %jit3A_1399 : f32 to vector<16xf32>
      %broadcast_in_dim3A_1402 = vector.broadcast %jit3A_1400 : f32 to vector<16xf32>
      %select_n3A_1403 = arith.select %eq3A_1349, %broadcast_in_dim3A_1401, %broadcast_in_dim3A_1402 : vector<16xi1>, vector<16xf32>
      %add3A_1404 = arith.addf %add3A_1398, %select_n3A_1403 : vector<16xf32>
      %jit3A_1405 = arith.constant 1.000000e+00 : f32
      %jit3A_1406 = arith.constant 0.000000e+00 : f32
      %broadcast_in_dim3A_1407 = vector.broadcast %jit3A_1405 : f32 to vector<16xf32>
      %broadcast_in_dim3A_1408 = vector.broadcast %jit3A_1406 : f32 to vector<16xf32>
      %select_n3A_1409 = arith.select %eq3A_1350, %broadcast_in_dim3A_1407, %broadcast_in_dim3A_1408 : vector<16xi1>, vector<16xf32>
      %add3A_1410 = arith.addf %add3A_1404, %select_n3A_1409 : vector<16xf32>
      %add3A_1411 = arith.constant 1 : i32
      %add3A_1412 = vector.broadcast %add3A_1411 : i32 to vector<16xi32>
      %add3A_1413 = arith.addi %iota3A, %add3A_1412 : vector<16xi32>
      %and3A_1414 = arith.constant 15 : i32
      %and3A_1415 = vector.broadcast %and3A_1414 : i32 to vector<16xi32>
      %and3A_1416 = arith.andi %add3A_1413, %and3A_1415 : vector<16xi32>
      %broadcast_in_dim3A_1417 = vector.shape_cast %and3A_1416 : vector<16xi32> to vector<16x1xi32>
      %gather3A_1418 = vector.shape_cast %broadcast_in_dim3A_1417 : vector<16x1xi32> to vector<16xi32>
      %gather3A_1419 = tpu.dynamic_gather %add3A_1410[%gather3A_1418] in [0] : vector<16xf32>, vector<16xi32> -> vector<16xf32>
      %add3A_1420 = arith.addf %add3A_1410, %gather3A_1419 : vector<16xf32>
      %add3A_1421 = arith.constant 2 : i32
      %add3A_1422 = vector.broadcast %add3A_1421 : i32 to vector<16xi32>
      %add3A_1423 = arith.addi %iota3A, %add3A_1422 : vector<16xi32>
      %and3A_1424 = arith.constant 15 : i32
      %and3A_1425 = vector.broadcast %and3A_1424 : i32 to vector<16xi32>
      %and3A_1426 = arith.andi %add3A_1423, %and3A_1425 : vector<16xi32>
      %broadcast_in_dim3A_1427 = vector.shape_cast %and3A_1426 : vector<16xi32> to vector<16x1xi32>
      %gather3A_1428 = vector.shape_cast %broadcast_in_dim3A_1427 : vector<16x1xi32> to vector<16xi32>
      %gather3A_1429 = tpu.dynamic_gather %add3A_1420[%gather3A_1428] in [0] : vector<16xf32>, vector<16xi32> -> vector<16xf32>
      %add3A_1430 = arith.addf %add3A_1420, %gather3A_1429 : vector<16xf32>
      %add3A_1431 = arith.constant 4 : i32
      %add3A_1432 = vector.broadcast %add3A_1431 : i32 to vector<16xi32>
      %add3A_1433 = arith.addi %iota3A, %add3A_1432 : vector<16xi32>
      %and3A_1434 = arith.constant 15 : i32
      %and3A_1435 = vector.broadcast %and3A_1434 : i32 to vector<16xi32>
      %and3A_1436 = arith.andi %add3A_1433, %and3A_1435 : vector<16xi32>
      %broadcast_in_dim3A_1437 = vector.shape_cast %and3A_1436 : vector<16xi32> to vector<16x1xi32>
      %gather3A_1438 = vector.shape_cast %broadcast_in_dim3A_1437 : vector<16x1xi32> to vector<16xi32>
      %gather3A_1439 = tpu.dynamic_gather %add3A_1430[%gather3A_1438] in [0] : vector<16xf32>, vector<16xi32> -> vector<16xf32>
      %add3A_1440 = arith.addf %add3A_1430, %gather3A_1439 : vector<16xf32>
      %add3A_1441 = arith.constant 8 : i32
      %add3A_1442 = vector.broadcast %add3A_1441 : i32 to vector<16xi32>
      %add3A_1443 = arith.addi %iota3A, %add3A_1442 : vector<16xi32>
      %and3A_1444 = arith.constant 15 : i32
      %and3A_1445 = vector.broadcast %and3A_1444 : i32 to vector<16xi32>
      %and3A_1446 = arith.andi %add3A_1443, %and3A_1445 : vector<16xi32>
      %broadcast_in_dim3A_1447 = vector.shape_cast %and3A_1446 : vector<16xi32> to vector<16x1xi32>
      %gather3A_1448 = vector.shape_cast %broadcast_in_dim3A_1447 : vector<16x1xi32> to vector<16xi32>
      %gather3A_1449 = tpu.dynamic_gather %add3A_1440[%gather3A_1448] in [0] : vector<16xf32>, vector<16xi32> -> vector<16xf32>
      %add3A_1450 = arith.addf %add3A_1440, %gather3A_1449 : vector<16xf32>
      %min3A_1451 = arith.minimumf %add3A_1450, %broadcast_in_dim3A_1294 : vector<16xf32>
      %mul3A_1452 = arith.mulf %min3A_1451, %max3A_1341 : vector<16xf32>
      %add3A_1453 = arith.addf %broadcast_in_dim3A_1292, %mul3A_1452 : vector<16xf32>
      %sub3A = arith.subf %broadcast_in_dim3A_1294, %min3A_1451 : vector<16xf32>
      %jit3A_1454 = arith.constant 0xFF800000 : f32
      %broadcast_in_dim3A_1455 = vector.broadcast %jit3A_1454 : f32 to vector<16xf32>
      %select_n3A_1456 = arith.select %eq3A, %broadcast_in_dim3A_1455, %max3A_1217 : vector<16xi1>, vector<16xf32>
      %jit3A_1457 = arith.constant 0xFF800000 : f32
      %broadcast_in_dim3A_1458 = vector.broadcast %jit3A_1457 : f32 to vector<16xf32>
      %select_n3A_1459 = arith.select %eq3A_1342, %broadcast_in_dim3A_1458, %max3A_1220 : vector<16xi1>, vector<16xf32>
      %jit3A_1460 = arith.constant 0xFF800000 : f32
      %broadcast_in_dim3A_1461 = vector.broadcast %jit3A_1460 : f32 to vector<16xf32>
      %select_n3A_1462 = arith.select %eq3A_1343, %broadcast_in_dim3A_1461, %max3A_1225 : vector<16xi1>, vector<16xf32>
      %jit3A_1463 = arith.constant 0xFF800000 : f32
      %broadcast_in_dim3A_1464 = vector.broadcast %jit3A_1463 : f32 to vector<16xf32>
      %select_n3A_1465 = arith.select %eq3A_1344, %broadcast_in_dim3A_1464, %max3A_1232 : vector<16xi1>, vector<16xf32>
      %jit3A_1466 = arith.constant 0xFF800000 : f32
      %broadcast_in_dim3A_1467 = vector.broadcast %jit3A_1466 : f32 to vector<16xf32>
      %select_n3A_1468 = arith.select %eq3A_1345, %broadcast_in_dim3A_1467, %max3A_1241 : vector<16xi1>, vector<16xf32>
      %jit3A_1469 = arith.constant 0xFF800000 : f32
      %broadcast_in_dim3A_1470 = vector.broadcast %jit3A_1469 : f32 to vector<16xf32>
      %select_n3A_1471 = arith.select %eq3A_1346, %broadcast_in_dim3A_1470, %max3A_1251 : vector<16xi1>, vector<16xf32>
      %jit3A_1472 = arith.constant 0xFF800000 : f32
      %broadcast_in_dim3A_1473 = vector.broadcast %jit3A_1472 : f32 to vector<16xf32>
      %select_n3A_1474 = arith.select %eq3A_1347, %broadcast_in_dim3A_1473, %max3A_1261 : vector<16xi1>, vector<16xf32>
      %jit3A_1475 = arith.constant 0xFF800000 : f32
      %broadcast_in_dim3A_1476 = vector.broadcast %jit3A_1475 : f32 to vector<16xf32>
      %select_n3A_1477 = arith.select %eq3A_1348, %broadcast_in_dim3A_1476, %max3A_1271 : vector<16xi1>, vector<16xf32>
      %jit3A_1478 = arith.constant 0xFF800000 : f32
      %broadcast_in_dim3A_1479 = vector.broadcast %jit3A_1478 : f32 to vector<16xf32>
      %select_n3A_1480 = arith.select %eq3A_1349, %broadcast_in_dim3A_1479, %max3A_1281 : vector<16xi1>, vector<16xf32>
      %jit3A_1481 = arith.constant 0xFF800000 : f32
      %broadcast_in_dim3A_1482 = vector.broadcast %jit3A_1481 : f32 to vector<16xf32>
      %select_n3A_1483 = arith.select %eq3A_1350, %broadcast_in_dim3A_1482, %max3A_1291 : vector<16xi1>, vector<16xf32>
      %max3A_1484 = arith.maximumf %select_n3A_1456, %select_n3A_1459 : vector<16xf32>
      %max3A_1485 = arith.maximumf %max3A_1484, %select_n3A_1462 : vector<16xf32>
      %max3A_1486 = arith.maximumf %max3A_1485, %select_n3A_1465 : vector<16xf32>
      %max3A_1487 = arith.maximumf %max3A_1486, %select_n3A_1468 : vector<16xf32>
      %max3A_1488 = arith.maximumf %max3A_1487, %select_n3A_1471 : vector<16xf32>
      %max3A_1489 = arith.maximumf %max3A_1488, %select_n3A_1474 : vector<16xf32>
      %max3A_1490 = arith.maximumf %max3A_1489, %select_n3A_1477 : vector<16xf32>
      %max3A_1491 = arith.maximumf %max3A_1490, %select_n3A_1480 : vector<16xf32>
      %max3A_1492 = arith.maximumf %max3A_1491, %select_n3A_1483 : vector<16xf32>
      %add3A_1493 = arith.constant 1 : i32
      %add3A_1494 = vector.broadcast %add3A_1493 : i32 to vector<16xi32>
      %add3A_1495 = arith.addi %iota3A, %add3A_1494 : vector<16xi32>
      %and3A_1496 = arith.constant 15 : i32
      %and3A_1497 = vector.broadcast %and3A_1496 : i32 to vector<16xi32>
      %and3A_1498 = arith.andi %add3A_1495, %and3A_1497 : vector<16xi32>
      %broadcast_in_dim3A_1499 = vector.shape_cast %and3A_1498 : vector<16xi32> to vector<16x1xi32>
      %gather3A_1500 = vector.shape_cast %broadcast_in_dim3A_1499 : vector<16x1xi32> to vector<16xi32>
      %gather3A_1501 = tpu.dynamic_gather %max3A_1492[%gather3A_1500] in [0] : vector<16xf32>, vector<16xi32> -> vector<16xf32>
      %max3A_1502 = arith.maximumf %max3A_1492, %gather3A_1501 : vector<16xf32>
      %add3A_1503 = arith.constant 2 : i32
      %add3A_1504 = vector.broadcast %add3A_1503 : i32 to vector<16xi32>
      %add3A_1505 = arith.addi %iota3A, %add3A_1504 : vector<16xi32>
      %and3A_1506 = arith.constant 15 : i32
      %and3A_1507 = vector.broadcast %and3A_1506 : i32 to vector<16xi32>
      %and3A_1508 = arith.andi %add3A_1505, %and3A_1507 : vector<16xi32>
      %broadcast_in_dim3A_1509 = vector.shape_cast %and3A_1508 : vector<16xi32> to vector<16x1xi32>
      %gather3A_1510 = vector.shape_cast %broadcast_in_dim3A_1509 : vector<16x1xi32> to vector<16xi32>
      %gather3A_1511 = tpu.dynamic_gather %max3A_1502[%gather3A_1510] in [0] : vector<16xf32>, vector<16xi32> -> vector<16xf32>
      %max3A_1512 = arith.maximumf %max3A_1502, %gather3A_1511 : vector<16xf32>
      %add3A_1513 = arith.constant 4 : i32
      %add3A_1514 = vector.broadcast %add3A_1513 : i32 to vector<16xi32>
      %add3A_1515 = arith.addi %iota3A, %add3A_1514 : vector<16xi32>
      %and3A_1516 = arith.constant 15 : i32
      %and3A_1517 = vector.broadcast %and3A_1516 : i32 to vector<16xi32>
      %and3A_1518 = arith.andi %add3A_1515, %and3A_1517 : vector<16xi32>
      %broadcast_in_dim3A_1519 = vector.shape_cast %and3A_1518 : vector<16xi32> to vector<16x1xi32>
      %gather3A_1520 = vector.shape_cast %broadcast_in_dim3A_1519 : vector<16x1xi32> to vector<16xi32>
      %gather3A_1521 = tpu.dynamic_gather %max3A_1512[%gather3A_1520] in [0] : vector<16xf32>, vector<16xi32> -> vector<16xf32>
      %max3A_1522 = arith.maximumf %max3A_1512, %gather3A_1521 : vector<16xf32>
      %add3A_1523 = arith.constant 8 : i32
      %add3A_1524 = vector.broadcast %add3A_1523 : i32 to vector<16xi32>
      %add3A_1525 = arith.addi %iota3A, %add3A_1524 : vector<16xi32>
      %and3A_1526 = arith.constant 15 : i32
      %and3A_1527 = vector.broadcast %and3A_1526 : i32 to vector<16xi32>
      %and3A_1528 = arith.andi %add3A_1525, %and3A_1527 : vector<16xi32>
      %broadcast_in_dim3A_1529 = vector.shape_cast %and3A_1528 : vector<16xi32> to vector<16x1xi32>
      %gather3A_1530 = vector.shape_cast %broadcast_in_dim3A_1529 : vector<16x1xi32> to vector<16xi32>
      %gather3A_1531 = tpu.dynamic_gather %max3A_1522[%gather3A_1530] in [0] : vector<16xf32>, vector<16xi32> -> vector<16xf32>
      %max3A_1532 = arith.maximumf %max3A_1522, %gather3A_1531 : vector<16xf32>
      %eq3A_1533 = arith.cmpf oeq, %select_n3A_1456, %max3A_1532 : vector<16xf32>
      %eq3A_1534 = arith.cmpf oeq, %select_n3A_1459, %max3A_1532 : vector<16xf32>
      %eq3A_1535 = arith.cmpf oeq, %select_n3A_1462, %max3A_1532 : vector<16xf32>
      %eq3A_1536 = arith.cmpf oeq, %select_n3A_1465, %max3A_1532 : vector<16xf32>
      %eq3A_1537 = arith.cmpf oeq, %select_n3A_1468, %max3A_1532 : vector<16xf32>
      %eq3A_1538 = arith.cmpf oeq, %select_n3A_1471, %max3A_1532 : vector<16xf32>
      %eq3A_1539 = arith.cmpf oeq, %select_n3A_1474, %max3A_1532 : vector<16xf32>
      %eq3A_1540 = arith.cmpf oeq, %select_n3A_1477, %max3A_1532 : vector<16xf32>
      %eq3A_1541 = arith.cmpf oeq, %select_n3A_1480, %max3A_1532 : vector<16xf32>
      %eq3A_1542 = arith.cmpf oeq, %select_n3A_1483, %max3A_1532 : vector<16xf32>
      %broadcast_in_dim3A_1543 = arith.constant 0.000000e+00 : f32
      %broadcast_in_dim3A_1544 = vector.broadcast %broadcast_in_dim3A_1543 : f32 to vector<16xf32>
      %jit3A_1545 = arith.constant 1.000000e+00 : f32
      %jit3A_1546 = arith.constant 0.000000e+00 : f32
      %broadcast_in_dim3A_1547 = vector.broadcast %jit3A_1545 : f32 to vector<16xf32>
      %broadcast_in_dim3A_1548 = vector.broadcast %jit3A_1546 : f32 to vector<16xf32>
      %select_n3A_1549 = arith.select %eq3A_1533, %broadcast_in_dim3A_1547, %broadcast_in_dim3A_1548 : vector<16xi1>, vector<16xf32>
      %add3A_1550 = arith.addf %broadcast_in_dim3A_1544, %select_n3A_1549 : vector<16xf32>
      %jit3A_1551 = arith.constant 1.000000e+00 : f32
      %jit3A_1552 = arith.constant 0.000000e+00 : f32
      %broadcast_in_dim3A_1553 = vector.broadcast %jit3A_1551 : f32 to vector<16xf32>
      %broadcast_in_dim3A_1554 = vector.broadcast %jit3A_1552 : f32 to vector<16xf32>
      %select_n3A_1555 = arith.select %eq3A_1534, %broadcast_in_dim3A_1553, %broadcast_in_dim3A_1554 : vector<16xi1>, vector<16xf32>
      %add3A_1556 = arith.addf %add3A_1550, %select_n3A_1555 : vector<16xf32>
      %jit3A_1557 = arith.constant 1.000000e+00 : f32
      %jit3A_1558 = arith.constant 0.000000e+00 : f32
      %broadcast_in_dim3A_1559 = vector.broadcast %jit3A_1557 : f32 to vector<16xf32>
      %broadcast_in_dim3A_1560 = vector.broadcast %jit3A_1558 : f32 to vector<16xf32>
      %select_n3A_1561 = arith.select %eq3A_1535, %broadcast_in_dim3A_1559, %broadcast_in_dim3A_1560 : vector<16xi1>, vector<16xf32>
      %add3A_1562 = arith.addf %add3A_1556, %select_n3A_1561 : vector<16xf32>
      %jit3A_1563 = arith.constant 1.000000e+00 : f32
      %jit3A_1564 = arith.constant 0.000000e+00 : f32
      %broadcast_in_dim3A_1565 = vector.broadcast %jit3A_1563 : f32 to vector<16xf32>
      %broadcast_in_dim3A_1566 = vector.broadcast %jit3A_1564 : f32 to vector<16xf32>
      %select_n3A_1567 = arith.select %eq3A_1536, %broadcast_in_dim3A_1565, %broadcast_in_dim3A_1566 : vector<16xi1>, vector<16xf32>
      %add3A_1568 = arith.addf %add3A_1562, %select_n3A_1567 : vector<16xf32>
      %jit3A_1569 = arith.constant 1.000000e+00 : f32
      %jit3A_1570 = arith.constant 0.000000e+00 : f32
      %broadcast_in_dim3A_1571 = vector.broadcast %jit3A_1569 : f32 to vector<16xf32>
      %broadcast_in_dim3A_1572 = vector.broadcast %jit3A_1570 : f32 to vector<16xf32>
      %select_n3A_1573 = arith.select %eq3A_1537, %broadcast_in_dim3A_1571, %broadcast_in_dim3A_1572 : vector<16xi1>, vector<16xf32>
      %add3A_1574 = arith.addf %add3A_1568, %select_n3A_1573 : vector<16xf32>
      %jit3A_1575 = arith.constant 1.000000e+00 : f32
      %jit3A_1576 = arith.constant 0.000000e+00 : f32
      %broadcast_in_dim3A_1577 = vector.broadcast %jit3A_1575 : f32 to vector<16xf32>
      %broadcast_in_dim3A_1578 = vector.broadcast %jit3A_1576 : f32 to vector<16xf32>
      %select_n3A_1579 = arith.select %eq3A_1538, %broadcast_in_dim3A_1577, %broadcast_in_dim3A_1578 : vector<16xi1>, vector<16xf32>
      %add3A_1580 = arith.addf %add3A_1574, %select_n3A_1579 : vector<16xf32>
      %jit3A_1581 = arith.constant 1.000000e+00 : f32
      %jit3A_1582 = arith.constant 0.000000e+00 : f32
      %broadcast_in_dim3A_1583 = vector.broadcast %jit3A_1581 : f32 to vector<16xf32>
      %broadcast_in_dim3A_1584 = vector.broadcast %jit3A_1582 : f32 to vector<16xf32>
      %select_n3A_1585 = arith.select %eq3A_1539, %broadcast_in_dim3A_1583, %broadcast_in_dim3A_1584 : vector<16xi1>, vector<16xf32>
      %add3A_1586 = arith.addf %add3A_1580, %select_n3A_1585 : vector<16xf32>
      %jit3A_1587 = arith.constant 1.000000e+00 : f32
      %jit3A_1588 = arith.constant 0.000000e+00 : f32
      %broadcast_in_dim3A_1589 = vector.broadcast %jit3A_1587 : f32 to vector<16xf32>
      %broadcast_in_dim3A_1590 = vector.broadcast %jit3A_1588 : f32 to vector<16xf32>
      %select_n3A_1591 = arith.select %eq3A_1540, %broadcast_in_dim3A_1589, %broadcast_in_dim3A_1590 : vector<16xi1>, vector<16xf32>
      %add3A_1592 = arith.addf %add3A_1586, %select_n3A_1591 : vector<16xf32>
      %jit3A_1593 = arith.constant 1.000000e+00 : f32
      %jit3A_1594 = arith.constant 0.000000e+00 : f32
      %broadcast_in_dim3A_1595 = vector.broadcast %jit3A_1593 : f32 to vector<16xf32>
      %broadcast_in_dim3A_1596 = vector.broadcast %jit3A_1594 : f32 to vector<16xf32>
      %select_n3A_1597 = arith.select %eq3A_1541, %broadcast_in_dim3A_1595, %broadcast_in_dim3A_1596 : vector<16xi1>, vector<16xf32>
      %add3A_1598 = arith.addf %add3A_1592, %select_n3A_1597 : vector<16xf32>
      %jit3A_1599 = arith.constant 1.000000e+00 : f32
      %jit3A_1600 = arith.constant 0.000000e+00 : f32
      %broadcast_in_dim3A_1601 = vector.broadcast %jit3A_1599 : f32 to vector<16xf32>
      %broadcast_in_dim3A_1602 = vector.broadcast %jit3A_1600 : f32 to vector<16xf32>
      %select_n3A_1603 = arith.select %eq3A_1542, %broadcast_in_dim3A_1601, %broadcast_in_dim3A_1602 : vector<16xi1>, vector<16xf32>
      %add3A_1604 = arith.addf %add3A_1598, %select_n3A_1603 : vector<16xf32>
      %add3A_1605 = arith.constant 1 : i32
      %add3A_1606 = vector.broadcast %add3A_1605 : i32 to vector<16xi32>
      %add3A_1607 = arith.addi %iota3A, %add3A_1606 : vector<16xi32>
      %and3A_1608 = arith.constant 15 : i32
      %and3A_1609 = vector.broadcast %and3A_1608 : i32 to vector<16xi32>
      %and3A_1610 = arith.andi %add3A_1607, %and3A_1609 : vector<16xi32>
      %broadcast_in_dim3A_1611 = vector.shape_cast %and3A_1610 : vector<16xi32> to vector<16x1xi32>
      %gather3A_1612 = vector.shape_cast %broadcast_in_dim3A_1611 : vector<16x1xi32> to vector<16xi32>
      %gather3A_1613 = tpu.dynamic_gather %add3A_1604[%gather3A_1612] in [0] : vector<16xf32>, vector<16xi32> -> vector<16xf32>
      %add3A_1614 = arith.addf %add3A_1604, %gather3A_1613 : vector<16xf32>
      %add3A_1615 = arith.constant 2 : i32
      %add3A_1616 = vector.broadcast %add3A_1615 : i32 to vector<16xi32>
      %add3A_1617 = arith.addi %iota3A, %add3A_1616 : vector<16xi32>
      %and3A_1618 = arith.constant 15 : i32
      %and3A_1619 = vector.broadcast %and3A_1618 : i32 to vector<16xi32>
      %and3A_1620 = arith.andi %add3A_1617, %and3A_1619 : vector<16xi32>
      %broadcast_in_dim3A_1621 = vector.shape_cast %and3A_1620 : vector<16xi32> to vector<16x1xi32>
      %gather3A_1622 = vector.shape_cast %broadcast_in_dim3A_1621 : vector<16x1xi32> to vector<16xi32>
      %gather3A_1623 = tpu.dynamic_gather %add3A_1614[%gather3A_1622] in [0] : vector<16xf32>, vector<16xi32> -> vector<16xf32>
      %add3A_1624 = arith.addf %add3A_1614, %gather3A_1623 : vector<16xf32>
      %add3A_1625 = arith.constant 4 : i32
      %add3A_1626 = vector.broadcast %add3A_1625 : i32 to vector<16xi32>
      %add3A_1627 = arith.addi %iota3A, %add3A_1626 : vector<16xi32>
      %and3A_1628 = arith.constant 15 : i32
      %and3A_1629 = vector.broadcast %and3A_1628 : i32 to vector<16xi32>
      %and3A_1630 = arith.andi %add3A_1627, %and3A_1629 : vector<16xi32>
      %broadcast_in_dim3A_1631 = vector.shape_cast %and3A_1630 : vector<16xi32> to vector<16x1xi32>
      %gather3A_1632 = vector.shape_cast %broadcast_in_dim3A_1631 : vector<16x1xi32> to vector<16xi32>
      %gather3A_1633 = tpu.dynamic_gather %add3A_1624[%gather3A_1632] in [0] : vector<16xf32>, vector<16xi32> -> vector<16xf32>
      %add3A_1634 = arith.addf %add3A_1624, %gather3A_1633 : vector<16xf32>
      %add3A_1635 = arith.constant 8 : i32
      %add3A_1636 = vector.broadcast %add3A_1635 : i32 to vector<16xi32>
      %add3A_1637 = arith.addi %iota3A, %add3A_1636 : vector<16xi32>
      %and3A_1638 = arith.constant 15 : i32
      %and3A_1639 = vector.broadcast %and3A_1638 : i32 to vector<16xi32>
      %and3A_1640 = arith.andi %add3A_1637, %and3A_1639 : vector<16xi32>
      %broadcast_in_dim3A_1641 = vector.shape_cast %and3A_1640 : vector<16xi32> to vector<16x1xi32>
      %gather3A_1642 = vector.shape_cast %broadcast_in_dim3A_1641 : vector<16x1xi32> to vector<16xi32>
      %gather3A_1643 = tpu.dynamic_gather %add3A_1634[%gather3A_1642] in [0] : vector<16xf32>, vector<16xi32> -> vector<16xf32>
      %add3A_1644 = arith.addf %add3A_1634, %gather3A_1643 : vector<16xf32>
      %min3A_1645 = arith.minimumf %add3A_1644, %sub3A : vector<16xf32>
      %mul3A_1646 = arith.mulf %min3A_1645, %max3A_1532 : vector<16xf32>
      %add3A_1647 = arith.addf %add3A_1453, %mul3A_1646 : vector<16xf32>
      %sub3A_1648 = arith.subf %sub3A, %min3A_1645 : vector<16xf32>
      %jit3A_1649 = arith.constant 0xFF800000 : f32
      %broadcast_in_dim3A_1650 = vector.broadcast %jit3A_1649 : f32 to vector<16xf32>
      %select_n3A_1651 = arith.select %eq3A_1533, %broadcast_in_dim3A_1650, %select_n3A_1456 : vector<16xi1>, vector<16xf32>
      %jit3A_1652 = arith.constant 0xFF800000 : f32
      %broadcast_in_dim3A_1653 = vector.broadcast %jit3A_1652 : f32 to vector<16xf32>
      %select_n3A_1654 = arith.select %eq3A_1534, %broadcast_in_dim3A_1653, %select_n3A_1459 : vector<16xi1>, vector<16xf32>
      %jit3A_1655 = arith.constant 0xFF800000 : f32
      %broadcast_in_dim3A_1656 = vector.broadcast %jit3A_1655 : f32 to vector<16xf32>
      %select_n3A_1657 = arith.select %eq3A_1535, %broadcast_in_dim3A_1656, %select_n3A_1462 : vector<16xi1>, vector<16xf32>
      %jit3A_1658 = arith.constant 0xFF800000 : f32
      %broadcast_in_dim3A_1659 = vector.broadcast %jit3A_1658 : f32 to vector<16xf32>
      %select_n3A_1660 = arith.select %eq3A_1536, %broadcast_in_dim3A_1659, %select_n3A_1465 : vector<16xi1>, vector<16xf32>
      %jit3A_1661 = arith.constant 0xFF800000 : f32
      %broadcast_in_dim3A_1662 = vector.broadcast %jit3A_1661 : f32 to vector<16xf32>
      %select_n3A_1663 = arith.select %eq3A_1537, %broadcast_in_dim3A_1662, %select_n3A_1468 : vector<16xi1>, vector<16xf32>
      %jit3A_1664 = arith.constant 0xFF800000 : f32
      %broadcast_in_dim3A_1665 = vector.broadcast %jit3A_1664 : f32 to vector<16xf32>
      %select_n3A_1666 = arith.select %eq3A_1538, %broadcast_in_dim3A_1665, %select_n3A_1471 : vector<16xi1>, vector<16xf32>
      %jit3A_1667 = arith.constant 0xFF800000 : f32
      %broadcast_in_dim3A_1668 = vector.broadcast %jit3A_1667 : f32 to vector<16xf32>
      %select_n3A_1669 = arith.select %eq3A_1539, %broadcast_in_dim3A_1668, %select_n3A_1474 : vector<16xi1>, vector<16xf32>
      %jit3A_1670 = arith.constant 0xFF800000 : f32
      %broadcast_in_dim3A_1671 = vector.broadcast %jit3A_1670 : f32 to vector<16xf32>
      %select_n3A_1672 = arith.select %eq3A_1540, %broadcast_in_dim3A_1671, %select_n3A_1477 : vector<16xi1>, vector<16xf32>
      %jit3A_1673 = arith.constant 0xFF800000 : f32
      %broadcast_in_dim3A_1674 = vector.broadcast %jit3A_1673 : f32 to vector<16xf32>
      %select_n3A_1675 = arith.select %eq3A_1541, %broadcast_in_dim3A_1674, %select_n3A_1480 : vector<16xi1>, vector<16xf32>
      %jit3A_1676 = arith.constant 0xFF800000 : f32
      %broadcast_in_dim3A_1677 = vector.broadcast %jit3A_1676 : f32 to vector<16xf32>
      %select_n3A_1678 = arith.select %eq3A_1542, %broadcast_in_dim3A_1677, %select_n3A_1483 : vector<16xi1>, vector<16xf32>
      %max3A_1679 = arith.maximumf %select_n3A_1651, %select_n3A_1654 : vector<16xf32>
      %max3A_1680 = arith.maximumf %max3A_1679, %select_n3A_1657 : vector<16xf32>
      %max3A_1681 = arith.maximumf %max3A_1680, %select_n3A_1660 : vector<16xf32>
      %max3A_1682 = arith.maximumf %max3A_1681, %select_n3A_1663 : vector<16xf32>
      %max3A_1683 = arith.maximumf %max3A_1682, %select_n3A_1666 : vector<16xf32>
      %max3A_1684 = arith.maximumf %max3A_1683, %select_n3A_1669 : vector<16xf32>
      %max3A_1685 = arith.maximumf %max3A_1684, %select_n3A_1672 : vector<16xf32>
      %max3A_1686 = arith.maximumf %max3A_1685, %select_n3A_1675 : vector<16xf32>
      %max3A_1687 = arith.maximumf %max3A_1686, %select_n3A_1678 : vector<16xf32>
      %add3A_1688 = arith.constant 1 : i32
      %add3A_1689 = vector.broadcast %add3A_1688 : i32 to vector<16xi32>
      %add3A_1690 = arith.addi %iota3A, %add3A_1689 : vector<16xi32>
      %and3A_1691 = arith.constant 15 : i32
      %and3A_1692 = vector.broadcast %and3A_1691 : i32 to vector<16xi32>
      %and3A_1693 = arith.andi %add3A_1690, %and3A_1692 : vector<16xi32>
      %broadcast_in_dim3A_1694 = vector.shape_cast %and3A_1693 : vector<16xi32> to vector<16x1xi32>
      %gather3A_1695 = vector.shape_cast %broadcast_in_dim3A_1694 : vector<16x1xi32> to vector<16xi32>
      %gather3A_1696 = tpu.dynamic_gather %max3A_1687[%gather3A_1695] in [0] : vector<16xf32>, vector<16xi32> -> vector<16xf32>
      %max3A_1697 = arith.maximumf %max3A_1687, %gather3A_1696 : vector<16xf32>
      %add3A_1698 = arith.constant 2 : i32
      %add3A_1699 = vector.broadcast %add3A_1698 : i32 to vector<16xi32>
      %add3A_1700 = arith.addi %iota3A, %add3A_1699 : vector<16xi32>
      %and3A_1701 = arith.constant 15 : i32
      %and3A_1702 = vector.broadcast %and3A_1701 : i32 to vector<16xi32>
      %and3A_1703 = arith.andi %add3A_1700, %and3A_1702 : vector<16xi32>
      %broadcast_in_dim3A_1704 = vector.shape_cast %and3A_1703 : vector<16xi32> to vector<16x1xi32>
      %gather3A_1705 = vector.shape_cast %broadcast_in_dim3A_1704 : vector<16x1xi32> to vector<16xi32>
      %gather3A_1706 = tpu.dynamic_gather %max3A_1697[%gather3A_1705] in [0] : vector<16xf32>, vector<16xi32> -> vector<16xf32>
      %max3A_1707 = arith.maximumf %max3A_1697, %gather3A_1706 : vector<16xf32>
      %add3A_1708 = arith.constant 4 : i32
      %add3A_1709 = vector.broadcast %add3A_1708 : i32 to vector<16xi32>
      %add3A_1710 = arith.addi %iota3A, %add3A_1709 : vector<16xi32>
      %and3A_1711 = arith.constant 15 : i32
      %and3A_1712 = vector.broadcast %and3A_1711 : i32 to vector<16xi32>
      %and3A_1713 = arith.andi %add3A_1710, %and3A_1712 : vector<16xi32>
      %broadcast_in_dim3A_1714 = vector.shape_cast %and3A_1713 : vector<16xi32> to vector<16x1xi32>
      %gather3A_1715 = vector.shape_cast %broadcast_in_dim3A_1714 : vector<16x1xi32> to vector<16xi32>
      %gather3A_1716 = tpu.dynamic_gather %max3A_1707[%gather3A_1715] in [0] : vector<16xf32>, vector<16xi32> -> vector<16xf32>
      %max3A_1717 = arith.maximumf %max3A_1707, %gather3A_1716 : vector<16xf32>
      %add3A_1718 = arith.constant 8 : i32
      %add3A_1719 = vector.broadcast %add3A_1718 : i32 to vector<16xi32>
      %add3A_1720 = arith.addi %iota3A, %add3A_1719 : vector<16xi32>
      %and3A_1721 = arith.constant 15 : i32
      %and3A_1722 = vector.broadcast %and3A_1721 : i32 to vector<16xi32>
      %and3A_1723 = arith.andi %add3A_1720, %and3A_1722 : vector<16xi32>
      %broadcast_in_dim3A_1724 = vector.shape_cast %and3A_1723 : vector<16xi32> to vector<16x1xi32>
      %gather3A_1725 = vector.shape_cast %broadcast_in_dim3A_1724 : vector<16x1xi32> to vector<16xi32>
      %gather3A_1726 = tpu.dynamic_gather %max3A_1717[%gather3A_1725] in [0] : vector<16xf32>, vector<16xi32> -> vector<16xf32>
      %max3A_1727 = arith.maximumf %max3A_1717, %gather3A_1726 : vector<16xf32>
      %eq3A_1728 = arith.cmpf oeq, %select_n3A_1651, %max3A_1727 : vector<16xf32>
      %eq3A_1729 = arith.cmpf oeq, %select_n3A_1654, %max3A_1727 : vector<16xf32>
      %eq3A_1730 = arith.cmpf oeq, %select_n3A_1657, %max3A_1727 : vector<16xf32>
      %eq3A_1731 = arith.cmpf oeq, %select_n3A_1660, %max3A_1727 : vector<16xf32>
      %eq3A_1732 = arith.cmpf oeq, %select_n3A_1663, %max3A_1727 : vector<16xf32>
      %eq3A_1733 = arith.cmpf oeq, %select_n3A_1666, %max3A_1727 : vector<16xf32>
      %eq3A_1734 = arith.cmpf oeq, %select_n3A_1669, %max3A_1727 : vector<16xf32>
      %eq3A_1735 = arith.cmpf oeq, %select_n3A_1672, %max3A_1727 : vector<16xf32>
      %eq3A_1736 = arith.cmpf oeq, %select_n3A_1675, %max3A_1727 : vector<16xf32>
      %eq3A_1737 = arith.cmpf oeq, %select_n3A_1678, %max3A_1727 : vector<16xf32>
      %broadcast_in_dim3A_1738 = arith.constant 0.000000e+00 : f32
      %broadcast_in_dim3A_1739 = vector.broadcast %broadcast_in_dim3A_1738 : f32 to vector<16xf32>
      %jit3A_1740 = arith.constant 1.000000e+00 : f32
      %jit3A_1741 = arith.constant 0.000000e+00 : f32
      %broadcast_in_dim3A_1742 = vector.broadcast %jit3A_1740 : f32 to vector<16xf32>
      %broadcast_in_dim3A_1743 = vector.broadcast %jit3A_1741 : f32 to vector<16xf32>
      %select_n3A_1744 = arith.select %eq3A_1728, %broadcast_in_dim3A_1742, %broadcast_in_dim3A_1743 : vector<16xi1>, vector<16xf32>
      %add3A_1745 = arith.addf %broadcast_in_dim3A_1739, %select_n3A_1744 : vector<16xf32>
      %jit3A_1746 = arith.constant 1.000000e+00 : f32
      %jit3A_1747 = arith.constant 0.000000e+00 : f32
      %broadcast_in_dim3A_1748 = vector.broadcast %jit3A_1746 : f32 to vector<16xf32>
      %broadcast_in_dim3A_1749 = vector.broadcast %jit3A_1747 : f32 to vector<16xf32>
      %select_n3A_1750 = arith.select %eq3A_1729, %broadcast_in_dim3A_1748, %broadcast_in_dim3A_1749 : vector<16xi1>, vector<16xf32>
      %add3A_1751 = arith.addf %add3A_1745, %select_n3A_1750 : vector<16xf32>
      %jit3A_1752 = arith.constant 1.000000e+00 : f32
      %jit3A_1753 = arith.constant 0.000000e+00 : f32
      %broadcast_in_dim3A_1754 = vector.broadcast %jit3A_1752 : f32 to vector<16xf32>
      %broadcast_in_dim3A_1755 = vector.broadcast %jit3A_1753 : f32 to vector<16xf32>
      %select_n3A_1756 = arith.select %eq3A_1730, %broadcast_in_dim3A_1754, %broadcast_in_dim3A_1755 : vector<16xi1>, vector<16xf32>
      %add3A_1757 = arith.addf %add3A_1751, %select_n3A_1756 : vector<16xf32>
      %jit3A_1758 = arith.constant 1.000000e+00 : f32
      %jit3A_1759 = arith.constant 0.000000e+00 : f32
      %broadcast_in_dim3A_1760 = vector.broadcast %jit3A_1758 : f32 to vector<16xf32>
      %broadcast_in_dim3A_1761 = vector.broadcast %jit3A_1759 : f32 to vector<16xf32>
      %select_n3A_1762 = arith.select %eq3A_1731, %broadcast_in_dim3A_1760, %broadcast_in_dim3A_1761 : vector<16xi1>, vector<16xf32>
      %add3A_1763 = arith.addf %add3A_1757, %select_n3A_1762 : vector<16xf32>
      %jit3A_1764 = arith.constant 1.000000e+00 : f32
      %jit3A_1765 = arith.constant 0.000000e+00 : f32
      %broadcast_in_dim3A_1766 = vector.broadcast %jit3A_1764 : f32 to vector<16xf32>
      %broadcast_in_dim3A_1767 = vector.broadcast %jit3A_1765 : f32 to vector<16xf32>
      %select_n3A_1768 = arith.select %eq3A_1732, %broadcast_in_dim3A_1766, %broadcast_in_dim3A_1767 : vector<16xi1>, vector<16xf32>
      %add3A_1769 = arith.addf %add3A_1763, %select_n3A_1768 : vector<16xf32>
      %jit3A_1770 = arith.constant 1.000000e+00 : f32
      %jit3A_1771 = arith.constant 0.000000e+00 : f32
      %broadcast_in_dim3A_1772 = vector.broadcast %jit3A_1770 : f32 to vector<16xf32>
      %broadcast_in_dim3A_1773 = vector.broadcast %jit3A_1771 : f32 to vector<16xf32>
      %select_n3A_1774 = arith.select %eq3A_1733, %broadcast_in_dim3A_1772, %broadcast_in_dim3A_1773 : vector<16xi1>, vector<16xf32>
      %add3A_1775 = arith.addf %add3A_1769, %select_n3A_1774 : vector<16xf32>
      %jit3A_1776 = arith.constant 1.000000e+00 : f32
      %jit3A_1777 = arith.constant 0.000000e+00 : f32
      %broadcast_in_dim3A_1778 = vector.broadcast %jit3A_1776 : f32 to vector<16xf32>
      %broadcast_in_dim3A_1779 = vector.broadcast %jit3A_1777 : f32 to vector<16xf32>
      %select_n3A_1780 = arith.select %eq3A_1734, %broadcast_in_dim3A_1778, %broadcast_in_dim3A_1779 : vector<16xi1>, vector<16xf32>
      %add3A_1781 = arith.addf %add3A_1775, %select_n3A_1780 : vector<16xf32>
      %jit3A_1782 = arith.constant 1.000000e+00 : f32
      %jit3A_1783 = arith.constant 0.000000e+00 : f32
      %broadcast_in_dim3A_1784 = vector.broadcast %jit3A_1782 : f32 to vector<16xf32>
      %broadcast_in_dim3A_1785 = vector.broadcast %jit3A_1783 : f32 to vector<16xf32>
      %select_n3A_1786 = arith.select %eq3A_1735, %broadcast_in_dim3A_1784, %broadcast_in_dim3A_1785 : vector<16xi1>, vector<16xf32>
      %add3A_1787 = arith.addf %add3A_1781, %select_n3A_1786 : vector<16xf32>
      %jit3A_1788 = arith.constant 1.000000e+00 : f32
      %jit3A_1789 = arith.constant 0.000000e+00 : f32
      %broadcast_in_dim3A_1790 = vector.broadcast %jit3A_1788 : f32 to vector<16xf32>
      %broadcast_in_dim3A_1791 = vector.broadcast %jit3A_1789 : f32 to vector<16xf32>
      %select_n3A_1792 = arith.select %eq3A_1736, %broadcast_in_dim3A_1790, %broadcast_in_dim3A_1791 : vector<16xi1>, vector<16xf32>
      %add3A_1793 = arith.addf %add3A_1787, %select_n3A_1792 : vector<16xf32>
      %jit3A_1794 = arith.constant 1.000000e+00 : f32
      %jit3A_1795 = arith.constant 0.000000e+00 : f32
      %broadcast_in_dim3A_1796 = vector.broadcast %jit3A_1794 : f32 to vector<16xf32>
      %broadcast_in_dim3A_1797 = vector.broadcast %jit3A_1795 : f32 to vector<16xf32>
      %select_n3A_1798 = arith.select %eq3A_1737, %broadcast_in_dim3A_1796, %broadcast_in_dim3A_1797 : vector<16xi1>, vector<16xf32>
      %add3A_1799 = arith.addf %add3A_1793, %select_n3A_1798 : vector<16xf32>
      %add3A_1800 = arith.constant 1 : i32
      %add3A_1801 = vector.broadcast %add3A_1800 : i32 to vector<16xi32>
      %add3A_1802 = arith.addi %iota3A, %add3A_1801 : vector<16xi32>
      %and3A_1803 = arith.constant 15 : i32
      %and3A_1804 = vector.broadcast %and3A_1803 : i32 to vector<16xi32>
      %and3A_1805 = arith.andi %add3A_1802, %and3A_1804 : vector<16xi32>
      %broadcast_in_dim3A_1806 = vector.shape_cast %and3A_1805 : vector<16xi32> to vector<16x1xi32>
      %gather3A_1807 = vector.shape_cast %broadcast_in_dim3A_1806 : vector<16x1xi32> to vector<16xi32>
      %gather3A_1808 = tpu.dynamic_gather %add3A_1799[%gather3A_1807] in [0] : vector<16xf32>, vector<16xi32> -> vector<16xf32>
      %add3A_1809 = arith.addf %add3A_1799, %gather3A_1808 : vector<16xf32>
      %add3A_1810 = arith.constant 2 : i32
      %add3A_1811 = vector.broadcast %add3A_1810 : i32 to vector<16xi32>
      %add3A_1812 = arith.addi %iota3A, %add3A_1811 : vector<16xi32>
      %and3A_1813 = arith.constant 15 : i32
      %and3A_1814 = vector.broadcast %and3A_1813 : i32 to vector<16xi32>
      %and3A_1815 = arith.andi %add3A_1812, %and3A_1814 : vector<16xi32>
      %broadcast_in_dim3A_1816 = vector.shape_cast %and3A_1815 : vector<16xi32> to vector<16x1xi32>
      %gather3A_1817 = vector.shape_cast %broadcast_in_dim3A_1816 : vector<16x1xi32> to vector<16xi32>
      %gather3A_1818 = tpu.dynamic_gather %add3A_1809[%gather3A_1817] in [0] : vector<16xf32>, vector<16xi32> -> vector<16xf32>
      %add3A_1819 = arith.addf %add3A_1809, %gather3A_1818 : vector<16xf32>
      %add3A_1820 = arith.constant 4 : i32
      %add3A_1821 = vector.broadcast %add3A_1820 : i32 to vector<16xi32>
      %add3A_1822 = arith.addi %iota3A, %add3A_1821 : vector<16xi32>
      %and3A_1823 = arith.constant 15 : i32
      %and3A_1824 = vector.broadcast %and3A_1823 : i32 to vector<16xi32>
      %and3A_1825 = arith.andi %add3A_1822, %and3A_1824 : vector<16xi32>
      %broadcast_in_dim3A_1826 = vector.shape_cast %and3A_1825 : vector<16xi32> to vector<16x1xi32>
      %gather3A_1827 = vector.shape_cast %broadcast_in_dim3A_1826 : vector<16x1xi32> to vector<16xi32>
      %gather3A_1828 = tpu.dynamic_gather %add3A_1819[%gather3A_1827] in [0] : vector<16xf32>, vector<16xi32> -> vector<16xf32>
      %add3A_1829 = arith.addf %add3A_1819, %gather3A_1828 : vector<16xf32>
      %add3A_1830 = arith.constant 8 : i32
      %add3A_1831 = vector.broadcast %add3A_1830 : i32 to vector<16xi32>
      %add3A_1832 = arith.addi %iota3A, %add3A_1831 : vector<16xi32>
      %and3A_1833 = arith.constant 15 : i32
      %and3A_1834 = vector.broadcast %and3A_1833 : i32 to vector<16xi32>
      %and3A_1835 = arith.andi %add3A_1832, %and3A_1834 : vector<16xi32>
      %broadcast_in_dim3A_1836 = vector.shape_cast %and3A_1835 : vector<16xi32> to vector<16x1xi32>
      %gather3A_1837 = vector.shape_cast %broadcast_in_dim3A_1836 : vector<16x1xi32> to vector<16xi32>
      %gather3A_1838 = tpu.dynamic_gather %add3A_1829[%gather3A_1837] in [0] : vector<16xf32>, vector<16xi32> -> vector<16xf32>
      %add3A_1839 = arith.addf %add3A_1829, %gather3A_1838 : vector<16xf32>
      %min3A_1840 = arith.minimumf %add3A_1839, %sub3A_1648 : vector<16xf32>
      %mul3A_1841 = arith.mulf %min3A_1840, %max3A_1727 : vector<16xf32>
      %add3A_1842 = arith.addf %add3A_1647, %mul3A_1841 : vector<16xf32>
      %sub3A_1843 = arith.subf %sub3A_1648, %min3A_1840 : vector<16xf32>
      %jit3A_1844 = arith.constant 0xFF800000 : f32
      %broadcast_in_dim3A_1845 = vector.broadcast %jit3A_1844 : f32 to vector<16xf32>
      %select_n3A_1846 = arith.select %eq3A_1728, %broadcast_in_dim3A_1845, %select_n3A_1651 : vector<16xi1>, vector<16xf32>
      %jit3A_1847 = arith.constant 0xFF800000 : f32
      %broadcast_in_dim3A_1848 = vector.broadcast %jit3A_1847 : f32 to vector<16xf32>
      %select_n3A_1849 = arith.select %eq3A_1729, %broadcast_in_dim3A_1848, %select_n3A_1654 : vector<16xi1>, vector<16xf32>
      %jit3A_1850 = arith.constant 0xFF800000 : f32
      %broadcast_in_dim3A_1851 = vector.broadcast %jit3A_1850 : f32 to vector<16xf32>
      %select_n3A_1852 = arith.select %eq3A_1730, %broadcast_in_dim3A_1851, %select_n3A_1657 : vector<16xi1>, vector<16xf32>
      %jit3A_1853 = arith.constant 0xFF800000 : f32
      %broadcast_in_dim3A_1854 = vector.broadcast %jit3A_1853 : f32 to vector<16xf32>
      %select_n3A_1855 = arith.select %eq3A_1731, %broadcast_in_dim3A_1854, %select_n3A_1660 : vector<16xi1>, vector<16xf32>
      %jit3A_1856 = arith.constant 0xFF800000 : f32
      %broadcast_in_dim3A_1857 = vector.broadcast %jit3A_1856 : f32 to vector<16xf32>
      %select_n3A_1858 = arith.select %eq3A_1732, %broadcast_in_dim3A_1857, %select_n3A_1663 : vector<16xi1>, vector<16xf32>
      %jit3A_1859 = arith.constant 0xFF800000 : f32
      %broadcast_in_dim3A_1860 = vector.broadcast %jit3A_1859 : f32 to vector<16xf32>
      %select_n3A_1861 = arith.select %eq3A_1733, %broadcast_in_dim3A_1860, %select_n3A_1666 : vector<16xi1>, vector<16xf32>
      %jit3A_1862 = arith.constant 0xFF800000 : f32
      %broadcast_in_dim3A_1863 = vector.broadcast %jit3A_1862 : f32 to vector<16xf32>
      %select_n3A_1864 = arith.select %eq3A_1734, %broadcast_in_dim3A_1863, %select_n3A_1669 : vector<16xi1>, vector<16xf32>
      %jit3A_1865 = arith.constant 0xFF800000 : f32
      %broadcast_in_dim3A_1866 = vector.broadcast %jit3A_1865 : f32 to vector<16xf32>
      %select_n3A_1867 = arith.select %eq3A_1735, %broadcast_in_dim3A_1866, %select_n3A_1672 : vector<16xi1>, vector<16xf32>
      %jit3A_1868 = arith.constant 0xFF800000 : f32
      %broadcast_in_dim3A_1869 = vector.broadcast %jit3A_1868 : f32 to vector<16xf32>
      %select_n3A_1870 = arith.select %eq3A_1736, %broadcast_in_dim3A_1869, %select_n3A_1675 : vector<16xi1>, vector<16xf32>
      %jit3A_1871 = arith.constant 0xFF800000 : f32
      %broadcast_in_dim3A_1872 = vector.broadcast %jit3A_1871 : f32 to vector<16xf32>
      %select_n3A_1873 = arith.select %eq3A_1737, %broadcast_in_dim3A_1872, %select_n3A_1678 : vector<16xi1>, vector<16xf32>
      %max3A_1874 = arith.maximumf %select_n3A_1846, %select_n3A_1849 : vector<16xf32>
      %max3A_1875 = arith.maximumf %max3A_1874, %select_n3A_1852 : vector<16xf32>
      %max3A_1876 = arith.maximumf %max3A_1875, %select_n3A_1855 : vector<16xf32>
      %max3A_1877 = arith.maximumf %max3A_1876, %select_n3A_1858 : vector<16xf32>
      %max3A_1878 = arith.maximumf %max3A_1877, %select_n3A_1861 : vector<16xf32>
      %max3A_1879 = arith.maximumf %max3A_1878, %select_n3A_1864 : vector<16xf32>
      %max3A_1880 = arith.maximumf %max3A_1879, %select_n3A_1867 : vector<16xf32>
      %max3A_1881 = arith.maximumf %max3A_1880, %select_n3A_1870 : vector<16xf32>
      %max3A_1882 = arith.maximumf %max3A_1881, %select_n3A_1873 : vector<16xf32>
      %add3A_1883 = arith.constant 1 : i32
      %add3A_1884 = vector.broadcast %add3A_1883 : i32 to vector<16xi32>
      %add3A_1885 = arith.addi %iota3A, %add3A_1884 : vector<16xi32>
      %and3A_1886 = arith.constant 15 : i32
      %and3A_1887 = vector.broadcast %and3A_1886 : i32 to vector<16xi32>
      %and3A_1888 = arith.andi %add3A_1885, %and3A_1887 : vector<16xi32>
      %broadcast_in_dim3A_1889 = vector.shape_cast %and3A_1888 : vector<16xi32> to vector<16x1xi32>
      %gather3A_1890 = vector.shape_cast %broadcast_in_dim3A_1889 : vector<16x1xi32> to vector<16xi32>
      %gather3A_1891 = tpu.dynamic_gather %max3A_1882[%gather3A_1890] in [0] : vector<16xf32>, vector<16xi32> -> vector<16xf32>
      %max3A_1892 = arith.maximumf %max3A_1882, %gather3A_1891 : vector<16xf32>
      %add3A_1893 = arith.constant 2 : i32
      %add3A_1894 = vector.broadcast %add3A_1893 : i32 to vector<16xi32>
      %add3A_1895 = arith.addi %iota3A, %add3A_1894 : vector<16xi32>
      %and3A_1896 = arith.constant 15 : i32
      %and3A_1897 = vector.broadcast %and3A_1896 : i32 to vector<16xi32>
      %and3A_1898 = arith.andi %add3A_1895, %and3A_1897 : vector<16xi32>
      %broadcast_in_dim3A_1899 = vector.shape_cast %and3A_1898 : vector<16xi32> to vector<16x1xi32>
      %gather3A_1900 = vector.shape_cast %broadcast_in_dim3A_1899 : vector<16x1xi32> to vector<16xi32>
      %gather3A_1901 = tpu.dynamic_gather %max3A_1892[%gather3A_1900] in [0] : vector<16xf32>, vector<16xi32> -> vector<16xf32>
      %max3A_1902 = arith.maximumf %max3A_1892, %gather3A_1901 : vector<16xf32>
      %add3A_1903 = arith.constant 4 : i32
      %add3A_1904 = vector.broadcast %add3A_1903 : i32 to vector<16xi32>
      %add3A_1905 = arith.addi %iota3A, %add3A_1904 : vector<16xi32>
      %and3A_1906 = arith.constant 15 : i32
      %and3A_1907 = vector.broadcast %and3A_1906 : i32 to vector<16xi32>
      %and3A_1908 = arith.andi %add3A_1905, %and3A_1907 : vector<16xi32>
      %broadcast_in_dim3A_1909 = vector.shape_cast %and3A_1908 : vector<16xi32> to vector<16x1xi32>
      %gather3A_1910 = vector.shape_cast %broadcast_in_dim3A_1909 : vector<16x1xi32> to vector<16xi32>
      %gather3A_1911 = tpu.dynamic_gather %max3A_1902[%gather3A_1910] in [0] : vector<16xf32>, vector<16xi32> -> vector<16xf32>
      %max3A_1912 = arith.maximumf %max3A_1902, %gather3A_1911 : vector<16xf32>
      %add3A_1913 = arith.constant 8 : i32
      %add3A_1914 = vector.broadcast %add3A_1913 : i32 to vector<16xi32>
      %add3A_1915 = arith.addi %iota3A, %add3A_1914 : vector<16xi32>
      %and3A_1916 = arith.constant 15 : i32
      %and3A_1917 = vector.broadcast %and3A_1916 : i32 to vector<16xi32>
      %and3A_1918 = arith.andi %add3A_1915, %and3A_1917 : vector<16xi32>
      %broadcast_in_dim3A_1919 = vector.shape_cast %and3A_1918 : vector<16xi32> to vector<16x1xi32>
      %gather3A_1920 = vector.shape_cast %broadcast_in_dim3A_1919 : vector<16x1xi32> to vector<16xi32>
      %gather3A_1921 = tpu.dynamic_gather %max3A_1912[%gather3A_1920] in [0] : vector<16xf32>, vector<16xi32> -> vector<16xf32>
      %max3A_1922 = arith.maximumf %max3A_1912, %gather3A_1921 : vector<16xf32>
      %eq3A_1923 = arith.cmpf oeq, %select_n3A_1846, %max3A_1922 : vector<16xf32>
      %eq3A_1924 = arith.cmpf oeq, %select_n3A_1849, %max3A_1922 : vector<16xf32>
      %eq3A_1925 = arith.cmpf oeq, %select_n3A_1852, %max3A_1922 : vector<16xf32>
      %eq3A_1926 = arith.cmpf oeq, %select_n3A_1855, %max3A_1922 : vector<16xf32>
      %eq3A_1927 = arith.cmpf oeq, %select_n3A_1858, %max3A_1922 : vector<16xf32>
      %eq3A_1928 = arith.cmpf oeq, %select_n3A_1861, %max3A_1922 : vector<16xf32>
      %eq3A_1929 = arith.cmpf oeq, %select_n3A_1864, %max3A_1922 : vector<16xf32>
      %eq3A_1930 = arith.cmpf oeq, %select_n3A_1867, %max3A_1922 : vector<16xf32>
      %eq3A_1931 = arith.cmpf oeq, %select_n3A_1870, %max3A_1922 : vector<16xf32>
      %eq3A_1932 = arith.cmpf oeq, %select_n3A_1873, %max3A_1922 : vector<16xf32>
      %broadcast_in_dim3A_1933 = arith.constant 0.000000e+00 : f32
      %broadcast_in_dim3A_1934 = vector.broadcast %broadcast_in_dim3A_1933 : f32 to vector<16xf32>
      %jit3A_1935 = arith.constant 1.000000e+00 : f32
      %jit3A_1936 = arith.constant 0.000000e+00 : f32
      %broadcast_in_dim3A_1937 = vector.broadcast %jit3A_1935 : f32 to vector<16xf32>
      %broadcast_in_dim3A_1938 = vector.broadcast %jit3A_1936 : f32 to vector<16xf32>
      %select_n3A_1939 = arith.select %eq3A_1923, %broadcast_in_dim3A_1937, %broadcast_in_dim3A_1938 : vector<16xi1>, vector<16xf32>
      %add3A_1940 = arith.addf %broadcast_in_dim3A_1934, %select_n3A_1939 : vector<16xf32>
      %jit3A_1941 = arith.constant 1.000000e+00 : f32
      %jit3A_1942 = arith.constant 0.000000e+00 : f32
      %broadcast_in_dim3A_1943 = vector.broadcast %jit3A_1941 : f32 to vector<16xf32>
      %broadcast_in_dim3A_1944 = vector.broadcast %jit3A_1942 : f32 to vector<16xf32>
      %select_n3A_1945 = arith.select %eq3A_1924, %broadcast_in_dim3A_1943, %broadcast_in_dim3A_1944 : vector<16xi1>, vector<16xf32>
      %add3A_1946 = arith.addf %add3A_1940, %select_n3A_1945 : vector<16xf32>
      %jit3A_1947 = arith.constant 1.000000e+00 : f32
      %jit3A_1948 = arith.constant 0.000000e+00 : f32
      %broadcast_in_dim3A_1949 = vector.broadcast %jit3A_1947 : f32 to vector<16xf32>
      %broadcast_in_dim3A_1950 = vector.broadcast %jit3A_1948 : f32 to vector<16xf32>
      %select_n3A_1951 = arith.select %eq3A_1925, %broadcast_in_dim3A_1949, %broadcast_in_dim3A_1950 : vector<16xi1>, vector<16xf32>
      %add3A_1952 = arith.addf %add3A_1946, %select_n3A_1951 : vector<16xf32>
      %jit3A_1953 = arith.constant 1.000000e+00 : f32
      %jit3A_1954 = arith.constant 0.000000e+00 : f32
      %broadcast_in_dim3A_1955 = vector.broadcast %jit3A_1953 : f32 to vector<16xf32>
      %broadcast_in_dim3A_1956 = vector.broadcast %jit3A_1954 : f32 to vector<16xf32>
      %select_n3A_1957 = arith.select %eq3A_1926, %broadcast_in_dim3A_1955, %broadcast_in_dim3A_1956 : vector<16xi1>, vector<16xf32>
      %add3A_1958 = arith.addf %add3A_1952, %select_n3A_1957 : vector<16xf32>
      %jit3A_1959 = arith.constant 1.000000e+00 : f32
      %jit3A_1960 = arith.constant 0.000000e+00 : f32
      %broadcast_in_dim3A_1961 = vector.broadcast %jit3A_1959 : f32 to vector<16xf32>
      %broadcast_in_dim3A_1962 = vector.broadcast %jit3A_1960 : f32 to vector<16xf32>
      %select_n3A_1963 = arith.select %eq3A_1927, %broadcast_in_dim3A_1961, %broadcast_in_dim3A_1962 : vector<16xi1>, vector<16xf32>
      %add3A_1964 = arith.addf %add3A_1958, %select_n3A_1963 : vector<16xf32>
      %jit3A_1965 = arith.constant 1.000000e+00 : f32
      %jit3A_1966 = arith.constant 0.000000e+00 : f32
      %broadcast_in_dim3A_1967 = vector.broadcast %jit3A_1965 : f32 to vector<16xf32>
      %broadcast_in_dim3A_1968 = vector.broadcast %jit3A_1966 : f32 to vector<16xf32>
      %select_n3A_1969 = arith.select %eq3A_1928, %broadcast_in_dim3A_1967, %broadcast_in_dim3A_1968 : vector<16xi1>, vector<16xf32>
      %add3A_1970 = arith.addf %add3A_1964, %select_n3A_1969 : vector<16xf32>
      %jit3A_1971 = arith.constant 1.000000e+00 : f32
      %jit3A_1972 = arith.constant 0.000000e+00 : f32
      %broadcast_in_dim3A_1973 = vector.broadcast %jit3A_1971 : f32 to vector<16xf32>
      %broadcast_in_dim3A_1974 = vector.broadcast %jit3A_1972 : f32 to vector<16xf32>
      %select_n3A_1975 = arith.select %eq3A_1929, %broadcast_in_dim3A_1973, %broadcast_in_dim3A_1974 : vector<16xi1>, vector<16xf32>
      %add3A_1976 = arith.addf %add3A_1970, %select_n3A_1975 : vector<16xf32>
      %jit3A_1977 = arith.constant 1.000000e+00 : f32
      %jit3A_1978 = arith.constant 0.000000e+00 : f32
      %broadcast_in_dim3A_1979 = vector.broadcast %jit3A_1977 : f32 to vector<16xf32>
      %broadcast_in_dim3A_1980 = vector.broadcast %jit3A_1978 : f32 to vector<16xf32>
      %select_n3A_1981 = arith.select %eq3A_1930, %broadcast_in_dim3A_1979, %broadcast_in_dim3A_1980 : vector<16xi1>, vector<16xf32>
      %add3A_1982 = arith.addf %add3A_1976, %select_n3A_1981 : vector<16xf32>
      %jit3A_1983 = arith.constant 1.000000e+00 : f32
      %jit3A_1984 = arith.constant 0.000000e+00 : f32
      %broadcast_in_dim3A_1985 = vector.broadcast %jit3A_1983 : f32 to vector<16xf32>
      %broadcast_in_dim3A_1986 = vector.broadcast %jit3A_1984 : f32 to vector<16xf32>
      %select_n3A_1987 = arith.select %eq3A_1931, %broadcast_in_dim3A_1985, %broadcast_in_dim3A_1986 : vector<16xi1>, vector<16xf32>
      %add3A_1988 = arith.addf %add3A_1982, %select_n3A_1987 : vector<16xf32>
      %jit3A_1989 = arith.constant 1.000000e+00 : f32
      %jit3A_1990 = arith.constant 0.000000e+00 : f32
      %broadcast_in_dim3A_1991 = vector.broadcast %jit3A_1989 : f32 to vector<16xf32>
      %broadcast_in_dim3A_1992 = vector.broadcast %jit3A_1990 : f32 to vector<16xf32>
      %select_n3A_1993 = arith.select %eq3A_1932, %broadcast_in_dim3A_1991, %broadcast_in_dim3A_1992 : vector<16xi1>, vector<16xf32>
      %add3A_1994 = arith.addf %add3A_1988, %select_n3A_1993 : vector<16xf32>
      %add3A_1995 = arith.constant 1 : i32
      %add3A_1996 = vector.broadcast %add3A_1995 : i32 to vector<16xi32>
      %add3A_1997 = arith.addi %iota3A, %add3A_1996 : vector<16xi32>
      %and3A_1998 = arith.constant 15 : i32
      %and3A_1999 = vector.broadcast %and3A_1998 : i32 to vector<16xi32>
      %and3A_2000 = arith.andi %add3A_1997, %and3A_1999 : vector<16xi32>
      %broadcast_in_dim3A_2001 = vector.shape_cast %and3A_2000 : vector<16xi32> to vector<16x1xi32>
      %gather3A_2002 = vector.shape_cast %broadcast_in_dim3A_2001 : vector<16x1xi32> to vector<16xi32>
      %gather3A_2003 = tpu.dynamic_gather %add3A_1994[%gather3A_2002] in [0] : vector<16xf32>, vector<16xi32> -> vector<16xf32>
      %add3A_2004 = arith.addf %add3A_1994, %gather3A_2003 : vector<16xf32>
      %add3A_2005 = arith.constant 2 : i32
      %add3A_2006 = vector.broadcast %add3A_2005 : i32 to vector<16xi32>
      %add3A_2007 = arith.addi %iota3A, %add3A_2006 : vector<16xi32>
      %and3A_2008 = arith.constant 15 : i32
      %and3A_2009 = vector.broadcast %and3A_2008 : i32 to vector<16xi32>
      %and3A_2010 = arith.andi %add3A_2007, %and3A_2009 : vector<16xi32>
      %broadcast_in_dim3A_2011 = vector.shape_cast %and3A_2010 : vector<16xi32> to vector<16x1xi32>
      %gather3A_2012 = vector.shape_cast %broadcast_in_dim3A_2011 : vector<16x1xi32> to vector<16xi32>
      %gather3A_2013 = tpu.dynamic_gather %add3A_2004[%gather3A_2012] in [0] : vector<16xf32>, vector<16xi32> -> vector<16xf32>
      %add3A_2014 = arith.addf %add3A_2004, %gather3A_2013 : vector<16xf32>
      %add3A_2015 = arith.constant 4 : i32
      %add3A_2016 = vector.broadcast %add3A_2015 : i32 to vector<16xi32>
      %add3A_2017 = arith.addi %iota3A, %add3A_2016 : vector<16xi32>
      %and3A_2018 = arith.constant 15 : i32
      %and3A_2019 = vector.broadcast %and3A_2018 : i32 to vector<16xi32>
      %and3A_2020 = arith.andi %add3A_2017, %and3A_2019 : vector<16xi32>
      %broadcast_in_dim3A_2021 = vector.shape_cast %and3A_2020 : vector<16xi32> to vector<16x1xi32>
      %gather3A_2022 = vector.shape_cast %broadcast_in_dim3A_2021 : vector<16x1xi32> to vector<16xi32>
      %gather3A_2023 = tpu.dynamic_gather %add3A_2014[%gather3A_2022] in [0] : vector<16xf32>, vector<16xi32> -> vector<16xf32>
      %add3A_2024 = arith.addf %add3A_2014, %gather3A_2023 : vector<16xf32>
      %add3A_2025 = arith.constant 8 : i32
      %add3A_2026 = vector.broadcast %add3A_2025 : i32 to vector<16xi32>
      %add3A_2027 = arith.addi %iota3A, %add3A_2026 : vector<16xi32>
      %and3A_2028 = arith.constant 15 : i32
      %and3A_2029 = vector.broadcast %and3A_2028 : i32 to vector<16xi32>
      %and3A_2030 = arith.andi %add3A_2027, %and3A_2029 : vector<16xi32>
      %broadcast_in_dim3A_2031 = vector.shape_cast %and3A_2030 : vector<16xi32> to vector<16x1xi32>
      %gather3A_2032 = vector.shape_cast %broadcast_in_dim3A_2031 : vector<16x1xi32> to vector<16xi32>
      %gather3A_2033 = tpu.dynamic_gather %add3A_2024[%gather3A_2032] in [0] : vector<16xf32>, vector<16xi32> -> vector<16xf32>
      %add3A_2034 = arith.addf %add3A_2024, %gather3A_2033 : vector<16xf32>
      %min3A_2035 = arith.minimumf %add3A_2034, %sub3A_1843 : vector<16xf32>
      %mul3A_2036 = arith.mulf %min3A_2035, %max3A_1922 : vector<16xf32>
      %add3A_2037 = arith.addf %add3A_1842, %mul3A_2036 : vector<16xf32>
      %sub3A_2038 = arith.subf %sub3A_1843, %min3A_2035 : vector<16xf32>
      %jit3A_2039 = arith.constant 0xFF800000 : f32
      %broadcast_in_dim3A_2040 = vector.broadcast %jit3A_2039 : f32 to vector<16xf32>
      %select_n3A_2041 = arith.select %eq3A_1923, %broadcast_in_dim3A_2040, %select_n3A_1846 : vector<16xi1>, vector<16xf32>
      %jit3A_2042 = arith.constant 0xFF800000 : f32
      %broadcast_in_dim3A_2043 = vector.broadcast %jit3A_2042 : f32 to vector<16xf32>
      %select_n3A_2044 = arith.select %eq3A_1924, %broadcast_in_dim3A_2043, %select_n3A_1849 : vector<16xi1>, vector<16xf32>
      %jit3A_2045 = arith.constant 0xFF800000 : f32
      %broadcast_in_dim3A_2046 = vector.broadcast %jit3A_2045 : f32 to vector<16xf32>
      %select_n3A_2047 = arith.select %eq3A_1925, %broadcast_in_dim3A_2046, %select_n3A_1852 : vector<16xi1>, vector<16xf32>
      %jit3A_2048 = arith.constant 0xFF800000 : f32
      %broadcast_in_dim3A_2049 = vector.broadcast %jit3A_2048 : f32 to vector<16xf32>
      %select_n3A_2050 = arith.select %eq3A_1926, %broadcast_in_dim3A_2049, %select_n3A_1855 : vector<16xi1>, vector<16xf32>
      %jit3A_2051 = arith.constant 0xFF800000 : f32
      %broadcast_in_dim3A_2052 = vector.broadcast %jit3A_2051 : f32 to vector<16xf32>
      %select_n3A_2053 = arith.select %eq3A_1927, %broadcast_in_dim3A_2052, %select_n3A_1858 : vector<16xi1>, vector<16xf32>
      %jit3A_2054 = arith.constant 0xFF800000 : f32
      %broadcast_in_dim3A_2055 = vector.broadcast %jit3A_2054 : f32 to vector<16xf32>
      %select_n3A_2056 = arith.select %eq3A_1928, %broadcast_in_dim3A_2055, %select_n3A_1861 : vector<16xi1>, vector<16xf32>
      %jit3A_2057 = arith.constant 0xFF800000 : f32
      %broadcast_in_dim3A_2058 = vector.broadcast %jit3A_2057 : f32 to vector<16xf32>
      %select_n3A_2059 = arith.select %eq3A_1929, %broadcast_in_dim3A_2058, %select_n3A_1864 : vector<16xi1>, vector<16xf32>
      %jit3A_2060 = arith.constant 0xFF800000 : f32
      %broadcast_in_dim3A_2061 = vector.broadcast %jit3A_2060 : f32 to vector<16xf32>
      %select_n3A_2062 = arith.select %eq3A_1930, %broadcast_in_dim3A_2061, %select_n3A_1867 : vector<16xi1>, vector<16xf32>
      %jit3A_2063 = arith.constant 0xFF800000 : f32
      %broadcast_in_dim3A_2064 = vector.broadcast %jit3A_2063 : f32 to vector<16xf32>
      %select_n3A_2065 = arith.select %eq3A_1931, %broadcast_in_dim3A_2064, %select_n3A_1870 : vector<16xi1>, vector<16xf32>
      %jit3A_2066 = arith.constant 0xFF800000 : f32
      %broadcast_in_dim3A_2067 = vector.broadcast %jit3A_2066 : f32 to vector<16xf32>
      %select_n3A_2068 = arith.select %eq3A_1932, %broadcast_in_dim3A_2067, %select_n3A_1873 : vector<16xi1>, vector<16xf32>
      %max3A_2069 = arith.maximumf %select_n3A_2041, %select_n3A_2044 : vector<16xf32>
      %max3A_2070 = arith.maximumf %max3A_2069, %select_n3A_2047 : vector<16xf32>
      %max3A_2071 = arith.maximumf %max3A_2070, %select_n3A_2050 : vector<16xf32>
      %max3A_2072 = arith.maximumf %max3A_2071, %select_n3A_2053 : vector<16xf32>
      %max3A_2073 = arith.maximumf %max3A_2072, %select_n3A_2056 : vector<16xf32>
      %max3A_2074 = arith.maximumf %max3A_2073, %select_n3A_2059 : vector<16xf32>
      %max3A_2075 = arith.maximumf %max3A_2074, %select_n3A_2062 : vector<16xf32>
      %max3A_2076 = arith.maximumf %max3A_2075, %select_n3A_2065 : vector<16xf32>
      %max3A_2077 = arith.maximumf %max3A_2076, %select_n3A_2068 : vector<16xf32>
      %add3A_2078 = arith.constant 1 : i32
      %add3A_2079 = vector.broadcast %add3A_2078 : i32 to vector<16xi32>
      %add3A_2080 = arith.addi %iota3A, %add3A_2079 : vector<16xi32>
      %and3A_2081 = arith.constant 15 : i32
      %and3A_2082 = vector.broadcast %and3A_2081 : i32 to vector<16xi32>
      %and3A_2083 = arith.andi %add3A_2080, %and3A_2082 : vector<16xi32>
      %broadcast_in_dim3A_2084 = vector.shape_cast %and3A_2083 : vector<16xi32> to vector<16x1xi32>
      %gather3A_2085 = vector.shape_cast %broadcast_in_dim3A_2084 : vector<16x1xi32> to vector<16xi32>
      %gather3A_2086 = tpu.dynamic_gather %max3A_2077[%gather3A_2085] in [0] : vector<16xf32>, vector<16xi32> -> vector<16xf32>
      %max3A_2087 = arith.maximumf %max3A_2077, %gather3A_2086 : vector<16xf32>
      %add3A_2088 = arith.constant 2 : i32
      %add3A_2089 = vector.broadcast %add3A_2088 : i32 to vector<16xi32>
      %add3A_2090 = arith.addi %iota3A, %add3A_2089 : vector<16xi32>
      %and3A_2091 = arith.constant 15 : i32
      %and3A_2092 = vector.broadcast %and3A_2091 : i32 to vector<16xi32>
      %and3A_2093 = arith.andi %add3A_2090, %and3A_2092 : vector<16xi32>
      %broadcast_in_dim3A_2094 = vector.shape_cast %and3A_2093 : vector<16xi32> to vector<16x1xi32>
      %gather3A_2095 = vector.shape_cast %broadcast_in_dim3A_2094 : vector<16x1xi32> to vector<16xi32>
      %gather3A_2096 = tpu.dynamic_gather %max3A_2087[%gather3A_2095] in [0] : vector<16xf32>, vector<16xi32> -> vector<16xf32>
      %max3A_2097 = arith.maximumf %max3A_2087, %gather3A_2096 : vector<16xf32>
      %add3A_2098 = arith.constant 4 : i32
      %add3A_2099 = vector.broadcast %add3A_2098 : i32 to vector<16xi32>
      %add3A_2100 = arith.addi %iota3A, %add3A_2099 : vector<16xi32>
      %and3A_2101 = arith.constant 15 : i32
      %and3A_2102 = vector.broadcast %and3A_2101 : i32 to vector<16xi32>
      %and3A_2103 = arith.andi %add3A_2100, %and3A_2102 : vector<16xi32>
      %broadcast_in_dim3A_2104 = vector.shape_cast %and3A_2103 : vector<16xi32> to vector<16x1xi32>
      %gather3A_2105 = vector.shape_cast %broadcast_in_dim3A_2104 : vector<16x1xi32> to vector<16xi32>
      %gather3A_2106 = tpu.dynamic_gather %max3A_2097[%gather3A_2105] in [0] : vector<16xf32>, vector<16xi32> -> vector<16xf32>
      %max3A_2107 = arith.maximumf %max3A_2097, %gather3A_2106 : vector<16xf32>
      %add3A_2108 = arith.constant 8 : i32
      %add3A_2109 = vector.broadcast %add3A_2108 : i32 to vector<16xi32>
      %add3A_2110 = arith.addi %iota3A, %add3A_2109 : vector<16xi32>
      %and3A_2111 = arith.constant 15 : i32
      %and3A_2112 = vector.broadcast %and3A_2111 : i32 to vector<16xi32>
      %and3A_2113 = arith.andi %add3A_2110, %and3A_2112 : vector<16xi32>
      %broadcast_in_dim3A_2114 = vector.shape_cast %and3A_2113 : vector<16xi32> to vector<16x1xi32>
      %gather3A_2115 = vector.shape_cast %broadcast_in_dim3A_2114 : vector<16x1xi32> to vector<16xi32>
      %gather3A_2116 = tpu.dynamic_gather %max3A_2107[%gather3A_2115] in [0] : vector<16xf32>, vector<16xi32> -> vector<16xf32>
      %max3A_2117 = arith.maximumf %max3A_2107, %gather3A_2116 : vector<16xf32>
      %eq3A_2118 = arith.cmpf oeq, %select_n3A_2041, %max3A_2117 : vector<16xf32>
      %eq3A_2119 = arith.cmpf oeq, %select_n3A_2044, %max3A_2117 : vector<16xf32>
      %eq3A_2120 = arith.cmpf oeq, %select_n3A_2047, %max3A_2117 : vector<16xf32>
      %eq3A_2121 = arith.cmpf oeq, %select_n3A_2050, %max3A_2117 : vector<16xf32>
      %eq3A_2122 = arith.cmpf oeq, %select_n3A_2053, %max3A_2117 : vector<16xf32>
      %eq3A_2123 = arith.cmpf oeq, %select_n3A_2056, %max3A_2117 : vector<16xf32>
      %eq3A_2124 = arith.cmpf oeq, %select_n3A_2059, %max3A_2117 : vector<16xf32>
      %eq3A_2125 = arith.cmpf oeq, %select_n3A_2062, %max3A_2117 : vector<16xf32>
      %eq3A_2126 = arith.cmpf oeq, %select_n3A_2065, %max3A_2117 : vector<16xf32>
      %eq3A_2127 = arith.cmpf oeq, %select_n3A_2068, %max3A_2117 : vector<16xf32>
      %broadcast_in_dim3A_2128 = arith.constant 0.000000e+00 : f32
      %broadcast_in_dim3A_2129 = vector.broadcast %broadcast_in_dim3A_2128 : f32 to vector<16xf32>
      %jit3A_2130 = arith.constant 1.000000e+00 : f32
      %jit3A_2131 = arith.constant 0.000000e+00 : f32
      %broadcast_in_dim3A_2132 = vector.broadcast %jit3A_2130 : f32 to vector<16xf32>
      %broadcast_in_dim3A_2133 = vector.broadcast %jit3A_2131 : f32 to vector<16xf32>
      %select_n3A_2134 = arith.select %eq3A_2118, %broadcast_in_dim3A_2132, %broadcast_in_dim3A_2133 : vector<16xi1>, vector<16xf32>
      %add3A_2135 = arith.addf %broadcast_in_dim3A_2129, %select_n3A_2134 : vector<16xf32>
      %jit3A_2136 = arith.constant 1.000000e+00 : f32
      %jit3A_2137 = arith.constant 0.000000e+00 : f32
      %broadcast_in_dim3A_2138 = vector.broadcast %jit3A_2136 : f32 to vector<16xf32>
      %broadcast_in_dim3A_2139 = vector.broadcast %jit3A_2137 : f32 to vector<16xf32>
      %select_n3A_2140 = arith.select %eq3A_2119, %broadcast_in_dim3A_2138, %broadcast_in_dim3A_2139 : vector<16xi1>, vector<16xf32>
      %add3A_2141 = arith.addf %add3A_2135, %select_n3A_2140 : vector<16xf32>
      %jit3A_2142 = arith.constant 1.000000e+00 : f32
      %jit3A_2143 = arith.constant 0.000000e+00 : f32
      %broadcast_in_dim3A_2144 = vector.broadcast %jit3A_2142 : f32 to vector<16xf32>
      %broadcast_in_dim3A_2145 = vector.broadcast %jit3A_2143 : f32 to vector<16xf32>
      %select_n3A_2146 = arith.select %eq3A_2120, %broadcast_in_dim3A_2144, %broadcast_in_dim3A_2145 : vector<16xi1>, vector<16xf32>
      %add3A_2147 = arith.addf %add3A_2141, %select_n3A_2146 : vector<16xf32>
      %jit3A_2148 = arith.constant 1.000000e+00 : f32
      %jit3A_2149 = arith.constant 0.000000e+00 : f32
      %broadcast_in_dim3A_2150 = vector.broadcast %jit3A_2148 : f32 to vector<16xf32>
      %broadcast_in_dim3A_2151 = vector.broadcast %jit3A_2149 : f32 to vector<16xf32>
      %select_n3A_2152 = arith.select %eq3A_2121, %broadcast_in_dim3A_2150, %broadcast_in_dim3A_2151 : vector<16xi1>, vector<16xf32>
      %add3A_2153 = arith.addf %add3A_2147, %select_n3A_2152 : vector<16xf32>
      %jit3A_2154 = arith.constant 1.000000e+00 : f32
      %jit3A_2155 = arith.constant 0.000000e+00 : f32
      %broadcast_in_dim3A_2156 = vector.broadcast %jit3A_2154 : f32 to vector<16xf32>
      %broadcast_in_dim3A_2157 = vector.broadcast %jit3A_2155 : f32 to vector<16xf32>
      %select_n3A_2158 = arith.select %eq3A_2122, %broadcast_in_dim3A_2156, %broadcast_in_dim3A_2157 : vector<16xi1>, vector<16xf32>
      %add3A_2159 = arith.addf %add3A_2153, %select_n3A_2158 : vector<16xf32>
      %jit3A_2160 = arith.constant 1.000000e+00 : f32
      %jit3A_2161 = arith.constant 0.000000e+00 : f32
      %broadcast_in_dim3A_2162 = vector.broadcast %jit3A_2160 : f32 to vector<16xf32>
      %broadcast_in_dim3A_2163 = vector.broadcast %jit3A_2161 : f32 to vector<16xf32>
      %select_n3A_2164 = arith.select %eq3A_2123, %broadcast_in_dim3A_2162, %broadcast_in_dim3A_2163 : vector<16xi1>, vector<16xf32>
      %add3A_2165 = arith.addf %add3A_2159, %select_n3A_2164 : vector<16xf32>
      %jit3A_2166 = arith.constant 1.000000e+00 : f32
      %jit3A_2167 = arith.constant 0.000000e+00 : f32
      %broadcast_in_dim3A_2168 = vector.broadcast %jit3A_2166 : f32 to vector<16xf32>
      %broadcast_in_dim3A_2169 = vector.broadcast %jit3A_2167 : f32 to vector<16xf32>
      %select_n3A_2170 = arith.select %eq3A_2124, %broadcast_in_dim3A_2168, %broadcast_in_dim3A_2169 : vector<16xi1>, vector<16xf32>
      %add3A_2171 = arith.addf %add3A_2165, %select_n3A_2170 : vector<16xf32>
      %jit3A_2172 = arith.constant 1.000000e+00 : f32
      %jit3A_2173 = arith.constant 0.000000e+00 : f32
      %broadcast_in_dim3A_2174 = vector.broadcast %jit3A_2172 : f32 to vector<16xf32>
      %broadcast_in_dim3A_2175 = vector.broadcast %jit3A_2173 : f32 to vector<16xf32>
      %select_n3A_2176 = arith.select %eq3A_2125, %broadcast_in_dim3A_2174, %broadcast_in_dim3A_2175 : vector<16xi1>, vector<16xf32>
      %add3A_2177 = arith.addf %add3A_2171, %select_n3A_2176 : vector<16xf32>
      %jit3A_2178 = arith.constant 1.000000e+00 : f32
      %jit3A_2179 = arith.constant 0.000000e+00 : f32
      %broadcast_in_dim3A_2180 = vector.broadcast %jit3A_2178 : f32 to vector<16xf32>
      %broadcast_in_dim3A_2181 = vector.broadcast %jit3A_2179 : f32 to vector<16xf32>
      %select_n3A_2182 = arith.select %eq3A_2126, %broadcast_in_dim3A_2180, %broadcast_in_dim3A_2181 : vector<16xi1>, vector<16xf32>
      %add3A_2183 = arith.addf %add3A_2177, %select_n3A_2182 : vector<16xf32>
      %jit3A_2184 = arith.constant 1.000000e+00 : f32
      %jit3A_2185 = arith.constant 0.000000e+00 : f32
      %broadcast_in_dim3A_2186 = vector.broadcast %jit3A_2184 : f32 to vector<16xf32>
      %broadcast_in_dim3A_2187 = vector.broadcast %jit3A_2185 : f32 to vector<16xf32>
      %select_n3A_2188 = arith.select %eq3A_2127, %broadcast_in_dim3A_2186, %broadcast_in_dim3A_2187 : vector<16xi1>, vector<16xf32>
      %add3A_2189 = arith.addf %add3A_2183, %select_n3A_2188 : vector<16xf32>
      %add3A_2190 = arith.constant 1 : i32
      %add3A_2191 = vector.broadcast %add3A_2190 : i32 to vector<16xi32>
      %add3A_2192 = arith.addi %iota3A, %add3A_2191 : vector<16xi32>
      %and3A_2193 = arith.constant 15 : i32
      %and3A_2194 = vector.broadcast %and3A_2193 : i32 to vector<16xi32>
      %and3A_2195 = arith.andi %add3A_2192, %and3A_2194 : vector<16xi32>
      %broadcast_in_dim3A_2196 = vector.shape_cast %and3A_2195 : vector<16xi32> to vector<16x1xi32>
      %gather3A_2197 = vector.shape_cast %broadcast_in_dim3A_2196 : vector<16x1xi32> to vector<16xi32>
      %gather3A_2198 = tpu.dynamic_gather %add3A_2189[%gather3A_2197] in [0] : vector<16xf32>, vector<16xi32> -> vector<16xf32>
      %add3A_2199 = arith.addf %add3A_2189, %gather3A_2198 : vector<16xf32>
      %add3A_2200 = arith.constant 2 : i32
      %add3A_2201 = vector.broadcast %add3A_2200 : i32 to vector<16xi32>
      %add3A_2202 = arith.addi %iota3A, %add3A_2201 : vector<16xi32>
      %and3A_2203 = arith.constant 15 : i32
      %and3A_2204 = vector.broadcast %and3A_2203 : i32 to vector<16xi32>
      %and3A_2205 = arith.andi %add3A_2202, %and3A_2204 : vector<16xi32>
      %broadcast_in_dim3A_2206 = vector.shape_cast %and3A_2205 : vector<16xi32> to vector<16x1xi32>
      %gather3A_2207 = vector.shape_cast %broadcast_in_dim3A_2206 : vector<16x1xi32> to vector<16xi32>
      %gather3A_2208 = tpu.dynamic_gather %add3A_2199[%gather3A_2207] in [0] : vector<16xf32>, vector<16xi32> -> vector<16xf32>
      %add3A_2209 = arith.addf %add3A_2199, %gather3A_2208 : vector<16xf32>
      %add3A_2210 = arith.constant 4 : i32
      %add3A_2211 = vector.broadcast %add3A_2210 : i32 to vector<16xi32>
      %add3A_2212 = arith.addi %iota3A, %add3A_2211 : vector<16xi32>
      %and3A_2213 = arith.constant 15 : i32
      %and3A_2214 = vector.broadcast %and3A_2213 : i32 to vector<16xi32>
      %and3A_2215 = arith.andi %add3A_2212, %and3A_2214 : vector<16xi32>
      %broadcast_in_dim3A_2216 = vector.shape_cast %and3A_2215 : vector<16xi32> to vector<16x1xi32>
      %gather3A_2217 = vector.shape_cast %broadcast_in_dim3A_2216 : vector<16x1xi32> to vector<16xi32>
      %gather3A_2218 = tpu.dynamic_gather %add3A_2209[%gather3A_2217] in [0] : vector<16xf32>, vector<16xi32> -> vector<16xf32>
      %add3A_2219 = arith.addf %add3A_2209, %gather3A_2218 : vector<16xf32>
      %add3A_2220 = arith.constant 8 : i32
      %add3A_2221 = vector.broadcast %add3A_2220 : i32 to vector<16xi32>
      %add3A_2222 = arith.addi %iota3A, %add3A_2221 : vector<16xi32>
      %and3A_2223 = arith.constant 15 : i32
      %and3A_2224 = vector.broadcast %and3A_2223 : i32 to vector<16xi32>
      %and3A_2225 = arith.andi %add3A_2222, %and3A_2224 : vector<16xi32>
      %broadcast_in_dim3A_2226 = vector.shape_cast %and3A_2225 : vector<16xi32> to vector<16x1xi32>
      %gather3A_2227 = vector.shape_cast %broadcast_in_dim3A_2226 : vector<16x1xi32> to vector<16xi32>
      %gather3A_2228 = tpu.dynamic_gather %add3A_2219[%gather3A_2227] in [0] : vector<16xf32>, vector<16xi32> -> vector<16xf32>
      %add3A_2229 = arith.addf %add3A_2219, %gather3A_2228 : vector<16xf32>
      %min3A_2230 = arith.minimumf %add3A_2229, %sub3A_2038 : vector<16xf32>
      %mul3A_2231 = arith.mulf %min3A_2230, %max3A_2117 : vector<16xf32>
      %add3A_2232 = arith.addf %add3A_2037, %mul3A_2231 : vector<16xf32>
      %sub3A_2233 = arith.subf %sub3A_2038, %min3A_2230 : vector<16xf32>
      %jit3A_2234 = arith.constant 0xFF800000 : f32
      %broadcast_in_dim3A_2235 = vector.broadcast %jit3A_2234 : f32 to vector<16xf32>
      %select_n3A_2236 = arith.select %eq3A_2118, %broadcast_in_dim3A_2235, %select_n3A_2041 : vector<16xi1>, vector<16xf32>
      %jit3A_2237 = arith.constant 0xFF800000 : f32
      %broadcast_in_dim3A_2238 = vector.broadcast %jit3A_2237 : f32 to vector<16xf32>
      %select_n3A_2239 = arith.select %eq3A_2119, %broadcast_in_dim3A_2238, %select_n3A_2044 : vector<16xi1>, vector<16xf32>
      %jit3A_2240 = arith.constant 0xFF800000 : f32
      %broadcast_in_dim3A_2241 = vector.broadcast %jit3A_2240 : f32 to vector<16xf32>
      %select_n3A_2242 = arith.select %eq3A_2120, %broadcast_in_dim3A_2241, %select_n3A_2047 : vector<16xi1>, vector<16xf32>
      %jit3A_2243 = arith.constant 0xFF800000 : f32
      %broadcast_in_dim3A_2244 = vector.broadcast %jit3A_2243 : f32 to vector<16xf32>
      %select_n3A_2245 = arith.select %eq3A_2121, %broadcast_in_dim3A_2244, %select_n3A_2050 : vector<16xi1>, vector<16xf32>
      %jit3A_2246 = arith.constant 0xFF800000 : f32
      %broadcast_in_dim3A_2247 = vector.broadcast %jit3A_2246 : f32 to vector<16xf32>
      %select_n3A_2248 = arith.select %eq3A_2122, %broadcast_in_dim3A_2247, %select_n3A_2053 : vector<16xi1>, vector<16xf32>
      %jit3A_2249 = arith.constant 0xFF800000 : f32
      %broadcast_in_dim3A_2250 = vector.broadcast %jit3A_2249 : f32 to vector<16xf32>
      %select_n3A_2251 = arith.select %eq3A_2123, %broadcast_in_dim3A_2250, %select_n3A_2056 : vector<16xi1>, vector<16xf32>
      %jit3A_2252 = arith.constant 0xFF800000 : f32
      %broadcast_in_dim3A_2253 = vector.broadcast %jit3A_2252 : f32 to vector<16xf32>
      %select_n3A_2254 = arith.select %eq3A_2124, %broadcast_in_dim3A_2253, %select_n3A_2059 : vector<16xi1>, vector<16xf32>
      %jit3A_2255 = arith.constant 0xFF800000 : f32
      %broadcast_in_dim3A_2256 = vector.broadcast %jit3A_2255 : f32 to vector<16xf32>
      %select_n3A_2257 = arith.select %eq3A_2125, %broadcast_in_dim3A_2256, %select_n3A_2062 : vector<16xi1>, vector<16xf32>
      %jit3A_2258 = arith.constant 0xFF800000 : f32
      %broadcast_in_dim3A_2259 = vector.broadcast %jit3A_2258 : f32 to vector<16xf32>
      %select_n3A_2260 = arith.select %eq3A_2126, %broadcast_in_dim3A_2259, %select_n3A_2065 : vector<16xi1>, vector<16xf32>
      %jit3A_2261 = arith.constant 0xFF800000 : f32
      %broadcast_in_dim3A_2262 = vector.broadcast %jit3A_2261 : f32 to vector<16xf32>
      %select_n3A_2263 = arith.select %eq3A_2127, %broadcast_in_dim3A_2262, %select_n3A_2068 : vector<16xi1>, vector<16xf32>
      %max3A_2264 = arith.maximumf %select_n3A_2236, %select_n3A_2239 : vector<16xf32>
      %max3A_2265 = arith.maximumf %max3A_2264, %select_n3A_2242 : vector<16xf32>
      %max3A_2266 = arith.maximumf %max3A_2265, %select_n3A_2245 : vector<16xf32>
      %max3A_2267 = arith.maximumf %max3A_2266, %select_n3A_2248 : vector<16xf32>
      %max3A_2268 = arith.maximumf %max3A_2267, %select_n3A_2251 : vector<16xf32>
      %max3A_2269 = arith.maximumf %max3A_2268, %select_n3A_2254 : vector<16xf32>
      %max3A_2270 = arith.maximumf %max3A_2269, %select_n3A_2257 : vector<16xf32>
      %max3A_2271 = arith.maximumf %max3A_2270, %select_n3A_2260 : vector<16xf32>
      %max3A_2272 = arith.maximumf %max3A_2271, %select_n3A_2263 : vector<16xf32>
      %add3A_2273 = arith.constant 1 : i32
      %add3A_2274 = vector.broadcast %add3A_2273 : i32 to vector<16xi32>
      %add3A_2275 = arith.addi %iota3A, %add3A_2274 : vector<16xi32>
      %and3A_2276 = arith.constant 15 : i32
      %and3A_2277 = vector.broadcast %and3A_2276 : i32 to vector<16xi32>
      %and3A_2278 = arith.andi %add3A_2275, %and3A_2277 : vector<16xi32>
      %broadcast_in_dim3A_2279 = vector.shape_cast %and3A_2278 : vector<16xi32> to vector<16x1xi32>
      %gather3A_2280 = vector.shape_cast %broadcast_in_dim3A_2279 : vector<16x1xi32> to vector<16xi32>
      %gather3A_2281 = tpu.dynamic_gather %max3A_2272[%gather3A_2280] in [0] : vector<16xf32>, vector<16xi32> -> vector<16xf32>
      %max3A_2282 = arith.maximumf %max3A_2272, %gather3A_2281 : vector<16xf32>
      %add3A_2283 = arith.constant 2 : i32
      %add3A_2284 = vector.broadcast %add3A_2283 : i32 to vector<16xi32>
      %add3A_2285 = arith.addi %iota3A, %add3A_2284 : vector<16xi32>
      %and3A_2286 = arith.constant 15 : i32
      %and3A_2287 = vector.broadcast %and3A_2286 : i32 to vector<16xi32>
      %and3A_2288 = arith.andi %add3A_2285, %and3A_2287 : vector<16xi32>
      %broadcast_in_dim3A_2289 = vector.shape_cast %and3A_2288 : vector<16xi32> to vector<16x1xi32>
      %gather3A_2290 = vector.shape_cast %broadcast_in_dim3A_2289 : vector<16x1xi32> to vector<16xi32>
      %gather3A_2291 = tpu.dynamic_gather %max3A_2282[%gather3A_2290] in [0] : vector<16xf32>, vector<16xi32> -> vector<16xf32>
      %max3A_2292 = arith.maximumf %max3A_2282, %gather3A_2291 : vector<16xf32>
      %add3A_2293 = arith.constant 4 : i32
      %add3A_2294 = vector.broadcast %add3A_2293 : i32 to vector<16xi32>
      %add3A_2295 = arith.addi %iota3A, %add3A_2294 : vector<16xi32>
      %and3A_2296 = arith.constant 15 : i32
      %and3A_2297 = vector.broadcast %and3A_2296 : i32 to vector<16xi32>
      %and3A_2298 = arith.andi %add3A_2295, %and3A_2297 : vector<16xi32>
      %broadcast_in_dim3A_2299 = vector.shape_cast %and3A_2298 : vector<16xi32> to vector<16x1xi32>
      %gather3A_2300 = vector.shape_cast %broadcast_in_dim3A_2299 : vector<16x1xi32> to vector<16xi32>
      %gather3A_2301 = tpu.dynamic_gather %max3A_2292[%gather3A_2300] in [0] : vector<16xf32>, vector<16xi32> -> vector<16xf32>
      %max3A_2302 = arith.maximumf %max3A_2292, %gather3A_2301 : vector<16xf32>
      %add3A_2303 = arith.constant 8 : i32
      %add3A_2304 = vector.broadcast %add3A_2303 : i32 to vector<16xi32>
      %add3A_2305 = arith.addi %iota3A, %add3A_2304 : vector<16xi32>
      %and3A_2306 = arith.constant 15 : i32
      %and3A_2307 = vector.broadcast %and3A_2306 : i32 to vector<16xi32>
      %and3A_2308 = arith.andi %add3A_2305, %and3A_2307 : vector<16xi32>
      %broadcast_in_dim3A_2309 = vector.shape_cast %and3A_2308 : vector<16xi32> to vector<16x1xi32>
      %gather3A_2310 = vector.shape_cast %broadcast_in_dim3A_2309 : vector<16x1xi32> to vector<16xi32>
      %gather3A_2311 = tpu.dynamic_gather %max3A_2302[%gather3A_2310] in [0] : vector<16xf32>, vector<16xi32> -> vector<16xf32>
      %max3A_2312 = arith.maximumf %max3A_2302, %gather3A_2311 : vector<16xf32>
      %eq3A_2313 = arith.cmpf oeq, %select_n3A_2236, %max3A_2312 : vector<16xf32>
      %eq3A_2314 = arith.cmpf oeq, %select_n3A_2239, %max3A_2312 : vector<16xf32>
      %eq3A_2315 = arith.cmpf oeq, %select_n3A_2242, %max3A_2312 : vector<16xf32>
      %eq3A_2316 = arith.cmpf oeq, %select_n3A_2245, %max3A_2312 : vector<16xf32>
      %eq3A_2317 = arith.cmpf oeq, %select_n3A_2248, %max3A_2312 : vector<16xf32>
      %eq3A_2318 = arith.cmpf oeq, %select_n3A_2251, %max3A_2312 : vector<16xf32>
      %eq3A_2319 = arith.cmpf oeq, %select_n3A_2254, %max3A_2312 : vector<16xf32>
      %eq3A_2320 = arith.cmpf oeq, %select_n3A_2257, %max3A_2312 : vector<16xf32>
      %eq3A_2321 = arith.cmpf oeq, %select_n3A_2260, %max3A_2312 : vector<16xf32>
      %eq3A_2322 = arith.cmpf oeq, %select_n3A_2263, %max3A_2312 : vector<16xf32>
      %broadcast_in_dim3A_2323 = arith.constant 0.000000e+00 : f32
      %broadcast_in_dim3A_2324 = vector.broadcast %broadcast_in_dim3A_2323 : f32 to vector<16xf32>
      %jit3A_2325 = arith.constant 1.000000e+00 : f32
      %jit3A_2326 = arith.constant 0.000000e+00 : f32
      %broadcast_in_dim3A_2327 = vector.broadcast %jit3A_2325 : f32 to vector<16xf32>
      %broadcast_in_dim3A_2328 = vector.broadcast %jit3A_2326 : f32 to vector<16xf32>
      %select_n3A_2329 = arith.select %eq3A_2313, %broadcast_in_dim3A_2327, %broadcast_in_dim3A_2328 : vector<16xi1>, vector<16xf32>
      %add3A_2330 = arith.addf %broadcast_in_dim3A_2324, %select_n3A_2329 : vector<16xf32>
      %jit3A_2331 = arith.constant 1.000000e+00 : f32
      %jit3A_2332 = arith.constant 0.000000e+00 : f32
      %broadcast_in_dim3A_2333 = vector.broadcast %jit3A_2331 : f32 to vector<16xf32>
      %broadcast_in_dim3A_2334 = vector.broadcast %jit3A_2332 : f32 to vector<16xf32>
      %select_n3A_2335 = arith.select %eq3A_2314, %broadcast_in_dim3A_2333, %broadcast_in_dim3A_2334 : vector<16xi1>, vector<16xf32>
      %add3A_2336 = arith.addf %add3A_2330, %select_n3A_2335 : vector<16xf32>
      %jit3A_2337 = arith.constant 1.000000e+00 : f32
      %jit3A_2338 = arith.constant 0.000000e+00 : f32
      %broadcast_in_dim3A_2339 = vector.broadcast %jit3A_2337 : f32 to vector<16xf32>
      %broadcast_in_dim3A_2340 = vector.broadcast %jit3A_2338 : f32 to vector<16xf32>
      %select_n3A_2341 = arith.select %eq3A_2315, %broadcast_in_dim3A_2339, %broadcast_in_dim3A_2340 : vector<16xi1>, vector<16xf32>
      %add3A_2342 = arith.addf %add3A_2336, %select_n3A_2341 : vector<16xf32>
      %jit3A_2343 = arith.constant 1.000000e+00 : f32
      %jit3A_2344 = arith.constant 0.000000e+00 : f32
      %broadcast_in_dim3A_2345 = vector.broadcast %jit3A_2343 : f32 to vector<16xf32>
      %broadcast_in_dim3A_2346 = vector.broadcast %jit3A_2344 : f32 to vector<16xf32>
      %select_n3A_2347 = arith.select %eq3A_2316, %broadcast_in_dim3A_2345, %broadcast_in_dim3A_2346 : vector<16xi1>, vector<16xf32>
      %add3A_2348 = arith.addf %add3A_2342, %select_n3A_2347 : vector<16xf32>
      %jit3A_2349 = arith.constant 1.000000e+00 : f32
      %jit3A_2350 = arith.constant 0.000000e+00 : f32
      %broadcast_in_dim3A_2351 = vector.broadcast %jit3A_2349 : f32 to vector<16xf32>
      %broadcast_in_dim3A_2352 = vector.broadcast %jit3A_2350 : f32 to vector<16xf32>
      %select_n3A_2353 = arith.select %eq3A_2317, %broadcast_in_dim3A_2351, %broadcast_in_dim3A_2352 : vector<16xi1>, vector<16xf32>
      %add3A_2354 = arith.addf %add3A_2348, %select_n3A_2353 : vector<16xf32>
      %jit3A_2355 = arith.constant 1.000000e+00 : f32
      %jit3A_2356 = arith.constant 0.000000e+00 : f32
      %broadcast_in_dim3A_2357 = vector.broadcast %jit3A_2355 : f32 to vector<16xf32>
      %broadcast_in_dim3A_2358 = vector.broadcast %jit3A_2356 : f32 to vector<16xf32>
      %select_n3A_2359 = arith.select %eq3A_2318, %broadcast_in_dim3A_2357, %broadcast_in_dim3A_2358 : vector<16xi1>, vector<16xf32>
      %add3A_2360 = arith.addf %add3A_2354, %select_n3A_2359 : vector<16xf32>
      %jit3A_2361 = arith.constant 1.000000e+00 : f32
      %jit3A_2362 = arith.constant 0.000000e+00 : f32
      %broadcast_in_dim3A_2363 = vector.broadcast %jit3A_2361 : f32 to vector<16xf32>
      %broadcast_in_dim3A_2364 = vector.broadcast %jit3A_2362 : f32 to vector<16xf32>
      %select_n3A_2365 = arith.select %eq3A_2319, %broadcast_in_dim3A_2363, %broadcast_in_dim3A_2364 : vector<16xi1>, vector<16xf32>
      %add3A_2366 = arith.addf %add3A_2360, %select_n3A_2365 : vector<16xf32>
      %jit3A_2367 = arith.constant 1.000000e+00 : f32
      %jit3A_2368 = arith.constant 0.000000e+00 : f32
      %broadcast_in_dim3A_2369 = vector.broadcast %jit3A_2367 : f32 to vector<16xf32>
      %broadcast_in_dim3A_2370 = vector.broadcast %jit3A_2368 : f32 to vector<16xf32>
      %select_n3A_2371 = arith.select %eq3A_2320, %broadcast_in_dim3A_2369, %broadcast_in_dim3A_2370 : vector<16xi1>, vector<16xf32>
      %add3A_2372 = arith.addf %add3A_2366, %select_n3A_2371 : vector<16xf32>
      %jit3A_2373 = arith.constant 1.000000e+00 : f32
      %jit3A_2374 = arith.constant 0.000000e+00 : f32
      %broadcast_in_dim3A_2375 = vector.broadcast %jit3A_2373 : f32 to vector<16xf32>
      %broadcast_in_dim3A_2376 = vector.broadcast %jit3A_2374 : f32 to vector<16xf32>
      %select_n3A_2377 = arith.select %eq3A_2321, %broadcast_in_dim3A_2375, %broadcast_in_dim3A_2376 : vector<16xi1>, vector<16xf32>
      %add3A_2378 = arith.addf %add3A_2372, %select_n3A_2377 : vector<16xf32>
      %jit3A_2379 = arith.constant 1.000000e+00 : f32
      %jit3A_2380 = arith.constant 0.000000e+00 : f32
      %broadcast_in_dim3A_2381 = vector.broadcast %jit3A_2379 : f32 to vector<16xf32>
      %broadcast_in_dim3A_2382 = vector.broadcast %jit3A_2380 : f32 to vector<16xf32>
      %select_n3A_2383 = arith.select %eq3A_2322, %broadcast_in_dim3A_2381, %broadcast_in_dim3A_2382 : vector<16xi1>, vector<16xf32>
      %add3A_2384 = arith.addf %add3A_2378, %select_n3A_2383 : vector<16xf32>
      %add3A_2385 = arith.constant 1 : i32
      %add3A_2386 = vector.broadcast %add3A_2385 : i32 to vector<16xi32>
      %add3A_2387 = arith.addi %iota3A, %add3A_2386 : vector<16xi32>
      %and3A_2388 = arith.constant 15 : i32
      %and3A_2389 = vector.broadcast %and3A_2388 : i32 to vector<16xi32>
      %and3A_2390 = arith.andi %add3A_2387, %and3A_2389 : vector<16xi32>
      %broadcast_in_dim3A_2391 = vector.shape_cast %and3A_2390 : vector<16xi32> to vector<16x1xi32>
      %gather3A_2392 = vector.shape_cast %broadcast_in_dim3A_2391 : vector<16x1xi32> to vector<16xi32>
      %gather3A_2393 = tpu.dynamic_gather %add3A_2384[%gather3A_2392] in [0] : vector<16xf32>, vector<16xi32> -> vector<16xf32>
      %add3A_2394 = arith.addf %add3A_2384, %gather3A_2393 : vector<16xf32>
      %add3A_2395 = arith.constant 2 : i32
      %add3A_2396 = vector.broadcast %add3A_2395 : i32 to vector<16xi32>
      %add3A_2397 = arith.addi %iota3A, %add3A_2396 : vector<16xi32>
      %and3A_2398 = arith.constant 15 : i32
      %and3A_2399 = vector.broadcast %and3A_2398 : i32 to vector<16xi32>
      %and3A_2400 = arith.andi %add3A_2397, %and3A_2399 : vector<16xi32>
      %broadcast_in_dim3A_2401 = vector.shape_cast %and3A_2400 : vector<16xi32> to vector<16x1xi32>
      %gather3A_2402 = vector.shape_cast %broadcast_in_dim3A_2401 : vector<16x1xi32> to vector<16xi32>
      %gather3A_2403 = tpu.dynamic_gather %add3A_2394[%gather3A_2402] in [0] : vector<16xf32>, vector<16xi32> -> vector<16xf32>
      %add3A_2404 = arith.addf %add3A_2394, %gather3A_2403 : vector<16xf32>
      %add3A_2405 = arith.constant 4 : i32
      %add3A_2406 = vector.broadcast %add3A_2405 : i32 to vector<16xi32>
      %add3A_2407 = arith.addi %iota3A, %add3A_2406 : vector<16xi32>
      %and3A_2408 = arith.constant 15 : i32
      %and3A_2409 = vector.broadcast %and3A_2408 : i32 to vector<16xi32>
      %and3A_2410 = arith.andi %add3A_2407, %and3A_2409 : vector<16xi32>
      %broadcast_in_dim3A_2411 = vector.shape_cast %and3A_2410 : vector<16xi32> to vector<16x1xi32>
      %gather3A_2412 = vector.shape_cast %broadcast_in_dim3A_2411 : vector<16x1xi32> to vector<16xi32>
      %gather3A_2413 = tpu.dynamic_gather %add3A_2404[%gather3A_2412] in [0] : vector<16xf32>, vector<16xi32> -> vector<16xf32>
      %add3A_2414 = arith.addf %add3A_2404, %gather3A_2413 : vector<16xf32>
      %add3A_2415 = arith.constant 8 : i32
      %add3A_2416 = vector.broadcast %add3A_2415 : i32 to vector<16xi32>
      %add3A_2417 = arith.addi %iota3A, %add3A_2416 : vector<16xi32>
      %and3A_2418 = arith.constant 15 : i32
      %and3A_2419 = vector.broadcast %and3A_2418 : i32 to vector<16xi32>
      %and3A_2420 = arith.andi %add3A_2417, %and3A_2419 : vector<16xi32>
      %broadcast_in_dim3A_2421 = vector.shape_cast %and3A_2420 : vector<16xi32> to vector<16x1xi32>
      %gather3A_2422 = vector.shape_cast %broadcast_in_dim3A_2421 : vector<16x1xi32> to vector<16xi32>
      %gather3A_2423 = tpu.dynamic_gather %add3A_2414[%gather3A_2422] in [0] : vector<16xf32>, vector<16xi32> -> vector<16xf32>
      %add3A_2424 = arith.addf %add3A_2414, %gather3A_2423 : vector<16xf32>
      %min3A_2425 = arith.minimumf %add3A_2424, %sub3A_2233 : vector<16xf32>
      %mul3A_2426 = arith.mulf %min3A_2425, %max3A_2312 : vector<16xf32>
      %add3A_2427 = arith.addf %add3A_2232, %mul3A_2426 : vector<16xf32>
      %sub3A_2428 = arith.subf %sub3A_2233, %min3A_2425 : vector<16xf32>
      %jit3A_2429 = arith.constant 0xFF800000 : f32
      %broadcast_in_dim3A_2430 = vector.broadcast %jit3A_2429 : f32 to vector<16xf32>
      %select_n3A_2431 = arith.select %eq3A_2313, %broadcast_in_dim3A_2430, %select_n3A_2236 : vector<16xi1>, vector<16xf32>
      %jit3A_2432 = arith.constant 0xFF800000 : f32
      %broadcast_in_dim3A_2433 = vector.broadcast %jit3A_2432 : f32 to vector<16xf32>
      %select_n3A_2434 = arith.select %eq3A_2314, %broadcast_in_dim3A_2433, %select_n3A_2239 : vector<16xi1>, vector<16xf32>
      %jit3A_2435 = arith.constant 0xFF800000 : f32
      %broadcast_in_dim3A_2436 = vector.broadcast %jit3A_2435 : f32 to vector<16xf32>
      %select_n3A_2437 = arith.select %eq3A_2315, %broadcast_in_dim3A_2436, %select_n3A_2242 : vector<16xi1>, vector<16xf32>
      %jit3A_2438 = arith.constant 0xFF800000 : f32
      %broadcast_in_dim3A_2439 = vector.broadcast %jit3A_2438 : f32 to vector<16xf32>
      %select_n3A_2440 = arith.select %eq3A_2316, %broadcast_in_dim3A_2439, %select_n3A_2245 : vector<16xi1>, vector<16xf32>
      %jit3A_2441 = arith.constant 0xFF800000 : f32
      %broadcast_in_dim3A_2442 = vector.broadcast %jit3A_2441 : f32 to vector<16xf32>
      %select_n3A_2443 = arith.select %eq3A_2317, %broadcast_in_dim3A_2442, %select_n3A_2248 : vector<16xi1>, vector<16xf32>
      %jit3A_2444 = arith.constant 0xFF800000 : f32
      %broadcast_in_dim3A_2445 = vector.broadcast %jit3A_2444 : f32 to vector<16xf32>
      %select_n3A_2446 = arith.select %eq3A_2318, %broadcast_in_dim3A_2445, %select_n3A_2251 : vector<16xi1>, vector<16xf32>
      %jit3A_2447 = arith.constant 0xFF800000 : f32
      %broadcast_in_dim3A_2448 = vector.broadcast %jit3A_2447 : f32 to vector<16xf32>
      %select_n3A_2449 = arith.select %eq3A_2319, %broadcast_in_dim3A_2448, %select_n3A_2254 : vector<16xi1>, vector<16xf32>
      %jit3A_2450 = arith.constant 0xFF800000 : f32
      %broadcast_in_dim3A_2451 = vector.broadcast %jit3A_2450 : f32 to vector<16xf32>
      %select_n3A_2452 = arith.select %eq3A_2320, %broadcast_in_dim3A_2451, %select_n3A_2257 : vector<16xi1>, vector<16xf32>
      %jit3A_2453 = arith.constant 0xFF800000 : f32
      %broadcast_in_dim3A_2454 = vector.broadcast %jit3A_2453 : f32 to vector<16xf32>
      %select_n3A_2455 = arith.select %eq3A_2321, %broadcast_in_dim3A_2454, %select_n3A_2260 : vector<16xi1>, vector<16xf32>
      %jit3A_2456 = arith.constant 0xFF800000 : f32
      %broadcast_in_dim3A_2457 = vector.broadcast %jit3A_2456 : f32 to vector<16xf32>
      %select_n3A_2458 = arith.select %eq3A_2322, %broadcast_in_dim3A_2457, %select_n3A_2263 : vector<16xi1>, vector<16xf32>
      %max3A_2459 = arith.maximumf %select_n3A_2431, %select_n3A_2434 : vector<16xf32>
      %max3A_2460 = arith.maximumf %max3A_2459, %select_n3A_2437 : vector<16xf32>
      %max3A_2461 = arith.maximumf %max3A_2460, %select_n3A_2440 : vector<16xf32>
      %max3A_2462 = arith.maximumf %max3A_2461, %select_n3A_2443 : vector<16xf32>
      %max3A_2463 = arith.maximumf %max3A_2462, %select_n3A_2446 : vector<16xf32>
      %max3A_2464 = arith.maximumf %max3A_2463, %select_n3A_2449 : vector<16xf32>
      %max3A_2465 = arith.maximumf %max3A_2464, %select_n3A_2452 : vector<16xf32>
      %max3A_2466 = arith.maximumf %max3A_2465, %select_n3A_2455 : vector<16xf32>
      %max3A_2467 = arith.maximumf %max3A_2466, %select_n3A_2458 : vector<16xf32>
      %add3A_2468 = arith.constant 1 : i32
      %add3A_2469 = vector.broadcast %add3A_2468 : i32 to vector<16xi32>
      %add3A_2470 = arith.addi %iota3A, %add3A_2469 : vector<16xi32>
      %and3A_2471 = arith.constant 15 : i32
      %and3A_2472 = vector.broadcast %and3A_2471 : i32 to vector<16xi32>
      %and3A_2473 = arith.andi %add3A_2470, %and3A_2472 : vector<16xi32>
      %broadcast_in_dim3A_2474 = vector.shape_cast %and3A_2473 : vector<16xi32> to vector<16x1xi32>
      %gather3A_2475 = vector.shape_cast %broadcast_in_dim3A_2474 : vector<16x1xi32> to vector<16xi32>
      %gather3A_2476 = tpu.dynamic_gather %max3A_2467[%gather3A_2475] in [0] : vector<16xf32>, vector<16xi32> -> vector<16xf32>
      %max3A_2477 = arith.maximumf %max3A_2467, %gather3A_2476 : vector<16xf32>
      %add3A_2478 = arith.constant 2 : i32
      %add3A_2479 = vector.broadcast %add3A_2478 : i32 to vector<16xi32>
      %add3A_2480 = arith.addi %iota3A, %add3A_2479 : vector<16xi32>
      %and3A_2481 = arith.constant 15 : i32
      %and3A_2482 = vector.broadcast %and3A_2481 : i32 to vector<16xi32>
      %and3A_2483 = arith.andi %add3A_2480, %and3A_2482 : vector<16xi32>
      %broadcast_in_dim3A_2484 = vector.shape_cast %and3A_2483 : vector<16xi32> to vector<16x1xi32>
      %gather3A_2485 = vector.shape_cast %broadcast_in_dim3A_2484 : vector<16x1xi32> to vector<16xi32>
      %gather3A_2486 = tpu.dynamic_gather %max3A_2477[%gather3A_2485] in [0] : vector<16xf32>, vector<16xi32> -> vector<16xf32>
      %max3A_2487 = arith.maximumf %max3A_2477, %gather3A_2486 : vector<16xf32>
      %add3A_2488 = arith.constant 4 : i32
      %add3A_2489 = vector.broadcast %add3A_2488 : i32 to vector<16xi32>
      %add3A_2490 = arith.addi %iota3A, %add3A_2489 : vector<16xi32>
      %and3A_2491 = arith.constant 15 : i32
      %and3A_2492 = vector.broadcast %and3A_2491 : i32 to vector<16xi32>
      %and3A_2493 = arith.andi %add3A_2490, %and3A_2492 : vector<16xi32>
      %broadcast_in_dim3A_2494 = vector.shape_cast %and3A_2493 : vector<16xi32> to vector<16x1xi32>
      %gather3A_2495 = vector.shape_cast %broadcast_in_dim3A_2494 : vector<16x1xi32> to vector<16xi32>
      %gather3A_2496 = tpu.dynamic_gather %max3A_2487[%gather3A_2495] in [0] : vector<16xf32>, vector<16xi32> -> vector<16xf32>
      %max3A_2497 = arith.maximumf %max3A_2487, %gather3A_2496 : vector<16xf32>
      %add3A_2498 = arith.constant 8 : i32
      %add3A_2499 = vector.broadcast %add3A_2498 : i32 to vector<16xi32>
      %add3A_2500 = arith.addi %iota3A, %add3A_2499 : vector<16xi32>
      %and3A_2501 = arith.constant 15 : i32
      %and3A_2502 = vector.broadcast %and3A_2501 : i32 to vector<16xi32>
      %and3A_2503 = arith.andi %add3A_2500, %and3A_2502 : vector<16xi32>
      %broadcast_in_dim3A_2504 = vector.shape_cast %and3A_2503 : vector<16xi32> to vector<16x1xi32>
      %gather3A_2505 = vector.shape_cast %broadcast_in_dim3A_2504 : vector<16x1xi32> to vector<16xi32>
      %gather3A_2506 = tpu.dynamic_gather %max3A_2497[%gather3A_2505] in [0] : vector<16xf32>, vector<16xi32> -> vector<16xf32>
      %max3A_2507 = arith.maximumf %max3A_2497, %gather3A_2506 : vector<16xf32>
      %eq3A_2508 = arith.cmpf oeq, %select_n3A_2431, %max3A_2507 : vector<16xf32>
      %eq3A_2509 = arith.cmpf oeq, %select_n3A_2434, %max3A_2507 : vector<16xf32>
      %eq3A_2510 = arith.cmpf oeq, %select_n3A_2437, %max3A_2507 : vector<16xf32>
      %eq3A_2511 = arith.cmpf oeq, %select_n3A_2440, %max3A_2507 : vector<16xf32>
      %eq3A_2512 = arith.cmpf oeq, %select_n3A_2443, %max3A_2507 : vector<16xf32>
      %eq3A_2513 = arith.cmpf oeq, %select_n3A_2446, %max3A_2507 : vector<16xf32>
      %eq3A_2514 = arith.cmpf oeq, %select_n3A_2449, %max3A_2507 : vector<16xf32>
      %eq3A_2515 = arith.cmpf oeq, %select_n3A_2452, %max3A_2507 : vector<16xf32>
      %eq3A_2516 = arith.cmpf oeq, %select_n3A_2455, %max3A_2507 : vector<16xf32>
      %eq3A_2517 = arith.cmpf oeq, %select_n3A_2458, %max3A_2507 : vector<16xf32>
      %broadcast_in_dim3A_2518 = arith.constant 0.000000e+00 : f32
      %broadcast_in_dim3A_2519 = vector.broadcast %broadcast_in_dim3A_2518 : f32 to vector<16xf32>
      %jit3A_2520 = arith.constant 1.000000e+00 : f32
      %jit3A_2521 = arith.constant 0.000000e+00 : f32
      %broadcast_in_dim3A_2522 = vector.broadcast %jit3A_2520 : f32 to vector<16xf32>
      %broadcast_in_dim3A_2523 = vector.broadcast %jit3A_2521 : f32 to vector<16xf32>
      %select_n3A_2524 = arith.select %eq3A_2508, %broadcast_in_dim3A_2522, %broadcast_in_dim3A_2523 : vector<16xi1>, vector<16xf32>
      %add3A_2525 = arith.addf %broadcast_in_dim3A_2519, %select_n3A_2524 : vector<16xf32>
      %jit3A_2526 = arith.constant 1.000000e+00 : f32
      %jit3A_2527 = arith.constant 0.000000e+00 : f32
      %broadcast_in_dim3A_2528 = vector.broadcast %jit3A_2526 : f32 to vector<16xf32>
      %broadcast_in_dim3A_2529 = vector.broadcast %jit3A_2527 : f32 to vector<16xf32>
      %select_n3A_2530 = arith.select %eq3A_2509, %broadcast_in_dim3A_2528, %broadcast_in_dim3A_2529 : vector<16xi1>, vector<16xf32>
      %add3A_2531 = arith.addf %add3A_2525, %select_n3A_2530 : vector<16xf32>
      %jit3A_2532 = arith.constant 1.000000e+00 : f32
      %jit3A_2533 = arith.constant 0.000000e+00 : f32
      %broadcast_in_dim3A_2534 = vector.broadcast %jit3A_2532 : f32 to vector<16xf32>
      %broadcast_in_dim3A_2535 = vector.broadcast %jit3A_2533 : f32 to vector<16xf32>
      %select_n3A_2536 = arith.select %eq3A_2510, %broadcast_in_dim3A_2534, %broadcast_in_dim3A_2535 : vector<16xi1>, vector<16xf32>
      %add3A_2537 = arith.addf %add3A_2531, %select_n3A_2536 : vector<16xf32>
      %jit3A_2538 = arith.constant 1.000000e+00 : f32
      %jit3A_2539 = arith.constant 0.000000e+00 : f32
      %broadcast_in_dim3A_2540 = vector.broadcast %jit3A_2538 : f32 to vector<16xf32>
      %broadcast_in_dim3A_2541 = vector.broadcast %jit3A_2539 : f32 to vector<16xf32>
      %select_n3A_2542 = arith.select %eq3A_2511, %broadcast_in_dim3A_2540, %broadcast_in_dim3A_2541 : vector<16xi1>, vector<16xf32>
      %add3A_2543 = arith.addf %add3A_2537, %select_n3A_2542 : vector<16xf32>
      %jit3A_2544 = arith.constant 1.000000e+00 : f32
      %jit3A_2545 = arith.constant 0.000000e+00 : f32
      %broadcast_in_dim3A_2546 = vector.broadcast %jit3A_2544 : f32 to vector<16xf32>
      %broadcast_in_dim3A_2547 = vector.broadcast %jit3A_2545 : f32 to vector<16xf32>
      %select_n3A_2548 = arith.select %eq3A_2512, %broadcast_in_dim3A_2546, %broadcast_in_dim3A_2547 : vector<16xi1>, vector<16xf32>
      %add3A_2549 = arith.addf %add3A_2543, %select_n3A_2548 : vector<16xf32>
      %jit3A_2550 = arith.constant 1.000000e+00 : f32
      %jit3A_2551 = arith.constant 0.000000e+00 : f32
      %broadcast_in_dim3A_2552 = vector.broadcast %jit3A_2550 : f32 to vector<16xf32>
      %broadcast_in_dim3A_2553 = vector.broadcast %jit3A_2551 : f32 to vector<16xf32>
      %select_n3A_2554 = arith.select %eq3A_2513, %broadcast_in_dim3A_2552, %broadcast_in_dim3A_2553 : vector<16xi1>, vector<16xf32>
      %add3A_2555 = arith.addf %add3A_2549, %select_n3A_2554 : vector<16xf32>
      %jit3A_2556 = arith.constant 1.000000e+00 : f32
      %jit3A_2557 = arith.constant 0.000000e+00 : f32
      %broadcast_in_dim3A_2558 = vector.broadcast %jit3A_2556 : f32 to vector<16xf32>
      %broadcast_in_dim3A_2559 = vector.broadcast %jit3A_2557 : f32 to vector<16xf32>
      %select_n3A_2560 = arith.select %eq3A_2514, %broadcast_in_dim3A_2558, %broadcast_in_dim3A_2559 : vector<16xi1>, vector<16xf32>
      %add3A_2561 = arith.addf %add3A_2555, %select_n3A_2560 : vector<16xf32>
      %jit3A_2562 = arith.constant 1.000000e+00 : f32
      %jit3A_2563 = arith.constant 0.000000e+00 : f32
      %broadcast_in_dim3A_2564 = vector.broadcast %jit3A_2562 : f32 to vector<16xf32>
      %broadcast_in_dim3A_2565 = vector.broadcast %jit3A_2563 : f32 to vector<16xf32>
      %select_n3A_2566 = arith.select %eq3A_2515, %broadcast_in_dim3A_2564, %broadcast_in_dim3A_2565 : vector<16xi1>, vector<16xf32>
      %add3A_2567 = arith.addf %add3A_2561, %select_n3A_2566 : vector<16xf32>
      %jit3A_2568 = arith.constant 1.000000e+00 : f32
      %jit3A_2569 = arith.constant 0.000000e+00 : f32
      %broadcast_in_dim3A_2570 = vector.broadcast %jit3A_2568 : f32 to vector<16xf32>
      %broadcast_in_dim3A_2571 = vector.broadcast %jit3A_2569 : f32 to vector<16xf32>
      %select_n3A_2572 = arith.select %eq3A_2516, %broadcast_in_dim3A_2570, %broadcast_in_dim3A_2571 : vector<16xi1>, vector<16xf32>
      %add3A_2573 = arith.addf %add3A_2567, %select_n3A_2572 : vector<16xf32>
      %jit3A_2574 = arith.constant 1.000000e+00 : f32
      %jit3A_2575 = arith.constant 0.000000e+00 : f32
      %broadcast_in_dim3A_2576 = vector.broadcast %jit3A_2574 : f32 to vector<16xf32>
      %broadcast_in_dim3A_2577 = vector.broadcast %jit3A_2575 : f32 to vector<16xf32>
      %select_n3A_2578 = arith.select %eq3A_2517, %broadcast_in_dim3A_2576, %broadcast_in_dim3A_2577 : vector<16xi1>, vector<16xf32>
      %add3A_2579 = arith.addf %add3A_2573, %select_n3A_2578 : vector<16xf32>
      %add3A_2580 = arith.constant 1 : i32
      %add3A_2581 = vector.broadcast %add3A_2580 : i32 to vector<16xi32>
      %add3A_2582 = arith.addi %iota3A, %add3A_2581 : vector<16xi32>
      %and3A_2583 = arith.constant 15 : i32
      %and3A_2584 = vector.broadcast %and3A_2583 : i32 to vector<16xi32>
      %and3A_2585 = arith.andi %add3A_2582, %and3A_2584 : vector<16xi32>
      %broadcast_in_dim3A_2586 = vector.shape_cast %and3A_2585 : vector<16xi32> to vector<16x1xi32>
      %gather3A_2587 = vector.shape_cast %broadcast_in_dim3A_2586 : vector<16x1xi32> to vector<16xi32>
      %gather3A_2588 = tpu.dynamic_gather %add3A_2579[%gather3A_2587] in [0] : vector<16xf32>, vector<16xi32> -> vector<16xf32>
      %add3A_2589 = arith.addf %add3A_2579, %gather3A_2588 : vector<16xf32>
      %add3A_2590 = arith.constant 2 : i32
      %add3A_2591 = vector.broadcast %add3A_2590 : i32 to vector<16xi32>
      %add3A_2592 = arith.addi %iota3A, %add3A_2591 : vector<16xi32>
      %and3A_2593 = arith.constant 15 : i32
      %and3A_2594 = vector.broadcast %and3A_2593 : i32 to vector<16xi32>
      %and3A_2595 = arith.andi %add3A_2592, %and3A_2594 : vector<16xi32>
      %broadcast_in_dim3A_2596 = vector.shape_cast %and3A_2595 : vector<16xi32> to vector<16x1xi32>
      %gather3A_2597 = vector.shape_cast %broadcast_in_dim3A_2596 : vector<16x1xi32> to vector<16xi32>
      %gather3A_2598 = tpu.dynamic_gather %add3A_2589[%gather3A_2597] in [0] : vector<16xf32>, vector<16xi32> -> vector<16xf32>
      %add3A_2599 = arith.addf %add3A_2589, %gather3A_2598 : vector<16xf32>
      %add3A_2600 = arith.constant 4 : i32
      %add3A_2601 = vector.broadcast %add3A_2600 : i32 to vector<16xi32>
      %add3A_2602 = arith.addi %iota3A, %add3A_2601 : vector<16xi32>
      %and3A_2603 = arith.constant 15 : i32
      %and3A_2604 = vector.broadcast %and3A_2603 : i32 to vector<16xi32>
      %and3A_2605 = arith.andi %add3A_2602, %and3A_2604 : vector<16xi32>
      %broadcast_in_dim3A_2606 = vector.shape_cast %and3A_2605 : vector<16xi32> to vector<16x1xi32>
      %gather3A_2607 = vector.shape_cast %broadcast_in_dim3A_2606 : vector<16x1xi32> to vector<16xi32>
      %gather3A_2608 = tpu.dynamic_gather %add3A_2599[%gather3A_2607] in [0] : vector<16xf32>, vector<16xi32> -> vector<16xf32>
      %add3A_2609 = arith.addf %add3A_2599, %gather3A_2608 : vector<16xf32>
      %add3A_2610 = arith.constant 8 : i32
      %add3A_2611 = vector.broadcast %add3A_2610 : i32 to vector<16xi32>
      %add3A_2612 = arith.addi %iota3A, %add3A_2611 : vector<16xi32>
      %and3A_2613 = arith.constant 15 : i32
      %and3A_2614 = vector.broadcast %and3A_2613 : i32 to vector<16xi32>
      %and3A_2615 = arith.andi %add3A_2612, %and3A_2614 : vector<16xi32>
      %broadcast_in_dim3A_2616 = vector.shape_cast %and3A_2615 : vector<16xi32> to vector<16x1xi32>
      %gather3A_2617 = vector.shape_cast %broadcast_in_dim3A_2616 : vector<16x1xi32> to vector<16xi32>
      %gather3A_2618 = tpu.dynamic_gather %add3A_2609[%gather3A_2617] in [0] : vector<16xf32>, vector<16xi32> -> vector<16xf32>
      %add3A_2619 = arith.addf %add3A_2609, %gather3A_2618 : vector<16xf32>
      %min3A_2620 = arith.minimumf %add3A_2619, %sub3A_2428 : vector<16xf32>
      %mul3A_2621 = arith.mulf %min3A_2620, %max3A_2507 : vector<16xf32>
      %add3A_2622 = arith.addf %add3A_2427, %mul3A_2621 : vector<16xf32>
      %sub3A_2623 = arith.subf %sub3A_2428, %min3A_2620 : vector<16xf32>
      %jit3A_2624 = arith.constant 0xFF800000 : f32
      %broadcast_in_dim3A_2625 = vector.broadcast %jit3A_2624 : f32 to vector<16xf32>
      %select_n3A_2626 = arith.select %eq3A_2508, %broadcast_in_dim3A_2625, %select_n3A_2431 : vector<16xi1>, vector<16xf32>
      %jit3A_2627 = arith.constant 0xFF800000 : f32
      %broadcast_in_dim3A_2628 = vector.broadcast %jit3A_2627 : f32 to vector<16xf32>
      %select_n3A_2629 = arith.select %eq3A_2509, %broadcast_in_dim3A_2628, %select_n3A_2434 : vector<16xi1>, vector<16xf32>
      %jit3A_2630 = arith.constant 0xFF800000 : f32
      %broadcast_in_dim3A_2631 = vector.broadcast %jit3A_2630 : f32 to vector<16xf32>
      %select_n3A_2632 = arith.select %eq3A_2510, %broadcast_in_dim3A_2631, %select_n3A_2437 : vector<16xi1>, vector<16xf32>
      %jit3A_2633 = arith.constant 0xFF800000 : f32
      %broadcast_in_dim3A_2634 = vector.broadcast %jit3A_2633 : f32 to vector<16xf32>
      %select_n3A_2635 = arith.select %eq3A_2511, %broadcast_in_dim3A_2634, %select_n3A_2440 : vector<16xi1>, vector<16xf32>
      %jit3A_2636 = arith.constant 0xFF800000 : f32
      %broadcast_in_dim3A_2637 = vector.broadcast %jit3A_2636 : f32 to vector<16xf32>
      %select_n3A_2638 = arith.select %eq3A_2512, %broadcast_in_dim3A_2637, %select_n3A_2443 : vector<16xi1>, vector<16xf32>
      %jit3A_2639 = arith.constant 0xFF800000 : f32
      %broadcast_in_dim3A_2640 = vector.broadcast %jit3A_2639 : f32 to vector<16xf32>
      %select_n3A_2641 = arith.select %eq3A_2513, %broadcast_in_dim3A_2640, %select_n3A_2446 : vector<16xi1>, vector<16xf32>
      %jit3A_2642 = arith.constant 0xFF800000 : f32
      %broadcast_in_dim3A_2643 = vector.broadcast %jit3A_2642 : f32 to vector<16xf32>
      %select_n3A_2644 = arith.select %eq3A_2514, %broadcast_in_dim3A_2643, %select_n3A_2449 : vector<16xi1>, vector<16xf32>
      %jit3A_2645 = arith.constant 0xFF800000 : f32
      %broadcast_in_dim3A_2646 = vector.broadcast %jit3A_2645 : f32 to vector<16xf32>
      %select_n3A_2647 = arith.select %eq3A_2515, %broadcast_in_dim3A_2646, %select_n3A_2452 : vector<16xi1>, vector<16xf32>
      %jit3A_2648 = arith.constant 0xFF800000 : f32
      %broadcast_in_dim3A_2649 = vector.broadcast %jit3A_2648 : f32 to vector<16xf32>
      %select_n3A_2650 = arith.select %eq3A_2516, %broadcast_in_dim3A_2649, %select_n3A_2455 : vector<16xi1>, vector<16xf32>
      %jit3A_2651 = arith.constant 0xFF800000 : f32
      %broadcast_in_dim3A_2652 = vector.broadcast %jit3A_2651 : f32 to vector<16xf32>
      %select_n3A_2653 = arith.select %eq3A_2517, %broadcast_in_dim3A_2652, %select_n3A_2458 : vector<16xi1>, vector<16xf32>
      %max3A_2654 = arith.maximumf %select_n3A_2626, %select_n3A_2629 : vector<16xf32>
      %max3A_2655 = arith.maximumf %max3A_2654, %select_n3A_2632 : vector<16xf32>
      %max3A_2656 = arith.maximumf %max3A_2655, %select_n3A_2635 : vector<16xf32>
      %max3A_2657 = arith.maximumf %max3A_2656, %select_n3A_2638 : vector<16xf32>
      %max3A_2658 = arith.maximumf %max3A_2657, %select_n3A_2641 : vector<16xf32>
      %max3A_2659 = arith.maximumf %max3A_2658, %select_n3A_2644 : vector<16xf32>
      %max3A_2660 = arith.maximumf %max3A_2659, %select_n3A_2647 : vector<16xf32>
      %max3A_2661 = arith.maximumf %max3A_2660, %select_n3A_2650 : vector<16xf32>
      %max3A_2662 = arith.maximumf %max3A_2661, %select_n3A_2653 : vector<16xf32>
      %add3A_2663 = arith.constant 1 : i32
      %add3A_2664 = vector.broadcast %add3A_2663 : i32 to vector<16xi32>
      %add3A_2665 = arith.addi %iota3A, %add3A_2664 : vector<16xi32>
      %and3A_2666 = arith.constant 15 : i32
      %and3A_2667 = vector.broadcast %and3A_2666 : i32 to vector<16xi32>
      %and3A_2668 = arith.andi %add3A_2665, %and3A_2667 : vector<16xi32>
      %broadcast_in_dim3A_2669 = vector.shape_cast %and3A_2668 : vector<16xi32> to vector<16x1xi32>
      %gather3A_2670 = vector.shape_cast %broadcast_in_dim3A_2669 : vector<16x1xi32> to vector<16xi32>
      %gather3A_2671 = tpu.dynamic_gather %max3A_2662[%gather3A_2670] in [0] : vector<16xf32>, vector<16xi32> -> vector<16xf32>
      %max3A_2672 = arith.maximumf %max3A_2662, %gather3A_2671 : vector<16xf32>
      %add3A_2673 = arith.constant 2 : i32
      %add3A_2674 = vector.broadcast %add3A_2673 : i32 to vector<16xi32>
      %add3A_2675 = arith.addi %iota3A, %add3A_2674 : vector<16xi32>
      %and3A_2676 = arith.constant 15 : i32
      %and3A_2677 = vector.broadcast %and3A_2676 : i32 to vector<16xi32>
      %and3A_2678 = arith.andi %add3A_2675, %and3A_2677 : vector<16xi32>
      %broadcast_in_dim3A_2679 = vector.shape_cast %and3A_2678 : vector<16xi32> to vector<16x1xi32>
      %gather3A_2680 = vector.shape_cast %broadcast_in_dim3A_2679 : vector<16x1xi32> to vector<16xi32>
      %gather3A_2681 = tpu.dynamic_gather %max3A_2672[%gather3A_2680] in [0] : vector<16xf32>, vector<16xi32> -> vector<16xf32>
      %max3A_2682 = arith.maximumf %max3A_2672, %gather3A_2681 : vector<16xf32>
      %add3A_2683 = arith.constant 4 : i32
      %add3A_2684 = vector.broadcast %add3A_2683 : i32 to vector<16xi32>
      %add3A_2685 = arith.addi %iota3A, %add3A_2684 : vector<16xi32>
      %and3A_2686 = arith.constant 15 : i32
      %and3A_2687 = vector.broadcast %and3A_2686 : i32 to vector<16xi32>
      %and3A_2688 = arith.andi %add3A_2685, %and3A_2687 : vector<16xi32>
      %broadcast_in_dim3A_2689 = vector.shape_cast %and3A_2688 : vector<16xi32> to vector<16x1xi32>
      %gather3A_2690 = vector.shape_cast %broadcast_in_dim3A_2689 : vector<16x1xi32> to vector<16xi32>
      %gather3A_2691 = tpu.dynamic_gather %max3A_2682[%gather3A_2690] in [0] : vector<16xf32>, vector<16xi32> -> vector<16xf32>
      %max3A_2692 = arith.maximumf %max3A_2682, %gather3A_2691 : vector<16xf32>
      %add3A_2693 = arith.constant 8 : i32
      %add3A_2694 = vector.broadcast %add3A_2693 : i32 to vector<16xi32>
      %add3A_2695 = arith.addi %iota3A, %add3A_2694 : vector<16xi32>
      %and3A_2696 = arith.constant 15 : i32
      %and3A_2697 = vector.broadcast %and3A_2696 : i32 to vector<16xi32>
      %and3A_2698 = arith.andi %add3A_2695, %and3A_2697 : vector<16xi32>
      %broadcast_in_dim3A_2699 = vector.shape_cast %and3A_2698 : vector<16xi32> to vector<16x1xi32>
      %gather3A_2700 = vector.shape_cast %broadcast_in_dim3A_2699 : vector<16x1xi32> to vector<16xi32>
      %gather3A_2701 = tpu.dynamic_gather %max3A_2692[%gather3A_2700] in [0] : vector<16xf32>, vector<16xi32> -> vector<16xf32>
      %max3A_2702 = arith.maximumf %max3A_2692, %gather3A_2701 : vector<16xf32>
      %eq3A_2703 = arith.cmpf oeq, %select_n3A_2626, %max3A_2702 : vector<16xf32>
      %eq3A_2704 = arith.cmpf oeq, %select_n3A_2629, %max3A_2702 : vector<16xf32>
      %eq3A_2705 = arith.cmpf oeq, %select_n3A_2632, %max3A_2702 : vector<16xf32>
      %eq3A_2706 = arith.cmpf oeq, %select_n3A_2635, %max3A_2702 : vector<16xf32>
      %eq3A_2707 = arith.cmpf oeq, %select_n3A_2638, %max3A_2702 : vector<16xf32>
      %eq3A_2708 = arith.cmpf oeq, %select_n3A_2641, %max3A_2702 : vector<16xf32>
      %eq3A_2709 = arith.cmpf oeq, %select_n3A_2644, %max3A_2702 : vector<16xf32>
      %eq3A_2710 = arith.cmpf oeq, %select_n3A_2647, %max3A_2702 : vector<16xf32>
      %eq3A_2711 = arith.cmpf oeq, %select_n3A_2650, %max3A_2702 : vector<16xf32>
      %eq3A_2712 = arith.cmpf oeq, %select_n3A_2653, %max3A_2702 : vector<16xf32>
      %broadcast_in_dim3A_2713 = arith.constant 0.000000e+00 : f32
      %broadcast_in_dim3A_2714 = vector.broadcast %broadcast_in_dim3A_2713 : f32 to vector<16xf32>
      %jit3A_2715 = arith.constant 1.000000e+00 : f32
      %jit3A_2716 = arith.constant 0.000000e+00 : f32
      %broadcast_in_dim3A_2717 = vector.broadcast %jit3A_2715 : f32 to vector<16xf32>
      %broadcast_in_dim3A_2718 = vector.broadcast %jit3A_2716 : f32 to vector<16xf32>
      %select_n3A_2719 = arith.select %eq3A_2703, %broadcast_in_dim3A_2717, %broadcast_in_dim3A_2718 : vector<16xi1>, vector<16xf32>
      %add3A_2720 = arith.addf %broadcast_in_dim3A_2714, %select_n3A_2719 : vector<16xf32>
      %jit3A_2721 = arith.constant 1.000000e+00 : f32
      %jit3A_2722 = arith.constant 0.000000e+00 : f32
      %broadcast_in_dim3A_2723 = vector.broadcast %jit3A_2721 : f32 to vector<16xf32>
      %broadcast_in_dim3A_2724 = vector.broadcast %jit3A_2722 : f32 to vector<16xf32>
      %select_n3A_2725 = arith.select %eq3A_2704, %broadcast_in_dim3A_2723, %broadcast_in_dim3A_2724 : vector<16xi1>, vector<16xf32>
      %add3A_2726 = arith.addf %add3A_2720, %select_n3A_2725 : vector<16xf32>
      %jit3A_2727 = arith.constant 1.000000e+00 : f32
      %jit3A_2728 = arith.constant 0.000000e+00 : f32
      %broadcast_in_dim3A_2729 = vector.broadcast %jit3A_2727 : f32 to vector<16xf32>
      %broadcast_in_dim3A_2730 = vector.broadcast %jit3A_2728 : f32 to vector<16xf32>
      %select_n3A_2731 = arith.select %eq3A_2705, %broadcast_in_dim3A_2729, %broadcast_in_dim3A_2730 : vector<16xi1>, vector<16xf32>
      %add3A_2732 = arith.addf %add3A_2726, %select_n3A_2731 : vector<16xf32>
      %jit3A_2733 = arith.constant 1.000000e+00 : f32
      %jit3A_2734 = arith.constant 0.000000e+00 : f32
      %broadcast_in_dim3A_2735 = vector.broadcast %jit3A_2733 : f32 to vector<16xf32>
      %broadcast_in_dim3A_2736 = vector.broadcast %jit3A_2734 : f32 to vector<16xf32>
      %select_n3A_2737 = arith.select %eq3A_2706, %broadcast_in_dim3A_2735, %broadcast_in_dim3A_2736 : vector<16xi1>, vector<16xf32>
      %add3A_2738 = arith.addf %add3A_2732, %select_n3A_2737 : vector<16xf32>
      %jit3A_2739 = arith.constant 1.000000e+00 : f32
      %jit3A_2740 = arith.constant 0.000000e+00 : f32
      %broadcast_in_dim3A_2741 = vector.broadcast %jit3A_2739 : f32 to vector<16xf32>
      %broadcast_in_dim3A_2742 = vector.broadcast %jit3A_2740 : f32 to vector<16xf32>
      %select_n3A_2743 = arith.select %eq3A_2707, %broadcast_in_dim3A_2741, %broadcast_in_dim3A_2742 : vector<16xi1>, vector<16xf32>
      %add3A_2744 = arith.addf %add3A_2738, %select_n3A_2743 : vector<16xf32>
      %jit3A_2745 = arith.constant 1.000000e+00 : f32
      %jit3A_2746 = arith.constant 0.000000e+00 : f32
      %broadcast_in_dim3A_2747 = vector.broadcast %jit3A_2745 : f32 to vector<16xf32>
      %broadcast_in_dim3A_2748 = vector.broadcast %jit3A_2746 : f32 to vector<16xf32>
      %select_n3A_2749 = arith.select %eq3A_2708, %broadcast_in_dim3A_2747, %broadcast_in_dim3A_2748 : vector<16xi1>, vector<16xf32>
      %add3A_2750 = arith.addf %add3A_2744, %select_n3A_2749 : vector<16xf32>
      %jit3A_2751 = arith.constant 1.000000e+00 : f32
      %jit3A_2752 = arith.constant 0.000000e+00 : f32
      %broadcast_in_dim3A_2753 = vector.broadcast %jit3A_2751 : f32 to vector<16xf32>
      %broadcast_in_dim3A_2754 = vector.broadcast %jit3A_2752 : f32 to vector<16xf32>
      %select_n3A_2755 = arith.select %eq3A_2709, %broadcast_in_dim3A_2753, %broadcast_in_dim3A_2754 : vector<16xi1>, vector<16xf32>
      %add3A_2756 = arith.addf %add3A_2750, %select_n3A_2755 : vector<16xf32>
      %jit3A_2757 = arith.constant 1.000000e+00 : f32
      %jit3A_2758 = arith.constant 0.000000e+00 : f32
      %broadcast_in_dim3A_2759 = vector.broadcast %jit3A_2757 : f32 to vector<16xf32>
      %broadcast_in_dim3A_2760 = vector.broadcast %jit3A_2758 : f32 to vector<16xf32>
      %select_n3A_2761 = arith.select %eq3A_2710, %broadcast_in_dim3A_2759, %broadcast_in_dim3A_2760 : vector<16xi1>, vector<16xf32>
      %add3A_2762 = arith.addf %add3A_2756, %select_n3A_2761 : vector<16xf32>
      %jit3A_2763 = arith.constant 1.000000e+00 : f32
      %jit3A_2764 = arith.constant 0.000000e+00 : f32
      %broadcast_in_dim3A_2765 = vector.broadcast %jit3A_2763 : f32 to vector<16xf32>
      %broadcast_in_dim3A_2766 = vector.broadcast %jit3A_2764 : f32 to vector<16xf32>
      %select_n3A_2767 = arith.select %eq3A_2711, %broadcast_in_dim3A_2765, %broadcast_in_dim3A_2766 : vector<16xi1>, vector<16xf32>
      %add3A_2768 = arith.addf %add3A_2762, %select_n3A_2767 : vector<16xf32>
      %jit3A_2769 = arith.constant 1.000000e+00 : f32
      %jit3A_2770 = arith.constant 0.000000e+00 : f32
      %broadcast_in_dim3A_2771 = vector.broadcast %jit3A_2769 : f32 to vector<16xf32>
      %broadcast_in_dim3A_2772 = vector.broadcast %jit3A_2770 : f32 to vector<16xf32>
      %select_n3A_2773 = arith.select %eq3A_2712, %broadcast_in_dim3A_2771, %broadcast_in_dim3A_2772 : vector<16xi1>, vector<16xf32>
      %add3A_2774 = arith.addf %add3A_2768, %select_n3A_2773 : vector<16xf32>
      %add3A_2775 = arith.constant 1 : i32
      %add3A_2776 = vector.broadcast %add3A_2775 : i32 to vector<16xi32>
      %add3A_2777 = arith.addi %iota3A, %add3A_2776 : vector<16xi32>
      %and3A_2778 = arith.constant 15 : i32
      %and3A_2779 = vector.broadcast %and3A_2778 : i32 to vector<16xi32>
      %and3A_2780 = arith.andi %add3A_2777, %and3A_2779 : vector<16xi32>
      %broadcast_in_dim3A_2781 = vector.shape_cast %and3A_2780 : vector<16xi32> to vector<16x1xi32>
      %gather3A_2782 = vector.shape_cast %broadcast_in_dim3A_2781 : vector<16x1xi32> to vector<16xi32>
      %gather3A_2783 = tpu.dynamic_gather %add3A_2774[%gather3A_2782] in [0] : vector<16xf32>, vector<16xi32> -> vector<16xf32>
      %add3A_2784 = arith.addf %add3A_2774, %gather3A_2783 : vector<16xf32>
      %add3A_2785 = arith.constant 2 : i32
      %add3A_2786 = vector.broadcast %add3A_2785 : i32 to vector<16xi32>
      %add3A_2787 = arith.addi %iota3A, %add3A_2786 : vector<16xi32>
      %and3A_2788 = arith.constant 15 : i32
      %and3A_2789 = vector.broadcast %and3A_2788 : i32 to vector<16xi32>
      %and3A_2790 = arith.andi %add3A_2787, %and3A_2789 : vector<16xi32>
      %broadcast_in_dim3A_2791 = vector.shape_cast %and3A_2790 : vector<16xi32> to vector<16x1xi32>
      %gather3A_2792 = vector.shape_cast %broadcast_in_dim3A_2791 : vector<16x1xi32> to vector<16xi32>
      %gather3A_2793 = tpu.dynamic_gather %add3A_2784[%gather3A_2792] in [0] : vector<16xf32>, vector<16xi32> -> vector<16xf32>
      %add3A_2794 = arith.addf %add3A_2784, %gather3A_2793 : vector<16xf32>
      %add3A_2795 = arith.constant 4 : i32
      %add3A_2796 = vector.broadcast %add3A_2795 : i32 to vector<16xi32>
      %add3A_2797 = arith.addi %iota3A, %add3A_2796 : vector<16xi32>
      %and3A_2798 = arith.constant 15 : i32
      %and3A_2799 = vector.broadcast %and3A_2798 : i32 to vector<16xi32>
      %and3A_2800 = arith.andi %add3A_2797, %and3A_2799 : vector<16xi32>
      %broadcast_in_dim3A_2801 = vector.shape_cast %and3A_2800 : vector<16xi32> to vector<16x1xi32>
      %gather3A_2802 = vector.shape_cast %broadcast_in_dim3A_2801 : vector<16x1xi32> to vector<16xi32>
      %gather3A_2803 = tpu.dynamic_gather %add3A_2794[%gather3A_2802] in [0] : vector<16xf32>, vector<16xi32> -> vector<16xf32>
      %add3A_2804 = arith.addf %add3A_2794, %gather3A_2803 : vector<16xf32>
      %add3A_2805 = arith.constant 8 : i32
      %add3A_2806 = vector.broadcast %add3A_2805 : i32 to vector<16xi32>
      %add3A_2807 = arith.addi %iota3A, %add3A_2806 : vector<16xi32>
      %and3A_2808 = arith.constant 15 : i32
      %and3A_2809 = vector.broadcast %and3A_2808 : i32 to vector<16xi32>
      %and3A_2810 = arith.andi %add3A_2807, %and3A_2809 : vector<16xi32>
      %broadcast_in_dim3A_2811 = vector.shape_cast %and3A_2810 : vector<16xi32> to vector<16x1xi32>
      %gather3A_2812 = vector.shape_cast %broadcast_in_dim3A_2811 : vector<16x1xi32> to vector<16xi32>
      %gather3A_2813 = tpu.dynamic_gather %add3A_2804[%gather3A_2812] in [0] : vector<16xf32>, vector<16xi32> -> vector<16xf32>
      %add3A_2814 = arith.addf %add3A_2804, %gather3A_2813 : vector<16xf32>
      %min3A_2815 = arith.minimumf %add3A_2814, %sub3A_2623 : vector<16xf32>
      %mul3A_2816 = arith.mulf %min3A_2815, %max3A_2702 : vector<16xf32>
      %add3A_2817 = arith.addf %add3A_2622, %mul3A_2816 : vector<16xf32>
      %sub3A_2818 = arith.subf %sub3A_2623, %min3A_2815 : vector<16xf32>
      %jit3A_2819 = arith.constant 0xFF800000 : f32
      %broadcast_in_dim3A_2820 = vector.broadcast %jit3A_2819 : f32 to vector<16xf32>
      %select_n3A_2821 = arith.select %eq3A_2703, %broadcast_in_dim3A_2820, %select_n3A_2626 : vector<16xi1>, vector<16xf32>
      %jit3A_2822 = arith.constant 0xFF800000 : f32
      %broadcast_in_dim3A_2823 = vector.broadcast %jit3A_2822 : f32 to vector<16xf32>
      %select_n3A_2824 = arith.select %eq3A_2704, %broadcast_in_dim3A_2823, %select_n3A_2629 : vector<16xi1>, vector<16xf32>
      %jit3A_2825 = arith.constant 0xFF800000 : f32
      %broadcast_in_dim3A_2826 = vector.broadcast %jit3A_2825 : f32 to vector<16xf32>
      %select_n3A_2827 = arith.select %eq3A_2705, %broadcast_in_dim3A_2826, %select_n3A_2632 : vector<16xi1>, vector<16xf32>
      %jit3A_2828 = arith.constant 0xFF800000 : f32
      %broadcast_in_dim3A_2829 = vector.broadcast %jit3A_2828 : f32 to vector<16xf32>
      %select_n3A_2830 = arith.select %eq3A_2706, %broadcast_in_dim3A_2829, %select_n3A_2635 : vector<16xi1>, vector<16xf32>
      %jit3A_2831 = arith.constant 0xFF800000 : f32
      %broadcast_in_dim3A_2832 = vector.broadcast %jit3A_2831 : f32 to vector<16xf32>
      %select_n3A_2833 = arith.select %eq3A_2707, %broadcast_in_dim3A_2832, %select_n3A_2638 : vector<16xi1>, vector<16xf32>
      %jit3A_2834 = arith.constant 0xFF800000 : f32
      %broadcast_in_dim3A_2835 = vector.broadcast %jit3A_2834 : f32 to vector<16xf32>
      %select_n3A_2836 = arith.select %eq3A_2708, %broadcast_in_dim3A_2835, %select_n3A_2641 : vector<16xi1>, vector<16xf32>
      %jit3A_2837 = arith.constant 0xFF800000 : f32
      %broadcast_in_dim3A_2838 = vector.broadcast %jit3A_2837 : f32 to vector<16xf32>
      %select_n3A_2839 = arith.select %eq3A_2709, %broadcast_in_dim3A_2838, %select_n3A_2644 : vector<16xi1>, vector<16xf32>
      %jit3A_2840 = arith.constant 0xFF800000 : f32
      %broadcast_in_dim3A_2841 = vector.broadcast %jit3A_2840 : f32 to vector<16xf32>
      %select_n3A_2842 = arith.select %eq3A_2710, %broadcast_in_dim3A_2841, %select_n3A_2647 : vector<16xi1>, vector<16xf32>
      %jit3A_2843 = arith.constant 0xFF800000 : f32
      %broadcast_in_dim3A_2844 = vector.broadcast %jit3A_2843 : f32 to vector<16xf32>
      %select_n3A_2845 = arith.select %eq3A_2711, %broadcast_in_dim3A_2844, %select_n3A_2650 : vector<16xi1>, vector<16xf32>
      %jit3A_2846 = arith.constant 0xFF800000 : f32
      %broadcast_in_dim3A_2847 = vector.broadcast %jit3A_2846 : f32 to vector<16xf32>
      %select_n3A_2848 = arith.select %eq3A_2712, %broadcast_in_dim3A_2847, %select_n3A_2653 : vector<16xi1>, vector<16xf32>
      %max3A_2849 = arith.maximumf %select_n3A_2821, %select_n3A_2824 : vector<16xf32>
      %max3A_2850 = arith.maximumf %max3A_2849, %select_n3A_2827 : vector<16xf32>
      %max3A_2851 = arith.maximumf %max3A_2850, %select_n3A_2830 : vector<16xf32>
      %max3A_2852 = arith.maximumf %max3A_2851, %select_n3A_2833 : vector<16xf32>
      %max3A_2853 = arith.maximumf %max3A_2852, %select_n3A_2836 : vector<16xf32>
      %max3A_2854 = arith.maximumf %max3A_2853, %select_n3A_2839 : vector<16xf32>
      %max3A_2855 = arith.maximumf %max3A_2854, %select_n3A_2842 : vector<16xf32>
      %max3A_2856 = arith.maximumf %max3A_2855, %select_n3A_2845 : vector<16xf32>
      %max3A_2857 = arith.maximumf %max3A_2856, %select_n3A_2848 : vector<16xf32>
      %add3A_2858 = arith.constant 1 : i32
      %add3A_2859 = vector.broadcast %add3A_2858 : i32 to vector<16xi32>
      %add3A_2860 = arith.addi %iota3A, %add3A_2859 : vector<16xi32>
      %and3A_2861 = arith.constant 15 : i32
      %and3A_2862 = vector.broadcast %and3A_2861 : i32 to vector<16xi32>
      %and3A_2863 = arith.andi %add3A_2860, %and3A_2862 : vector<16xi32>
      %broadcast_in_dim3A_2864 = vector.shape_cast %and3A_2863 : vector<16xi32> to vector<16x1xi32>
      %gather3A_2865 = vector.shape_cast %broadcast_in_dim3A_2864 : vector<16x1xi32> to vector<16xi32>
      %gather3A_2866 = tpu.dynamic_gather %max3A_2857[%gather3A_2865] in [0] : vector<16xf32>, vector<16xi32> -> vector<16xf32>
      %max3A_2867 = arith.maximumf %max3A_2857, %gather3A_2866 : vector<16xf32>
      %add3A_2868 = arith.constant 2 : i32
      %add3A_2869 = vector.broadcast %add3A_2868 : i32 to vector<16xi32>
      %add3A_2870 = arith.addi %iota3A, %add3A_2869 : vector<16xi32>
      %and3A_2871 = arith.constant 15 : i32
      %and3A_2872 = vector.broadcast %and3A_2871 : i32 to vector<16xi32>
      %and3A_2873 = arith.andi %add3A_2870, %and3A_2872 : vector<16xi32>
      %broadcast_in_dim3A_2874 = vector.shape_cast %and3A_2873 : vector<16xi32> to vector<16x1xi32>
      %gather3A_2875 = vector.shape_cast %broadcast_in_dim3A_2874 : vector<16x1xi32> to vector<16xi32>
      %gather3A_2876 = tpu.dynamic_gather %max3A_2867[%gather3A_2875] in [0] : vector<16xf32>, vector<16xi32> -> vector<16xf32>
      %max3A_2877 = arith.maximumf %max3A_2867, %gather3A_2876 : vector<16xf32>
      %add3A_2878 = arith.constant 4 : i32
      %add3A_2879 = vector.broadcast %add3A_2878 : i32 to vector<16xi32>
      %add3A_2880 = arith.addi %iota3A, %add3A_2879 : vector<16xi32>
      %and3A_2881 = arith.constant 15 : i32
      %and3A_2882 = vector.broadcast %and3A_2881 : i32 to vector<16xi32>
      %and3A_2883 = arith.andi %add3A_2880, %and3A_2882 : vector<16xi32>
      %broadcast_in_dim3A_2884 = vector.shape_cast %and3A_2883 : vector<16xi32> to vector<16x1xi32>
      %gather3A_2885 = vector.shape_cast %broadcast_in_dim3A_2884 : vector<16x1xi32> to vector<16xi32>
      %gather3A_2886 = tpu.dynamic_gather %max3A_2877[%gather3A_2885] in [0] : vector<16xf32>, vector<16xi32> -> vector<16xf32>
      %max3A_2887 = arith.maximumf %max3A_2877, %gather3A_2886 : vector<16xf32>
      %add3A_2888 = arith.constant 8 : i32
      %add3A_2889 = vector.broadcast %add3A_2888 : i32 to vector<16xi32>
      %add3A_2890 = arith.addi %iota3A, %add3A_2889 : vector<16xi32>
      %and3A_2891 = arith.constant 15 : i32
      %and3A_2892 = vector.broadcast %and3A_2891 : i32 to vector<16xi32>
      %and3A_2893 = arith.andi %add3A_2890, %and3A_2892 : vector<16xi32>
      %broadcast_in_dim3A_2894 = vector.shape_cast %and3A_2893 : vector<16xi32> to vector<16x1xi32>
      %gather3A_2895 = vector.shape_cast %broadcast_in_dim3A_2894 : vector<16x1xi32> to vector<16xi32>
      %gather3A_2896 = tpu.dynamic_gather %max3A_2887[%gather3A_2895] in [0] : vector<16xf32>, vector<16xi32> -> vector<16xf32>
      %max3A_2897 = arith.maximumf %max3A_2887, %gather3A_2896 : vector<16xf32>
      %eq3A_2898 = arith.cmpf oeq, %select_n3A_2821, %max3A_2897 : vector<16xf32>
      %eq3A_2899 = arith.cmpf oeq, %select_n3A_2824, %max3A_2897 : vector<16xf32>
      %eq3A_2900 = arith.cmpf oeq, %select_n3A_2827, %max3A_2897 : vector<16xf32>
      %eq3A_2901 = arith.cmpf oeq, %select_n3A_2830, %max3A_2897 : vector<16xf32>
      %eq3A_2902 = arith.cmpf oeq, %select_n3A_2833, %max3A_2897 : vector<16xf32>
      %eq3A_2903 = arith.cmpf oeq, %select_n3A_2836, %max3A_2897 : vector<16xf32>
      %eq3A_2904 = arith.cmpf oeq, %select_n3A_2839, %max3A_2897 : vector<16xf32>
      %eq3A_2905 = arith.cmpf oeq, %select_n3A_2842, %max3A_2897 : vector<16xf32>
      %eq3A_2906 = arith.cmpf oeq, %select_n3A_2845, %max3A_2897 : vector<16xf32>
      %eq3A_2907 = arith.cmpf oeq, %select_n3A_2848, %max3A_2897 : vector<16xf32>
      %broadcast_in_dim3A_2908 = arith.constant 0.000000e+00 : f32
      %broadcast_in_dim3A_2909 = vector.broadcast %broadcast_in_dim3A_2908 : f32 to vector<16xf32>
      %jit3A_2910 = arith.constant 1.000000e+00 : f32
      %jit3A_2911 = arith.constant 0.000000e+00 : f32
      %broadcast_in_dim3A_2912 = vector.broadcast %jit3A_2910 : f32 to vector<16xf32>
      %broadcast_in_dim3A_2913 = vector.broadcast %jit3A_2911 : f32 to vector<16xf32>
      %select_n3A_2914 = arith.select %eq3A_2898, %broadcast_in_dim3A_2912, %broadcast_in_dim3A_2913 : vector<16xi1>, vector<16xf32>
      %add3A_2915 = arith.addf %broadcast_in_dim3A_2909, %select_n3A_2914 : vector<16xf32>
      %jit3A_2916 = arith.constant 1.000000e+00 : f32
      %jit3A_2917 = arith.constant 0.000000e+00 : f32
      %broadcast_in_dim3A_2918 = vector.broadcast %jit3A_2916 : f32 to vector<16xf32>
      %broadcast_in_dim3A_2919 = vector.broadcast %jit3A_2917 : f32 to vector<16xf32>
      %select_n3A_2920 = arith.select %eq3A_2899, %broadcast_in_dim3A_2918, %broadcast_in_dim3A_2919 : vector<16xi1>, vector<16xf32>
      %add3A_2921 = arith.addf %add3A_2915, %select_n3A_2920 : vector<16xf32>
      %jit3A_2922 = arith.constant 1.000000e+00 : f32
      %jit3A_2923 = arith.constant 0.000000e+00 : f32
      %broadcast_in_dim3A_2924 = vector.broadcast %jit3A_2922 : f32 to vector<16xf32>
      %broadcast_in_dim3A_2925 = vector.broadcast %jit3A_2923 : f32 to vector<16xf32>
      %select_n3A_2926 = arith.select %eq3A_2900, %broadcast_in_dim3A_2924, %broadcast_in_dim3A_2925 : vector<16xi1>, vector<16xf32>
      %add3A_2927 = arith.addf %add3A_2921, %select_n3A_2926 : vector<16xf32>
      %jit3A_2928 = arith.constant 1.000000e+00 : f32
      %jit3A_2929 = arith.constant 0.000000e+00 : f32
      %broadcast_in_dim3A_2930 = vector.broadcast %jit3A_2928 : f32 to vector<16xf32>
      %broadcast_in_dim3A_2931 = vector.broadcast %jit3A_2929 : f32 to vector<16xf32>
      %select_n3A_2932 = arith.select %eq3A_2901, %broadcast_in_dim3A_2930, %broadcast_in_dim3A_2931 : vector<16xi1>, vector<16xf32>
      %add3A_2933 = arith.addf %add3A_2927, %select_n3A_2932 : vector<16xf32>
      %jit3A_2934 = arith.constant 1.000000e+00 : f32
      %jit3A_2935 = arith.constant 0.000000e+00 : f32
      %broadcast_in_dim3A_2936 = vector.broadcast %jit3A_2934 : f32 to vector<16xf32>
      %broadcast_in_dim3A_2937 = vector.broadcast %jit3A_2935 : f32 to vector<16xf32>
      %select_n3A_2938 = arith.select %eq3A_2902, %broadcast_in_dim3A_2936, %broadcast_in_dim3A_2937 : vector<16xi1>, vector<16xf32>
      %add3A_2939 = arith.addf %add3A_2933, %select_n3A_2938 : vector<16xf32>
      %jit3A_2940 = arith.constant 1.000000e+00 : f32
      %jit3A_2941 = arith.constant 0.000000e+00 : f32
      %broadcast_in_dim3A_2942 = vector.broadcast %jit3A_2940 : f32 to vector<16xf32>
      %broadcast_in_dim3A_2943 = vector.broadcast %jit3A_2941 : f32 to vector<16xf32>
      %select_n3A_2944 = arith.select %eq3A_2903, %broadcast_in_dim3A_2942, %broadcast_in_dim3A_2943 : vector<16xi1>, vector<16xf32>
      %add3A_2945 = arith.addf %add3A_2939, %select_n3A_2944 : vector<16xf32>
      %jit3A_2946 = arith.constant 1.000000e+00 : f32
      %jit3A_2947 = arith.constant 0.000000e+00 : f32
      %broadcast_in_dim3A_2948 = vector.broadcast %jit3A_2946 : f32 to vector<16xf32>
      %broadcast_in_dim3A_2949 = vector.broadcast %jit3A_2947 : f32 to vector<16xf32>
      %select_n3A_2950 = arith.select %eq3A_2904, %broadcast_in_dim3A_2948, %broadcast_in_dim3A_2949 : vector<16xi1>, vector<16xf32>
      %add3A_2951 = arith.addf %add3A_2945, %select_n3A_2950 : vector<16xf32>
      %jit3A_2952 = arith.constant 1.000000e+00 : f32
      %jit3A_2953 = arith.constant 0.000000e+00 : f32
      %broadcast_in_dim3A_2954 = vector.broadcast %jit3A_2952 : f32 to vector<16xf32>
      %broadcast_in_dim3A_2955 = vector.broadcast %jit3A_2953 : f32 to vector<16xf32>
      %select_n3A_2956 = arith.select %eq3A_2905, %broadcast_in_dim3A_2954, %broadcast_in_dim3A_2955 : vector<16xi1>, vector<16xf32>
      %add3A_2957 = arith.addf %add3A_2951, %select_n3A_2956 : vector<16xf32>
      %jit3A_2958 = arith.constant 1.000000e+00 : f32
      %jit3A_2959 = arith.constant 0.000000e+00 : f32
      %broadcast_in_dim3A_2960 = vector.broadcast %jit3A_2958 : f32 to vector<16xf32>
      %broadcast_in_dim3A_2961 = vector.broadcast %jit3A_2959 : f32 to vector<16xf32>
      %select_n3A_2962 = arith.select %eq3A_2906, %broadcast_in_dim3A_2960, %broadcast_in_dim3A_2961 : vector<16xi1>, vector<16xf32>
      %add3A_2963 = arith.addf %add3A_2957, %select_n3A_2962 : vector<16xf32>
      %jit3A_2964 = arith.constant 1.000000e+00 : f32
      %jit3A_2965 = arith.constant 0.000000e+00 : f32
      %broadcast_in_dim3A_2966 = vector.broadcast %jit3A_2964 : f32 to vector<16xf32>
      %broadcast_in_dim3A_2967 = vector.broadcast %jit3A_2965 : f32 to vector<16xf32>
      %select_n3A_2968 = arith.select %eq3A_2907, %broadcast_in_dim3A_2966, %broadcast_in_dim3A_2967 : vector<16xi1>, vector<16xf32>
      %add3A_2969 = arith.addf %add3A_2963, %select_n3A_2968 : vector<16xf32>
      %add3A_2970 = arith.constant 1 : i32
      %add3A_2971 = vector.broadcast %add3A_2970 : i32 to vector<16xi32>
      %add3A_2972 = arith.addi %iota3A, %add3A_2971 : vector<16xi32>
      %and3A_2973 = arith.constant 15 : i32
      %and3A_2974 = vector.broadcast %and3A_2973 : i32 to vector<16xi32>
      %and3A_2975 = arith.andi %add3A_2972, %and3A_2974 : vector<16xi32>
      %broadcast_in_dim3A_2976 = vector.shape_cast %and3A_2975 : vector<16xi32> to vector<16x1xi32>
      %gather3A_2977 = vector.shape_cast %broadcast_in_dim3A_2976 : vector<16x1xi32> to vector<16xi32>
      %gather3A_2978 = tpu.dynamic_gather %add3A_2969[%gather3A_2977] in [0] : vector<16xf32>, vector<16xi32> -> vector<16xf32>
      %add3A_2979 = arith.addf %add3A_2969, %gather3A_2978 : vector<16xf32>
      %add3A_2980 = arith.constant 2 : i32
      %add3A_2981 = vector.broadcast %add3A_2980 : i32 to vector<16xi32>
      %add3A_2982 = arith.addi %iota3A, %add3A_2981 : vector<16xi32>
      %and3A_2983 = arith.constant 15 : i32
      %and3A_2984 = vector.broadcast %and3A_2983 : i32 to vector<16xi32>
      %and3A_2985 = arith.andi %add3A_2982, %and3A_2984 : vector<16xi32>
      %broadcast_in_dim3A_2986 = vector.shape_cast %and3A_2985 : vector<16xi32> to vector<16x1xi32>
      %gather3A_2987 = vector.shape_cast %broadcast_in_dim3A_2986 : vector<16x1xi32> to vector<16xi32>
      %gather3A_2988 = tpu.dynamic_gather %add3A_2979[%gather3A_2987] in [0] : vector<16xf32>, vector<16xi32> -> vector<16xf32>
      %add3A_2989 = arith.addf %add3A_2979, %gather3A_2988 : vector<16xf32>
      %add3A_2990 = arith.constant 4 : i32
      %add3A_2991 = vector.broadcast %add3A_2990 : i32 to vector<16xi32>
      %add3A_2992 = arith.addi %iota3A, %add3A_2991 : vector<16xi32>
      %and3A_2993 = arith.constant 15 : i32
      %and3A_2994 = vector.broadcast %and3A_2993 : i32 to vector<16xi32>
      %and3A_2995 = arith.andi %add3A_2992, %and3A_2994 : vector<16xi32>
      %broadcast_in_dim3A_2996 = vector.shape_cast %and3A_2995 : vector<16xi32> to vector<16x1xi32>
      %gather3A_2997 = vector.shape_cast %broadcast_in_dim3A_2996 : vector<16x1xi32> to vector<16xi32>
      %gather3A_2998 = tpu.dynamic_gather %add3A_2989[%gather3A_2997] in [0] : vector<16xf32>, vector<16xi32> -> vector<16xf32>
      %add3A_2999 = arith.addf %add3A_2989, %gather3A_2998 : vector<16xf32>
      %add3A_3000 = arith.constant 8 : i32
      %add3A_3001 = vector.broadcast %add3A_3000 : i32 to vector<16xi32>
      %add3A_3002 = arith.addi %iota3A, %add3A_3001 : vector<16xi32>
      %and3A_3003 = arith.constant 15 : i32
      %and3A_3004 = vector.broadcast %and3A_3003 : i32 to vector<16xi32>
      %and3A_3005 = arith.andi %add3A_3002, %and3A_3004 : vector<16xi32>
      %broadcast_in_dim3A_3006 = vector.shape_cast %and3A_3005 : vector<16xi32> to vector<16x1xi32>
      %gather3A_3007 = vector.shape_cast %broadcast_in_dim3A_3006 : vector<16x1xi32> to vector<16xi32>
      %gather3A_3008 = tpu.dynamic_gather %add3A_2999[%gather3A_3007] in [0] : vector<16xf32>, vector<16xi32> -> vector<16xf32>
      %add3A_3009 = arith.addf %add3A_2999, %gather3A_3008 : vector<16xf32>
      %min3A_3010 = arith.minimumf %add3A_3009, %sub3A_2818 : vector<16xf32>
      %mul3A_3011 = arith.mulf %min3A_3010, %max3A_2897 : vector<16xf32>
      %add3A_3012 = arith.addf %add3A_2817, %mul3A_3011 : vector<16xf32>
      %sub3A_3013 = arith.subf %sub3A_2818, %min3A_3010 : vector<16xf32>
      %jit3A_3014 = arith.constant 0xFF800000 : f32
      %broadcast_in_dim3A_3015 = vector.broadcast %jit3A_3014 : f32 to vector<16xf32>
      %select_n3A_3016 = arith.select %eq3A_2898, %broadcast_in_dim3A_3015, %select_n3A_2821 : vector<16xi1>, vector<16xf32>
      %jit3A_3017 = arith.constant 0xFF800000 : f32
      %broadcast_in_dim3A_3018 = vector.broadcast %jit3A_3017 : f32 to vector<16xf32>
      %select_n3A_3019 = arith.select %eq3A_2899, %broadcast_in_dim3A_3018, %select_n3A_2824 : vector<16xi1>, vector<16xf32>
      %jit3A_3020 = arith.constant 0xFF800000 : f32
      %broadcast_in_dim3A_3021 = vector.broadcast %jit3A_3020 : f32 to vector<16xf32>
      %select_n3A_3022 = arith.select %eq3A_2900, %broadcast_in_dim3A_3021, %select_n3A_2827 : vector<16xi1>, vector<16xf32>
      %jit3A_3023 = arith.constant 0xFF800000 : f32
      %broadcast_in_dim3A_3024 = vector.broadcast %jit3A_3023 : f32 to vector<16xf32>
      %select_n3A_3025 = arith.select %eq3A_2901, %broadcast_in_dim3A_3024, %select_n3A_2830 : vector<16xi1>, vector<16xf32>
      %jit3A_3026 = arith.constant 0xFF800000 : f32
      %broadcast_in_dim3A_3027 = vector.broadcast %jit3A_3026 : f32 to vector<16xf32>
      %select_n3A_3028 = arith.select %eq3A_2902, %broadcast_in_dim3A_3027, %select_n3A_2833 : vector<16xi1>, vector<16xf32>
      %jit3A_3029 = arith.constant 0xFF800000 : f32
      %broadcast_in_dim3A_3030 = vector.broadcast %jit3A_3029 : f32 to vector<16xf32>
      %select_n3A_3031 = arith.select %eq3A_2903, %broadcast_in_dim3A_3030, %select_n3A_2836 : vector<16xi1>, vector<16xf32>
      %jit3A_3032 = arith.constant 0xFF800000 : f32
      %broadcast_in_dim3A_3033 = vector.broadcast %jit3A_3032 : f32 to vector<16xf32>
      %select_n3A_3034 = arith.select %eq3A_2904, %broadcast_in_dim3A_3033, %select_n3A_2839 : vector<16xi1>, vector<16xf32>
      %jit3A_3035 = arith.constant 0xFF800000 : f32
      %broadcast_in_dim3A_3036 = vector.broadcast %jit3A_3035 : f32 to vector<16xf32>
      %select_n3A_3037 = arith.select %eq3A_2905, %broadcast_in_dim3A_3036, %select_n3A_2842 : vector<16xi1>, vector<16xf32>
      %jit3A_3038 = arith.constant 0xFF800000 : f32
      %broadcast_in_dim3A_3039 = vector.broadcast %jit3A_3038 : f32 to vector<16xf32>
      %select_n3A_3040 = arith.select %eq3A_2906, %broadcast_in_dim3A_3039, %select_n3A_2845 : vector<16xi1>, vector<16xf32>
      %jit3A_3041 = arith.constant 0xFF800000 : f32
      %broadcast_in_dim3A_3042 = vector.broadcast %jit3A_3041 : f32 to vector<16xf32>
      %select_n3A_3043 = arith.select %eq3A_2907, %broadcast_in_dim3A_3042, %select_n3A_2848 : vector<16xi1>, vector<16xf32>
      %max3A_3044 = arith.maximumf %select_n3A_3016, %select_n3A_3019 : vector<16xf32>
      %max3A_3045 = arith.maximumf %max3A_3044, %select_n3A_3022 : vector<16xf32>
      %max3A_3046 = arith.maximumf %max3A_3045, %select_n3A_3025 : vector<16xf32>
      %max3A_3047 = arith.maximumf %max3A_3046, %select_n3A_3028 : vector<16xf32>
      %max3A_3048 = arith.maximumf %max3A_3047, %select_n3A_3031 : vector<16xf32>
      %max3A_3049 = arith.maximumf %max3A_3048, %select_n3A_3034 : vector<16xf32>
      %max3A_3050 = arith.maximumf %max3A_3049, %select_n3A_3037 : vector<16xf32>
      %max3A_3051 = arith.maximumf %max3A_3050, %select_n3A_3040 : vector<16xf32>
      %max3A_3052 = arith.maximumf %max3A_3051, %select_n3A_3043 : vector<16xf32>
      %add3A_3053 = arith.constant 1 : i32
      %add3A_3054 = vector.broadcast %add3A_3053 : i32 to vector<16xi32>
      %add3A_3055 = arith.addi %iota3A, %add3A_3054 : vector<16xi32>
      %and3A_3056 = arith.constant 15 : i32
      %and3A_3057 = vector.broadcast %and3A_3056 : i32 to vector<16xi32>
      %and3A_3058 = arith.andi %add3A_3055, %and3A_3057 : vector<16xi32>
      %broadcast_in_dim3A_3059 = vector.shape_cast %and3A_3058 : vector<16xi32> to vector<16x1xi32>
      %gather3A_3060 = vector.shape_cast %broadcast_in_dim3A_3059 : vector<16x1xi32> to vector<16xi32>
      %gather3A_3061 = tpu.dynamic_gather %max3A_3052[%gather3A_3060] in [0] : vector<16xf32>, vector<16xi32> -> vector<16xf32>
      %max3A_3062 = arith.maximumf %max3A_3052, %gather3A_3061 : vector<16xf32>
      %add3A_3063 = arith.constant 2 : i32
      %add3A_3064 = vector.broadcast %add3A_3063 : i32 to vector<16xi32>
      %add3A_3065 = arith.addi %iota3A, %add3A_3064 : vector<16xi32>
      %and3A_3066 = arith.constant 15 : i32
      %and3A_3067 = vector.broadcast %and3A_3066 : i32 to vector<16xi32>
      %and3A_3068 = arith.andi %add3A_3065, %and3A_3067 : vector<16xi32>
      %broadcast_in_dim3A_3069 = vector.shape_cast %and3A_3068 : vector<16xi32> to vector<16x1xi32>
      %gather3A_3070 = vector.shape_cast %broadcast_in_dim3A_3069 : vector<16x1xi32> to vector<16xi32>
      %gather3A_3071 = tpu.dynamic_gather %max3A_3062[%gather3A_3070] in [0] : vector<16xf32>, vector<16xi32> -> vector<16xf32>
      %max3A_3072 = arith.maximumf %max3A_3062, %gather3A_3071 : vector<16xf32>
      %add3A_3073 = arith.constant 4 : i32
      %add3A_3074 = vector.broadcast %add3A_3073 : i32 to vector<16xi32>
      %add3A_3075 = arith.addi %iota3A, %add3A_3074 : vector<16xi32>
      %and3A_3076 = arith.constant 15 : i32
      %and3A_3077 = vector.broadcast %and3A_3076 : i32 to vector<16xi32>
      %and3A_3078 = arith.andi %add3A_3075, %and3A_3077 : vector<16xi32>
      %broadcast_in_dim3A_3079 = vector.shape_cast %and3A_3078 : vector<16xi32> to vector<16x1xi32>
      %gather3A_3080 = vector.shape_cast %broadcast_in_dim3A_3079 : vector<16x1xi32> to vector<16xi32>
      %gather3A_3081 = tpu.dynamic_gather %max3A_3072[%gather3A_3080] in [0] : vector<16xf32>, vector<16xi32> -> vector<16xf32>
      %max3A_3082 = arith.maximumf %max3A_3072, %gather3A_3081 : vector<16xf32>
      %add3A_3083 = arith.constant 8 : i32
      %add3A_3084 = vector.broadcast %add3A_3083 : i32 to vector<16xi32>
      %add3A_3085 = arith.addi %iota3A, %add3A_3084 : vector<16xi32>
      %and3A_3086 = arith.constant 15 : i32
      %and3A_3087 = vector.broadcast %and3A_3086 : i32 to vector<16xi32>
      %and3A_3088 = arith.andi %add3A_3085, %and3A_3087 : vector<16xi32>
      %broadcast_in_dim3A_3089 = vector.shape_cast %and3A_3088 : vector<16xi32> to vector<16x1xi32>
      %gather3A_3090 = vector.shape_cast %broadcast_in_dim3A_3089 : vector<16x1xi32> to vector<16xi32>
      %gather3A_3091 = tpu.dynamic_gather %max3A_3082[%gather3A_3090] in [0] : vector<16xf32>, vector<16xi32> -> vector<16xf32>
      %max3A_3092 = arith.maximumf %max3A_3082, %gather3A_3091 : vector<16xf32>
      %eq3A_3093 = arith.cmpf oeq, %select_n3A_3016, %max3A_3092 : vector<16xf32>
      %eq3A_3094 = arith.cmpf oeq, %select_n3A_3019, %max3A_3092 : vector<16xf32>
      %eq3A_3095 = arith.cmpf oeq, %select_n3A_3022, %max3A_3092 : vector<16xf32>
      %eq3A_3096 = arith.cmpf oeq, %select_n3A_3025, %max3A_3092 : vector<16xf32>
      %eq3A_3097 = arith.cmpf oeq, %select_n3A_3028, %max3A_3092 : vector<16xf32>
      %eq3A_3098 = arith.cmpf oeq, %select_n3A_3031, %max3A_3092 : vector<16xf32>
      %eq3A_3099 = arith.cmpf oeq, %select_n3A_3034, %max3A_3092 : vector<16xf32>
      %eq3A_3100 = arith.cmpf oeq, %select_n3A_3037, %max3A_3092 : vector<16xf32>
      %eq3A_3101 = arith.cmpf oeq, %select_n3A_3040, %max3A_3092 : vector<16xf32>
      %eq3A_3102 = arith.cmpf oeq, %select_n3A_3043, %max3A_3092 : vector<16xf32>
      %broadcast_in_dim3A_3103 = arith.constant 0.000000e+00 : f32
      %broadcast_in_dim3A_3104 = vector.broadcast %broadcast_in_dim3A_3103 : f32 to vector<16xf32>
      %jit3A_3105 = arith.constant 1.000000e+00 : f32
      %jit3A_3106 = arith.constant 0.000000e+00 : f32
      %broadcast_in_dim3A_3107 = vector.broadcast %jit3A_3105 : f32 to vector<16xf32>
      %broadcast_in_dim3A_3108 = vector.broadcast %jit3A_3106 : f32 to vector<16xf32>
      %select_n3A_3109 = arith.select %eq3A_3093, %broadcast_in_dim3A_3107, %broadcast_in_dim3A_3108 : vector<16xi1>, vector<16xf32>
      %add3A_3110 = arith.addf %broadcast_in_dim3A_3104, %select_n3A_3109 : vector<16xf32>
      %jit3A_3111 = arith.constant 1.000000e+00 : f32
      %jit3A_3112 = arith.constant 0.000000e+00 : f32
      %broadcast_in_dim3A_3113 = vector.broadcast %jit3A_3111 : f32 to vector<16xf32>
      %broadcast_in_dim3A_3114 = vector.broadcast %jit3A_3112 : f32 to vector<16xf32>
      %select_n3A_3115 = arith.select %eq3A_3094, %broadcast_in_dim3A_3113, %broadcast_in_dim3A_3114 : vector<16xi1>, vector<16xf32>
      %add3A_3116 = arith.addf %add3A_3110, %select_n3A_3115 : vector<16xf32>
      %jit3A_3117 = arith.constant 1.000000e+00 : f32
      %jit3A_3118 = arith.constant 0.000000e+00 : f32
      %broadcast_in_dim3A_3119 = vector.broadcast %jit3A_3117 : f32 to vector<16xf32>
      %broadcast_in_dim3A_3120 = vector.broadcast %jit3A_3118 : f32 to vector<16xf32>
      %select_n3A_3121 = arith.select %eq3A_3095, %broadcast_in_dim3A_3119, %broadcast_in_dim3A_3120 : vector<16xi1>, vector<16xf32>
      %add3A_3122 = arith.addf %add3A_3116, %select_n3A_3121 : vector<16xf32>
      %jit3A_3123 = arith.constant 1.000000e+00 : f32
      %jit3A_3124 = arith.constant 0.000000e+00 : f32
      %broadcast_in_dim3A_3125 = vector.broadcast %jit3A_3123 : f32 to vector<16xf32>
      %broadcast_in_dim3A_3126 = vector.broadcast %jit3A_3124 : f32 to vector<16xf32>
      %select_n3A_3127 = arith.select %eq3A_3096, %broadcast_in_dim3A_3125, %broadcast_in_dim3A_3126 : vector<16xi1>, vector<16xf32>
      %add3A_3128 = arith.addf %add3A_3122, %select_n3A_3127 : vector<16xf32>
      %jit3A_3129 = arith.constant 1.000000e+00 : f32
      %jit3A_3130 = arith.constant 0.000000e+00 : f32
      %broadcast_in_dim3A_3131 = vector.broadcast %jit3A_3129 : f32 to vector<16xf32>
      %broadcast_in_dim3A_3132 = vector.broadcast %jit3A_3130 : f32 to vector<16xf32>
      %select_n3A_3133 = arith.select %eq3A_3097, %broadcast_in_dim3A_3131, %broadcast_in_dim3A_3132 : vector<16xi1>, vector<16xf32>
      %add3A_3134 = arith.addf %add3A_3128, %select_n3A_3133 : vector<16xf32>
      %jit3A_3135 = arith.constant 1.000000e+00 : f32
      %jit3A_3136 = arith.constant 0.000000e+00 : f32
      %broadcast_in_dim3A_3137 = vector.broadcast %jit3A_3135 : f32 to vector<16xf32>
      %broadcast_in_dim3A_3138 = vector.broadcast %jit3A_3136 : f32 to vector<16xf32>
      %select_n3A_3139 = arith.select %eq3A_3098, %broadcast_in_dim3A_3137, %broadcast_in_dim3A_3138 : vector<16xi1>, vector<16xf32>
      %add3A_3140 = arith.addf %add3A_3134, %select_n3A_3139 : vector<16xf32>
      %jit3A_3141 = arith.constant 1.000000e+00 : f32
      %jit3A_3142 = arith.constant 0.000000e+00 : f32
      %broadcast_in_dim3A_3143 = vector.broadcast %jit3A_3141 : f32 to vector<16xf32>
      %broadcast_in_dim3A_3144 = vector.broadcast %jit3A_3142 : f32 to vector<16xf32>
      %select_n3A_3145 = arith.select %eq3A_3099, %broadcast_in_dim3A_3143, %broadcast_in_dim3A_3144 : vector<16xi1>, vector<16xf32>
      %add3A_3146 = arith.addf %add3A_3140, %select_n3A_3145 : vector<16xf32>
      %jit3A_3147 = arith.constant 1.000000e+00 : f32
      %jit3A_3148 = arith.constant 0.000000e+00 : f32
      %broadcast_in_dim3A_3149 = vector.broadcast %jit3A_3147 : f32 to vector<16xf32>
      %broadcast_in_dim3A_3150 = vector.broadcast %jit3A_3148 : f32 to vector<16xf32>
      %select_n3A_3151 = arith.select %eq3A_3100, %broadcast_in_dim3A_3149, %broadcast_in_dim3A_3150 : vector<16xi1>, vector<16xf32>
      %add3A_3152 = arith.addf %add3A_3146, %select_n3A_3151 : vector<16xf32>
      %jit3A_3153 = arith.constant 1.000000e+00 : f32
      %jit3A_3154 = arith.constant 0.000000e+00 : f32
      %broadcast_in_dim3A_3155 = vector.broadcast %jit3A_3153 : f32 to vector<16xf32>
      %broadcast_in_dim3A_3156 = vector.broadcast %jit3A_3154 : f32 to vector<16xf32>
      %select_n3A_3157 = arith.select %eq3A_3101, %broadcast_in_dim3A_3155, %broadcast_in_dim3A_3156 : vector<16xi1>, vector<16xf32>
      %add3A_3158 = arith.addf %add3A_3152, %select_n3A_3157 : vector<16xf32>
      %jit3A_3159 = arith.constant 1.000000e+00 : f32
      %jit3A_3160 = arith.constant 0.000000e+00 : f32
      %broadcast_in_dim3A_3161 = vector.broadcast %jit3A_3159 : f32 to vector<16xf32>
      %broadcast_in_dim3A_3162 = vector.broadcast %jit3A_3160 : f32 to vector<16xf32>
      %select_n3A_3163 = arith.select %eq3A_3102, %broadcast_in_dim3A_3161, %broadcast_in_dim3A_3162 : vector<16xi1>, vector<16xf32>
      %add3A_3164 = arith.addf %add3A_3158, %select_n3A_3163 : vector<16xf32>
      %add3A_3165 = arith.constant 1 : i32
      %add3A_3166 = vector.broadcast %add3A_3165 : i32 to vector<16xi32>
      %add3A_3167 = arith.addi %iota3A, %add3A_3166 : vector<16xi32>
      %and3A_3168 = arith.constant 15 : i32
      %and3A_3169 = vector.broadcast %and3A_3168 : i32 to vector<16xi32>
      %and3A_3170 = arith.andi %add3A_3167, %and3A_3169 : vector<16xi32>
      %broadcast_in_dim3A_3171 = vector.shape_cast %and3A_3170 : vector<16xi32> to vector<16x1xi32>
      %gather3A_3172 = vector.shape_cast %broadcast_in_dim3A_3171 : vector<16x1xi32> to vector<16xi32>
      %gather3A_3173 = tpu.dynamic_gather %add3A_3164[%gather3A_3172] in [0] : vector<16xf32>, vector<16xi32> -> vector<16xf32>
      %add3A_3174 = arith.addf %add3A_3164, %gather3A_3173 : vector<16xf32>
      %add3A_3175 = arith.constant 2 : i32
      %add3A_3176 = vector.broadcast %add3A_3175 : i32 to vector<16xi32>
      %add3A_3177 = arith.addi %iota3A, %add3A_3176 : vector<16xi32>
      %and3A_3178 = arith.constant 15 : i32
      %and3A_3179 = vector.broadcast %and3A_3178 : i32 to vector<16xi32>
      %and3A_3180 = arith.andi %add3A_3177, %and3A_3179 : vector<16xi32>
      %broadcast_in_dim3A_3181 = vector.shape_cast %and3A_3180 : vector<16xi32> to vector<16x1xi32>
      %gather3A_3182 = vector.shape_cast %broadcast_in_dim3A_3181 : vector<16x1xi32> to vector<16xi32>
      %gather3A_3183 = tpu.dynamic_gather %add3A_3174[%gather3A_3182] in [0] : vector<16xf32>, vector<16xi32> -> vector<16xf32>
      %add3A_3184 = arith.addf %add3A_3174, %gather3A_3183 : vector<16xf32>
      %add3A_3185 = arith.constant 4 : i32
      %add3A_3186 = vector.broadcast %add3A_3185 : i32 to vector<16xi32>
      %add3A_3187 = arith.addi %iota3A, %add3A_3186 : vector<16xi32>
      %and3A_3188 = arith.constant 15 : i32
      %and3A_3189 = vector.broadcast %and3A_3188 : i32 to vector<16xi32>
      %and3A_3190 = arith.andi %add3A_3187, %and3A_3189 : vector<16xi32>
      %broadcast_in_dim3A_3191 = vector.shape_cast %and3A_3190 : vector<16xi32> to vector<16x1xi32>
      %gather3A_3192 = vector.shape_cast %broadcast_in_dim3A_3191 : vector<16x1xi32> to vector<16xi32>
      %gather3A_3193 = tpu.dynamic_gather %add3A_3184[%gather3A_3192] in [0] : vector<16xf32>, vector<16xi32> -> vector<16xf32>
      %add3A_3194 = arith.addf %add3A_3184, %gather3A_3193 : vector<16xf32>
      %add3A_3195 = arith.constant 8 : i32
      %add3A_3196 = vector.broadcast %add3A_3195 : i32 to vector<16xi32>
      %add3A_3197 = arith.addi %iota3A, %add3A_3196 : vector<16xi32>
      %and3A_3198 = arith.constant 15 : i32
      %and3A_3199 = vector.broadcast %and3A_3198 : i32 to vector<16xi32>
      %and3A_3200 = arith.andi %add3A_3197, %and3A_3199 : vector<16xi32>
      %broadcast_in_dim3A_3201 = vector.shape_cast %and3A_3200 : vector<16xi32> to vector<16x1xi32>
      %gather3A_3202 = vector.shape_cast %broadcast_in_dim3A_3201 : vector<16x1xi32> to vector<16xi32>
      %gather3A_3203 = tpu.dynamic_gather %add3A_3194[%gather3A_3202] in [0] : vector<16xf32>, vector<16xi32> -> vector<16xf32>
      %add3A_3204 = arith.addf %add3A_3194, %gather3A_3203 : vector<16xf32>
      %min3A_3205 = arith.minimumf %add3A_3204, %sub3A_3013 : vector<16xf32>
      %mul3A_3206 = arith.mulf %min3A_3205, %max3A_3092 : vector<16xf32>
      %add3A_3207 = arith.addf %add3A_3012, %mul3A_3206 : vector<16xf32>
      %sub3A_3208 = arith.subf %sub3A_3013, %min3A_3205 : vector<16xf32>
      %jit3A_3209 = arith.constant 0xFF800000 : f32
      %broadcast_in_dim3A_3210 = vector.broadcast %jit3A_3209 : f32 to vector<16xf32>
      %select_n3A_3211 = arith.select %eq3A_3093, %broadcast_in_dim3A_3210, %select_n3A_3016 : vector<16xi1>, vector<16xf32>
      %jit3A_3212 = arith.constant 0xFF800000 : f32
      %broadcast_in_dim3A_3213 = vector.broadcast %jit3A_3212 : f32 to vector<16xf32>
      %select_n3A_3214 = arith.select %eq3A_3094, %broadcast_in_dim3A_3213, %select_n3A_3019 : vector<16xi1>, vector<16xf32>
      %jit3A_3215 = arith.constant 0xFF800000 : f32
      %broadcast_in_dim3A_3216 = vector.broadcast %jit3A_3215 : f32 to vector<16xf32>
      %select_n3A_3217 = arith.select %eq3A_3095, %broadcast_in_dim3A_3216, %select_n3A_3022 : vector<16xi1>, vector<16xf32>
      %jit3A_3218 = arith.constant 0xFF800000 : f32
      %broadcast_in_dim3A_3219 = vector.broadcast %jit3A_3218 : f32 to vector<16xf32>
      %select_n3A_3220 = arith.select %eq3A_3096, %broadcast_in_dim3A_3219, %select_n3A_3025 : vector<16xi1>, vector<16xf32>
      %jit3A_3221 = arith.constant 0xFF800000 : f32
      %broadcast_in_dim3A_3222 = vector.broadcast %jit3A_3221 : f32 to vector<16xf32>
      %select_n3A_3223 = arith.select %eq3A_3097, %broadcast_in_dim3A_3222, %select_n3A_3028 : vector<16xi1>, vector<16xf32>
      %jit3A_3224 = arith.constant 0xFF800000 : f32
      %broadcast_in_dim3A_3225 = vector.broadcast %jit3A_3224 : f32 to vector<16xf32>
      %select_n3A_3226 = arith.select %eq3A_3098, %broadcast_in_dim3A_3225, %select_n3A_3031 : vector<16xi1>, vector<16xf32>
      %jit3A_3227 = arith.constant 0xFF800000 : f32
      %broadcast_in_dim3A_3228 = vector.broadcast %jit3A_3227 : f32 to vector<16xf32>
      %select_n3A_3229 = arith.select %eq3A_3099, %broadcast_in_dim3A_3228, %select_n3A_3034 : vector<16xi1>, vector<16xf32>
      %jit3A_3230 = arith.constant 0xFF800000 : f32
      %broadcast_in_dim3A_3231 = vector.broadcast %jit3A_3230 : f32 to vector<16xf32>
      %select_n3A_3232 = arith.select %eq3A_3100, %broadcast_in_dim3A_3231, %select_n3A_3037 : vector<16xi1>, vector<16xf32>
      %jit3A_3233 = arith.constant 0xFF800000 : f32
      %broadcast_in_dim3A_3234 = vector.broadcast %jit3A_3233 : f32 to vector<16xf32>
      %select_n3A_3235 = arith.select %eq3A_3101, %broadcast_in_dim3A_3234, %select_n3A_3040 : vector<16xi1>, vector<16xf32>
      %jit3A_3236 = arith.constant 0xFF800000 : f32
      %broadcast_in_dim3A_3237 = vector.broadcast %jit3A_3236 : f32 to vector<16xf32>
      %select_n3A_3238 = arith.select %eq3A_3102, %broadcast_in_dim3A_3237, %select_n3A_3043 : vector<16xi1>, vector<16xf32>
      %mul3A_3239 = arith.constant 1.000000e-01 : f32
      %mul3A_3240 = vector.broadcast %mul3A_3239 : f32 to vector<16xf32>
      %mul3A_3241 = arith.mulf %mul3A_3240, %add3A_3207 : vector<16xf32>
      %swap3A_3242 = arith.constant 0 : index
      %swap3A_3243 = tpu.vector_load %arg9[%swap3A_3242] {strides = array<i32>} : memref<16xf32, #tpu.memory_space<vmem>>, vector<16xf32>,
      %swap3A_3244 = vector.shape_cast %swap3A_3243 : vector<16xf32> to vector<16xf32>
      %swap3A_3245 = vector.shape_cast %mul3A_3241 : vector<16xf32> to vector<16xf32>
      tpu.vector_store %arg9[%swap3A_3242], %swap3A_3245 {strides = array<i32>} : memref<16xf32, #tpu.memory_space<vmem>>, vector<16xf32>,
      "tpu.region"() ({
        %run_scoped3A = tpu.sem_alloc : memref<!tpu.dma_semaphore, #tpu.memory_space<semaphore_mem>>
        %dma_start3A = arith.constant 0 : i32
        %dma_start3A_3246 = tpu.memref_slice %arg5[%add3A, %dma_start3A] : memref<4x16xf32, #tpu.memory_space<hbm>> -> memref<1x16xf32, #tpu.memory_space<hbm>>
        %dma_start3A_3247 = tpu.memref_squeeze %dma_start3A_3246 : memref<1x16xf32, #tpu.memory_space<hbm>> -> memref<16xf32, #tpu.memory_space<hbm>>
        %dma_start3A_3248 = arith.constant 0 : i32
        %dma_start3A_3249 = tpu.memref_slice %arg5[%add3A, %dma_start3A_3248] : memref<4x16xf32, #tpu.memory_space<hbm>> -> memref<1x16xf32, #tpu.memory_space<hbm>>
        %dma_start3A_3250 = tpu.memref_squeeze %dma_start3A_3249 : memref<1x16xf32, #tpu.memory_space<hbm>> -> memref<16xf32, #tpu.memory_space<hbm>>
        tpu.enqueue_dma source(%arg9 : memref<16xf32, #tpu.memory_space<vmem>>) target(%dma_start3A_3250 : memref<16xf32, #tpu.memory_space<hbm>>) target_semaphore(%run_scoped3A : memref<!tpu.dma_semaphore, #tpu.memory_space<semaphore_mem>>)
        %dma_wait3A = arith.constant 0 : i32
        %dma_wait3A_3251 = tpu.memref_slice %arg5[%add3A, %dma_wait3A] : memref<4x16xf32, #tpu.memory_space<hbm>> -> memref<1x16xf32, #tpu.memory_space<hbm>>
        %dma_wait3A_3252 = tpu.memref_squeeze %dma_wait3A_3251 : memref<1x16xf32, #tpu.memory_space<hbm>> -> memref<16xf32, #tpu.memory_space<hbm>>
        %dma_wait3A_3253 = arith.constant 0 : i32
        %dma_wait3A_3254 = tpu.memref_slice %arg5[%add3A, %dma_wait3A_3253] : memref<4x16xf32, #tpu.memory_space<hbm>> -> memref<1x16xf32, #tpu.memory_space<hbm>>
        %dma_wait3A_3255 = tpu.memref_squeeze %dma_wait3A_3254 : memref<1x16xf32, #tpu.memory_space<hbm>> -> memref<16xf32, #tpu.memory_space<hbm>>
        tpu.wait_dma2 semaphore(%run_scoped3A : memref<!tpu.dma_semaphore, #tpu.memory_space<semaphore_mem>>) src(%arg9 : memref<16xf32, #tpu.memory_space<vmem>>) dst(%dma_wait3A_3255 : memref<16xf32, #tpu.memory_space<hbm>>)
        tpu.yield
      }) : () -> ()
    } else {
    }
    return
  }
}

module attributes {stable_mosaic.version = 14 : i64} {
  func.func @_score_tile_kernel(%arg0: i32, %arg1: memref<392x256xf32, #tpu.memory_space<vmem>>, %arg2: memref<8192x256xf32, #tpu.memory_space<vmem>>, %arg3: memref<392x1xf32, #tpu.memory_space<vmem>>, %arg4: memref<1x8192xf32, #tpu.memory_space<vmem>>) attributes {dimension_semantics = [#tpu.dimension_semantics<arbitrary>], iteration_bounds = array<i64: 8>, scalar_prefetch = 0 : i64, scratch_operands = 1 : i64, tpu.core_type = #tpu.core_type<tc>, window_params = [{transform_indices = @transform_0, window_bounds = array<i64: 392, 256>}, {pipeline_mode = #tpu.pipeline_mode<synchronous>, transform_indices = @transform_1, window_bounds = array<i64: 8192, 256>}, {transform_indices = @transform_2, window_bounds = array<i64: 392, 1>}]} {
    %eq3A = arith.constant 0 : i32
    %eq3A_0 = arith.cmpi eq, %arg0, %eq3A : i32
    %convert_element_type3A = arith.extui %eq3A_0 : i1 to i32
    %cond3A = arith.constant 0 : i32
    %cond3A_1 = arith.cmpi ne, %convert_element_type3A, %cond3A : i32
    scf.if %cond3A_1 {
      %get3A_612 = arith.constant 0 : index
      %get3A_613 = arith.constant 0 : index
      %get3A_614 = vector.load %arg2[%get3A_612, %get3A_613] : memref<8192x256xf32, #tpu.memory_space<vmem>>, vector<8192x256xf32>
      %broadcast_in_dim3A_615 = arith.constant 1.000000e+00 : f32
      %broadcast_in_dim3A_616 = vector.broadcast %broadcast_in_dim3A_615 : f32 to vector<1x256xf32>
      %mul3A_617 = arith.mulf %get3A_614, %get3A_614 : vector<8192x256xf32>
      %dot_general3A_618 = arith.constant dense<0.000000e+00> : vector<1x8192xf32>
      %dot_general3A_619 = tpu.matmul %broadcast_in_dim3A_616, %mul3A_617, %dot_general3A_618 {dimension_numbers = #tpu.dot_dimension_numbers<[1], [1], [0], [0], [0, 0, 1, 0], [], []>, transpose_lhs_hint = false} : vector<1x256xf32>, vector<8192x256xf32>, vector<1x8192xf32> -> vector<1x8192xf32>
      %mul3A_620 = arith.constant 5.000000e-01 : f32
      %mul3A_621 = vector.broadcast %mul3A_620 : f32 to vector<1x8192xf32>
      %mul3A_622 = arith.mulf %mul3A_621, %dot_general3A_619 : vector<1x8192xf32>
      %swap3A_623 = arith.constant 0 : index
      %swap3A_624 = arith.constant 0 : index
      %swap3A_625 = vector.load %arg4[%swap3A_623, %swap3A_624] : memref<1x8192xf32, #tpu.memory_space<vmem>>, vector<1x8192xf32>
      tpu.vector_store %arg4[%swap3A_623, %swap3A_624], %mul3A_622 {strides = array<i32>} : memref<1x8192xf32, #tpu.memory_space<vmem>>, vector<1x8192xf32>,
    } else {
    }
    %get3A = arith.constant 0 : index
    %get3A_2 = arith.constant 0 : index
    %get3A_3 = vector.load %arg1[%get3A, %get3A_2] : memref<392x256xf32, #tpu.memory_space<vmem>>, vector<392x256xf32>
    %mul3A = arith.mulf %get3A_3, %get3A_3 : vector<392x256xf32>
    %reduce_sum3A = arith.constant dense<0.000000e+00> : vector<392xf32>
    %reduce_sum3A_4 = vector.multi_reduction <add>, %mul3A, %reduce_sum3A [1] : vector<392x256xf32> to vector<392xf32>
    %broadcast_in_dim3A = vector.shape_cast %reduce_sum3A_4 : vector<392xf32> to vector<392x1xf32>
    %mul3A_5 = arith.constant 5.000000e-01 : f32
    %mul3A_6 = vector.broadcast %mul3A_5 : f32 to vector<392x1xf32>
    %mul3A_7 = arith.mulf %mul3A_6, %broadcast_in_dim3A : vector<392x1xf32>
    %get3A_8 = arith.constant 0 : index
    %get3A_9 = arith.constant 0 : index
    %get3A_10 = vector.load %arg2[%get3A_8, %get3A_9] : memref<8192x256xf32, #tpu.memory_space<vmem>>, vector<8192x256xf32>
    %dot_general3A = arith.constant dense<0.000000e+00> : vector<392x8192xf32>
    %dot_general3A_11 = tpu.matmul %get3A_3, %get3A_10, %dot_general3A {dimension_numbers = #tpu.dot_dimension_numbers<[1], [1], [0], [0], [0, 0, 1, 0], [], []>, transpose_lhs_hint = false} : vector<392x256xf32>, vector<8192x256xf32>, vector<392x8192xf32> -> vector<392x8192xf32>
    %sub3A = vector.broadcast %mul3A_7 : vector<392x1xf32> to vector<392x8192xf32>
    %sub3A_12 = arith.subf %dot_general3A_11, %sub3A : vector<392x8192xf32>
    %get3A_13 = arith.constant 0 : index
    %get3A_14 = arith.constant 0 : index
    %get3A_15 = vector.load %arg4[%get3A_13, %get3A_14] : memref<1x8192xf32, #tpu.memory_space<vmem>>, vector<1x8192xf32>
    %sub3A_16 = vector.broadcast %get3A_15 : vector<1x8192xf32> to vector<392x8192xf32>
    %sub3A_17 = arith.subf %sub3A_12, %sub3A_16 : vector<392x8192xf32>
    %min3A = arith.constant 0.000000e+00 : f32
    %min3A_18 = vector.broadcast %min3A : f32 to vector<392x8192xf32>
    %min3A_19 = arith.minimumf %sub3A_17, %min3A_18 : vector<392x8192xf32>
    %exp3A = math.exp %min3A_19 : vector<392x8192xf32>
    %broadcast_in_dim3A_20 = arith.constant 1.000000e+00 : f32
    %broadcast_in_dim3A_21 = vector.broadcast %broadcast_in_dim3A_20 : f32 to vector<8192x1xf32>
    %dot_general3A_22 = arith.constant dense<0.000000e+00> : vector<392x1xf32>
    %dot_general3A_23 = tpu.matmul %exp3A, %broadcast_in_dim3A_21, %dot_general3A_22 {dimension_numbers = #tpu.dot_dimension_numbers<[1], [0], [0], [1], [0, 0, 1, 1], [], []>, transpose_lhs_hint = false} : vector<392x8192xf32>, vector<8192x1xf32>, vector<392x1xf32> -> vector<392x1xf32>
    %mul3A_24 = arith.constant 1.22070313E-4 : f32
    %mul3A_25 = vector.broadcast %mul3A_24 : f32 to vector<392x1xf32>
    %mul3A_26 = arith.mulf %dot_general3A_23, %mul3A_25 : vector<392x1xf32>
    %slice3A = vector.extract_strided_slice %sub3A_17 {offsets = [0, 0], sizes = [392, 128], strides = [1, 1]} : vector<392x8192xf32> to vector<392x128xf32>
    %slice3A_27 = vector.extract_strided_slice %sub3A_17 {offsets = [0, 128], sizes = [392, 128], strides = [1, 1]} : vector<392x8192xf32> to vector<392x128xf32>
    %slice3A_28 = vector.extract_strided_slice %sub3A_17 {offsets = [0, 256], sizes = [392, 128], strides = [1, 1]} : vector<392x8192xf32> to vector<392x128xf32>
    %slice3A_29 = vector.extract_strided_slice %sub3A_17 {offsets = [0, 384], sizes = [392, 128], strides = [1, 1]} : vector<392x8192xf32> to vector<392x128xf32>
    %slice3A_30 = vector.extract_strided_slice %sub3A_17 {offsets = [0, 512], sizes = [392, 128], strides = [1, 1]} : vector<392x8192xf32> to vector<392x128xf32>
    %slice3A_31 = vector.extract_strided_slice %sub3A_17 {offsets = [0, 640], sizes = [392, 128], strides = [1, 1]} : vector<392x8192xf32> to vector<392x128xf32>
    %slice3A_32 = vector.extract_strided_slice %sub3A_17 {offsets = [0, 768], sizes = [392, 128], strides = [1, 1]} : vector<392x8192xf32> to vector<392x128xf32>
    %slice3A_33 = vector.extract_strided_slice %sub3A_17 {offsets = [0, 896], sizes = [392, 128], strides = [1, 1]} : vector<392x8192xf32> to vector<392x128xf32>
    %slice3A_34 = vector.extract_strided_slice %sub3A_17 {offsets = [0, 1024], sizes = [392, 128], strides = [1, 1]} : vector<392x8192xf32> to vector<392x128xf32>
    %slice3A_35 = vector.extract_strided_slice %sub3A_17 {offsets = [0, 1152], sizes = [392, 128], strides = [1, 1]} : vector<392x8192xf32> to vector<392x128xf32>
    %slice3A_36 = vector.extract_strided_slice %sub3A_17 {offsets = [0, 1280], sizes = [392, 128], strides = [1, 1]} : vector<392x8192xf32> to vector<392x128xf32>
    %slice3A_37 = vector.extract_strided_slice %sub3A_17 {offsets = [0, 1408], sizes = [392, 128], strides = [1, 1]} : vector<392x8192xf32> to vector<392x128xf32>
    %slice3A_38 = vector.extract_strided_slice %sub3A_17 {offsets = [0, 1536], sizes = [392, 128], strides = [1, 1]} : vector<392x8192xf32> to vector<392x128xf32>
    %slice3A_39 = vector.extract_strided_slice %sub3A_17 {offsets = [0, 1664], sizes = [392, 128], strides = [1, 1]} : vector<392x8192xf32> to vector<392x128xf32>
    %slice3A_40 = vector.extract_strided_slice %sub3A_17 {offsets = [0, 1792], sizes = [392, 128], strides = [1, 1]} : vector<392x8192xf32> to vector<392x128xf32>
    %slice3A_41 = vector.extract_strided_slice %sub3A_17 {offsets = [0, 1920], sizes = [392, 128], strides = [1, 1]} : vector<392x8192xf32> to vector<392x128xf32>
    %slice3A_42 = vector.extract_strided_slice %sub3A_17 {offsets = [0, 2048], sizes = [392, 128], strides = [1, 1]} : vector<392x8192xf32> to vector<392x128xf32>
    %slice3A_43 = vector.extract_strided_slice %sub3A_17 {offsets = [0, 2176], sizes = [392, 128], strides = [1, 1]} : vector<392x8192xf32> to vector<392x128xf32>
    %slice3A_44 = vector.extract_strided_slice %sub3A_17 {offsets = [0, 2304], sizes = [392, 128], strides = [1, 1]} : vector<392x8192xf32> to vector<392x128xf32>
    %slice3A_45 = vector.extract_strided_slice %sub3A_17 {offsets = [0, 2432], sizes = [392, 128], strides = [1, 1]} : vector<392x8192xf32> to vector<392x128xf32>
    %slice3A_46 = vector.extract_strided_slice %sub3A_17 {offsets = [0, 2560], sizes = [392, 128], strides = [1, 1]} : vector<392x8192xf32> to vector<392x128xf32>
    %slice3A_47 = vector.extract_strided_slice %sub3A_17 {offsets = [0, 2688], sizes = [392, 128], strides = [1, 1]} : vector<392x8192xf32> to vector<392x128xf32>
    %slice3A_48 = vector.extract_strided_slice %sub3A_17 {offsets = [0, 2816], sizes = [392, 128], strides = [1, 1]} : vector<392x8192xf32> to vector<392x128xf32>
    %slice3A_49 = vector.extract_strided_slice %sub3A_17 {offsets = [0, 2944], sizes = [392, 128], strides = [1, 1]} : vector<392x8192xf32> to vector<392x128xf32>
    %slice3A_50 = vector.extract_strided_slice %sub3A_17 {offsets = [0, 3072], sizes = [392, 128], strides = [1, 1]} : vector<392x8192xf32> to vector<392x128xf32>
    %slice3A_51 = vector.extract_strided_slice %sub3A_17 {offsets = [0, 3200], sizes = [392, 128], strides = [1, 1]} : vector<392x8192xf32> to vector<392x128xf32>
    %slice3A_52 = vector.extract_strided_slice %sub3A_17 {offsets = [0, 3328], sizes = [392, 128], strides = [1, 1]} : vector<392x8192xf32> to vector<392x128xf32>
    %slice3A_53 = vector.extract_strided_slice %sub3A_17 {offsets = [0, 3456], sizes = [392, 128], strides = [1, 1]} : vector<392x8192xf32> to vector<392x128xf32>
    %slice3A_54 = vector.extract_strided_slice %sub3A_17 {offsets = [0, 3584], sizes = [392, 128], strides = [1, 1]} : vector<392x8192xf32> to vector<392x128xf32>
    %slice3A_55 = vector.extract_strided_slice %sub3A_17 {offsets = [0, 3712], sizes = [392, 128], strides = [1, 1]} : vector<392x8192xf32> to vector<392x128xf32>
    %slice3A_56 = vector.extract_strided_slice %sub3A_17 {offsets = [0, 3840], sizes = [392, 128], strides = [1, 1]} : vector<392x8192xf32> to vector<392x128xf32>
    %slice3A_57 = vector.extract_strided_slice %sub3A_17 {offsets = [0, 3968], sizes = [392, 128], strides = [1, 1]} : vector<392x8192xf32> to vector<392x128xf32>
    %slice3A_58 = vector.extract_strided_slice %sub3A_17 {offsets = [0, 4096], sizes = [392, 128], strides = [1, 1]} : vector<392x8192xf32> to vector<392x128xf32>
    %slice3A_59 = vector.extract_strided_slice %sub3A_17 {offsets = [0, 4224], sizes = [392, 128], strides = [1, 1]} : vector<392x8192xf32> to vector<392x128xf32>
    %slice3A_60 = vector.extract_strided_slice %sub3A_17 {offsets = [0, 4352], sizes = [392, 128], strides = [1, 1]} : vector<392x8192xf32> to vector<392x128xf32>
    %slice3A_61 = vector.extract_strided_slice %sub3A_17 {offsets = [0, 4480], sizes = [392, 128], strides = [1, 1]} : vector<392x8192xf32> to vector<392x128xf32>
    %slice3A_62 = vector.extract_strided_slice %sub3A_17 {offsets = [0, 4608], sizes = [392, 128], strides = [1, 1]} : vector<392x8192xf32> to vector<392x128xf32>
    %slice3A_63 = vector.extract_strided_slice %sub3A_17 {offsets = [0, 4736], sizes = [392, 128], strides = [1, 1]} : vector<392x8192xf32> to vector<392x128xf32>
    %slice3A_64 = vector.extract_strided_slice %sub3A_17 {offsets = [0, 4864], sizes = [392, 128], strides = [1, 1]} : vector<392x8192xf32> to vector<392x128xf32>
    %slice3A_65 = vector.extract_strided_slice %sub3A_17 {offsets = [0, 4992], sizes = [392, 128], strides = [1, 1]} : vector<392x8192xf32> to vector<392x128xf32>
    %slice3A_66 = vector.extract_strided_slice %sub3A_17 {offsets = [0, 5120], sizes = [392, 128], strides = [1, 1]} : vector<392x8192xf32> to vector<392x128xf32>
    %slice3A_67 = vector.extract_strided_slice %sub3A_17 {offsets = [0, 5248], sizes = [392, 128], strides = [1, 1]} : vector<392x8192xf32> to vector<392x128xf32>
    %slice3A_68 = vector.extract_strided_slice %sub3A_17 {offsets = [0, 5376], sizes = [392, 128], strides = [1, 1]} : vector<392x8192xf32> to vector<392x128xf32>
    %slice3A_69 = vector.extract_strided_slice %sub3A_17 {offsets = [0, 5504], sizes = [392, 128], strides = [1, 1]} : vector<392x8192xf32> to vector<392x128xf32>
    %slice3A_70 = vector.extract_strided_slice %sub3A_17 {offsets = [0, 5632], sizes = [392, 128], strides = [1, 1]} : vector<392x8192xf32> to vector<392x128xf32>
    %slice3A_71 = vector.extract_strided_slice %sub3A_17 {offsets = [0, 5760], sizes = [392, 128], strides = [1, 1]} : vector<392x8192xf32> to vector<392x128xf32>
    %slice3A_72 = vector.extract_strided_slice %sub3A_17 {offsets = [0, 5888], sizes = [392, 128], strides = [1, 1]} : vector<392x8192xf32> to vector<392x128xf32>
    %slice3A_73 = vector.extract_strided_slice %sub3A_17 {offsets = [0, 6016], sizes = [392, 128], strides = [1, 1]} : vector<392x8192xf32> to vector<392x128xf32>
    %slice3A_74 = vector.extract_strided_slice %sub3A_17 {offsets = [0, 6144], sizes = [392, 128], strides = [1, 1]} : vector<392x8192xf32> to vector<392x128xf32>
    %slice3A_75 = vector.extract_strided_slice %sub3A_17 {offsets = [0, 6272], sizes = [392, 128], strides = [1, 1]} : vector<392x8192xf32> to vector<392x128xf32>
    %slice3A_76 = vector.extract_strided_slice %sub3A_17 {offsets = [0, 6400], sizes = [392, 128], strides = [1, 1]} : vector<392x8192xf32> to vector<392x128xf32>
    %slice3A_77 = vector.extract_strided_slice %sub3A_17 {offsets = [0, 6528], sizes = [392, 128], strides = [1, 1]} : vector<392x8192xf32> to vector<392x128xf32>
    %slice3A_78 = vector.extract_strided_slice %sub3A_17 {offsets = [0, 6656], sizes = [392, 128], strides = [1, 1]} : vector<392x8192xf32> to vector<392x128xf32>
    %slice3A_79 = vector.extract_strided_slice %sub3A_17 {offsets = [0, 6784], sizes = [392, 128], strides = [1, 1]} : vector<392x8192xf32> to vector<392x128xf32>
    %slice3A_80 = vector.extract_strided_slice %sub3A_17 {offsets = [0, 6912], sizes = [392, 128], strides = [1, 1]} : vector<392x8192xf32> to vector<392x128xf32>
    %slice3A_81 = vector.extract_strided_slice %sub3A_17 {offsets = [0, 7040], sizes = [392, 128], strides = [1, 1]} : vector<392x8192xf32> to vector<392x128xf32>
    %slice3A_82 = vector.extract_strided_slice %sub3A_17 {offsets = [0, 7168], sizes = [392, 128], strides = [1, 1]} : vector<392x8192xf32> to vector<392x128xf32>
    %slice3A_83 = vector.extract_strided_slice %sub3A_17 {offsets = [0, 7296], sizes = [392, 128], strides = [1, 1]} : vector<392x8192xf32> to vector<392x128xf32>
    %slice3A_84 = vector.extract_strided_slice %sub3A_17 {offsets = [0, 7424], sizes = [392, 128], strides = [1, 1]} : vector<392x8192xf32> to vector<392x128xf32>
    %slice3A_85 = vector.extract_strided_slice %sub3A_17 {offsets = [0, 7552], sizes = [392, 128], strides = [1, 1]} : vector<392x8192xf32> to vector<392x128xf32>
    %slice3A_86 = vector.extract_strided_slice %sub3A_17 {offsets = [0, 7680], sizes = [392, 128], strides = [1, 1]} : vector<392x8192xf32> to vector<392x128xf32>
    %slice3A_87 = vector.extract_strided_slice %sub3A_17 {offsets = [0, 7808], sizes = [392, 128], strides = [1, 1]} : vector<392x8192xf32> to vector<392x128xf32>
    %slice3A_88 = vector.extract_strided_slice %sub3A_17 {offsets = [0, 7936], sizes = [392, 128], strides = [1, 1]} : vector<392x8192xf32> to vector<392x128xf32>
    %slice3A_89 = vector.extract_strided_slice %sub3A_17 {offsets = [0, 8064], sizes = [392, 128], strides = [1, 1]} : vector<392x8192xf32> to vector<392x128xf32>
    %max3A = arith.maximumf %slice3A, %slice3A_27 : vector<392x128xf32>
    %min3A_90 = arith.minimumf %slice3A, %slice3A_27 : vector<392x128xf32>
    %max3A_91 = arith.maximumf %slice3A_28, %slice3A_29 : vector<392x128xf32>
    %min3A_92 = arith.minimumf %slice3A_28, %slice3A_29 : vector<392x128xf32>
    %max3A_93 = arith.maximumf %slice3A_30, %slice3A_31 : vector<392x128xf32>
    %min3A_94 = arith.minimumf %slice3A_30, %slice3A_31 : vector<392x128xf32>
    %max3A_95 = arith.maximumf %slice3A_32, %slice3A_33 : vector<392x128xf32>
    %min3A_96 = arith.minimumf %slice3A_32, %slice3A_33 : vector<392x128xf32>
    %max3A_97 = arith.maximumf %slice3A_34, %slice3A_35 : vector<392x128xf32>
    %min3A_98 = arith.minimumf %slice3A_34, %slice3A_35 : vector<392x128xf32>
    %max3A_99 = arith.maximumf %slice3A_36, %slice3A_37 : vector<392x128xf32>
    %min3A_100 = arith.minimumf %slice3A_36, %slice3A_37 : vector<392x128xf32>
    %max3A_101 = arith.maximumf %slice3A_38, %slice3A_39 : vector<392x128xf32>
    %min3A_102 = arith.minimumf %slice3A_38, %slice3A_39 : vector<392x128xf32>
    %max3A_103 = arith.maximumf %slice3A_40, %slice3A_41 : vector<392x128xf32>
    %min3A_104 = arith.minimumf %slice3A_40, %slice3A_41 : vector<392x128xf32>
    %max3A_105 = arith.maximumf %slice3A_42, %slice3A_43 : vector<392x128xf32>
    %min3A_106 = arith.minimumf %slice3A_42, %slice3A_43 : vector<392x128xf32>
    %max3A_107 = arith.maximumf %slice3A_44, %slice3A_45 : vector<392x128xf32>
    %min3A_108 = arith.minimumf %slice3A_44, %slice3A_45 : vector<392x128xf32>
    %max3A_109 = arith.maximumf %slice3A_46, %slice3A_47 : vector<392x128xf32>
    %min3A_110 = arith.minimumf %slice3A_46, %slice3A_47 : vector<392x128xf32>
    %max3A_111 = arith.maximumf %slice3A_48, %slice3A_49 : vector<392x128xf32>
    %min3A_112 = arith.minimumf %slice3A_48, %slice3A_49 : vector<392x128xf32>
    %max3A_113 = arith.maximumf %slice3A_50, %slice3A_51 : vector<392x128xf32>
    %min3A_114 = arith.minimumf %slice3A_50, %slice3A_51 : vector<392x128xf32>
    %max3A_115 = arith.maximumf %slice3A_52, %slice3A_53 : vector<392x128xf32>
    %min3A_116 = arith.minimumf %slice3A_52, %slice3A_53 : vector<392x128xf32>
    %max3A_117 = arith.maximumf %slice3A_54, %slice3A_55 : vector<392x128xf32>
    %min3A_118 = arith.minimumf %slice3A_54, %slice3A_55 : vector<392x128xf32>
    %max3A_119 = arith.maximumf %slice3A_56, %slice3A_57 : vector<392x128xf32>
    %min3A_120 = arith.minimumf %slice3A_56, %slice3A_57 : vector<392x128xf32>
    %max3A_121 = arith.maximumf %slice3A_58, %slice3A_59 : vector<392x128xf32>
    %min3A_122 = arith.minimumf %slice3A_58, %slice3A_59 : vector<392x128xf32>
    %max3A_123 = arith.maximumf %slice3A_60, %slice3A_61 : vector<392x128xf32>
    %min3A_124 = arith.minimumf %slice3A_60, %slice3A_61 : vector<392x128xf32>
    %max3A_125 = arith.maximumf %slice3A_62, %slice3A_63 : vector<392x128xf32>
    %min3A_126 = arith.minimumf %slice3A_62, %slice3A_63 : vector<392x128xf32>
    %max3A_127 = arith.maximumf %slice3A_64, %slice3A_65 : vector<392x128xf32>
    %min3A_128 = arith.minimumf %slice3A_64, %slice3A_65 : vector<392x128xf32>
    %max3A_129 = arith.maximumf %slice3A_66, %slice3A_67 : vector<392x128xf32>
    %min3A_130 = arith.minimumf %slice3A_66, %slice3A_67 : vector<392x128xf32>
    %max3A_131 = arith.maximumf %slice3A_68, %slice3A_69 : vector<392x128xf32>
    %min3A_132 = arith.minimumf %slice3A_68, %slice3A_69 : vector<392x128xf32>
    %max3A_133 = arith.maximumf %slice3A_70, %slice3A_71 : vector<392x128xf32>
    %min3A_134 = arith.minimumf %slice3A_70, %slice3A_71 : vector<392x128xf32>
    %max3A_135 = arith.maximumf %slice3A_72, %slice3A_73 : vector<392x128xf32>
    %min3A_136 = arith.minimumf %slice3A_72, %slice3A_73 : vector<392x128xf32>
    %max3A_137 = arith.maximumf %slice3A_74, %slice3A_75 : vector<392x128xf32>
    %min3A_138 = arith.minimumf %slice3A_74, %slice3A_75 : vector<392x128xf32>
    %max3A_139 = arith.maximumf %slice3A_76, %slice3A_77 : vector<392x128xf32>
    %min3A_140 = arith.minimumf %slice3A_76, %slice3A_77 : vector<392x128xf32>
    %max3A_141 = arith.maximumf %slice3A_78, %slice3A_79 : vector<392x128xf32>
    %min3A_142 = arith.minimumf %slice3A_78, %slice3A_79 : vector<392x128xf32>
    %max3A_143 = arith.maximumf %slice3A_80, %slice3A_81 : vector<392x128xf32>
    %min3A_144 = arith.minimumf %slice3A_80, %slice3A_81 : vector<392x128xf32>
    %max3A_145 = arith.maximumf %slice3A_82, %slice3A_83 : vector<392x128xf32>
    %min3A_146 = arith.minimumf %slice3A_82, %slice3A_83 : vector<392x128xf32>
    %max3A_147 = arith.maximumf %slice3A_84, %slice3A_85 : vector<392x128xf32>
    %min3A_148 = arith.minimumf %slice3A_84, %slice3A_85 : vector<392x128xf32>
    %max3A_149 = arith.maximumf %slice3A_86, %slice3A_87 : vector<392x128xf32>
    %min3A_150 = arith.minimumf %slice3A_86, %slice3A_87 : vector<392x128xf32>
    %max3A_151 = arith.maximumf %slice3A_88, %slice3A_89 : vector<392x128xf32>
    %min3A_152 = arith.minimumf %slice3A_88, %slice3A_89 : vector<392x128xf32>
    %max3A_153 = arith.maximumf %max3A, %max3A_91 : vector<392x128xf32>
    %min3A_154 = arith.minimumf %max3A, %max3A_91 : vector<392x128xf32>
    %max3A_155 = arith.maximumf %max3A_93, %max3A_95 : vector<392x128xf32>
    %min3A_156 = arith.minimumf %max3A_93, %max3A_95 : vector<392x128xf32>
    %max3A_157 = arith.maximumf %max3A_97, %max3A_99 : vector<392x128xf32>
    %min3A_158 = arith.minimumf %max3A_97, %max3A_99 : vector<392x128xf32>
    %max3A_159 = arith.maximumf %max3A_101, %max3A_103 : vector<392x128xf32>
    %min3A_160 = arith.minimumf %max3A_101, %max3A_103 : vector<392x128xf32>
    %max3A_161 = arith.maximumf %max3A_105, %max3A_107 : vector<392x128xf32>
    %min3A_162 = arith.minimumf %max3A_105, %max3A_107 : vector<392x128xf32>
    %max3A_163 = arith.maximumf %max3A_109, %max3A_111 : vector<392x128xf32>
    %min3A_164 = arith.minimumf %max3A_109, %max3A_111 : vector<392x128xf32>
    %max3A_165 = arith.maximumf %max3A_113, %max3A_115 : vector<392x128xf32>
    %min3A_166 = arith.minimumf %max3A_113, %max3A_115 : vector<392x128xf32>
    %max3A_167 = arith.maximumf %max3A_117, %max3A_119 : vector<392x128xf32>
    %min3A_168 = arith.minimumf %max3A_117, %max3A_119 : vector<392x128xf32>
    %max3A_169 = arith.maximumf %max3A_121, %max3A_123 : vector<392x128xf32>
    %min3A_170 = arith.minimumf %max3A_121, %max3A_123 : vector<392x128xf32>
    %max3A_171 = arith.maximumf %max3A_125, %max3A_127 : vector<392x128xf32>
    %min3A_172 = arith.minimumf %max3A_125, %max3A_127 : vector<392x128xf32>
    %max3A_173 = arith.maximumf %max3A_129, %max3A_131 : vector<392x128xf32>
    %min3A_174 = arith.minimumf %max3A_129, %max3A_131 : vector<392x128xf32>
    %max3A_175 = arith.maximumf %max3A_133, %max3A_135 : vector<392x128xf32>
    %min3A_176 = arith.minimumf %max3A_133, %max3A_135 : vector<392x128xf32>
    %max3A_177 = arith.maximumf %max3A_137, %max3A_139 : vector<392x128xf32>
    %min3A_178 = arith.minimumf %max3A_137, %max3A_139 : vector<392x128xf32>
    %max3A_179 = arith.maximumf %max3A_141, %max3A_143 : vector<392x128xf32>
    %min3A_180 = arith.minimumf %max3A_141, %max3A_143 : vector<392x128xf32>
    %max3A_181 = arith.maximumf %max3A_145, %max3A_147 : vector<392x128xf32>
    %min3A_182 = arith.minimumf %max3A_145, %max3A_147 : vector<392x128xf32>
    %max3A_183 = arith.maximumf %max3A_149, %max3A_151 : vector<392x128xf32>
    %min3A_184 = arith.minimumf %max3A_149, %max3A_151 : vector<392x128xf32>
    %max3A_185 = arith.maximumf %max3A_153, %max3A_155 : vector<392x128xf32>
    %min3A_186 = arith.minimumf %max3A_153, %max3A_155 : vector<392x128xf32>
    %max3A_187 = arith.maximumf %max3A_157, %max3A_159 : vector<392x128xf32>
    %min3A_188 = arith.minimumf %max3A_157, %max3A_159 : vector<392x128xf32>
    %max3A_189 = arith.maximumf %max3A_161, %max3A_163 : vector<392x128xf32>
    %min3A_190 = arith.minimumf %max3A_161, %max3A_163 : vector<392x128xf32>
    %max3A_191 = arith.maximumf %max3A_165, %max3A_167 : vector<392x128xf32>
    %min3A_192 = arith.minimumf %max3A_165, %max3A_167 : vector<392x128xf32>
    %max3A_193 = arith.maximumf %max3A_169, %max3A_171 : vector<392x128xf32>
    %min3A_194 = arith.minimumf %max3A_169, %max3A_171 : vector<392x128xf32>
    %max3A_195 = arith.maximumf %max3A_173, %max3A_175 : vector<392x128xf32>
    %min3A_196 = arith.minimumf %max3A_173, %max3A_175 : vector<392x128xf32>
    %max3A_197 = arith.maximumf %max3A_177, %max3A_179 : vector<392x128xf32>
    %min3A_198 = arith.minimumf %max3A_177, %max3A_179 : vector<392x128xf32>
    %max3A_199 = arith.maximumf %max3A_181, %max3A_183 : vector<392x128xf32>
    %min3A_200 = arith.minimumf %max3A_181, %max3A_183 : vector<392x128xf32>
    %max3A_201 = arith.maximumf %max3A_185, %max3A_187 : vector<392x128xf32>
    %min3A_202 = arith.minimumf %max3A_185, %max3A_187 : vector<392x128xf32>
    %max3A_203 = arith.maximumf %max3A_189, %max3A_191 : vector<392x128xf32>
    %min3A_204 = arith.minimumf %max3A_189, %max3A_191 : vector<392x128xf32>
    %max3A_205 = arith.maximumf %max3A_193, %max3A_195 : vector<392x128xf32>
    %min3A_206 = arith.minimumf %max3A_193, %max3A_195 : vector<392x128xf32>
    %max3A_207 = arith.maximumf %max3A_197, %max3A_199 : vector<392x128xf32>
    %min3A_208 = arith.minimumf %max3A_197, %max3A_199 : vector<392x128xf32>
    %max3A_209 = arith.maximumf %max3A_201, %max3A_203 : vector<392x128xf32>
    %min3A_210 = arith.minimumf %max3A_201, %max3A_203 : vector<392x128xf32>
    %max3A_211 = arith.maximumf %min3A_210, %max3A_205 : vector<392x128xf32>
    %min3A_212 = arith.minimumf %min3A_210, %max3A_205 : vector<392x128xf32>
    %max3A_213 = arith.maximumf %max3A_209, %max3A_211 : vector<392x128xf32>
    %min3A_214 = arith.minimumf %max3A_209, %max3A_211 : vector<392x128xf32>
    %max3A_215 = arith.maximumf %min3A_212, %max3A_207 : vector<392x128xf32>
    %min3A_216 = arith.minimumf %min3A_212, %max3A_207 : vector<392x128xf32>
    %max3A_217 = arith.maximumf %min3A_214, %max3A_215 : vector<392x128xf32>
    %min3A_218 = arith.minimumf %min3A_214, %max3A_215 : vector<392x128xf32>
    %max3A_219 = arith.maximumf %max3A_213, %max3A_217 : vector<392x128xf32>
    %min3A_220 = arith.minimumf %max3A_213, %max3A_217 : vector<392x128xf32>
    %max3A_221 = arith.maximumf %min3A_202, %min3A_204 : vector<392x128xf32>
    %min3A_222 = arith.minimumf %min3A_202, %min3A_204 : vector<392x128xf32>
    %max3A_223 = arith.maximumf %min3A_206, %min3A_208 : vector<392x128xf32>
    %min3A_224 = arith.minimumf %min3A_206, %min3A_208 : vector<392x128xf32>
    %max3A_225 = arith.maximumf %max3A_221, %max3A_223 : vector<392x128xf32>
    %min3A_226 = arith.minimumf %max3A_221, %max3A_223 : vector<392x128xf32>
    %max3A_227 = arith.maximumf %min3A_222, %min3A_224 : vector<392x128xf32>
    %max3A_228 = arith.maximumf %max3A_225, %max3A_227 : vector<392x128xf32>
    %min3A_229 = arith.minimumf %max3A_225, %max3A_227 : vector<392x128xf32>
    %max3A_230 = arith.maximumf %min3A_226, %min3A_229 : vector<392x128xf32>
    %max3A_231 = arith.maximumf %max3A_219, %max3A_228 : vector<392x128xf32>
    %min3A_232 = arith.minimumf %max3A_219, %max3A_228 : vector<392x128xf32>
    %max3A_233 = arith.maximumf %min3A_220, %max3A_230 : vector<392x128xf32>
    %max3A_234 = arith.maximumf %max3A_233, %min3A_232 : vector<392x128xf32>
    %min3A_235 = arith.minimumf %max3A_219, %max3A_230 : vector<392x128xf32>
    %min3A_236 = arith.minimumf %min3A_220, %max3A_228 : vector<392x128xf32>
    %max3A_237 = arith.maximumf %min3A_218, %min3A_235 : vector<392x128xf32>
    %max3A_238 = arith.maximumf %max3A_237, %min3A_236 : vector<392x128xf32>
    %min3A_239 = arith.minimumf %min3A_220, %max3A_230 : vector<392x128xf32>
    %min3A_240 = arith.minimumf %min3A_218, %max3A_228 : vector<392x128xf32>
    %max3A_241 = arith.maximumf %min3A_216, %min3A_239 : vector<392x128xf32>
    %max3A_242 = arith.maximumf %max3A_241, %min3A_240 : vector<392x128xf32>
    %min3A_243 = arith.minimumf %min3A_218, %max3A_230 : vector<392x128xf32>
    %min3A_244 = arith.minimumf %min3A_216, %max3A_228 : vector<392x128xf32>
    %max3A_245 = arith.maximumf %min3A_243, %min3A_244 : vector<392x128xf32>
    %max3A_246 = arith.maximumf %min3A_186, %min3A_188 : vector<392x128xf32>
    %min3A_247 = arith.minimumf %min3A_186, %min3A_188 : vector<392x128xf32>
    %max3A_248 = arith.maximumf %min3A_190, %min3A_192 : vector<392x128xf32>
    %min3A_249 = arith.minimumf %min3A_190, %min3A_192 : vector<392x128xf32>
    %max3A_250 = arith.maximumf %min3A_194, %min3A_196 : vector<392x128xf32>
    %min3A_251 = arith.minimumf %min3A_194, %min3A_196 : vector<392x128xf32>
    %max3A_252 = arith.maximumf %min3A_198, %min3A_200 : vector<392x128xf32>
    %min3A_253 = arith.minimumf %min3A_198, %min3A_200 : vector<392x128xf32>
    %max3A_254 = arith.maximumf %max3A_246, %max3A_248 : vector<392x128xf32>
    %min3A_255 = arith.minimumf %max3A_246, %max3A_248 : vector<392x128xf32>
    %max3A_256 = arith.maximumf %max3A_250, %max3A_252 : vector<392x128xf32>
    %min3A_257 = arith.minimumf %max3A_250, %max3A_252 : vector<392x128xf32>
    %max3A_258 = arith.maximumf %max3A_254, %max3A_256 : vector<392x128xf32>
    %min3A_259 = arith.minimumf %max3A_254, %max3A_256 : vector<392x128xf32>
    %max3A_260 = arith.maximumf %min3A_255, %min3A_257 : vector<392x128xf32>
    %max3A_261 = arith.maximumf %max3A_258, %max3A_260 : vector<392x128xf32>
    %min3A_262 = arith.minimumf %max3A_258, %max3A_260 : vector<392x128xf32>
    %max3A_263 = arith.maximumf %min3A_259, %min3A_262 : vector<392x128xf32>
    %max3A_264 = arith.maximumf %min3A_247, %min3A_249 : vector<392x128xf32>
    %max3A_265 = arith.maximumf %max3A_264, %min3A_251 : vector<392x128xf32>
    %max3A_266 = arith.maximumf %max3A_265, %min3A_253 : vector<392x128xf32>
    %max3A_267 = arith.maximumf %max3A_261, %max3A_266 : vector<392x128xf32>
    %min3A_268 = arith.minimumf %max3A_261, %max3A_266 : vector<392x128xf32>
    %max3A_269 = arith.maximumf %max3A_263, %min3A_268 : vector<392x128xf32>
    %max3A_270 = arith.maximumf %max3A_231, %max3A_267 : vector<392x128xf32>
    %min3A_271 = arith.minimumf %max3A_231, %max3A_267 : vector<392x128xf32>
    %max3A_272 = arith.maximumf %max3A_234, %max3A_269 : vector<392x128xf32>
    %max3A_273 = arith.maximumf %max3A_272, %min3A_271 : vector<392x128xf32>
    %min3A_274 = arith.minimumf %max3A_231, %max3A_269 : vector<392x128xf32>
    %min3A_275 = arith.minimumf %max3A_234, %max3A_267 : vector<392x128xf32>
    %max3A_276 = arith.maximumf %max3A_238, %min3A_274 : vector<392x128xf32>
    %max3A_277 = arith.maximumf %max3A_276, %min3A_275 : vector<392x128xf32>
    %min3A_278 = arith.minimumf %max3A_234, %max3A_269 : vector<392x128xf32>
    %min3A_279 = arith.minimumf %max3A_238, %max3A_267 : vector<392x128xf32>
    %max3A_280 = arith.maximumf %max3A_242, %min3A_278 : vector<392x128xf32>
    %max3A_281 = arith.maximumf %max3A_280, %min3A_279 : vector<392x128xf32>
    %min3A_282 = arith.minimumf %max3A_238, %max3A_269 : vector<392x128xf32>
    %min3A_283 = arith.minimumf %max3A_242, %max3A_267 : vector<392x128xf32>
    %max3A_284 = arith.maximumf %max3A_245, %min3A_282 : vector<392x128xf32>
    %max3A_285 = arith.maximumf %max3A_284, %min3A_283 : vector<392x128xf32>
    %max3A_286 = arith.maximumf %min3A_154, %min3A_156 : vector<392x128xf32>
    %min3A_287 = arith.minimumf %min3A_154, %min3A_156 : vector<392x128xf32>
    %max3A_288 = arith.maximumf %min3A_158, %min3A_160 : vector<392x128xf32>
    %min3A_289 = arith.minimumf %min3A_158, %min3A_160 : vector<392x128xf32>
    %max3A_290 = arith.maximumf %min3A_162, %min3A_164 : vector<392x128xf32>
    %min3A_291 = arith.minimumf %min3A_162, %min3A_164 : vector<392x128xf32>
    %max3A_292 = arith.maximumf %min3A_166, %min3A_168 : vector<392x128xf32>
    %min3A_293 = arith.minimumf %min3A_166, %min3A_168 : vector<392x128xf32>
    %max3A_294 = arith.maximumf %min3A_170, %min3A_172 : vector<392x128xf32>
    %min3A_295 = arith.minimumf %min3A_170, %min3A_172 : vector<392x128xf32>
    %max3A_296 = arith.maximumf %min3A_174, %min3A_176 : vector<392x128xf32>
    %min3A_297 = arith.minimumf %min3A_174, %min3A_176 : vector<392x128xf32>
    %max3A_298 = arith.maximumf %min3A_178, %min3A_180 : vector<392x128xf32>
    %min3A_299 = arith.minimumf %min3A_178, %min3A_180 : vector<392x128xf32>
    %max3A_300 = arith.maximumf %min3A_182, %min3A_184 : vector<392x128xf32>
    %min3A_301 = arith.minimumf %min3A_182, %min3A_184 : vector<392x128xf32>
    %max3A_302 = arith.maximumf %max3A_286, %max3A_288 : vector<392x128xf32>
    %min3A_303 = arith.minimumf %max3A_286, %max3A_288 : vector<392x128xf32>
    %max3A_304 = arith.maximumf %max3A_290, %max3A_292 : vector<392x128xf32>
    %min3A_305 = arith.minimumf %max3A_290, %max3A_292 : vector<392x128xf32>
    %max3A_306 = arith.maximumf %max3A_294, %max3A_296 : vector<392x128xf32>
    %min3A_307 = arith.minimumf %max3A_294, %max3A_296 : vector<392x128xf32>
    %max3A_308 = arith.maximumf %max3A_298, %max3A_300 : vector<392x128xf32>
    %min3A_309 = arith.minimumf %max3A_298, %max3A_300 : vector<392x128xf32>
    %max3A_310 = arith.maximumf %max3A_302, %max3A_304 : vector<392x128xf32>
    %min3A_311 = arith.minimumf %max3A_302, %max3A_304 : vector<392x128xf32>
    %max3A_312 = arith.maximumf %max3A_306, %max3A_308 : vector<392x128xf32>
    %min3A_313 = arith.minimumf %max3A_306, %max3A_308 : vector<392x128xf32>
    %max3A_314 = arith.maximumf %max3A_310, %max3A_312 : vector<392x128xf32>
    %min3A_315 = arith.minimumf %max3A_310, %max3A_312 : vector<392x128xf32>
    %max3A_316 = arith.maximumf %min3A_311, %min3A_313 : vector<392x128xf32>
    %max3A_317 = arith.maximumf %max3A_314, %max3A_316 : vector<392x128xf32>
    %min3A_318 = arith.minimumf %max3A_314, %max3A_316 : vector<392x128xf32>
    %max3A_319 = arith.maximumf %min3A_315, %min3A_318 : vector<392x128xf32>
    %max3A_320 = arith.maximumf %min3A_303, %min3A_305 : vector<392x128xf32>
    %max3A_321 = arith.maximumf %max3A_320, %min3A_307 : vector<392x128xf32>
    %max3A_322 = arith.maximumf %max3A_321, %min3A_309 : vector<392x128xf32>
    %max3A_323 = arith.maximumf %max3A_317, %max3A_322 : vector<392x128xf32>
    %min3A_324 = arith.minimumf %max3A_317, %max3A_322 : vector<392x128xf32>
    %max3A_325 = arith.maximumf %max3A_319, %min3A_324 : vector<392x128xf32>
    %max3A_326 = arith.maximumf %min3A_287, %min3A_289 : vector<392x128xf32>
    %max3A_327 = arith.maximumf %max3A_326, %min3A_291 : vector<392x128xf32>
    %max3A_328 = arith.maximumf %max3A_327, %min3A_293 : vector<392x128xf32>
    %max3A_329 = arith.maximumf %max3A_328, %min3A_295 : vector<392x128xf32>
    %max3A_330 = arith.maximumf %max3A_329, %min3A_297 : vector<392x128xf32>
    %max3A_331 = arith.maximumf %max3A_330, %min3A_299 : vector<392x128xf32>
    %max3A_332 = arith.maximumf %max3A_331, %min3A_301 : vector<392x128xf32>
    %max3A_333 = arith.maximumf %max3A_323, %max3A_332 : vector<392x128xf32>
    %min3A_334 = arith.minimumf %max3A_323, %max3A_332 : vector<392x128xf32>
    %max3A_335 = arith.maximumf %max3A_325, %min3A_334 : vector<392x128xf32>
    %max3A_336 = arith.maximumf %max3A_270, %max3A_333 : vector<392x128xf32>
    %min3A_337 = arith.minimumf %max3A_270, %max3A_333 : vector<392x128xf32>
    %max3A_338 = arith.maximumf %max3A_273, %max3A_335 : vector<392x128xf32>
    %max3A_339 = arith.maximumf %max3A_338, %min3A_337 : vector<392x128xf32>
    %min3A_340 = arith.minimumf %max3A_270, %max3A_335 : vector<392x128xf32>
    %min3A_341 = arith.minimumf %max3A_273, %max3A_333 : vector<392x128xf32>
    %max3A_342 = arith.maximumf %max3A_277, %min3A_340 : vector<392x128xf32>
    %max3A_343 = arith.maximumf %max3A_342, %min3A_341 : vector<392x128xf32>
    %min3A_344 = arith.minimumf %max3A_273, %max3A_335 : vector<392x128xf32>
    %min3A_345 = arith.minimumf %max3A_277, %max3A_333 : vector<392x128xf32>
    %max3A_346 = arith.maximumf %max3A_281, %min3A_344 : vector<392x128xf32>
    %max3A_347 = arith.maximumf %max3A_346, %min3A_345 : vector<392x128xf32>
    %min3A_348 = arith.minimumf %max3A_277, %max3A_335 : vector<392x128xf32>
    %min3A_349 = arith.minimumf %max3A_281, %max3A_333 : vector<392x128xf32>
    %max3A_350 = arith.maximumf %max3A_285, %min3A_348 : vector<392x128xf32>
    %max3A_351 = arith.maximumf %max3A_350, %min3A_349 : vector<392x128xf32>
    %max3A_352 = arith.maximumf %min3A_90, %min3A_92 : vector<392x128xf32>
    %min3A_353 = arith.minimumf %min3A_90, %min3A_92 : vector<392x128xf32>
    %max3A_354 = arith.maximumf %min3A_94, %min3A_96 : vector<392x128xf32>
    %min3A_355 = arith.minimumf %min3A_94, %min3A_96 : vector<392x128xf32>
    %max3A_356 = arith.maximumf %min3A_98, %min3A_100 : vector<392x128xf32>
    %min3A_357 = arith.minimumf %min3A_98, %min3A_100 : vector<392x128xf32>
    %max3A_358 = arith.maximumf %min3A_102, %min3A_104 : vector<392x128xf32>
    %min3A_359 = arith.minimumf %min3A_102, %min3A_104 : vector<392x128xf32>
    %max3A_360 = arith.maximumf %min3A_106, %min3A_108 : vector<392x128xf32>
    %min3A_361 = arith.minimumf %min3A_106, %min3A_108 : vector<392x128xf32>
    %max3A_362 = arith.maximumf %min3A_110, %min3A_112 : vector<392x128xf32>
    %min3A_363 = arith.minimumf %min3A_110, %min3A_112 : vector<392x128xf32>
    %max3A_364 = arith.maximumf %min3A_114, %min3A_116 : vector<392x128xf32>
    %min3A_365 = arith.minimumf %min3A_114, %min3A_116 : vector<392x128xf32>
    %max3A_366 = arith.maximumf %min3A_118, %min3A_120 : vector<392x128xf32>
    %min3A_367 = arith.minimumf %min3A_118, %min3A_120 : vector<392x128xf32>
    %max3A_368 = arith.maximumf %min3A_122, %min3A_124 : vector<392x128xf32>
    %min3A_369 = arith.minimumf %min3A_122, %min3A_124 : vector<392x128xf32>
    %max3A_370 = arith.maximumf %min3A_126, %min3A_128 : vector<392x128xf32>
    %min3A_371 = arith.minimumf %min3A_126, %min3A_128 : vector<392x128xf32>
    %max3A_372 = arith.maximumf %min3A_130, %min3A_132 : vector<392x128xf32>
    %min3A_373 = arith.minimumf %min3A_130, %min3A_132 : vector<392x128xf32>
    %max3A_374 = arith.maximumf %min3A_134, %min3A_136 : vector<392x128xf32>
    %min3A_375 = arith.minimumf %min3A_134, %min3A_136 : vector<392x128xf32>
    %max3A_376 = arith.maximumf %min3A_138, %min3A_140 : vector<392x128xf32>
    %min3A_377 = arith.minimumf %min3A_138, %min3A_140 : vector<392x128xf32>
    %max3A_378 = arith.maximumf %min3A_142, %min3A_144 : vector<392x128xf32>
    %min3A_379 = arith.minimumf %min3A_142, %min3A_144 : vector<392x128xf32>
    %max3A_380 = arith.maximumf %min3A_146, %min3A_148 : vector<392x128xf32>
    %min3A_381 = arith.minimumf %min3A_146, %min3A_148 : vector<392x128xf32>
    %max3A_382 = arith.maximumf %min3A_150, %min3A_152 : vector<392x128xf32>
    %min3A_383 = arith.minimumf %min3A_150, %min3A_152 : vector<392x128xf32>
    %max3A_384 = arith.maximumf %max3A_352, %max3A_354 : vector<392x128xf32>
    %min3A_385 = arith.minimumf %max3A_352, %max3A_354 : vector<392x128xf32>
    %max3A_386 = arith.maximumf %max3A_356, %max3A_358 : vector<392x128xf32>
    %min3A_387 = arith.minimumf %max3A_356, %max3A_358 : vector<392x128xf32>
    %max3A_388 = arith.maximumf %max3A_360, %max3A_362 : vector<392x128xf32>
    %min3A_389 = arith.minimumf %max3A_360, %max3A_362 : vector<392x128xf32>
    %max3A_390 = arith.maximumf %max3A_364, %max3A_366 : vector<392x128xf32>
    %min3A_391 = arith.minimumf %max3A_364, %max3A_366 : vector<392x128xf32>
    %max3A_392 = arith.maximumf %max3A_368, %max3A_370 : vector<392x128xf32>
    %min3A_393 = arith.minimumf %max3A_368, %max3A_370 : vector<392x128xf32>
    %max3A_394 = arith.maximumf %max3A_372, %max3A_374 : vector<392x128xf32>
    %min3A_395 = arith.minimumf %max3A_372, %max3A_374 : vector<392x128xf32>
    %max3A_396 = arith.maximumf %max3A_376, %max3A_378 : vector<392x128xf32>
    %min3A_397 = arith.minimumf %max3A_376, %max3A_378 : vector<392x128xf32>
    %max3A_398 = arith.maximumf %max3A_380, %max3A_382 : vector<392x128xf32>
    %min3A_399 = arith.minimumf %max3A_380, %max3A_382 : vector<392x128xf32>
    %max3A_400 = arith.maximumf %max3A_384, %max3A_386 : vector<392x128xf32>
    %min3A_401 = arith.minimumf %max3A_384, %max3A_386 : vector<392x128xf32>
    %max3A_402 = arith.maximumf %max3A_388, %max3A_390 : vector<392x128xf32>
    %min3A_403 = arith.minimumf %max3A_388, %max3A_390 : vector<392x128xf32>
    %max3A_404 = arith.maximumf %max3A_392, %max3A_394 : vector<392x128xf32>
    %min3A_405 = arith.minimumf %max3A_392, %max3A_394 : vector<392x128xf32>
    %max3A_406 = arith.maximumf %max3A_396, %max3A_398 : vector<392x128xf32>
    %min3A_407 = arith.minimumf %max3A_396, %max3A_398 : vector<392x128xf32>
    %max3A_408 = arith.maximumf %max3A_400, %max3A_402 : vector<392x128xf32>
    %min3A_409 = arith.minimumf %max3A_400, %max3A_402 : vector<392x128xf32>
    %max3A_410 = arith.maximumf %max3A_404, %max3A_406 : vector<392x128xf32>
    %min3A_411 = arith.minimumf %max3A_404, %max3A_406 : vector<392x128xf32>
    %max3A_412 = arith.maximumf %max3A_408, %max3A_410 : vector<392x128xf32>
    %min3A_413 = arith.minimumf %max3A_408, %max3A_410 : vector<392x128xf32>
    %max3A_414 = arith.maximumf %min3A_409, %min3A_411 : vector<392x128xf32>
    %max3A_415 = arith.maximumf %max3A_412, %max3A_414 : vector<392x128xf32>
    %min3A_416 = arith.minimumf %max3A_412, %max3A_414 : vector<392x128xf32>
    %max3A_417 = arith.maximumf %min3A_413, %min3A_416 : vector<392x128xf32>
    %max3A_418 = arith.maximumf %min3A_401, %min3A_403 : vector<392x128xf32>
    %max3A_419 = arith.maximumf %max3A_418, %min3A_405 : vector<392x128xf32>
    %max3A_420 = arith.maximumf %max3A_419, %min3A_407 : vector<392x128xf32>
    %max3A_421 = arith.maximumf %max3A_415, %max3A_420 : vector<392x128xf32>
    %min3A_422 = arith.minimumf %max3A_415, %max3A_420 : vector<392x128xf32>
    %max3A_423 = arith.maximumf %max3A_417, %min3A_422 : vector<392x128xf32>
    %max3A_424 = arith.maximumf %min3A_385, %min3A_387 : vector<392x128xf32>
    %max3A_425 = arith.maximumf %max3A_424, %min3A_389 : vector<392x128xf32>
    %max3A_426 = arith.maximumf %max3A_425, %min3A_391 : vector<392x128xf32>
    %max3A_427 = arith.maximumf %max3A_426, %min3A_393 : vector<392x128xf32>
    %max3A_428 = arith.maximumf %max3A_427, %min3A_395 : vector<392x128xf32>
    %max3A_429 = arith.maximumf %max3A_428, %min3A_397 : vector<392x128xf32>
    %max3A_430 = arith.maximumf %max3A_429, %min3A_399 : vector<392x128xf32>
    %max3A_431 = arith.maximumf %max3A_421, %max3A_430 : vector<392x128xf32>
    %min3A_432 = arith.minimumf %max3A_421, %max3A_430 : vector<392x128xf32>
    %max3A_433 = arith.maximumf %max3A_423, %min3A_432 : vector<392x128xf32>
    %max3A_434 = arith.maximumf %min3A_353, %min3A_355 : vector<392x128xf32>
    %max3A_435 = arith.maximumf %max3A_434, %min3A_357 : vector<392x128xf32>
    %max3A_436 = arith.maximumf %max3A_435, %min3A_359 : vector<392x128xf32>
    %max3A_437 = arith.maximumf %max3A_436, %min3A_361 : vector<392x128xf32>
    %max3A_438 = arith.maximumf %max3A_437, %min3A_363 : vector<392x128xf32>
    %max3A_439 = arith.maximumf %max3A_438, %min3A_365 : vector<392x128xf32>
    %max3A_440 = arith.maximumf %max3A_439, %min3A_367 : vector<392x128xf32>
    %max3A_441 = arith.maximumf %max3A_440, %min3A_369 : vector<392x128xf32>
    %max3A_442 = arith.maximumf %max3A_441, %min3A_371 : vector<392x128xf32>
    %max3A_443 = arith.maximumf %max3A_442, %min3A_373 : vector<392x128xf32>
    %max3A_444 = arith.maximumf %max3A_443, %min3A_375 : vector<392x128xf32>
    %max3A_445 = arith.maximumf %max3A_444, %min3A_377 : vector<392x128xf32>
    %max3A_446 = arith.maximumf %max3A_445, %min3A_379 : vector<392x128xf32>
    %max3A_447 = arith.maximumf %max3A_446, %min3A_381 : vector<392x128xf32>
    %max3A_448 = arith.maximumf %max3A_447, %min3A_383 : vector<392x128xf32>
    %max3A_449 = arith.maximumf %max3A_431, %max3A_448 : vector<392x128xf32>
    %min3A_450 = arith.minimumf %max3A_431, %max3A_448 : vector<392x128xf32>
    %max3A_451 = arith.maximumf %max3A_433, %min3A_450 : vector<392x128xf32>
    %max3A_452 = arith.maximumf %max3A_336, %max3A_449 : vector<392x128xf32>
    %min3A_453 = arith.minimumf %max3A_336, %max3A_449 : vector<392x128xf32>
    %max3A_454 = arith.maximumf %max3A_339, %max3A_451 : vector<392x128xf32>
    %max3A_455 = arith.maximumf %max3A_454, %min3A_453 : vector<392x128xf32>
    %min3A_456 = arith.minimumf %max3A_336, %max3A_451 : vector<392x128xf32>
    %min3A_457 = arith.minimumf %max3A_339, %max3A_449 : vector<392x128xf32>
    %max3A_458 = arith.maximumf %max3A_343, %min3A_456 : vector<392x128xf32>
    %max3A_459 = arith.maximumf %max3A_458, %min3A_457 : vector<392x128xf32>
    %min3A_460 = arith.minimumf %max3A_339, %max3A_451 : vector<392x128xf32>
    %min3A_461 = arith.minimumf %max3A_343, %max3A_449 : vector<392x128xf32>
    %max3A_462 = arith.maximumf %max3A_347, %min3A_460 : vector<392x128xf32>
    %max3A_463 = arith.maximumf %max3A_462, %min3A_461 : vector<392x128xf32>
    %min3A_464 = arith.minimumf %max3A_343, %max3A_451 : vector<392x128xf32>
    %min3A_465 = arith.minimumf %max3A_347, %max3A_449 : vector<392x128xf32>
    %max3A_466 = arith.maximumf %max3A_351, %min3A_464 : vector<392x128xf32>
    %max3A_467 = arith.maximumf %max3A_466, %min3A_465 : vector<392x128xf32>
    %concatenate3A = tpu.concatenate %max3A_452, %max3A_455, %max3A_459, %max3A_463, %max3A_467 in 1 : vector<392x128xf32>, vector<392x128xf32>, vector<392x128xf32>, vector<392x128xf32>, vector<392x128xf32> -> vector<392x640xf32>
    %broadcast_in_dim3A_468 = arith.constant 0.000000e+00 : f32
    %broadcast_in_dim3A_469 = vector.broadcast %broadcast_in_dim3A_468 : f32 to vector<392x1xf32>
    %broadcast_in_dim3A_470 = arith.constant 5.000000e+00 : f32
    %broadcast_in_dim3A_471 = vector.broadcast %broadcast_in_dim3A_470 : f32 to vector<392x1xf32>
    %reduce_max3A = arith.constant dense<0xFF800000> : vector<392xf32>
    %reduce_max3A_472 = vector.multi_reduction <maximumf>, %concatenate3A, %reduce_max3A [1] : vector<392x640xf32> to vector<392xf32>
    %broadcast_in_dim3A_473 = vector.shape_cast %reduce_max3A_472 : vector<392xf32> to vector<392x1xf32>
    %eq3A_474 = vector.broadcast %broadcast_in_dim3A_473 : vector<392x1xf32> to vector<392x640xf32>
    %eq3A_475 = arith.cmpf oeq, %concatenate3A, %eq3A_474 : vector<392x640xf32>
    %convert_element_type3A_476 = arith.extui %eq3A_475 : vector<392x640xi1> to vector<392x640xi32>
    %convert_element_type3A_477 = arith.sitofp %convert_element_type3A_476 : vector<392x640xi32> to vector<392x640xf32>
    %reduce_sum3A_478 = arith.constant dense<0.000000e+00> : vector<392xf32>
    %reduce_sum3A_479 = vector.multi_reduction <add>, %convert_element_type3A_477, %reduce_sum3A_478 [1] : vector<392x640xf32> to vector<392xf32>
    %broadcast_in_dim3A_480 = vector.shape_cast %reduce_sum3A_479 : vector<392xf32> to vector<392x1xf32>
    %min3A_481 = arith.minimumf %broadcast_in_dim3A_480, %broadcast_in_dim3A_471 : vector<392x1xf32>
    %mul3A_482 = arith.constant -2.000000e+00 : f32
    %mul3A_483 = vector.broadcast %mul3A_482 : f32 to vector<392x1xf32>
    %mul3A_484 = arith.mulf %mul3A_483, %broadcast_in_dim3A_473 : vector<392x1xf32>
    %max3A_485 = arith.constant 0.000000e+00 : f32
    %max3A_486 = vector.broadcast %max3A_485 : f32 to vector<392x1xf32>
    %max3A_487 = arith.maximumf %mul3A_484, %max3A_486 : vector<392x1xf32>
    %add3A = arith.constant 9.99999996E-13 : f32
    %add3A_488 = vector.broadcast %add3A : f32 to vector<392x1xf32>
    %add3A_489 = arith.addf %max3A_487, %add3A_488 : vector<392x1xf32>
    %sqrt3A = math.sqrt %add3A_489 : vector<392x1xf32>
    %mul3A_490 = arith.mulf %min3A_481, %sqrt3A : vector<392x1xf32>
    %add3A_491 = arith.addf %broadcast_in_dim3A_469, %mul3A_490 : vector<392x1xf32>
    %sub3A_492 = arith.subf %broadcast_in_dim3A_471, %min3A_481 : vector<392x1xf32>
    %jit3A = arith.constant 0xFF800000 : f32
    %broadcast_in_dim3A_493 = vector.broadcast %jit3A : f32 to vector<392x640xf32>
    %select_n3A = arith.select %eq3A_475, %broadcast_in_dim3A_493, %concatenate3A : vector<392x640xi1>, vector<392x640xf32>
    %reduce_max3A_494 = arith.constant dense<0xFF800000> : vector<392xf32>
    %reduce_max3A_495 = vector.multi_reduction <maximumf>, %select_n3A, %reduce_max3A_494 [1] : vector<392x640xf32> to vector<392xf32>
    %broadcast_in_dim3A_496 = vector.shape_cast %reduce_max3A_495 : vector<392xf32> to vector<392x1xf32>
    %eq3A_497 = vector.broadcast %broadcast_in_dim3A_496 : vector<392x1xf32> to vector<392x640xf32>
    %eq3A_498 = arith.cmpf oeq, %select_n3A, %eq3A_497 : vector<392x640xf32>
    %convert_element_type3A_499 = arith.extui %eq3A_498 : vector<392x640xi1> to vector<392x640xi32>
    %convert_element_type3A_500 = arith.sitofp %convert_element_type3A_499 : vector<392x640xi32> to vector<392x640xf32>
    %reduce_sum3A_501 = arith.constant dense<0.000000e+00> : vector<392xf32>
    %reduce_sum3A_502 = vector.multi_reduction <add>, %convert_element_type3A_500, %reduce_sum3A_501 [1] : vector<392x640xf32> to vector<392xf32>
    %broadcast_in_dim3A_503 = vector.shape_cast %reduce_sum3A_502 : vector<392xf32> to vector<392x1xf32>
    %min3A_504 = arith.minimumf %broadcast_in_dim3A_503, %sub3A_492 : vector<392x1xf32>
    %mul3A_505 = arith.constant -2.000000e+00 : f32
    %mul3A_506 = vector.broadcast %mul3A_505 : f32 to vector<392x1xf32>
    %mul3A_507 = arith.mulf %mul3A_506, %broadcast_in_dim3A_496 : vector<392x1xf32>
    %max3A_508 = arith.constant 0.000000e+00 : f32
    %max3A_509 = vector.broadcast %max3A_508 : f32 to vector<392x1xf32>
    %max3A_510 = arith.maximumf %mul3A_507, %max3A_509 : vector<392x1xf32>
    %add3A_511 = arith.constant 9.99999996E-13 : f32
    %add3A_512 = vector.broadcast %add3A_511 : f32 to vector<392x1xf32>
    %add3A_513 = arith.addf %max3A_510, %add3A_512 : vector<392x1xf32>
    %sqrt3A_514 = math.sqrt %add3A_513 : vector<392x1xf32>
    %mul3A_515 = arith.mulf %min3A_504, %sqrt3A_514 : vector<392x1xf32>
    %add3A_516 = arith.addf %add3A_491, %mul3A_515 : vector<392x1xf32>
    %sub3A_517 = arith.subf %sub3A_492, %min3A_504 : vector<392x1xf32>
    %jit3A_518 = arith.constant 0xFF800000 : f32
    %broadcast_in_dim3A_519 = vector.broadcast %jit3A_518 : f32 to vector<392x640xf32>
    %select_n3A_520 = arith.select %eq3A_498, %broadcast_in_dim3A_519, %select_n3A : vector<392x640xi1>, vector<392x640xf32>
    %reduce_max3A_521 = arith.constant dense<0xFF800000> : vector<392xf32>
    %reduce_max3A_522 = vector.multi_reduction <maximumf>, %select_n3A_520, %reduce_max3A_521 [1] : vector<392x640xf32> to vector<392xf32>
    %broadcast_in_dim3A_523 = vector.shape_cast %reduce_max3A_522 : vector<392xf32> to vector<392x1xf32>
    %eq3A_524 = vector.broadcast %broadcast_in_dim3A_523 : vector<392x1xf32> to vector<392x640xf32>
    %eq3A_525 = arith.cmpf oeq, %select_n3A_520, %eq3A_524 : vector<392x640xf32>
    %convert_element_type3A_526 = arith.extui %eq3A_525 : vector<392x640xi1> to vector<392x640xi32>
    %convert_element_type3A_527 = arith.sitofp %convert_element_type3A_526 : vector<392x640xi32> to vector<392x640xf32>
    %reduce_sum3A_528 = arith.constant dense<0.000000e+00> : vector<392xf32>
    %reduce_sum3A_529 = vector.multi_reduction <add>, %convert_element_type3A_527, %reduce_sum3A_528 [1] : vector<392x640xf32> to vector<392xf32>
    %broadcast_in_dim3A_530 = vector.shape_cast %reduce_sum3A_529 : vector<392xf32> to vector<392x1xf32>
    %min3A_531 = arith.minimumf %broadcast_in_dim3A_530, %sub3A_517 : vector<392x1xf32>
    %mul3A_532 = arith.constant -2.000000e+00 : f32
    %mul3A_533 = vector.broadcast %mul3A_532 : f32 to vector<392x1xf32>
    %mul3A_534 = arith.mulf %mul3A_533, %broadcast_in_dim3A_523 : vector<392x1xf32>
    %max3A_535 = arith.constant 0.000000e+00 : f32
    %max3A_536 = vector.broadcast %max3A_535 : f32 to vector<392x1xf32>
    %max3A_537 = arith.maximumf %mul3A_534, %max3A_536 : vector<392x1xf32>
    %add3A_538 = arith.constant 9.99999996E-13 : f32
    %add3A_539 = vector.broadcast %add3A_538 : f32 to vector<392x1xf32>
    %add3A_540 = arith.addf %max3A_537, %add3A_539 : vector<392x1xf32>
    %sqrt3A_541 = math.sqrt %add3A_540 : vector<392x1xf32>
    %mul3A_542 = arith.mulf %min3A_531, %sqrt3A_541 : vector<392x1xf32>
    %add3A_543 = arith.addf %add3A_516, %mul3A_542 : vector<392x1xf32>
    %sub3A_544 = arith.subf %sub3A_517, %min3A_531 : vector<392x1xf32>
    %jit3A_545 = arith.constant 0xFF800000 : f32
    %broadcast_in_dim3A_546 = vector.broadcast %jit3A_545 : f32 to vector<392x640xf32>
    %select_n3A_547 = arith.select %eq3A_525, %broadcast_in_dim3A_546, %select_n3A_520 : vector<392x640xi1>, vector<392x640xf32>
    %reduce_max3A_548 = arith.constant dense<0xFF800000> : vector<392xf32>
    %reduce_max3A_549 = vector.multi_reduction <maximumf>, %select_n3A_547, %reduce_max3A_548 [1] : vector<392x640xf32> to vector<392xf32>
    %broadcast_in_dim3A_550 = vector.shape_cast %reduce_max3A_549 : vector<392xf32> to vector<392x1xf32>
    %eq3A_551 = vector.broadcast %broadcast_in_dim3A_550 : vector<392x1xf32> to vector<392x640xf32>
    %eq3A_552 = arith.cmpf oeq, %select_n3A_547, %eq3A_551 : vector<392x640xf32>
    %convert_element_type3A_553 = arith.extui %eq3A_552 : vector<392x640xi1> to vector<392x640xi32>
    %convert_element_type3A_554 = arith.sitofp %convert_element_type3A_553 : vector<392x640xi32> to vector<392x640xf32>
    %reduce_sum3A_555 = arith.constant dense<0.000000e+00> : vector<392xf32>
    %reduce_sum3A_556 = vector.multi_reduction <add>, %convert_element_type3A_554, %reduce_sum3A_555 [1] : vector<392x640xf32> to vector<392xf32>
    %broadcast_in_dim3A_557 = vector.shape_cast %reduce_sum3A_556 : vector<392xf32> to vector<392x1xf32>
    %min3A_558 = arith.minimumf %broadcast_in_dim3A_557, %sub3A_544 : vector<392x1xf32>
    %mul3A_559 = arith.constant -2.000000e+00 : f32
    %mul3A_560 = vector.broadcast %mul3A_559 : f32 to vector<392x1xf32>
    %mul3A_561 = arith.mulf %mul3A_560, %broadcast_in_dim3A_550 : vector<392x1xf32>
    %max3A_562 = arith.constant 0.000000e+00 : f32
    %max3A_563 = vector.broadcast %max3A_562 : f32 to vector<392x1xf32>
    %max3A_564 = arith.maximumf %mul3A_561, %max3A_563 : vector<392x1xf32>
    %add3A_565 = arith.constant 9.99999996E-13 : f32
    %add3A_566 = vector.broadcast %add3A_565 : f32 to vector<392x1xf32>
    %add3A_567 = arith.addf %max3A_564, %add3A_566 : vector<392x1xf32>
    %sqrt3A_568 = math.sqrt %add3A_567 : vector<392x1xf32>
    %mul3A_569 = arith.mulf %min3A_558, %sqrt3A_568 : vector<392x1xf32>
    %add3A_570 = arith.addf %add3A_543, %mul3A_569 : vector<392x1xf32>
    %sub3A_571 = arith.subf %sub3A_544, %min3A_558 : vector<392x1xf32>
    %jit3A_572 = arith.constant 0xFF800000 : f32
    %broadcast_in_dim3A_573 = vector.broadcast %jit3A_572 : f32 to vector<392x640xf32>
    %select_n3A_574 = arith.select %eq3A_552, %broadcast_in_dim3A_573, %select_n3A_547 : vector<392x640xi1>, vector<392x640xf32>
    %reduce_max3A_575 = arith.constant dense<0xFF800000> : vector<392xf32>
    %reduce_max3A_576 = vector.multi_reduction <maximumf>, %select_n3A_574, %reduce_max3A_575 [1] : vector<392x640xf32> to vector<392xf32>
    %broadcast_in_dim3A_577 = vector.shape_cast %reduce_max3A_576 : vector<392xf32> to vector<392x1xf32>
    %eq3A_578 = vector.broadcast %broadcast_in_dim3A_577 : vector<392x1xf32> to vector<392x640xf32>
    %eq3A_579 = arith.cmpf oeq, %select_n3A_574, %eq3A_578 : vector<392x640xf32>
    %convert_element_type3A_580 = arith.extui %eq3A_579 : vector<392x640xi1> to vector<392x640xi32>
    %convert_element_type3A_581 = arith.sitofp %convert_element_type3A_580 : vector<392x640xi32> to vector<392x640xf32>
    %reduce_sum3A_582 = arith.constant dense<0.000000e+00> : vector<392xf32>
    %reduce_sum3A_583 = vector.multi_reduction <add>, %convert_element_type3A_581, %reduce_sum3A_582 [1] : vector<392x640xf32> to vector<392xf32>
    %broadcast_in_dim3A_584 = vector.shape_cast %reduce_sum3A_583 : vector<392xf32> to vector<392x1xf32>
    %min3A_585 = arith.minimumf %broadcast_in_dim3A_584, %sub3A_571 : vector<392x1xf32>
    %mul3A_586 = arith.constant -2.000000e+00 : f32
    %mul3A_587 = vector.broadcast %mul3A_586 : f32 to vector<392x1xf32>
    %mul3A_588 = arith.mulf %mul3A_587, %broadcast_in_dim3A_577 : vector<392x1xf32>
    %max3A_589 = arith.constant 0.000000e+00 : f32
    %max3A_590 = vector.broadcast %max3A_589 : f32 to vector<392x1xf32>
    %max3A_591 = arith.maximumf %mul3A_588, %max3A_590 : vector<392x1xf32>
    %add3A_592 = arith.constant 9.99999996E-13 : f32
    %add3A_593 = vector.broadcast %add3A_592 : f32 to vector<392x1xf32>
    %add3A_594 = arith.addf %max3A_591, %add3A_593 : vector<392x1xf32>
    %sqrt3A_595 = math.sqrt %add3A_594 : vector<392x1xf32>
    %mul3A_596 = arith.mulf %min3A_585, %sqrt3A_595 : vector<392x1xf32>
    %add3A_597 = arith.addf %add3A_570, %mul3A_596 : vector<392x1xf32>
    %div3A = arith.constant 5.000000e+00 : f32
    %div3A_598 = vector.broadcast %div3A : f32 to vector<392x1xf32>
    %div3A_599 = arith.divf %add3A_597, %div3A_598 : vector<392x1xf32>
    %mul3A_600 = arith.constant 5.000000e-01 : f32
    %mul3A_601 = vector.broadcast %mul3A_600 : f32 to vector<392x1xf32>
    %mul3A_602 = arith.mulf %mul3A_601, %div3A_599 : vector<392x1xf32>
    %sub3A_603 = arith.constant 1.000000e+00 : f32
    %sub3A_604 = vector.broadcast %sub3A_603 : f32 to vector<392x1xf32>
    %sub3A_605 = arith.subf %sub3A_604, %mul3A_26 : vector<392x1xf32>
    %mul3A_606 = arith.constant 5.000000e-01 : f32
    %mul3A_607 = vector.broadcast %mul3A_606 : f32 to vector<392x1xf32>
    %mul3A_608 = arith.mulf %mul3A_607, %sub3A_605 : vector<392x1xf32>
    %add3A_609 = arith.addf %mul3A_602, %mul3A_608 : vector<392x1xf32>
    %swap3A = arith.constant 0 : index
    %swap3A_610 = arith.constant 0 : index
    %swap3A_611 = vector.load %arg3[%swap3A, %swap3A_610] : memref<392x1xf32, #tpu.memory_space<vmem>>, vector<392x1xf32>
    tpu.vector_store %arg3[%swap3A, %swap3A_610], %add3A_609 {strides = array<i32>} : memref<392x1xf32, #tpu.memory_space<vmem>>, vector<392x1xf32>,
    return
  }
  func.func @transform_0(%arg0: i32) -> (i32, i32) {
    %c0_i32 = arith.constant 0 : i32
    %c0_i32_0 = arith.constant 0 : i32
    return %arg0, %c0_i32 : i32, i32
  }
  func.func @transform_1(%arg0: i32) -> (i32, i32) {
    %c0_i32 = arith.constant 0 : i32
    %c0_i32_0 = arith.constant 0 : i32
    %c0_i32_1 = arith.constant 0 : i32
    return %c0_i32, %c0_i32_0 : i32, i32
  }
  func.func @transform_2(%arg0: i32) -> (i32, i32) {
    %c0_i32 = arith.constant 0 : i32
    %c0_i32_0 = arith.constant 0 : i32
    return %arg0, %c0_i32 : i32, i32
  }
}

module attributes {stable_mosaic.version = 14 : i64} {
  func.func @_score_tile_kernel(%arg0: i32, %arg1: memref<392x128xf32, #tpu.memory_space<vmem>>, %arg2: memref<8192x128xf32, #tpu.memory_space<vmem>>, %arg3: memref<392x1xf32, #tpu.memory_space<vmem>>, %arg4: memref<1x8192xf32, #tpu.memory_space<vmem>>) attributes {dimension_semantics = [#tpu.dimension_semantics<arbitrary>], iteration_bounds = array<i64: 8>, scalar_prefetch = 0 : i64, scratch_operands = 1 : i64, tpu.core_type = #tpu.core_type<tc>, window_params = [{transform_indices = @transform_0, window_bounds = array<i64: 392, 128>}, {pipeline_mode = #tpu.pipeline_mode<synchronous>, transform_indices = @transform_1, window_bounds = array<i64: 8192, 128>}, {transform_indices = @transform_2, window_bounds = array<i64: 392, 1>}]} {
    %eq3A = arith.constant 0 : i32
    %eq3A_0 = arith.cmpi eq, %arg0, %eq3A : i32
    %convert_element_type3A = arith.extui %eq3A_0 : i1 to i32
    %cond3A = arith.constant 0 : i32
    %cond3A_1 = arith.cmpi ne, %convert_element_type3A, %cond3A : i32
    scf.if %cond3A_1 {
      %get3A_612 = arith.constant 0 : index
      %get3A_613 = arith.constant 0 : index
      %get3A_614 = vector.load %arg2[%get3A_612, %get3A_613] : memref<8192x128xf32, #tpu.memory_space<vmem>>, vector<8192x128xf32>
      %broadcast_in_dim3A_615 = arith.constant 1.000000e+00 : f32
      %broadcast_in_dim3A_616 = vector.broadcast %broadcast_in_dim3A_615 : f32 to vector<1x128xf32>
      %mul3A_617 = arith.mulf %get3A_614, %get3A_614 : vector<8192x128xf32>
      %dot_general3A_618 = arith.constant dense<0.000000e+00> : vector<1x8192xf32>
      %dot_general3A_619 = tpu.matmul %broadcast_in_dim3A_616, %mul3A_617, %dot_general3A_618 {dimension_numbers = #tpu.dot_dimension_numbers<[1], [1], [0], [0], [0, 0, 1, 0], [], []>, transpose_lhs_hint = false} : vector<1x128xf32>, vector<8192x128xf32>, vector<1x8192xf32> -> vector<1x8192xf32>
      %mul3A_620 = arith.constant 5.000000e-01 : f32
      %mul3A_621 = vector.broadcast %mul3A_620 : f32 to vector<1x8192xf32>
      %mul3A_622 = arith.mulf %mul3A_621, %dot_general3A_619 : vector<1x8192xf32>
      %swap3A_623 = arith.constant 0 : index
      %swap3A_624 = arith.constant 0 : index
      %swap3A_625 = vector.load %arg4[%swap3A_623, %swap3A_624] : memref<1x8192xf32, #tpu.memory_space<vmem>>, vector<1x8192xf32>
      tpu.vector_store %arg4[%swap3A_623, %swap3A_624], %mul3A_622 {strides = array<i32>} : memref<1x8192xf32, #tpu.memory_space<vmem>>, vector<1x8192xf32>,
    } else {
    }
    %get3A = arith.constant 0 : index
    %get3A_2 = arith.constant 0 : index
    %get3A_3 = vector.load %arg1[%get3A, %get3A_2] : memref<392x128xf32, #tpu.memory_space<vmem>>, vector<392x128xf32>
    %mul3A = arith.mulf %get3A_3, %get3A_3 : vector<392x128xf32>
    %reduce_sum3A = arith.constant dense<0.000000e+00> : vector<392xf32>
    %reduce_sum3A_4 = vector.multi_reduction <add>, %mul3A, %reduce_sum3A [1] : vector<392x128xf32> to vector<392xf32>
    %broadcast_in_dim3A = vector.shape_cast %reduce_sum3A_4 : vector<392xf32> to vector<392x1xf32>
    %mul3A_5 = arith.constant 5.000000e-01 : f32
    %mul3A_6 = vector.broadcast %mul3A_5 : f32 to vector<392x1xf32>
    %mul3A_7 = arith.mulf %mul3A_6, %broadcast_in_dim3A : vector<392x1xf32>
    %get3A_8 = arith.constant 0 : index
    %get3A_9 = arith.constant 0 : index
    %get3A_10 = vector.load %arg2[%get3A_8, %get3A_9] : memref<8192x128xf32, #tpu.memory_space<vmem>>, vector<8192x128xf32>
    %dot_general3A = arith.constant dense<0.000000e+00> : vector<392x8192xf32>
    %dot_general3A_11 = tpu.matmul %get3A_3, %get3A_10, %dot_general3A {dimension_numbers = #tpu.dot_dimension_numbers<[1], [1], [0], [0], [0, 0, 1, 0], [], []>, transpose_lhs_hint = false} : vector<392x128xf32>, vector<8192x128xf32>, vector<392x8192xf32> -> vector<392x8192xf32>
    %sub3A = vector.broadcast %mul3A_7 : vector<392x1xf32> to vector<392x8192xf32>
    %sub3A_12 = arith.subf %dot_general3A_11, %sub3A : vector<392x8192xf32>
    %get3A_13 = arith.constant 0 : index
    %get3A_14 = arith.constant 0 : index
    %get3A_15 = vector.load %arg4[%get3A_13, %get3A_14] : memref<1x8192xf32, #tpu.memory_space<vmem>>, vector<1x8192xf32>
    %sub3A_16 = vector.broadcast %get3A_15 : vector<1x8192xf32> to vector<392x8192xf32>
    %sub3A_17 = arith.subf %sub3A_12, %sub3A_16 : vector<392x8192xf32>
    %min3A = arith.constant 0.000000e+00 : f32
    %min3A_18 = vector.broadcast %min3A : f32 to vector<392x8192xf32>
    %min3A_19 = arith.minimumf %sub3A_17, %min3A_18 : vector<392x8192xf32>
    %exp3A = math.exp %min3A_19 : vector<392x8192xf32>
    %broadcast_in_dim3A_20 = arith.constant 1.000000e+00 : f32
    %broadcast_in_dim3A_21 = vector.broadcast %broadcast_in_dim3A_20 : f32 to vector<8192x1xf32>
    %dot_general3A_22 = arith.constant dense<0.000000e+00> : vector<392x1xf32>
    %dot_general3A_23 = tpu.matmul %exp3A, %broadcast_in_dim3A_21, %dot_general3A_22 {dimension_numbers = #tpu.dot_dimension_numbers<[1], [0], [0], [1], [0, 0, 1, 1], [], []>, transpose_lhs_hint = false} : vector<392x8192xf32>, vector<8192x1xf32>, vector<392x1xf32> -> vector<392x1xf32>
    %mul3A_24 = arith.constant 1.22070313E-4 : f32
    %mul3A_25 = vector.broadcast %mul3A_24 : f32 to vector<392x1xf32>
    %mul3A_26 = arith.mulf %dot_general3A_23, %mul3A_25 : vector<392x1xf32>
    %slice3A = vector.extract_strided_slice %sub3A_17 {offsets = [0, 0], sizes = [392, 128], strides = [1, 1]} : vector<392x8192xf32> to vector<392x128xf32>
    %slice3A_27 = vector.extract_strided_slice %sub3A_17 {offsets = [0, 128], sizes = [392, 128], strides = [1, 1]} : vector<392x8192xf32> to vector<392x128xf32>
    %slice3A_28 = vector.extract_strided_slice %sub3A_17 {offsets = [0, 256], sizes = [392, 128], strides = [1, 1]} : vector<392x8192xf32> to vector<392x128xf32>
    %slice3A_29 = vector.extract_strided_slice %sub3A_17 {offsets = [0, 384], sizes = [392, 128], strides = [1, 1]} : vector<392x8192xf32> to vector<392x128xf32>
    %slice3A_30 = vector.extract_strided_slice %sub3A_17 {offsets = [0, 512], sizes = [392, 128], strides = [1, 1]} : vector<392x8192xf32> to vector<392x128xf32>
    %slice3A_31 = vector.extract_strided_slice %sub3A_17 {offsets = [0, 640], sizes = [392, 128], strides = [1, 1]} : vector<392x8192xf32> to vector<392x128xf32>
    %slice3A_32 = vector.extract_strided_slice %sub3A_17 {offsets = [0, 768], sizes = [392, 128], strides = [1, 1]} : vector<392x8192xf32> to vector<392x128xf32>
    %slice3A_33 = vector.extract_strided_slice %sub3A_17 {offsets = [0, 896], sizes = [392, 128], strides = [1, 1]} : vector<392x8192xf32> to vector<392x128xf32>
    %slice3A_34 = vector.extract_strided_slice %sub3A_17 {offsets = [0, 1024], sizes = [392, 128], strides = [1, 1]} : vector<392x8192xf32> to vector<392x128xf32>
    %slice3A_35 = vector.extract_strided_slice %sub3A_17 {offsets = [0, 1152], sizes = [392, 128], strides = [1, 1]} : vector<392x8192xf32> to vector<392x128xf32>
    %slice3A_36 = vector.extract_strided_slice %sub3A_17 {offsets = [0, 1280], sizes = [392, 128], strides = [1, 1]} : vector<392x8192xf32> to vector<392x128xf32>
    %slice3A_37 = vector.extract_strided_slice %sub3A_17 {offsets = [0, 1408], sizes = [392, 128], strides = [1, 1]} : vector<392x8192xf32> to vector<392x128xf32>
    %slice3A_38 = vector.extract_strided_slice %sub3A_17 {offsets = [0, 1536], sizes = [392, 128], strides = [1, 1]} : vector<392x8192xf32> to vector<392x128xf32>
    %slice3A_39 = vector.extract_strided_slice %sub3A_17 {offsets = [0, 1664], sizes = [392, 128], strides = [1, 1]} : vector<392x8192xf32> to vector<392x128xf32>
    %slice3A_40 = vector.extract_strided_slice %sub3A_17 {offsets = [0, 1792], sizes = [392, 128], strides = [1, 1]} : vector<392x8192xf32> to vector<392x128xf32>
    %slice3A_41 = vector.extract_strided_slice %sub3A_17 {offsets = [0, 1920], sizes = [392, 128], strides = [1, 1]} : vector<392x8192xf32> to vector<392x128xf32>
    %slice3A_42 = vector.extract_strided_slice %sub3A_17 {offsets = [0, 2048], sizes = [392, 128], strides = [1, 1]} : vector<392x8192xf32> to vector<392x128xf32>
    %slice3A_43 = vector.extract_strided_slice %sub3A_17 {offsets = [0, 2176], sizes = [392, 128], strides = [1, 1]} : vector<392x8192xf32> to vector<392x128xf32>
    %slice3A_44 = vector.extract_strided_slice %sub3A_17 {offsets = [0, 2304], sizes = [392, 128], strides = [1, 1]} : vector<392x8192xf32> to vector<392x128xf32>
    %slice3A_45 = vector.extract_strided_slice %sub3A_17 {offsets = [0, 2432], sizes = [392, 128], strides = [1, 1]} : vector<392x8192xf32> to vector<392x128xf32>
    %slice3A_46 = vector.extract_strided_slice %sub3A_17 {offsets = [0, 2560], sizes = [392, 128], strides = [1, 1]} : vector<392x8192xf32> to vector<392x128xf32>
    %slice3A_47 = vector.extract_strided_slice %sub3A_17 {offsets = [0, 2688], sizes = [392, 128], strides = [1, 1]} : vector<392x8192xf32> to vector<392x128xf32>
    %slice3A_48 = vector.extract_strided_slice %sub3A_17 {offsets = [0, 2816], sizes = [392, 128], strides = [1, 1]} : vector<392x8192xf32> to vector<392x128xf32>
    %slice3A_49 = vector.extract_strided_slice %sub3A_17 {offsets = [0, 2944], sizes = [392, 128], strides = [1, 1]} : vector<392x8192xf32> to vector<392x128xf32>
    %slice3A_50 = vector.extract_strided_slice %sub3A_17 {offsets = [0, 3072], sizes = [392, 128], strides = [1, 1]} : vector<392x8192xf32> to vector<392x128xf32>
    %slice3A_51 = vector.extract_strided_slice %sub3A_17 {offsets = [0, 3200], sizes = [392, 128], strides = [1, 1]} : vector<392x8192xf32> to vector<392x128xf32>
    %slice3A_52 = vector.extract_strided_slice %sub3A_17 {offsets = [0, 3328], sizes = [392, 128], strides = [1, 1]} : vector<392x8192xf32> to vector<392x128xf32>
    %slice3A_53 = vector.extract_strided_slice %sub3A_17 {offsets = [0, 3456], sizes = [392, 128], strides = [1, 1]} : vector<392x8192xf32> to vector<392x128xf32>
    %slice3A_54 = vector.extract_strided_slice %sub3A_17 {offsets = [0, 3584], sizes = [392, 128], strides = [1, 1]} : vector<392x8192xf32> to vector<392x128xf32>
    %slice3A_55 = vector.extract_strided_slice %sub3A_17 {offsets = [0, 3712], sizes = [392, 128], strides = [1, 1]} : vector<392x8192xf32> to vector<392x128xf32>
    %slice3A_56 = vector.extract_strided_slice %sub3A_17 {offsets = [0, 3840], sizes = [392, 128], strides = [1, 1]} : vector<392x8192xf32> to vector<392x128xf32>
    %slice3A_57 = vector.extract_strided_slice %sub3A_17 {offsets = [0, 3968], sizes = [392, 128], strides = [1, 1]} : vector<392x8192xf32> to vector<392x128xf32>
    %slice3A_58 = vector.extract_strided_slice %sub3A_17 {offsets = [0, 4096], sizes = [392, 128], strides = [1, 1]} : vector<392x8192xf32> to vector<392x128xf32>
    %slice3A_59 = vector.extract_strided_slice %sub3A_17 {offsets = [0, 4224], sizes = [392, 128], strides = [1, 1]} : vector<392x8192xf32> to vector<392x128xf32>
    %slice3A_60 = vector.extract_strided_slice %sub3A_17 {offsets = [0, 4352], sizes = [392, 128], strides = [1, 1]} : vector<392x8192xf32> to vector<392x128xf32>
    %slice3A_61 = vector.extract_strided_slice %sub3A_17 {offsets = [0, 4480], sizes = [392, 128], strides = [1, 1]} : vector<392x8192xf32> to vector<392x128xf32>
    %slice3A_62 = vector.extract_strided_slice %sub3A_17 {offsets = [0, 4608], sizes = [392, 128], strides = [1, 1]} : vector<392x8192xf32> to vector<392x128xf32>
    %slice3A_63 = vector.extract_strided_slice %sub3A_17 {offsets = [0, 4736], sizes = [392, 128], strides = [1, 1]} : vector<392x8192xf32> to vector<392x128xf32>
    %slice3A_64 = vector.extract_strided_slice %sub3A_17 {offsets = [0, 4864], sizes = [392, 128], strides = [1, 1]} : vector<392x8192xf32> to vector<392x128xf32>
    %slice3A_65 = vector.extract_strided_slice %sub3A_17 {offsets = [0, 4992], sizes = [392, 128], strides = [1, 1]} : vector<392x8192xf32> to vector<392x128xf32>
    %slice3A_66 = vector.extract_strided_slice %sub3A_17 {offsets = [0, 5120], sizes = [392, 128], strides = [1, 1]} : vector<392x8192xf32> to vector<392x128xf32>
    %slice3A_67 = vector.extract_strided_slice %sub3A_17 {offsets = [0, 5248], sizes = [392, 128], strides = [1, 1]} : vector<392x8192xf32> to vector<392x128xf32>
    %slice3A_68 = vector.extract_strided_slice %sub3A_17 {offsets = [0, 5376], sizes = [392, 128], strides = [1, 1]} : vector<392x8192xf32> to vector<392x128xf32>
    %slice3A_69 = vector.extract_strided_slice %sub3A_17 {offsets = [0, 5504], sizes = [392, 128], strides = [1, 1]} : vector<392x8192xf32> to vector<392x128xf32>
    %slice3A_70 = vector.extract_strided_slice %sub3A_17 {offsets = [0, 5632], sizes = [392, 128], strides = [1, 1]} : vector<392x8192xf32> to vector<392x128xf32>
    %slice3A_71 = vector.extract_strided_slice %sub3A_17 {offsets = [0, 5760], sizes = [392, 128], strides = [1, 1]} : vector<392x8192xf32> to vector<392x128xf32>
    %slice3A_72 = vector.extract_strided_slice %sub3A_17 {offsets = [0, 5888], sizes = [392, 128], strides = [1, 1]} : vector<392x8192xf32> to vector<392x128xf32>
    %slice3A_73 = vector.extract_strided_slice %sub3A_17 {offsets = [0, 6016], sizes = [392, 128], strides = [1, 1]} : vector<392x8192xf32> to vector<392x128xf32>
    %slice3A_74 = vector.extract_strided_slice %sub3A_17 {offsets = [0, 6144], sizes = [392, 128], strides = [1, 1]} : vector<392x8192xf32> to vector<392x128xf32>
    %slice3A_75 = vector.extract_strided_slice %sub3A_17 {offsets = [0, 6272], sizes = [392, 128], strides = [1, 1]} : vector<392x8192xf32> to vector<392x128xf32>
    %slice3A_76 = vector.extract_strided_slice %sub3A_17 {offsets = [0, 6400], sizes = [392, 128], strides = [1, 1]} : vector<392x8192xf32> to vector<392x128xf32>
    %slice3A_77 = vector.extract_strided_slice %sub3A_17 {offsets = [0, 6528], sizes = [392, 128], strides = [1, 1]} : vector<392x8192xf32> to vector<392x128xf32>
    %slice3A_78 = vector.extract_strided_slice %sub3A_17 {offsets = [0, 6656], sizes = [392, 128], strides = [1, 1]} : vector<392x8192xf32> to vector<392x128xf32>
    %slice3A_79 = vector.extract_strided_slice %sub3A_17 {offsets = [0, 6784], sizes = [392, 128], strides = [1, 1]} : vector<392x8192xf32> to vector<392x128xf32>
    %slice3A_80 = vector.extract_strided_slice %sub3A_17 {offsets = [0, 6912], sizes = [392, 128], strides = [1, 1]} : vector<392x8192xf32> to vector<392x128xf32>
    %slice3A_81 = vector.extract_strided_slice %sub3A_17 {offsets = [0, 7040], sizes = [392, 128], strides = [1, 1]} : vector<392x8192xf32> to vector<392x128xf32>
    %slice3A_82 = vector.extract_strided_slice %sub3A_17 {offsets = [0, 7168], sizes = [392, 128], strides = [1, 1]} : vector<392x8192xf32> to vector<392x128xf32>
    %slice3A_83 = vector.extract_strided_slice %sub3A_17 {offsets = [0, 7296], sizes = [392, 128], strides = [1, 1]} : vector<392x8192xf32> to vector<392x128xf32>
    %slice3A_84 = vector.extract_strided_slice %sub3A_17 {offsets = [0, 7424], sizes = [392, 128], strides = [1, 1]} : vector<392x8192xf32> to vector<392x128xf32>
    %slice3A_85 = vector.extract_strided_slice %sub3A_17 {offsets = [0, 7552], sizes = [392, 128], strides = [1, 1]} : vector<392x8192xf32> to vector<392x128xf32>
    %slice3A_86 = vector.extract_strided_slice %sub3A_17 {offsets = [0, 7680], sizes = [392, 128], strides = [1, 1]} : vector<392x8192xf32> to vector<392x128xf32>
    %slice3A_87 = vector.extract_strided_slice %sub3A_17 {offsets = [0, 7808], sizes = [392, 128], strides = [1, 1]} : vector<392x8192xf32> to vector<392x128xf32>
    %slice3A_88 = vector.extract_strided_slice %sub3A_17 {offsets = [0, 7936], sizes = [392, 128], strides = [1, 1]} : vector<392x8192xf32> to vector<392x128xf32>
    %slice3A_89 = vector.extract_strided_slice %sub3A_17 {offsets = [0, 8064], sizes = [392, 128], strides = [1, 1]} : vector<392x8192xf32> to vector<392x128xf32>
    %max3A = arith.maximumf %slice3A, %slice3A_27 : vector<392x128xf32>
    %min3A_90 = arith.minimumf %slice3A, %slice3A_27 : vector<392x128xf32>
    %max3A_91 = arith.maximumf %slice3A_28, %slice3A_29 : vector<392x128xf32>
    %min3A_92 = arith.minimumf %slice3A_28, %slice3A_29 : vector<392x128xf32>
    %max3A_93 = arith.maximumf %slice3A_30, %slice3A_31 : vector<392x128xf32>
    %min3A_94 = arith.minimumf %slice3A_30, %slice3A_31 : vector<392x128xf32>
    %max3A_95 = arith.maximumf %slice3A_32, %slice3A_33 : vector<392x128xf32>
    %min3A_96 = arith.minimumf %slice3A_32, %slice3A_33 : vector<392x128xf32>
    %max3A_97 = arith.maximumf %slice3A_34, %slice3A_35 : vector<392x128xf32>
    %min3A_98 = arith.minimumf %slice3A_34, %slice3A_35 : vector<392x128xf32>
    %max3A_99 = arith.maximumf %slice3A_36, %slice3A_37 : vector<392x128xf32>
    %min3A_100 = arith.minimumf %slice3A_36, %slice3A_37 : vector<392x128xf32>
    %max3A_101 = arith.maximumf %slice3A_38, %slice3A_39 : vector<392x128xf32>
    %min3A_102 = arith.minimumf %slice3A_38, %slice3A_39 : vector<392x128xf32>
    %max3A_103 = arith.maximumf %slice3A_40, %slice3A_41 : vector<392x128xf32>
    %min3A_104 = arith.minimumf %slice3A_40, %slice3A_41 : vector<392x128xf32>
    %max3A_105 = arith.maximumf %slice3A_42, %slice3A_43 : vector<392x128xf32>
    %min3A_106 = arith.minimumf %slice3A_42, %slice3A_43 : vector<392x128xf32>
    %max3A_107 = arith.maximumf %slice3A_44, %slice3A_45 : vector<392x128xf32>
    %min3A_108 = arith.minimumf %slice3A_44, %slice3A_45 : vector<392x128xf32>
    %max3A_109 = arith.maximumf %slice3A_46, %slice3A_47 : vector<392x128xf32>
    %min3A_110 = arith.minimumf %slice3A_46, %slice3A_47 : vector<392x128xf32>
    %max3A_111 = arith.maximumf %slice3A_48, %slice3A_49 : vector<392x128xf32>
    %min3A_112 = arith.minimumf %slice3A_48, %slice3A_49 : vector<392x128xf32>
    %max3A_113 = arith.maximumf %slice3A_50, %slice3A_51 : vector<392x128xf32>
    %min3A_114 = arith.minimumf %slice3A_50, %slice3A_51 : vector<392x128xf32>
    %max3A_115 = arith.maximumf %slice3A_52, %slice3A_53 : vector<392x128xf32>
    %min3A_116 = arith.minimumf %slice3A_52, %slice3A_53 : vector<392x128xf32>
    %max3A_117 = arith.maximumf %slice3A_54, %slice3A_55 : vector<392x128xf32>
    %min3A_118 = arith.minimumf %slice3A_54, %slice3A_55 : vector<392x128xf32>
    %max3A_119 = arith.maximumf %slice3A_56, %slice3A_57 : vector<392x128xf32>
    %min3A_120 = arith.minimumf %slice3A_56, %slice3A_57 : vector<392x128xf32>
    %max3A_121 = arith.maximumf %slice3A_58, %slice3A_59 : vector<392x128xf32>
    %min3A_122 = arith.minimumf %slice3A_58, %slice3A_59 : vector<392x128xf32>
    %max3A_123 = arith.maximumf %slice3A_60, %slice3A_61 : vector<392x128xf32>
    %min3A_124 = arith.minimumf %slice3A_60, %slice3A_61 : vector<392x128xf32>
    %max3A_125 = arith.maximumf %slice3A_62, %slice3A_63 : vector<392x128xf32>
    %min3A_126 = arith.minimumf %slice3A_62, %slice3A_63 : vector<392x128xf32>
    %max3A_127 = arith.maximumf %slice3A_64, %slice3A_65 : vector<392x128xf32>
    %min3A_128 = arith.minimumf %slice3A_64, %slice3A_65 : vector<392x128xf32>
    %max3A_129 = arith.maximumf %slice3A_66, %slice3A_67 : vector<392x128xf32>
    %min3A_130 = arith.minimumf %slice3A_66, %slice3A_67 : vector<392x128xf32>
    %max3A_131 = arith.maximumf %slice3A_68, %slice3A_69 : vector<392x128xf32>
    %min3A_132 = arith.minimumf %slice3A_68, %slice3A_69 : vector<392x128xf32>
    %max3A_133 = arith.maximumf %slice3A_70, %slice3A_71 : vector<392x128xf32>
    %min3A_134 = arith.minimumf %slice3A_70, %slice3A_71 : vector<392x128xf32>
    %max3A_135 = arith.maximumf %slice3A_72, %slice3A_73 : vector<392x128xf32>
    %min3A_136 = arith.minimumf %slice3A_72, %slice3A_73 : vector<392x128xf32>
    %max3A_137 = arith.maximumf %slice3A_74, %slice3A_75 : vector<392x128xf32>
    %min3A_138 = arith.minimumf %slice3A_74, %slice3A_75 : vector<392x128xf32>
    %max3A_139 = arith.maximumf %slice3A_76, %slice3A_77 : vector<392x128xf32>
    %min3A_140 = arith.minimumf %slice3A_76, %slice3A_77 : vector<392x128xf32>
    %max3A_141 = arith.maximumf %slice3A_78, %slice3A_79 : vector<392x128xf32>
    %min3A_142 = arith.minimumf %slice3A_78, %slice3A_79 : vector<392x128xf32>
    %max3A_143 = arith.maximumf %slice3A_80, %slice3A_81 : vector<392x128xf32>
    %min3A_144 = arith.minimumf %slice3A_80, %slice3A_81 : vector<392x128xf32>
    %max3A_145 = arith.maximumf %slice3A_82, %slice3A_83 : vector<392x128xf32>
    %min3A_146 = arith.minimumf %slice3A_82, %slice3A_83 : vector<392x128xf32>
    %max3A_147 = arith.maximumf %slice3A_84, %slice3A_85 : vector<392x128xf32>
    %min3A_148 = arith.minimumf %slice3A_84, %slice3A_85 : vector<392x128xf32>
    %max3A_149 = arith.maximumf %slice3A_86, %slice3A_87 : vector<392x128xf32>
    %min3A_150 = arith.minimumf %slice3A_86, %slice3A_87 : vector<392x128xf32>
    %max3A_151 = arith.maximumf %slice3A_88, %slice3A_89 : vector<392x128xf32>
    %min3A_152 = arith.minimumf %slice3A_88, %slice3A_89 : vector<392x128xf32>
    %max3A_153 = arith.maximumf %max3A, %max3A_91 : vector<392x128xf32>
    %min3A_154 = arith.minimumf %max3A, %max3A_91 : vector<392x128xf32>
    %max3A_155 = arith.maximumf %max3A_93, %max3A_95 : vector<392x128xf32>
    %min3A_156 = arith.minimumf %max3A_93, %max3A_95 : vector<392x128xf32>
    %max3A_157 = arith.maximumf %max3A_97, %max3A_99 : vector<392x128xf32>
    %min3A_158 = arith.minimumf %max3A_97, %max3A_99 : vector<392x128xf32>
    %max3A_159 = arith.maximumf %max3A_101, %max3A_103 : vector<392x128xf32>
    %min3A_160 = arith.minimumf %max3A_101, %max3A_103 : vector<392x128xf32>
    %max3A_161 = arith.maximumf %max3A_105, %max3A_107 : vector<392x128xf32>
    %min3A_162 = arith.minimumf %max3A_105, %max3A_107 : vector<392x128xf32>
    %max3A_163 = arith.maximumf %max3A_109, %max3A_111 : vector<392x128xf32>
    %min3A_164 = arith.minimumf %max3A_109, %max3A_111 : vector<392x128xf32>
    %max3A_165 = arith.maximumf %max3A_113, %max3A_115 : vector<392x128xf32>
    %min3A_166 = arith.minimumf %max3A_113, %max3A_115 : vector<392x128xf32>
    %max3A_167 = arith.maximumf %max3A_117, %max3A_119 : vector<392x128xf32>
    %min3A_168 = arith.minimumf %max3A_117, %max3A_119 : vector<392x128xf32>
    %max3A_169 = arith.maximumf %max3A_121, %max3A_123 : vector<392x128xf32>
    %min3A_170 = arith.minimumf %max3A_121, %max3A_123 : vector<392x128xf32>
    %max3A_171 = arith.maximumf %max3A_125, %max3A_127 : vector<392x128xf32>
    %min3A_172 = arith.minimumf %max3A_125, %max3A_127 : vector<392x128xf32>
    %max3A_173 = arith.maximumf %max3A_129, %max3A_131 : vector<392x128xf32>
    %min3A_174 = arith.minimumf %max3A_129, %max3A_131 : vector<392x128xf32>
    %max3A_175 = arith.maximumf %max3A_133, %max3A_135 : vector<392x128xf32>
    %min3A_176 = arith.minimumf %max3A_133, %max3A_135 : vector<392x128xf32>
    %max3A_177 = arith.maximumf %max3A_137, %max3A_139 : vector<392x128xf32>
    %min3A_178 = arith.minimumf %max3A_137, %max3A_139 : vector<392x128xf32>
    %max3A_179 = arith.maximumf %max3A_141, %max3A_143 : vector<392x128xf32>
    %min3A_180 = arith.minimumf %max3A_141, %max3A_143 : vector<392x128xf32>
    %max3A_181 = arith.maximumf %max3A_145, %max3A_147 : vector<392x128xf32>
    %min3A_182 = arith.minimumf %max3A_145, %max3A_147 : vector<392x128xf32>
    %max3A_183 = arith.maximumf %max3A_149, %max3A_151 : vector<392x128xf32>
    %min3A_184 = arith.minimumf %max3A_149, %max3A_151 : vector<392x128xf32>
    %max3A_185 = arith.maximumf %max3A_153, %max3A_155 : vector<392x128xf32>
    %min3A_186 = arith.minimumf %max3A_153, %max3A_155 : vector<392x128xf32>
    %max3A_187 = arith.maximumf %max3A_157, %max3A_159 : vector<392x128xf32>
    %min3A_188 = arith.minimumf %max3A_157, %max3A_159 : vector<392x128xf32>
    %max3A_189 = arith.maximumf %max3A_161, %max3A_163 : vector<392x128xf32>
    %min3A_190 = arith.minimumf %max3A_161, %max3A_163 : vector<392x128xf32>
    %max3A_191 = arith.maximumf %max3A_165, %max3A_167 : vector<392x128xf32>
    %min3A_192 = arith.minimumf %max3A_165, %max3A_167 : vector<392x128xf32>
    %max3A_193 = arith.maximumf %max3A_169, %max3A_171 : vector<392x128xf32>
    %min3A_194 = arith.minimumf %max3A_169, %max3A_171 : vector<392x128xf32>
    %max3A_195 = arith.maximumf %max3A_173, %max3A_175 : vector<392x128xf32>
    %min3A_196 = arith.minimumf %max3A_173, %max3A_175 : vector<392x128xf32>
    %max3A_197 = arith.maximumf %max3A_177, %max3A_179 : vector<392x128xf32>
    %min3A_198 = arith.minimumf %max3A_177, %max3A_179 : vector<392x128xf32>
    %max3A_199 = arith.maximumf %max3A_181, %max3A_183 : vector<392x128xf32>
    %min3A_200 = arith.minimumf %max3A_181, %max3A_183 : vector<392x128xf32>
    %max3A_201 = arith.maximumf %max3A_185, %max3A_187 : vector<392x128xf32>
    %min3A_202 = arith.minimumf %max3A_185, %max3A_187 : vector<392x128xf32>
    %max3A_203 = arith.maximumf %max3A_189, %max3A_191 : vector<392x128xf32>
    %min3A_204 = arith.minimumf %max3A_189, %max3A_191 : vector<392x128xf32>
    %max3A_205 = arith.maximumf %max3A_193, %max3A_195 : vector<392x128xf32>
    %min3A_206 = arith.minimumf %max3A_193, %max3A_195 : vector<392x128xf32>
    %max3A_207 = arith.maximumf %max3A_197, %max3A_199 : vector<392x128xf32>
    %min3A_208 = arith.minimumf %max3A_197, %max3A_199 : vector<392x128xf32>
    %max3A_209 = arith.maximumf %max3A_201, %max3A_203 : vector<392x128xf32>
    %min3A_210 = arith.minimumf %max3A_201, %max3A_203 : vector<392x128xf32>
    %max3A_211 = arith.maximumf %min3A_210, %max3A_205 : vector<392x128xf32>
    %min3A_212 = arith.minimumf %min3A_210, %max3A_205 : vector<392x128xf32>
    %max3A_213 = arith.maximumf %max3A_209, %max3A_211 : vector<392x128xf32>
    %min3A_214 = arith.minimumf %max3A_209, %max3A_211 : vector<392x128xf32>
    %max3A_215 = arith.maximumf %min3A_212, %max3A_207 : vector<392x128xf32>
    %min3A_216 = arith.minimumf %min3A_212, %max3A_207 : vector<392x128xf32>
    %max3A_217 = arith.maximumf %min3A_214, %max3A_215 : vector<392x128xf32>
    %min3A_218 = arith.minimumf %min3A_214, %max3A_215 : vector<392x128xf32>
    %max3A_219 = arith.maximumf %max3A_213, %max3A_217 : vector<392x128xf32>
    %min3A_220 = arith.minimumf %max3A_213, %max3A_217 : vector<392x128xf32>
    %max3A_221 = arith.maximumf %min3A_202, %min3A_204 : vector<392x128xf32>
    %min3A_222 = arith.minimumf %min3A_202, %min3A_204 : vector<392x128xf32>
    %max3A_223 = arith.maximumf %min3A_206, %min3A_208 : vector<392x128xf32>
    %min3A_224 = arith.minimumf %min3A_206, %min3A_208 : vector<392x128xf32>
    %max3A_225 = arith.maximumf %max3A_221, %max3A_223 : vector<392x128xf32>
    %min3A_226 = arith.minimumf %max3A_221, %max3A_223 : vector<392x128xf32>
    %max3A_227 = arith.maximumf %min3A_222, %min3A_224 : vector<392x128xf32>
    %max3A_228 = arith.maximumf %max3A_225, %max3A_227 : vector<392x128xf32>
    %min3A_229 = arith.minimumf %max3A_225, %max3A_227 : vector<392x128xf32>
    %max3A_230 = arith.maximumf %min3A_226, %min3A_229 : vector<392x128xf32>
    %max3A_231 = arith.maximumf %max3A_219, %max3A_228 : vector<392x128xf32>
    %min3A_232 = arith.minimumf %max3A_219, %max3A_228 : vector<392x128xf32>
    %max3A_233 = arith.maximumf %min3A_220, %max3A_230 : vector<392x128xf32>
    %max3A_234 = arith.maximumf %max3A_233, %min3A_232 : vector<392x128xf32>
    %min3A_235 = arith.minimumf %max3A_219, %max3A_230 : vector<392x128xf32>
    %min3A_236 = arith.minimumf %min3A_220, %max3A_228 : vector<392x128xf32>
    %max3A_237 = arith.maximumf %min3A_218, %min3A_235 : vector<392x128xf32>
    %max3A_238 = arith.maximumf %max3A_237, %min3A_236 : vector<392x128xf32>
    %min3A_239 = arith.minimumf %min3A_220, %max3A_230 : vector<392x128xf32>
    %min3A_240 = arith.minimumf %min3A_218, %max3A_228 : vector<392x128xf32>
    %max3A_241 = arith.maximumf %min3A_216, %min3A_239 : vector<392x128xf32>
    %max3A_242 = arith.maximumf %max3A_241, %min3A_240 : vector<392x128xf32>
    %min3A_243 = arith.minimumf %min3A_218, %max3A_230 : vector<392x128xf32>
    %min3A_244 = arith.minimumf %min3A_216, %max3A_228 : vector<392x128xf32>
    %max3A_245 = arith.maximumf %min3A_243, %min3A_244 : vector<392x128xf32>
    %max3A_246 = arith.maximumf %min3A_186, %min3A_188 : vector<392x128xf32>
    %min3A_247 = arith.minimumf %min3A_186, %min3A_188 : vector<392x128xf32>
    %max3A_248 = arith.maximumf %min3A_190, %min3A_192 : vector<392x128xf32>
    %min3A_249 = arith.minimumf %min3A_190, %min3A_192 : vector<392x128xf32>
    %max3A_250 = arith.maximumf %min3A_194, %min3A_196 : vector<392x128xf32>
    %min3A_251 = arith.minimumf %min3A_194, %min3A_196 : vector<392x128xf32>
    %max3A_252 = arith.maximumf %min3A_198, %min3A_200 : vector<392x128xf32>
    %min3A_253 = arith.minimumf %min3A_198, %min3A_200 : vector<392x128xf32>
    %max3A_254 = arith.maximumf %max3A_246, %max3A_248 : vector<392x128xf32>
    %min3A_255 = arith.minimumf %max3A_246, %max3A_248 : vector<392x128xf32>
    %max3A_256 = arith.maximumf %max3A_250, %max3A_252 : vector<392x128xf32>
    %min3A_257 = arith.minimumf %max3A_250, %max3A_252 : vector<392x128xf32>
    %max3A_258 = arith.maximumf %max3A_254, %max3A_256 : vector<392x128xf32>
    %min3A_259 = arith.minimumf %max3A_254, %max3A_256 : vector<392x128xf32>
    %max3A_260 = arith.maximumf %min3A_255, %min3A_257 : vector<392x128xf32>
    %max3A_261 = arith.maximumf %max3A_258, %max3A_260 : vector<392x128xf32>
    %min3A_262 = arith.minimumf %max3A_258, %max3A_260 : vector<392x128xf32>
    %max3A_263 = arith.maximumf %min3A_259, %min3A_262 : vector<392x128xf32>
    %max3A_264 = arith.maximumf %min3A_247, %min3A_249 : vector<392x128xf32>
    %max3A_265 = arith.maximumf %max3A_264, %min3A_251 : vector<392x128xf32>
    %max3A_266 = arith.maximumf %max3A_265, %min3A_253 : vector<392x128xf32>
    %max3A_267 = arith.maximumf %max3A_261, %max3A_266 : vector<392x128xf32>
    %min3A_268 = arith.minimumf %max3A_261, %max3A_266 : vector<392x128xf32>
    %max3A_269 = arith.maximumf %max3A_263, %min3A_268 : vector<392x128xf32>
    %max3A_270 = arith.maximumf %max3A_231, %max3A_267 : vector<392x128xf32>
    %min3A_271 = arith.minimumf %max3A_231, %max3A_267 : vector<392x128xf32>
    %max3A_272 = arith.maximumf %max3A_234, %max3A_269 : vector<392x128xf32>
    %max3A_273 = arith.maximumf %max3A_272, %min3A_271 : vector<392x128xf32>
    %min3A_274 = arith.minimumf %max3A_231, %max3A_269 : vector<392x128xf32>
    %min3A_275 = arith.minimumf %max3A_234, %max3A_267 : vector<392x128xf32>
    %max3A_276 = arith.maximumf %max3A_238, %min3A_274 : vector<392x128xf32>
    %max3A_277 = arith.maximumf %max3A_276, %min3A_275 : vector<392x128xf32>
    %min3A_278 = arith.minimumf %max3A_234, %max3A_269 : vector<392x128xf32>
    %min3A_279 = arith.minimumf %max3A_238, %max3A_267 : vector<392x128xf32>
    %max3A_280 = arith.maximumf %max3A_242, %min3A_278 : vector<392x128xf32>
    %max3A_281 = arith.maximumf %max3A_280, %min3A_279 : vector<392x128xf32>
    %min3A_282 = arith.minimumf %max3A_238, %max3A_269 : vector<392x128xf32>
    %min3A_283 = arith.minimumf %max3A_242, %max3A_267 : vector<392x128xf32>
    %max3A_284 = arith.maximumf %max3A_245, %min3A_282 : vector<392x128xf32>
    %max3A_285 = arith.maximumf %max3A_284, %min3A_283 : vector<392x128xf32>
    %max3A_286 = arith.maximumf %min3A_154, %min3A_156 : vector<392x128xf32>
    %min3A_287 = arith.minimumf %min3A_154, %min3A_156 : vector<392x128xf32>
    %max3A_288 = arith.maximumf %min3A_158, %min3A_160 : vector<392x128xf32>
    %min3A_289 = arith.minimumf %min3A_158, %min3A_160 : vector<392x128xf32>
    %max3A_290 = arith.maximumf %min3A_162, %min3A_164 : vector<392x128xf32>
    %min3A_291 = arith.minimumf %min3A_162, %min3A_164 : vector<392x128xf32>
    %max3A_292 = arith.maximumf %min3A_166, %min3A_168 : vector<392x128xf32>
    %min3A_293 = arith.minimumf %min3A_166, %min3A_168 : vector<392x128xf32>
    %max3A_294 = arith.maximumf %min3A_170, %min3A_172 : vector<392x128xf32>
    %min3A_295 = arith.minimumf %min3A_170, %min3A_172 : vector<392x128xf32>
    %max3A_296 = arith.maximumf %min3A_174, %min3A_176 : vector<392x128xf32>
    %min3A_297 = arith.minimumf %min3A_174, %min3A_176 : vector<392x128xf32>
    %max3A_298 = arith.maximumf %min3A_178, %min3A_180 : vector<392x128xf32>
    %min3A_299 = arith.minimumf %min3A_178, %min3A_180 : vector<392x128xf32>
    %max3A_300 = arith.maximumf %min3A_182, %min3A_184 : vector<392x128xf32>
    %min3A_301 = arith.minimumf %min3A_182, %min3A_184 : vector<392x128xf32>
    %max3A_302 = arith.maximumf %max3A_286, %max3A_288 : vector<392x128xf32>
    %min3A_303 = arith.minimumf %max3A_286, %max3A_288 : vector<392x128xf32>
    %max3A_304 = arith.maximumf %max3A_290, %max3A_292 : vector<392x128xf32>
    %min3A_305 = arith.minimumf %max3A_290, %max3A_292 : vector<392x128xf32>
    %max3A_306 = arith.maximumf %max3A_294, %max3A_296 : vector<392x128xf32>
    %min3A_307 = arith.minimumf %max3A_294, %max3A_296 : vector<392x128xf32>
    %max3A_308 = arith.maximumf %max3A_298, %max3A_300 : vector<392x128xf32>
    %min3A_309 = arith.minimumf %max3A_298, %max3A_300 : vector<392x128xf32>
    %max3A_310 = arith.maximumf %max3A_302, %max3A_304 : vector<392x128xf32>
    %min3A_311 = arith.minimumf %max3A_302, %max3A_304 : vector<392x128xf32>
    %max3A_312 = arith.maximumf %max3A_306, %max3A_308 : vector<392x128xf32>
    %min3A_313 = arith.minimumf %max3A_306, %max3A_308 : vector<392x128xf32>
    %max3A_314 = arith.maximumf %max3A_310, %max3A_312 : vector<392x128xf32>
    %min3A_315 = arith.minimumf %max3A_310, %max3A_312 : vector<392x128xf32>
    %max3A_316 = arith.maximumf %min3A_311, %min3A_313 : vector<392x128xf32>
    %max3A_317 = arith.maximumf %max3A_314, %max3A_316 : vector<392x128xf32>
    %min3A_318 = arith.minimumf %max3A_314, %max3A_316 : vector<392x128xf32>
    %max3A_319 = arith.maximumf %min3A_315, %min3A_318 : vector<392x128xf32>
    %max3A_320 = arith.maximumf %min3A_303, %min3A_305 : vector<392x128xf32>
    %max3A_321 = arith.maximumf %max3A_320, %min3A_307 : vector<392x128xf32>
    %max3A_322 = arith.maximumf %max3A_321, %min3A_309 : vector<392x128xf32>
    %max3A_323 = arith.maximumf %max3A_317, %max3A_322 : vector<392x128xf32>
    %min3A_324 = arith.minimumf %max3A_317, %max3A_322 : vector<392x128xf32>
    %max3A_325 = arith.maximumf %max3A_319, %min3A_324 : vector<392x128xf32>
    %max3A_326 = arith.maximumf %min3A_287, %min3A_289 : vector<392x128xf32>
    %max3A_327 = arith.maximumf %max3A_326, %min3A_291 : vector<392x128xf32>
    %max3A_328 = arith.maximumf %max3A_327, %min3A_293 : vector<392x128xf32>
    %max3A_329 = arith.maximumf %max3A_328, %min3A_295 : vector<392x128xf32>
    %max3A_330 = arith.maximumf %max3A_329, %min3A_297 : vector<392x128xf32>
    %max3A_331 = arith.maximumf %max3A_330, %min3A_299 : vector<392x128xf32>
    %max3A_332 = arith.maximumf %max3A_331, %min3A_301 : vector<392x128xf32>
    %max3A_333 = arith.maximumf %max3A_323, %max3A_332 : vector<392x128xf32>
    %min3A_334 = arith.minimumf %max3A_323, %max3A_332 : vector<392x128xf32>
    %max3A_335 = arith.maximumf %max3A_325, %min3A_334 : vector<392x128xf32>
    %max3A_336 = arith.maximumf %max3A_270, %max3A_333 : vector<392x128xf32>
    %min3A_337 = arith.minimumf %max3A_270, %max3A_333 : vector<392x128xf32>
    %max3A_338 = arith.maximumf %max3A_273, %max3A_335 : vector<392x128xf32>
    %max3A_339 = arith.maximumf %max3A_338, %min3A_337 : vector<392x128xf32>
    %min3A_340 = arith.minimumf %max3A_270, %max3A_335 : vector<392x128xf32>
    %min3A_341 = arith.minimumf %max3A_273, %max3A_333 : vector<392x128xf32>
    %max3A_342 = arith.maximumf %max3A_277, %min3A_340 : vector<392x128xf32>
    %max3A_343 = arith.maximumf %max3A_342, %min3A_341 : vector<392x128xf32>
    %min3A_344 = arith.minimumf %max3A_273, %max3A_335 : vector<392x128xf32>
    %min3A_345 = arith.minimumf %max3A_277, %max3A_333 : vector<392x128xf32>
    %max3A_346 = arith.maximumf %max3A_281, %min3A_344 : vector<392x128xf32>
    %max3A_347 = arith.maximumf %max3A_346, %min3A_345 : vector<392x128xf32>
    %min3A_348 = arith.minimumf %max3A_277, %max3A_335 : vector<392x128xf32>
    %min3A_349 = arith.minimumf %max3A_281, %max3A_333 : vector<392x128xf32>
    %max3A_350 = arith.maximumf %max3A_285, %min3A_348 : vector<392x128xf32>
    %max3A_351 = arith.maximumf %max3A_350, %min3A_349 : vector<392x128xf32>
    %max3A_352 = arith.maximumf %min3A_90, %min3A_92 : vector<392x128xf32>
    %min3A_353 = arith.minimumf %min3A_90, %min3A_92 : vector<392x128xf32>
    %max3A_354 = arith.maximumf %min3A_94, %min3A_96 : vector<392x128xf32>
    %min3A_355 = arith.minimumf %min3A_94, %min3A_96 : vector<392x128xf32>
    %max3A_356 = arith.maximumf %min3A_98, %min3A_100 : vector<392x128xf32>
    %min3A_357 = arith.minimumf %min3A_98, %min3A_100 : vector<392x128xf32>
    %max3A_358 = arith.maximumf %min3A_102, %min3A_104 : vector<392x128xf32>
    %min3A_359 = arith.minimumf %min3A_102, %min3A_104 : vector<392x128xf32>
    %max3A_360 = arith.maximumf %min3A_106, %min3A_108 : vector<392x128xf32>
    %min3A_361 = arith.minimumf %min3A_106, %min3A_108 : vector<392x128xf32>
    %max3A_362 = arith.maximumf %min3A_110, %min3A_112 : vector<392x128xf32>
    %min3A_363 = arith.minimumf %min3A_110, %min3A_112 : vector<392x128xf32>
    %max3A_364 = arith.maximumf %min3A_114, %min3A_116 : vector<392x128xf32>
    %min3A_365 = arith.minimumf %min3A_114, %min3A_116 : vector<392x128xf32>
    %max3A_366 = arith.maximumf %min3A_118, %min3A_120 : vector<392x128xf32>
    %min3A_367 = arith.minimumf %min3A_118, %min3A_120 : vector<392x128xf32>
    %max3A_368 = arith.maximumf %min3A_122, %min3A_124 : vector<392x128xf32>
    %min3A_369 = arith.minimumf %min3A_122, %min3A_124 : vector<392x128xf32>
    %max3A_370 = arith.maximumf %min3A_126, %min3A_128 : vector<392x128xf32>
    %min3A_371 = arith.minimumf %min3A_126, %min3A_128 : vector<392x128xf32>
    %max3A_372 = arith.maximumf %min3A_130, %min3A_132 : vector<392x128xf32>
    %min3A_373 = arith.minimumf %min3A_130, %min3A_132 : vector<392x128xf32>
    %max3A_374 = arith.maximumf %min3A_134, %min3A_136 : vector<392x128xf32>
    %min3A_375 = arith.minimumf %min3A_134, %min3A_136 : vector<392x128xf32>
    %max3A_376 = arith.maximumf %min3A_138, %min3A_140 : vector<392x128xf32>
    %min3A_377 = arith.minimumf %min3A_138, %min3A_140 : vector<392x128xf32>
    %max3A_378 = arith.maximumf %min3A_142, %min3A_144 : vector<392x128xf32>
    %min3A_379 = arith.minimumf %min3A_142, %min3A_144 : vector<392x128xf32>
    %max3A_380 = arith.maximumf %min3A_146, %min3A_148 : vector<392x128xf32>
    %min3A_381 = arith.minimumf %min3A_146, %min3A_148 : vector<392x128xf32>
    %max3A_382 = arith.maximumf %min3A_150, %min3A_152 : vector<392x128xf32>
    %min3A_383 = arith.minimumf %min3A_150, %min3A_152 : vector<392x128xf32>
    %max3A_384 = arith.maximumf %max3A_352, %max3A_354 : vector<392x128xf32>
    %min3A_385 = arith.minimumf %max3A_352, %max3A_354 : vector<392x128xf32>
    %max3A_386 = arith.maximumf %max3A_356, %max3A_358 : vector<392x128xf32>
    %min3A_387 = arith.minimumf %max3A_356, %max3A_358 : vector<392x128xf32>
    %max3A_388 = arith.maximumf %max3A_360, %max3A_362 : vector<392x128xf32>
    %min3A_389 = arith.minimumf %max3A_360, %max3A_362 : vector<392x128xf32>
    %max3A_390 = arith.maximumf %max3A_364, %max3A_366 : vector<392x128xf32>
    %min3A_391 = arith.minimumf %max3A_364, %max3A_366 : vector<392x128xf32>
    %max3A_392 = arith.maximumf %max3A_368, %max3A_370 : vector<392x128xf32>
    %min3A_393 = arith.minimumf %max3A_368, %max3A_370 : vector<392x128xf32>
    %max3A_394 = arith.maximumf %max3A_372, %max3A_374 : vector<392x128xf32>
    %min3A_395 = arith.minimumf %max3A_372, %max3A_374 : vector<392x128xf32>
    %max3A_396 = arith.maximumf %max3A_376, %max3A_378 : vector<392x128xf32>
    %min3A_397 = arith.minimumf %max3A_376, %max3A_378 : vector<392x128xf32>
    %max3A_398 = arith.maximumf %max3A_380, %max3A_382 : vector<392x128xf32>
    %min3A_399 = arith.minimumf %max3A_380, %max3A_382 : vector<392x128xf32>
    %max3A_400 = arith.maximumf %max3A_384, %max3A_386 : vector<392x128xf32>
    %min3A_401 = arith.minimumf %max3A_384, %max3A_386 : vector<392x128xf32>
    %max3A_402 = arith.maximumf %max3A_388, %max3A_390 : vector<392x128xf32>
    %min3A_403 = arith.minimumf %max3A_388, %max3A_390 : vector<392x128xf32>
    %max3A_404 = arith.maximumf %max3A_392, %max3A_394 : vector<392x128xf32>
    %min3A_405 = arith.minimumf %max3A_392, %max3A_394 : vector<392x128xf32>
    %max3A_406 = arith.maximumf %max3A_396, %max3A_398 : vector<392x128xf32>
    %min3A_407 = arith.minimumf %max3A_396, %max3A_398 : vector<392x128xf32>
    %max3A_408 = arith.maximumf %max3A_400, %max3A_402 : vector<392x128xf32>
    %min3A_409 = arith.minimumf %max3A_400, %max3A_402 : vector<392x128xf32>
    %max3A_410 = arith.maximumf %max3A_404, %max3A_406 : vector<392x128xf32>
    %min3A_411 = arith.minimumf %max3A_404, %max3A_406 : vector<392x128xf32>
    %max3A_412 = arith.maximumf %max3A_408, %max3A_410 : vector<392x128xf32>
    %min3A_413 = arith.minimumf %max3A_408, %max3A_410 : vector<392x128xf32>
    %max3A_414 = arith.maximumf %min3A_409, %min3A_411 : vector<392x128xf32>
    %max3A_415 = arith.maximumf %max3A_412, %max3A_414 : vector<392x128xf32>
    %min3A_416 = arith.minimumf %max3A_412, %max3A_414 : vector<392x128xf32>
    %max3A_417 = arith.maximumf %min3A_413, %min3A_416 : vector<392x128xf32>
    %max3A_418 = arith.maximumf %min3A_401, %min3A_403 : vector<392x128xf32>
    %max3A_419 = arith.maximumf %max3A_418, %min3A_405 : vector<392x128xf32>
    %max3A_420 = arith.maximumf %max3A_419, %min3A_407 : vector<392x128xf32>
    %max3A_421 = arith.maximumf %max3A_415, %max3A_420 : vector<392x128xf32>
    %min3A_422 = arith.minimumf %max3A_415, %max3A_420 : vector<392x128xf32>
    %max3A_423 = arith.maximumf %max3A_417, %min3A_422 : vector<392x128xf32>
    %max3A_424 = arith.maximumf %min3A_385, %min3A_387 : vector<392x128xf32>
    %max3A_425 = arith.maximumf %max3A_424, %min3A_389 : vector<392x128xf32>
    %max3A_426 = arith.maximumf %max3A_425, %min3A_391 : vector<392x128xf32>
    %max3A_427 = arith.maximumf %max3A_426, %min3A_393 : vector<392x128xf32>
    %max3A_428 = arith.maximumf %max3A_427, %min3A_395 : vector<392x128xf32>
    %max3A_429 = arith.maximumf %max3A_428, %min3A_397 : vector<392x128xf32>
    %max3A_430 = arith.maximumf %max3A_429, %min3A_399 : vector<392x128xf32>
    %max3A_431 = arith.maximumf %max3A_421, %max3A_430 : vector<392x128xf32>
    %min3A_432 = arith.minimumf %max3A_421, %max3A_430 : vector<392x128xf32>
    %max3A_433 = arith.maximumf %max3A_423, %min3A_432 : vector<392x128xf32>
    %max3A_434 = arith.maximumf %min3A_353, %min3A_355 : vector<392x128xf32>
    %max3A_435 = arith.maximumf %max3A_434, %min3A_357 : vector<392x128xf32>
    %max3A_436 = arith.maximumf %max3A_435, %min3A_359 : vector<392x128xf32>
    %max3A_437 = arith.maximumf %max3A_436, %min3A_361 : vector<392x128xf32>
    %max3A_438 = arith.maximumf %max3A_437, %min3A_363 : vector<392x128xf32>
    %max3A_439 = arith.maximumf %max3A_438, %min3A_365 : vector<392x128xf32>
    %max3A_440 = arith.maximumf %max3A_439, %min3A_367 : vector<392x128xf32>
    %max3A_441 = arith.maximumf %max3A_440, %min3A_369 : vector<392x128xf32>
    %max3A_442 = arith.maximumf %max3A_441, %min3A_371 : vector<392x128xf32>
    %max3A_443 = arith.maximumf %max3A_442, %min3A_373 : vector<392x128xf32>
    %max3A_444 = arith.maximumf %max3A_443, %min3A_375 : vector<392x128xf32>
    %max3A_445 = arith.maximumf %max3A_444, %min3A_377 : vector<392x128xf32>
    %max3A_446 = arith.maximumf %max3A_445, %min3A_379 : vector<392x128xf32>
    %max3A_447 = arith.maximumf %max3A_446, %min3A_381 : vector<392x128xf32>
    %max3A_448 = arith.maximumf %max3A_447, %min3A_383 : vector<392x128xf32>
    %max3A_449 = arith.maximumf %max3A_431, %max3A_448 : vector<392x128xf32>
    %min3A_450 = arith.minimumf %max3A_431, %max3A_448 : vector<392x128xf32>
    %max3A_451 = arith.maximumf %max3A_433, %min3A_450 : vector<392x128xf32>
    %max3A_452 = arith.maximumf %max3A_336, %max3A_449 : vector<392x128xf32>
    %min3A_453 = arith.minimumf %max3A_336, %max3A_449 : vector<392x128xf32>
    %max3A_454 = arith.maximumf %max3A_339, %max3A_451 : vector<392x128xf32>
    %max3A_455 = arith.maximumf %max3A_454, %min3A_453 : vector<392x128xf32>
    %min3A_456 = arith.minimumf %max3A_336, %max3A_451 : vector<392x128xf32>
    %min3A_457 = arith.minimumf %max3A_339, %max3A_449 : vector<392x128xf32>
    %max3A_458 = arith.maximumf %max3A_343, %min3A_456 : vector<392x128xf32>
    %max3A_459 = arith.maximumf %max3A_458, %min3A_457 : vector<392x128xf32>
    %min3A_460 = arith.minimumf %max3A_339, %max3A_451 : vector<392x128xf32>
    %min3A_461 = arith.minimumf %max3A_343, %max3A_449 : vector<392x128xf32>
    %max3A_462 = arith.maximumf %max3A_347, %min3A_460 : vector<392x128xf32>
    %max3A_463 = arith.maximumf %max3A_462, %min3A_461 : vector<392x128xf32>
    %min3A_464 = arith.minimumf %max3A_343, %max3A_451 : vector<392x128xf32>
    %min3A_465 = arith.minimumf %max3A_347, %max3A_449 : vector<392x128xf32>
    %max3A_466 = arith.maximumf %max3A_351, %min3A_464 : vector<392x128xf32>
    %max3A_467 = arith.maximumf %max3A_466, %min3A_465 : vector<392x128xf32>
    %concatenate3A = tpu.concatenate %max3A_452, %max3A_455, %max3A_459, %max3A_463, %max3A_467 in 1 : vector<392x128xf32>, vector<392x128xf32>, vector<392x128xf32>, vector<392x128xf32>, vector<392x128xf32> -> vector<392x640xf32>
    %broadcast_in_dim3A_468 = arith.constant 0.000000e+00 : f32
    %broadcast_in_dim3A_469 = vector.broadcast %broadcast_in_dim3A_468 : f32 to vector<392x1xf32>
    %broadcast_in_dim3A_470 = arith.constant 5.000000e+00 : f32
    %broadcast_in_dim3A_471 = vector.broadcast %broadcast_in_dim3A_470 : f32 to vector<392x1xf32>
    %reduce_max3A = arith.constant dense<0xFF800000> : vector<392xf32>
    %reduce_max3A_472 = vector.multi_reduction <maximumf>, %concatenate3A, %reduce_max3A [1] : vector<392x640xf32> to vector<392xf32>
    %broadcast_in_dim3A_473 = vector.shape_cast %reduce_max3A_472 : vector<392xf32> to vector<392x1xf32>
    %eq3A_474 = vector.broadcast %broadcast_in_dim3A_473 : vector<392x1xf32> to vector<392x640xf32>
    %eq3A_475 = arith.cmpf oeq, %concatenate3A, %eq3A_474 : vector<392x640xf32>
    %convert_element_type3A_476 = arith.extui %eq3A_475 : vector<392x640xi1> to vector<392x640xi32>
    %convert_element_type3A_477 = arith.sitofp %convert_element_type3A_476 : vector<392x640xi32> to vector<392x640xf32>
    %reduce_sum3A_478 = arith.constant dense<0.000000e+00> : vector<392xf32>
    %reduce_sum3A_479 = vector.multi_reduction <add>, %convert_element_type3A_477, %reduce_sum3A_478 [1] : vector<392x640xf32> to vector<392xf32>
    %broadcast_in_dim3A_480 = vector.shape_cast %reduce_sum3A_479 : vector<392xf32> to vector<392x1xf32>
    %min3A_481 = arith.minimumf %broadcast_in_dim3A_480, %broadcast_in_dim3A_471 : vector<392x1xf32>
    %mul3A_482 = arith.constant -2.000000e+00 : f32
    %mul3A_483 = vector.broadcast %mul3A_482 : f32 to vector<392x1xf32>
    %mul3A_484 = arith.mulf %mul3A_483, %broadcast_in_dim3A_473 : vector<392x1xf32>
    %max3A_485 = arith.constant 0.000000e+00 : f32
    %max3A_486 = vector.broadcast %max3A_485 : f32 to vector<392x1xf32>
    %max3A_487 = arith.maximumf %mul3A_484, %max3A_486 : vector<392x1xf32>
    %add3A = arith.constant 9.99999996E-13 : f32
    %add3A_488 = vector.broadcast %add3A : f32 to vector<392x1xf32>
    %add3A_489 = arith.addf %max3A_487, %add3A_488 : vector<392x1xf32>
    %sqrt3A = math.sqrt %add3A_489 : vector<392x1xf32>
    %mul3A_490 = arith.mulf %min3A_481, %sqrt3A : vector<392x1xf32>
    %add3A_491 = arith.addf %broadcast_in_dim3A_469, %mul3A_490 : vector<392x1xf32>
    %sub3A_492 = arith.subf %broadcast_in_dim3A_471, %min3A_481 : vector<392x1xf32>
    %jit3A = arith.constant 0xFF800000 : f32
    %broadcast_in_dim3A_493 = vector.broadcast %jit3A : f32 to vector<392x640xf32>
    %select_n3A = arith.select %eq3A_475, %broadcast_in_dim3A_493, %concatenate3A : vector<392x640xi1>, vector<392x640xf32>
    %reduce_max3A_494 = arith.constant dense<0xFF800000> : vector<392xf32>
    %reduce_max3A_495 = vector.multi_reduction <maximumf>, %select_n3A, %reduce_max3A_494 [1] : vector<392x640xf32> to vector<392xf32>
    %broadcast_in_dim3A_496 = vector.shape_cast %reduce_max3A_495 : vector<392xf32> to vector<392x1xf32>
    %eq3A_497 = vector.broadcast %broadcast_in_dim3A_496 : vector<392x1xf32> to vector<392x640xf32>
    %eq3A_498 = arith.cmpf oeq, %select_n3A, %eq3A_497 : vector<392x640xf32>
    %convert_element_type3A_499 = arith.extui %eq3A_498 : vector<392x640xi1> to vector<392x640xi32>
    %convert_element_type3A_500 = arith.sitofp %convert_element_type3A_499 : vector<392x640xi32> to vector<392x640xf32>
    %reduce_sum3A_501 = arith.constant dense<0.000000e+00> : vector<392xf32>
    %reduce_sum3A_502 = vector.multi_reduction <add>, %convert_element_type3A_500, %reduce_sum3A_501 [1] : vector<392x640xf32> to vector<392xf32>
    %broadcast_in_dim3A_503 = vector.shape_cast %reduce_sum3A_502 : vector<392xf32> to vector<392x1xf32>
    %min3A_504 = arith.minimumf %broadcast_in_dim3A_503, %sub3A_492 : vector<392x1xf32>
    %mul3A_505 = arith.constant -2.000000e+00 : f32
    %mul3A_506 = vector.broadcast %mul3A_505 : f32 to vector<392x1xf32>
    %mul3A_507 = arith.mulf %mul3A_506, %broadcast_in_dim3A_496 : vector<392x1xf32>
    %max3A_508 = arith.constant 0.000000e+00 : f32
    %max3A_509 = vector.broadcast %max3A_508 : f32 to vector<392x1xf32>
    %max3A_510 = arith.maximumf %mul3A_507, %max3A_509 : vector<392x1xf32>
    %add3A_511 = arith.constant 9.99999996E-13 : f32
    %add3A_512 = vector.broadcast %add3A_511 : f32 to vector<392x1xf32>
    %add3A_513 = arith.addf %max3A_510, %add3A_512 : vector<392x1xf32>
    %sqrt3A_514 = math.sqrt %add3A_513 : vector<392x1xf32>
    %mul3A_515 = arith.mulf %min3A_504, %sqrt3A_514 : vector<392x1xf32>
    %add3A_516 = arith.addf %add3A_491, %mul3A_515 : vector<392x1xf32>
    %sub3A_517 = arith.subf %sub3A_492, %min3A_504 : vector<392x1xf32>
    %jit3A_518 = arith.constant 0xFF800000 : f32
    %broadcast_in_dim3A_519 = vector.broadcast %jit3A_518 : f32 to vector<392x640xf32>
    %select_n3A_520 = arith.select %eq3A_498, %broadcast_in_dim3A_519, %select_n3A : vector<392x640xi1>, vector<392x640xf32>
    %reduce_max3A_521 = arith.constant dense<0xFF800000> : vector<392xf32>
    %reduce_max3A_522 = vector.multi_reduction <maximumf>, %select_n3A_520, %reduce_max3A_521 [1] : vector<392x640xf32> to vector<392xf32>
    %broadcast_in_dim3A_523 = vector.shape_cast %reduce_max3A_522 : vector<392xf32> to vector<392x1xf32>
    %eq3A_524 = vector.broadcast %broadcast_in_dim3A_523 : vector<392x1xf32> to vector<392x640xf32>
    %eq3A_525 = arith.cmpf oeq, %select_n3A_520, %eq3A_524 : vector<392x640xf32>
    %convert_element_type3A_526 = arith.extui %eq3A_525 : vector<392x640xi1> to vector<392x640xi32>
    %convert_element_type3A_527 = arith.sitofp %convert_element_type3A_526 : vector<392x640xi32> to vector<392x640xf32>
    %reduce_sum3A_528 = arith.constant dense<0.000000e+00> : vector<392xf32>
    %reduce_sum3A_529 = vector.multi_reduction <add>, %convert_element_type3A_527, %reduce_sum3A_528 [1] : vector<392x640xf32> to vector<392xf32>
    %broadcast_in_dim3A_530 = vector.shape_cast %reduce_sum3A_529 : vector<392xf32> to vector<392x1xf32>
    %min3A_531 = arith.minimumf %broadcast_in_dim3A_530, %sub3A_517 : vector<392x1xf32>
    %mul3A_532 = arith.constant -2.000000e+00 : f32
    %mul3A_533 = vector.broadcast %mul3A_532 : f32 to vector<392x1xf32>
    %mul3A_534 = arith.mulf %mul3A_533, %broadcast_in_dim3A_523 : vector<392x1xf32>
    %max3A_535 = arith.constant 0.000000e+00 : f32
    %max3A_536 = vector.broadcast %max3A_535 : f32 to vector<392x1xf32>
    %max3A_537 = arith.maximumf %mul3A_534, %max3A_536 : vector<392x1xf32>
    %add3A_538 = arith.constant 9.99999996E-13 : f32
    %add3A_539 = vector.broadcast %add3A_538 : f32 to vector<392x1xf32>
    %add3A_540 = arith.addf %max3A_537, %add3A_539 : vector<392x1xf32>
    %sqrt3A_541 = math.sqrt %add3A_540 : vector<392x1xf32>
    %mul3A_542 = arith.mulf %min3A_531, %sqrt3A_541 : vector<392x1xf32>
    %add3A_543 = arith.addf %add3A_516, %mul3A_542 : vector<392x1xf32>
    %sub3A_544 = arith.subf %sub3A_517, %min3A_531 : vector<392x1xf32>
    %jit3A_545 = arith.constant 0xFF800000 : f32
    %broadcast_in_dim3A_546 = vector.broadcast %jit3A_545 : f32 to vector<392x640xf32>
    %select_n3A_547 = arith.select %eq3A_525, %broadcast_in_dim3A_546, %select_n3A_520 : vector<392x640xi1>, vector<392x640xf32>
    %reduce_max3A_548 = arith.constant dense<0xFF800000> : vector<392xf32>
    %reduce_max3A_549 = vector.multi_reduction <maximumf>, %select_n3A_547, %reduce_max3A_548 [1] : vector<392x640xf32> to vector<392xf32>
    %broadcast_in_dim3A_550 = vector.shape_cast %reduce_max3A_549 : vector<392xf32> to vector<392x1xf32>
    %eq3A_551 = vector.broadcast %broadcast_in_dim3A_550 : vector<392x1xf32> to vector<392x640xf32>
    %eq3A_552 = arith.cmpf oeq, %select_n3A_547, %eq3A_551 : vector<392x640xf32>
    %convert_element_type3A_553 = arith.extui %eq3A_552 : vector<392x640xi1> to vector<392x640xi32>
    %convert_element_type3A_554 = arith.sitofp %convert_element_type3A_553 : vector<392x640xi32> to vector<392x640xf32>
    %reduce_sum3A_555 = arith.constant dense<0.000000e+00> : vector<392xf32>
    %reduce_sum3A_556 = vector.multi_reduction <add>, %convert_element_type3A_554, %reduce_sum3A_555 [1] : vector<392x640xf32> to vector<392xf32>
    %broadcast_in_dim3A_557 = vector.shape_cast %reduce_sum3A_556 : vector<392xf32> to vector<392x1xf32>
    %min3A_558 = arith.minimumf %broadcast_in_dim3A_557, %sub3A_544 : vector<392x1xf32>
    %mul3A_559 = arith.constant -2.000000e+00 : f32
    %mul3A_560 = vector.broadcast %mul3A_559 : f32 to vector<392x1xf32>
    %mul3A_561 = arith.mulf %mul3A_560, %broadcast_in_dim3A_550 : vector<392x1xf32>
    %max3A_562 = arith.constant 0.000000e+00 : f32
    %max3A_563 = vector.broadcast %max3A_562 : f32 to vector<392x1xf32>
    %max3A_564 = arith.maximumf %mul3A_561, %max3A_563 : vector<392x1xf32>
    %add3A_565 = arith.constant 9.99999996E-13 : f32
    %add3A_566 = vector.broadcast %add3A_565 : f32 to vector<392x1xf32>
    %add3A_567 = arith.addf %max3A_564, %add3A_566 : vector<392x1xf32>
    %sqrt3A_568 = math.sqrt %add3A_567 : vector<392x1xf32>
    %mul3A_569 = arith.mulf %min3A_558, %sqrt3A_568 : vector<392x1xf32>
    %add3A_570 = arith.addf %add3A_543, %mul3A_569 : vector<392x1xf32>
    %sub3A_571 = arith.subf %sub3A_544, %min3A_558 : vector<392x1xf32>
    %jit3A_572 = arith.constant 0xFF800000 : f32
    %broadcast_in_dim3A_573 = vector.broadcast %jit3A_572 : f32 to vector<392x640xf32>
    %select_n3A_574 = arith.select %eq3A_552, %broadcast_in_dim3A_573, %select_n3A_547 : vector<392x640xi1>, vector<392x640xf32>
    %reduce_max3A_575 = arith.constant dense<0xFF800000> : vector<392xf32>
    %reduce_max3A_576 = vector.multi_reduction <maximumf>, %select_n3A_574, %reduce_max3A_575 [1] : vector<392x640xf32> to vector<392xf32>
    %broadcast_in_dim3A_577 = vector.shape_cast %reduce_max3A_576 : vector<392xf32> to vector<392x1xf32>
    %eq3A_578 = vector.broadcast %broadcast_in_dim3A_577 : vector<392x1xf32> to vector<392x640xf32>
    %eq3A_579 = arith.cmpf oeq, %select_n3A_574, %eq3A_578 : vector<392x640xf32>
    %convert_element_type3A_580 = arith.extui %eq3A_579 : vector<392x640xi1> to vector<392x640xi32>
    %convert_element_type3A_581 = arith.sitofp %convert_element_type3A_580 : vector<392x640xi32> to vector<392x640xf32>
    %reduce_sum3A_582 = arith.constant dense<0.000000e+00> : vector<392xf32>
    %reduce_sum3A_583 = vector.multi_reduction <add>, %convert_element_type3A_581, %reduce_sum3A_582 [1] : vector<392x640xf32> to vector<392xf32>
    %broadcast_in_dim3A_584 = vector.shape_cast %reduce_sum3A_583 : vector<392xf32> to vector<392x1xf32>
    %min3A_585 = arith.minimumf %broadcast_in_dim3A_584, %sub3A_571 : vector<392x1xf32>
    %mul3A_586 = arith.constant -2.000000e+00 : f32
    %mul3A_587 = vector.broadcast %mul3A_586 : f32 to vector<392x1xf32>
    %mul3A_588 = arith.mulf %mul3A_587, %broadcast_in_dim3A_577 : vector<392x1xf32>
    %max3A_589 = arith.constant 0.000000e+00 : f32
    %max3A_590 = vector.broadcast %max3A_589 : f32 to vector<392x1xf32>
    %max3A_591 = arith.maximumf %mul3A_588, %max3A_590 : vector<392x1xf32>
    %add3A_592 = arith.constant 9.99999996E-13 : f32
    %add3A_593 = vector.broadcast %add3A_592 : f32 to vector<392x1xf32>
    %add3A_594 = arith.addf %max3A_591, %add3A_593 : vector<392x1xf32>
    %sqrt3A_595 = math.sqrt %add3A_594 : vector<392x1xf32>
    %mul3A_596 = arith.mulf %min3A_585, %sqrt3A_595 : vector<392x1xf32>
    %add3A_597 = arith.addf %add3A_570, %mul3A_596 : vector<392x1xf32>
    %div3A = arith.constant 5.000000e+00 : f32
    %div3A_598 = vector.broadcast %div3A : f32 to vector<392x1xf32>
    %div3A_599 = arith.divf %add3A_597, %div3A_598 : vector<392x1xf32>
    %mul3A_600 = arith.constant 5.000000e-01 : f32
    %mul3A_601 = vector.broadcast %mul3A_600 : f32 to vector<392x1xf32>
    %mul3A_602 = arith.mulf %mul3A_601, %div3A_599 : vector<392x1xf32>
    %sub3A_603 = arith.constant 1.000000e+00 : f32
    %sub3A_604 = vector.broadcast %sub3A_603 : f32 to vector<392x1xf32>
    %sub3A_605 = arith.subf %sub3A_604, %mul3A_26 : vector<392x1xf32>
    %mul3A_606 = arith.constant 5.000000e-01 : f32
    %mul3A_607 = vector.broadcast %mul3A_606 : f32 to vector<392x1xf32>
    %mul3A_608 = arith.mulf %mul3A_607, %sub3A_605 : vector<392x1xf32>
    %add3A_609 = arith.addf %mul3A_602, %mul3A_608 : vector<392x1xf32>
    %swap3A = arith.constant 0 : index
    %swap3A_610 = arith.constant 0 : index
    %swap3A_611 = vector.load %arg3[%swap3A, %swap3A_610] : memref<392x1xf32, #tpu.memory_space<vmem>>, vector<392x1xf32>
    tpu.vector_store %arg3[%swap3A, %swap3A_610], %add3A_609 {strides = array<i32>} : memref<392x1xf32, #tpu.memory_space<vmem>>, vector<392x1xf32>,
    return
  }
  func.func @transform_0(%arg0: i32) -> (i32, i32) {
    %c0_i32 = arith.constant 0 : i32
    %c0_i32_0 = arith.constant 0 : i32
    return %arg0, %c0_i32 : i32, i32
  }
  func.func @transform_1(%arg0: i32) -> (i32, i32) {
    %c0_i32 = arith.constant 0 : i32
    %c0_i32_0 = arith.constant 0 : i32
    %c0_i32_1 = arith.constant 0 : i32
    return %c0_i32, %c0_i32_0 : i32, i32
  }
  func.func @transform_2(%arg0: i32) -> (i32, i32) {
    %c0_i32 = arith.constant 0 : i32
    %c0_i32_0 = arith.constant 0 : i32
    return %arg0, %c0_i32 : i32, i32
  }
}

</mosaic_0001>

<sc_bundles>
// kernel: kernel.5.cloned.1.call-start
scs
__scs_entry_jumppad:
0x0: {  	(pc) =	sbr.rel $0x88, $3  }
0x1: {  	(tag) =	ssettag $0x0;
	lr =	simm.s32 $0x1  }
0x2: {  	[smem:$0x3F9D] =	sst lr;
	_ =	strace $0xD0000000  }
0x3: {  	_ = 	snop  }
0x4: {  	_ = 	snop  }
0x5: {  	_ = 	snop  }
0x6: {  	_ = 	snop  }
0x7: {  	_ = 	snop  }
__scs_overlays_trampoline_lowered:
0x8: {  	[smem:$0x3FAC] =	sst s0  }
0x9: {  	[smem:$0x3FAD] =	sst s1  }
0xa: {  	[smem:$0x3FAE] =	sst s2  }
0xb: {  	[smem:$0x3FAF] =	sst s3  }
0xc: {  	[smem:$0x3FB0] =	sst s4  }
0xd: {  	[smem:$0x3FB1] =	sst s5  }
0xe: {  	[smem:$0x3FB2] =	sst s6  }
0xf: {  	[smem:$0x3FB3] =	sst s7  }
0x10: {  	[smem:$0x3FB4] =	sst s8  }
0x11: {  	[smem:$0x3FB5] =	sst s9;
	s0 =	simm.s32 @!p0 $0x0  }
0x12: {  	s1 =	sld [smem:$0x3F9B];
	s0 =	simm.s32 @p0 $0x1  }
0x13: {  	[smem:$0x3FB6] =	sst s0;
	s0 =	simm.s32 @!p1 $0x0  }
0x14: {  	s2 =	sld [smem:$0x3F9A];
	s0 =	simm.s32 @p1 $0x1  }
0x15: {  	[smem:$0x3FB7] =	sst s0;
	s0 =	simm.s32 @!p2 $0x0  }
0x16: {  	s3 =	sld [smem:$0x3FDB];
	s0 =	simm.s32 @p2 $0x1  }
0x17: {  	s4 =	simm.s32 $0x1BF5;
	[smem:$0x3FB9] =	sst s0  }
0x18: {  	s0 =	sld [smem:$0x3F9C];
	_ =	swait.ge [sflag:s4], $0x0  }
0x19: {  	s7 =	sld [smem:$0x3F9D]  }
0x1a: {  	s8 =	sadd.s32 $0xFFFFE003, lr  }
0x1b: {  	s9 =	sadd.s32 $0xFFFFFEF7, lr;
	s5 =	simm.s32 $0xFFFFFFFF;
	p2 =	slt.u32 s8, $0xFFFFF086  }
0x1c: {  	p1 =	slt.u32 s9, $0xF7A;
	s5 =	simm.s32 @!p2 $0x0  }
0x1d: {  	s5 =	simm.s32 @p1 $0x1;
	p0 =	seq.s32 s7, s2  }
0x1e: {  	s7 =	smul.u32 @!p0 $0xF7A, s2;
	p2 =	seq.s32 @!p0 s5, $0x0  }
0x1f: {  	s9 =	smul.u32 $0xF7A, s1;
	s8 =	simm.s32 @!p0 $0x1BF5;
	p2 =	por !p2, p0  }
0x20: {  	[sflag:s8] =	ssyncset.s32 @!p0 $0xFFFFF086;
	s6 =	sadd.s32 @!p0 s3, s7;
	s7 =	simm.s32 @!p0 $0x108  }
0x21: {  	s3 =	sadd.s32 s3, s9;
	s6 =	sadd.s32 @!p0 $0x88, s6;
	s7 =	simm.s32 @p2 $0x1082  }
0x22: {  	[simem:s7], [sflag:s8] =	dma.local @!p0 [hbm:s6], $0xF7A  }
0x23: {  	s9 =	sor.u32 $0xD0000000, s2;
	s6 =	simm.s32 $0x108;
	_ =	swait.ge @!p0 [sflag:s8], $0x0  }
0x24: {  	s3 =	sadd.s32 $0x88, s3;
	s6 =	simm.s32 @!p1 $0x1082;
	[sflag:s4] =	ssyncset.s32 $0xFFFFF086  }
0x25: {  	[simem:s6], [sflag:s4] =	dma.local [hbm:s3], $0xF7A  }
0x26: {  	[smem:$0x3F9D] =	sst s1;
	(tag) =	ssettag s2;
	_ =	strace s9  }
0x27: {  	s1 =	sld [smem:$0x3FAD]  }
0x28: {  	s2 =	sld [smem:$0x3FAE]  }
0x29: {  	s4 =	sld [smem:$0x3FB0]  }
0x2a: {  	p0 =	seq.s32 s5, $0x0;
	s5 =	sld [smem:$0x3FB1]  }
0x2b: {  	s6 =	sld [smem:$0x3FB2]  }
0x2c: {  	s7 =	sld [smem:$0x3FB3]  }
0x2d: {  	s3 =	simm.s32 $0x108;
	s8 =	sld [smem:$0x3FB4]  }
0x2e: {  	s3 =	simm.s32 @!p0 $0x1082;
	s9 =	sld [smem:$0x3FB5]  }
0x2f: {  	lr =	sadd.s32 s0, s3;
	s0 =	sld [smem:$0x3FAC]  }
0x30: {  	s3 =	sld [smem:$0x3FAF]  }
0x31: {  	[smem:$0x3FB8] =	sst s10  }
0x32: {  	s10 =	sld [smem:$0x3FB6];
	_ =	sdelay $0x3  }
0x33: {  	p0 =	seq.s32 s10, $0x1;
	s10 =	sld [smem:$0x3FB8];
	_ =	sdelay $0x3  }
0x34: {  	[smem:$0x3FB8] =	sst s10  }
0x35: {  	s10 =	sld [smem:$0x3FB7];
	_ =	sdelay $0x3  }
0x36: {  	p1 =	seq.s32 s10, $0x1;
	s10 =	sld [smem:$0x3FB8];
	_ =	sdelay $0x3  }
0x37: {  	[smem:$0x3FB8] =	sst s10  }
0x38: {  	s10 =	sld [smem:$0x3FB9]  }
0x39: {  	_ = 	snop;
	(pc) =	sbr.ind lr, $3  }
0x3a: {  	_ = 	snop  }
0x3b: {  	_ = 	snop  }
0x3c: {  	p2 =	seq.s32 s10, $0x1;
	s10 =	sld [smem:$0x3FB8]  }
0x3d: {  	_ =	shalt  }
0x3e: {  	_ =	shalt  }
0x3f: {  	_ =	shalt  }
0x40: {  	_ =	shalt  }
0x41: {  	_ =	shalt  }
0x42: {  	_ =	shalt  }
0x43: {  	_ =	shalt  }
0x44: {  	_ =	shalt  }
0x45: {  	_ =	shalt  }
0x46: {  	_ =	shalt  }
0x47: {  	_ =	shalt  }
0x48: {  	_ =	shalt  }
0x49: {  	_ =	shalt  }
0x4a: {  	_ =	shalt  }
0x4b: {  	_ =	shalt  }
0x4c: {  	_ =	shalt  }
0x4d: {  	_ =	shalt  }
0x4e: {  	_ =	shalt  }
0x4f: {  	_ =	shalt  }
0x50: {  	_ =	shalt  }
0x51: {  	_ =	shalt  }
0x52: {  	_ =	shalt  }
0x53: {  	_ =	shalt  }
0x54: {  	_ =	shalt  }
0x55: {  	_ =	shalt  }
0x56: {  	_ =	shalt  }
0x57: {  	_ =	shalt  }
0x58: {  	_ =	shalt  }
0x59: {  	_ =	shalt  }
0x5a: {  	_ =	shalt  }
0x5b: {  	_ =	shalt  }
0x5c: {  	_ =	shalt  }
0x5d: {  	_ =	shalt  }
0x5e: {  	_ =	shalt  }
0x5f: {  	_ =	shalt  }
0x60: {  	_ =	shalt  }
0x61: {  	_ =	shalt  }
0x62: {  	_ =	shalt  }
0x63: {  	_ =	shalt  }
0x64: {  	_ =	shalt  }
0x65: {  	_ =	shalt  }
0x66: {  	_ =	shalt  }
0x67: {  	_ =	shalt  }
0x68: {  	_ =	shalt  }
0x69: {  	_ =	shalt  }
0x6a: {  	_ =	shalt  }
0x6b: {  	_ =	shalt  }
0x6c: {  	_ =	shalt  }
0x6d: {  	_ =	shalt  }
0x6e: {  	_ =	shalt  }
0x6f: {  	_ =	shalt  }
0x70: {  	_ =	shalt  }
0x71: {  	_ =	shalt  }
0x72: {  	_ =	shalt  }
0x73: {  	_ =	shalt  }
0x74: {  	_ =	shalt  }
0x75: {  	_ =	shalt  }
0x76: {  	_ =	shalt  }
0x77: {  	_ =	shalt  }
0x78: {  	_ =	shalt  }
0x79: {  	_ =	shalt  }
0x7a: {  	_ =	shalt  }
0x7b: {  	_ =	shalt  }
0x7c: {  	_ =	shalt  }
0x7d: {  	_ =	shalt  }
0x7e: {  	_ =	shalt  }
0x7f: {  	_ =	shalt  }
0x80: {  	_ =	shalt  }
0x81: {  	_ =	shalt  }
0x82: {  	_ =	shalt  }
0x83: {  	_ =	shalt  }
0x84: {  	_ =	shalt  }
0x85: {  	_ =	shalt  }
0x86: {  	_ =	shalt  }
0x87: {  	_ =	shalt  }
.Lfunc_end0:
.L_simem_size_0:
called_computation_lowered:
.L_overlay_start_0:
0x88: {  	s2 =	sld [smem:$0x3FD9]  }
0x89: {  	s3 =	sld [smem:$0x3FFE];
	_ =	sdelay $0x1  }
0x8a: {  	s1 =	srdreg.scid  }
0x8b: {  	s0 =	sand.u32 $0x1, s1  }
0x8c: {  	s14 =	sshll.u32 s0, $0xA;
	s2 =	sadd.s32 s3, s2  }
0x8d: {  	s2 =	sadd.s32 s2, s14  }
0x8e: {  	[smem:$0x3FC4] =	sst s2  }
0x8f: {  	_ = 	snop  }
0x90: {  	s2 =	sld [smem:$0x3FD0];
	_ =	sdelay $0x2  }
0x91: {  	s15 =	simm.s32 $0xA;
	s4 =	simm.s32 $0x10  }
0x92: {  	[smem:s4], [sflag:s15] =	dma.local [hbm:s2], $0x1  }
0x93: {  	_ =	swait.eq [sflag:s15], $0x1  }
0x94: {  	[sflag:s15] =	ssyncset.done $0x0  }
0x95: {  	[sflag:s15] =	ssyncadd.s32 $0xFFFFFFFF  }
0x96: {  	s16 =	sld [smem:$0x11];
	(tm) =	ssettm $0x1  }
0x97: {  	s17 =	sld [smem:$0x3FFB];
	_ =	sdelay $0x3  }
0x98: {  	_ =	strace s17  }
0x99: {  	s3 =	sld [smem:$0x3FFC];
	_ =	sdelay $0x3  }
0x9a: {  	_ =	strace s3  }
0x9b: {  	s3 =	sld [smem:$0x3FFD];
	_ =	sdelay $0x3  }
0x9c: {  	_ =	strace s3  }
0x9d: {  	_ =	strace $0x8FFFFFFF  }
0x9e: {  	s18 =	sld [smem:$0x3FDB];
	_ =	sdelay $0x1  }
0x9f: {  	s19 =	simm.s32 $_scs_section_size  }
0xa0: {  	s5 =	simm.s32 $_size__tile_overlayer_lowered;
	s6 =	simm.s32 $_tile_overlayer_lowered  }
0xa1: {  	s22 =	simm.s32 $0x1BFF;
	s21 =	sshll.u32 s6, $0x1;
	s3 =	sadd.s32 s19, s18  }
0xa2: {  	s7 =	simm.s32 $0x0;
	s20 =	sshll.u32 s5, $0x1;
	s5 =	sadd.s32 s21, s3  }
0xa3: {  	[timem:s7], [sflag:s22] =	dma.local [hbm:s5], s20  }
0xa4: {  	_ =	swait.ge [sflag:s22], s20  }
0xa5: {  	s4 =	ssub.s32 $0x0, s20;
	[sflag:s22] =	ssyncset.done $0x0  }
0xa6: {  	[sflag:s22] =	ssyncadd.s32 s4;
	_ =	sdelay $0x1  }
0xa7: {  	s23 =	simm.s32 $0x1B8B  }
0xa8: {  	_ =	swait.ge [sflag:s23], $0x1  }
0xa9: {  	[sflag:s23] =	ssyncset.done $0x0  }
0xaa: {  	s25 =	simm.s32 $0x1B8E;
	s24 =	sld [smem:$0x3FFE];
	[sflag:s23] =	ssyncadd.s32 $0xFFFFFFFF  }
0xab: {  	s26 =	simm.s32 $execute0_lowered;
	[smem:$0x3FD2] =	sst s25  }
0xac: {  	s5 =	sshll.u32 s26, $0x1;
	_ =	strace $0x80000046;
	[dreg:$0x1] =	wrdreg $0xFFFFFFFF  }
0xad: {  	s28 =	simm.s32 $_size_execute0_lowered;
	s3 =	sadd.s32 s3, s5;
	[dreg:$0x0] =	wrdreg $0x0  }
0xae: {  	s5 =	sshll.u32 s28, $0x1;
	[dreg:$0x2] =	wrdreg s3  }
0xaf: {  	[dreg:$0x3] =	wrdreg s5  }
0xb0: {  	[dreg:$0x4] =	wrdreg $0xC0  }
0xb1: {  	_ =	task [dreg:s7], $0x5FFFF  }
0xb2: {  	[dreg:$0x1] =	wrdreg $0xFFFFFFFF  }
0xb3: {  	[dreg:$0x0] =	wrdreg $0x60  }
0xb4: {  	[dreg:$0x2] =	wrdreg s16  }
0xb5: {  	[dreg:$0x3] =	wrdreg s24  }
0xb6: {  	[dreg:$0x4] =	wrdreg $0x9  }
0xb7: {  	_ =	task.clear_ibuf [dreg:s7], $0x5FFFF;
	_ =	strace $0x90000046  }
0xb8: {  	s29 =	simm.s32 $0x9;
	_ =	strace $0x80000048  }
0xb9: {  	_ =	swait.ge [sflag:s29], $0x1  }
0xba: {  	[sflag:s29] =	ssyncadd.s32 $0xFFFFFFFF  }
0xbb: {  	_ =	strace $0x90000048  }
0xbc: {  	_ =	sfence  }
0xbd: {  	s30 =	sld [smem:$0x0];
	_ =	sdelay $0x2  }
0xbe: {  	s31 =	sshll.u32 s1, $0xD;
	s1 =	sshrl.u32 s1, $0x2  }
0xbf: {  	s3 =	sand.u32 $0x4000, s31;
	s1 =	sadd.s32 s1, s30  }
0xc0: {  	s0 =	sor.u32 s3, s0;
	s1 =	sshll.u32 s1, $0x11  }
0xc1: {  	s0 =	sor.u32 s1, s0  }
0xc2: {  	s0 =	sadd.s32 $0x8F2B, s0  }
0xc3: {  	[sflag:s0] =	ssyncadd.remote.s32 $0x1  }
0xc4: {  	_ =	sfence.sel $0xFFFF  }
0xc5: {  	[dreg:$0x0] =	wrdreg $0xFFFFFFFF;
	(pc) =	sbr.abs _section_cstart, $3  }
0xc6: {  	[dreg:$0x1] =	wrdreg $0xFFFFFFFF  }
0xc7: {  	_ =	task.clear_ibuf [dreg:s7], $0x2FFFF;
	_ =	strace $0x9FFFFFFF  }
0xc8: {  	(tm) =	ssettm $0x7FFFFFFF  }
0xc9: {  	_ =	shalt  }
tec
execute0_lowered:
.L_overlay_start_1:
0x0: {  	(tag) =	ssettag $0x1  }
0x1: {  	s1 =	stileid.u32  }
0x2: {  	p0 =	sgt.u32 s1, $0x1  }
.Ltmp0:
0x3: {  	_ = 	snop;
	(pc) =	sbr.rel @p0 .LBB2_3-.Ltmp0, $4  }
0x4: {  	s6 =	rddreg [dreg:$0x0]  }
0x5: {  	s3 =	rddreg [dreg:$0x1];
	s2 =	simm.s32 $0x0  }
0x6: {  	[smem:$0x7FF] =	sst s2  }
0x7: {  	s0 =	rddreg [dreg:$0x2];
	_ =	strace $0x80000047  }
0x8: {  	v0 =	vimm.s32 $0xFEDCBA9;
	v1 =	vimm.s32 $0x87654321  }
0x9: {  	v2 =	vimm.s32 $0x10FEDCBA;
	v3 =	vimm.s32 $0x98765432;
	v4 =	vimm.s32 $0x3210FEDC  }
0xa: {  	v5 =	vimm.s32 $0xBA987654;
	v6 =	vimm.s32 $0xFEDCBA98;
	v7 =	vimm.s32 $0x76543210  }
0xb: {  	v0 =	vunpack.c.l.s4.s8 v0;
	v1 =	vunpack.c.l.s4.s8 v1;
	v2 =	vunpack.c.l.s4.s8 v2  }
0xc: {  	v3 =	vunpack.c.l.s4.s8 v3;
	v4 =	vunpack.c.l.s4.s8 v4;
	v5 =	vunpack.c.l.s4.s8 v5  }
0xd: {  	v6 =	vunpack.c.l.s4.s8 v6;
	v0 =	vunpack.c.0.s8.s32 v0;
	v1 =	vunpack.c.0.s8.s32 v1  }
0xe: {  	s4 =	srdreg.scid;
	v7 =	vunpack.c.l.s4.s8 v7;
	v2 =	vunpack.c.0.s8.s32 v2;
	v3 =	vunpack.c.0.s8.s32 v3  }
0xf: {  	s5 =	sshll.u32 s1, $0x1;
	s4 =	sand.u32 $0x1, s4;
	v4 =	vunpack.c.0.s8.s32 v4;
	v5 =	vunpack.c.0.s8.s32 v5;
	v0 =	vcombine.low v1, v0  }
0x10: {  	s5 =	sor.u32 s4, s5;
	s9 =	ssub.s32 $0x2, s4;
	v58 =	vunpack.c.0.s8.s32 v6;
	v57 =	vcombine.low v3, v2  }
0x11: {  	s7 =	smul.u32 $0x62, s5;
	s5 =	sshll.u32 s5, $0x4;
	s10 =	sshrl.u32 s9, $0x1;
	v60 =	vunpack.c.0.s8.s32 v7;
	v59 =	vcombine.low v5, v4;
	v0 =	vand.u32 $0xF, v0  }
0x12: {  	s11 =	simm.s32 $0xA80;
	s5 =	sadd.s32 s5, s3;
	s31 =	ssub.s32 s9, s10;
	v62 =	vand.u32 $0xF, v58;
	v61 =	vand.u32 $0xF, v57;
	[tilespmem:$0x1FFC0] =	vst v0  }
0x13: {  	s9 =	simm.s32 $0x380;
	s10 =	simm.s32 $0x700;
	s8 =	sadd.s32 s7, s3;
	v63 =	vand.u32 $0xF, v59;
	[tilespmem:$0x1FFD0] =	vst v61;
	v0 =	vcombine.low v62, v60  }
0x14: {  	s5 =	sadd.s32 $0xA00, s5;
	s6 =	sadd.s32 s6, s7;
	s7 =	smax.u32 s31, $0x1;
	[tilespmem:$0x1FFE0] =	vst v63  }
0x15: {  	v37 =	vimm.f32 $0.0e+00;
	s3 =	sadd.s32 $0x600, s8;
	s4 =	sadd.s32 $0x800, s8;
	s8 =	simm.s32 $0x1;
	[tilespmem:$0x1FFF0] =	vst v0  }
.LBB2_2:
0x16: {  	[tilespmem:s2], [sflag:$0x1] =	stream.linear.gather [hbm4b:s6+s2], $0x310, $0x38;
	[tilespmem:$0xB00] =	vst v63  }
0x17: {  	_ =	swait.ge [sflag:s8], $0x310  }
0x18: {  	[sflag:s8] =	ssyncset.done $0x0  }
0x19: {  	[sflag:s8] =	ssyncadd.s32 $0xFFFFFCF0  }
0x1a: {  	[tilespmem:s9], [sflag:$0x1] =	stream.linear.gather [hbm4b:s3+s2], $0x310, $0x38;
	[tilespmem:$0xB00] =	vst v63  }
0x1b: {  	_ =	swait.ge [sflag:s8], $0x310  }
0x1c: {  	[sflag:s8] =	ssyncset.done $0x0  }
0x1d: {  	[sflag:s8] =	ssyncadd.s32 $0xFFFFFCF0  }
0x1e: {  	v0 =	vld [tilespmem:$0x0]  }
0x1f: {  	v5 =	vld [tilespmem:$0x380]  }
0x20: {  	v6 =	vld [tilespmem:$0x10]  }
0x21: {  	v7 =	vld [tilespmem:$0x390]  }
0x22: {  	v8 =	vld [tilespmem:$0x20]  }
0x23: {  	v9 =	vld [tilespmem:$0x3A0]  }
0x24: {  	v10 =	vld [tilespmem:$0x30]  }
0x25: {  	v11 =	vld [tilespmem:$0x3B0]  }
0x26: {  	v12 =	vld [tilespmem:$0x40]  }
0x27: {  	v13 =	vld [tilespmem:$0x3C0]  }
0x28: {  	v14 =	vld [tilespmem:$0x50]  }
0x29: {  	v16 =	vld [tilespmem:$0x3D0]  }
0x2a: {  	v17 =	vld [tilespmem:$0x60]  }
0x2b: {  	v18 =	vld [tilespmem:$0x3E0]  }
0x2c: {  	v1 =	vld [tilespmem:$0x70]  }
0x2d: {  	v20 =	vld [tilespmem:$0x3F0]  }
0x2e: {  	v21 =	vld [tilespmem:$0x80]  }
0x2f: {  	v22 =	vld [tilespmem:$0x400]  }
0x30: {  	v23 =	vld [tilespmem:$0x90]  }
0x31: {  	v24 =	vld [tilespmem:$0x410]  }
0x32: {  	v25 =	vld [tilespmem:$0xA0]  }
0x33: {  	v26 =	vld [tilespmem:$0x420]  }
0x34: {  	v27 =	vld [tilespmem:$0xB0]  }
0x35: {  	v28 =	vld [tilespmem:$0x430]  }
0x36: {  	v29 =	vld [tilespmem:$0xC0]  }
0x37: {  	v30 =	vld [tilespmem:$0x440]  }
0x38: {  	v31 =	vld [tilespmem:$0xD0]  }
0x39: {  	v32 =	vld [tilespmem:$0x450]  }
0x3a: {  	v33 =	vld [tilespmem:$0xE0]  }
0x3b: {  	v34 =	vld [tilespmem:$0x460]  }
0x3c: {  	v35 =	vld [tilespmem:$0xF0]  }
0x3d: {  	v36 =	vld [tilespmem:$0x470]  }
0x3e: {  	v40 =	vld [tilespmem:$0x100]  }
0x3f: {  	v38 =	vld [tilespmem:$0x480]  }
0x40: {  	v39 =	vld [tilespmem:$0x110]  }
0x41: {  	v19 =	vld [tilespmem:$0x490]  }
0x42: {  	v44 =	vld [tilespmem:$0x120]  }
0x43: {  	v41 =	vld [tilespmem:$0x4A0]  }
0x44: {  	v62 =	vld [tilespmem:$0x130]  }
0x45: {  	v43 =	vld [tilespmem:$0x4B0]  }
0x46: {  	v50 =	vld [tilespmem:$0x140]  }
0x47: {  	v54 =	vld [tilespmem:$0x4C0]  }
0x48: {  	v4 =	vld [tilespmem:$0x150]  }
0x49: {  	v56 =	vld [tilespmem:$0x4D0]  }
0x4a: {  	v57 =	vld [tilespmem:$0x160]  }
0x4b: {  	v58 =	vld [tilespmem:$0x4E0]  }
0x4c: {  	v59 =	vld [tilespmem:$0x170]  }
0x4d: {  	v60 =	vld [tilespmem:$0x4F0]  }
0x4e: {  	v45 =	vld [tilespmem:$0x180]  }
0x4f: {  	v61 =	vld [tilespmem:$0x500]  }
0x50: {  	v46 =	vld [tilespmem:$0x190]  }
0x51: {  	v3 =	vld [tilespmem:$0x510]  }
0x52: {  	v48 =	vld [tilespmem:$0x1A0]  }
0x53: {  	v47 =	vld [tilespmem:$0x520]  }
0x54: {  	v51 =	vld [tilespmem:$0x1B0]  }
0x55: {  	v49 =	vld [tilespmem:$0x530]  }
0x56: {  	v2 =	vld [tilespmem:$0x1C0]  }
0x57: {  	v15 =	vld [tilespmem:$0x540]  }
0x58: {  	v52 =	vld [tilespmem:$0x550]  }
0x59: {  	v42 =	vld [tilespmem:$0x1D0]  }
0x5a: {  	v53 =	vld [tilespmem:$0x1E0]  }
0x5b: {  	v55 =	vld [tilespmem:$0x1F0]  }
0x5c: {  	v63 =	vld [tilespmem:$0x570]  }
0x5d: {  	[tilespmem:$0x1FA60] =	vst v52;
	v52 =	vld [tilespmem:$0x560]  }
0x5e: {  	[tilespmem:$0x1FA40] =	vst v15;
	v15 =	vld [tilespmem:$0x200]  }
0x5f: {  	[tilespmem:$0x1FA50] =	vst v42;
	v42 =	vld [tilespmem:$0x580]  }
0x60: {  	[tilespmem:$0x1FA70] =	vst v53;
	v53 =	vld [tilespmem:$0x210]  }
0x61: {  	[tilespmem:$0x1FA80] =	vst v55;
	v55 =	vld [tilespmem:$0x590]  }
0x62: {  	[tilespmem:$0x1FA90] =	vst v63;
	v63 =	vld [tilespmem:$0x220]  }
0x63: {  	[tilespmem:$0x1FA30] =	vst v2;
	v0 =	vadd.f32 v5, v0;
	v28 =	vadd.f32 v28, v27;
	v2 =	vld [tilespmem:$0x5E0]  }
0x64: {  	v29 =	vadd.f32 v30, v29;
	v30 =	vadd.f32 v32, v31;
	v27 =	vld [tilespmem:$0x270]  }
0x65: {  	v32 =	vadd.f32 v34, v33;
	v33 =	vadd.f32 v36, v35;
	v35 =	vld [tilespmem:$0x5F0]  }
0x66: {  	v25 =	vadd.f32 v26, v25;
	v26 =	vld [tilespmem:$0x280]  }
0x67: {  	v34 =	vld [tilespmem:$0x290];
	v0 =	vmul.f32 $5.000000000e-01, v0  }
0x68: {  	v36 =	vld [tilespmem:$0x2A0]  }
0x69: {  	v24 =	vadd.f32 v24, v23;
	v23 =	vadd.f32 v3, v46;
	v46 =	vld [tilespmem:$0x2D0];
	[tilespmem:$0x1FDD0] =	vst v0  }
0x6a: {  	v0 =	vadd.f32 v38, v40;
	v38 =	vld [tilespmem:$0x1FA30];
	[tilespmem:$0x1FAA0] =	vst v15  }
0x6b: {  	[tilespmem:$0x1FAB0] =	vst v42;
	v15 =	vld [tilespmem:$0x5A0]  }
0x6c: {  	[tilespmem:$0x1FAC0] =	vst v53;
	v42 =	vld [tilespmem:$0x230]  }
0x6d: {  	v5 =	vadd.f32 v7, v6;
	[tilespmem:$0x1FAD0] =	vst v55;
	v53 =	vld [tilespmem:$0x5B0]  }
0x6e: {  	[tilespmem:$0x1FAE0] =	vst v63;
	v55 =	vld [tilespmem:$0x240];
	v63 =	vadd.f32 v9, v8;
	v8 =	vadd.f32 v11, v10  }
0x6f: {  	v9 =	vld [tilespmem:$0x5C0];
	v10 =	vadd.f32 v13, v12;
	v11 =	vadd.f32 v16, v14  }
0x70: {  	v13 =	vadd.f32 v18, v17;
	v16 =	vmul.f32 $5.000000000e-01, v5;
	v5 =	vmul.f32 $5.000000000e-01, v24;
	v17 =	vld [tilespmem:$0x620]  }
0x71: {  	v24 =	vadd.f32 v54, v50;
	v54 =	vmul.f32 $5.000000000e-01, v25;
	v25 =	vadd.f32 v56, v4;
	v4 =	vld [tilespmem:$0x2B0]  }
0x72: {  	v7 =	vadd.f32 v19, v39;
	v40 =	vmul.f32 $5.000000000e-01, v30;
	v30 =	vld [tilespmem:$0x1FAD0]  }
0x73: {  	v19 =	vmul.f32 $5.000000000e-01, v33;
	v33 =	vld [tilespmem:$0x1FAE0];
	v31 =	vmul.f32 $5.000000000e-01, v10  }
0x74: {  	v10 =	vadd.f32 v41, v44;
	v44 =	vadd.f32 v43, v62;
	v62 =	vmul.f32 $5.000000000e-01, v7;
	v7 =	vld [tilespmem:$0x2C0]  }
0x75: {  	v12 =	vmul.f32 $5.000000000e-01, v11;
	v11 =	vmul.f32 $5.000000000e-01, v13;
	v13 =	vld [tilespmem:$0x640]  }
0x76: {  	v41 =	vld [tilespmem:$0x1FA40]  }
0x77: {  	v43 =	vadd.f32 v58, v57;
	v58 =	vmul.f32 $5.000000000e-01, v24;
	v24 =	vadd.f32 v47, v48;
	v47 =	vld [tilespmem:$0x1FA50]  }
0x78: {  	v48 =	vld [tilespmem:$0x1FA60]  }
0x79: {  	v57 =	vmul.f32 $5.000000000e-01, v25;
	v25 =	vadd.f32 v49, v51;
	v49 =	vld [tilespmem:$0x1FA70]  }
0x7a: {  	v51 =	vld [tilespmem:$0x1FA80]  }
0x7b: {  	v18 =	vadd.f32 v60, v59;
	v60 =	vmul.f32 $5.000000000e-01, v10;
	v10 =	vld [tilespmem:$0x2E0]  }
0x7c: {  	[tilespmem:$0x1FB00] =	vst v42;
	v42 =	vld [tilespmem:$0x250]  }
0x7d: {  	[tilespmem:$0x1FB10] =	vst v53;
	v53 =	vld [tilespmem:$0x5D0]  }
0x7e: {  	[tilespmem:$0x1FB20] =	vst v55;
	v55 =	vadd.f32 v22, v21;
	v21 =	vld [tilespmem:$0x600]  }
0x7f: {  	v22 =	vadd.f32 v61, v45;
	v61 =	vld [tilespmem:$0x1FAA0]  }
0x80: {  	v45 =	vmul.f32 $5.000000000e-01, v18;
	v18 =	vmul.f32 $5.000000000e-01, v24;
	v24 =	vld [tilespmem:$0x1FAB0]  }
0x81: {  	v6 =	vmul.f32 $5.000000000e-01, v55;
	v55 =	vmul.f32 $5.000000000e-01, v28;
	v28 =	vld [tilespmem:$0x630]  }
0x82: {  	v39 =	vadd.f32 v48, v47;
	v48 =	vld [tilespmem:$0x660]  }
0x83: {  	v59 =	vmul.f32 $5.000000000e-01, v44;
	v47 =	vadd.f32 v52, v49;
	v52 =	vld [tilespmem:$0x1FA90]  }
0x84: {  	[tilespmem:$0x1FAF0] =	vst v15;
	v44 =	vmul.f32 $5.000000000e-01, v22;
	v22 =	vmul.f32 $5.000000000e-01, v25;
	v25 =	vld [tilespmem:$0x1FAC0]  }
0x85: {  	v14 =	vadd.f32 v20, v1;
	v1 =	vmul.f32 $5.000000000e-01, v29;
	v27 =	vadd.f32 v35, v27;
	[tilespmem:$0x1FB30] =	vst v42;
	v42 =	vld [tilespmem:$0x260]  }
0x86: {  	v50 =	vmul.f32 $5.000000000e-01, v32;
	[tilespmem:$0x1FB40] =	vst v53;
	v53 =	vmul.f32 $5.000000000e-01, v0;
	v0 =	vadd.f32 v41, v38;
	v38 =	vld [tilespmem:$0x1FAF0]  }
0x87: {  	[tilespmem:$0x1FE70] =	vst v19;
	v63 =	vmul.f32 $5.000000000e-01, v63;
	v27 =	vmul.f32 $5.000000000e-01, v27;
	v41 =	vld [tilespmem:$0x1FB00]  }
0x88: {  	[tilespmem:$0x1FE50] =	vst v40;
	v56 =	vmul.f32 $5.000000000e-01, v43;
	v43 =	vmul.f32 $5.000000000e-01, v23;
	v49 =	vadd.f32 v24, v61;
	v61 =	vld [tilespmem:$0x1FB10]  }
0x89: {  	[tilespmem:$0x1FE10] =	vst v12;
	v12 =	vmax.f32 v31, v12;
	v15 =	vmul.f32 $5.000000000e-01, v8;
	v29 =	vadd.f32 v52, v51;
	v51 =	vld [tilespmem:$0x2F0]  }
0x8a: {  	[tilespmem:$0x1FB50] =	vst v16;
	v8 =	vmul.f32 $5.000000000e-01, v14;
	v23 =	vmul.f32 $5.000000000e-01, v0;
	v0 =	vadd.f32 v30, v25;
	v25 =	vld [tilespmem:$0x1FB20]  }
0x8b: {  	[tilespmem:$0x1FB70] =	vst v5;
	v7 =	vadd.f32 v13, v7;
	v24 =	vmul.f32 $5.000000000e-01, v39;
	v26 =	vadd.f32 v21, v26;
	v52 =	vld [tilespmem:$0x670]  }
0x8c: {  	[tilespmem:$0x1FB90] =	vst v54;
	v30 =	vld [tilespmem:$0x1FB30];
	v21 =	vmul.f32 $5.000000000e-01, v49;
	v28 =	vadd.f32 v28, v4;
	v10 =	vadd.f32 v48, v10  }
0x8d: {  	[tilespmem:$0x1FBA0] =	vst v1;
	v26 =	vmul.f32 $5.000000000e-01, v26;
	v20 =	vmul.f32 $5.000000000e-01, v0;
	v3 =	vadd.f32 v38, v33;
	v38 =	vld [tilespmem:$0x1FB40]  }
0x8e: {  	[tilespmem:$0x1FE60] =	vst v50;
	v14 =	vld [tilespmem:$0x610];
	v0 =	vmax.f32 v53, v62;
	v39 =	vadd.f32 v61, v41;
	v41 =	vmul.f32 $5.000000000e-01, v47  }
0x8f: {  	v32 =	vld [tilespmem:$0x650];
	[tilespmem:$0x1FB60] =	vst v63;
	v61 =	vadd.f32 v2, v42;
	v42 =	vmul.f32 $5.000000000e-01, v29;
	v33 =	vadd.f32 v9, v25  }
0x90: {  	[tilespmem:$0x1FE90] =	vst v62;
	v4 =	vmul.f32 $5.000000000e-01, v39;
	v13 =	vadd.f32 v52, v51;
	v39 =	vmax.f32 v50, v19  }
0x91: {  	[tilespmem:$0x1FED0] =	vst v58;
	v19 =	vmax.f32 v18, v22;
	v35 =	vmax.f32 v41, v42;
	v50 =	vmul.f32 $5.000000000e-01, v61  }
0x92: {  	[tilespmem:$0x1FEE0] =	vst v57;
	v51 =	vmax.f32 v21, v20;
	v48 =	vmul.f32 $5.000000000e-01, v33;
	v25 =	vadd.f32 v38, v30  }
0x93: {  	[tilespmem:$0x1FEF0] =	vst v56;
	v30 =	vadd.f32 v14, v34;
	v34 =	vadd.f32 v17, v36;
	v17 =	vmul.f32 $5.000000000e-01, v3  }
0x94: {  	[tilespmem:$0x1FDE0] =	vst v15;
	v47 =	vld [tilespmem:$0x680];
	v3 =	vadd.f32 v32, v46;
	v14 =	vmax.f32 v63, v15;
	v15 =	vmax.f32 v11, v8  }
0x95: {  	[tilespmem:$0x1FE40] =	vst v6;
	v9 =	vld [tilespmem:$0x300];
	v32 =	vmax.f32 v6, v5;
	v63 =	vmax.f32 v54, v55;
	v36 =	vmax.f32 v1, v40  }
0x96: {  	[tilespmem:$0x1FB80] =	vst v55;
	v1 =	vmax.f32 v60, v59;
	v5 =	vmax.f32 v58, v57;
	v6 =	vmax.f32 v56, v45  }
0x97: {  	v40 =	vmovc v22;
	v22 =	vmax.f32 v23, v24;
	v55 =	vmin.f32 v12, v15;
	v56 =	vmin.f32 v32, v63  }
0x98: {  	[tilespmem:$0x1FEB0] =	vst v59;
	v38 =	vld [tilespmem:$0x1FDD0];
	v57 =	vmin.f32 v36, v39;
	v52 =	vmax.f32 v0, v1;
	v58 =	vmin.f32 v0, v1  }
0x99: {  	[tilespmem:$0x1FE30] =	vst v8;
	v46 =	vmax.f32 v5, v6;
	v59 =	vmin.f32 v5, v6;
	v6 =	vmax.f32 v22, v35  }
0x9a: {  	[tilespmem:$0x1FF30] =	vst v18;
	v2 =	vadd.f32 v47, v9;
	v49 =	vmul.f32 $5.000000000e-01, v25;
	v25 =	vmul.f32 $5.000000000e-01, v30  }
0x9b: {  	v61 =	vmax.f32 v17, v4;
	v33 =	vmovc v17;
	[tilespmem:$0x1FF80] =	vst v17;
	v62 =	vmul.f32 $5.000000000e-01, v34;
	v34 =	vmul.f32 $5.000000000e-01, v28;
	v28 =	vmovc v50  }
0x9c: {  	v17 =	vmin.f32 v51, v61;
	v47 =	vmax.f32 v48, v49;
	v30 =	vmovc v48;
	v48 =	vmax.f32 v50, v27  }
0x9d: {  	v29 =	vmovc v49;
	v49 =	vmax.f32 v26, v25;
	v50 =	vmax.f32 v62, v34;
	v9 =	vmax.f32 v38, v16  }
0x9e: {  	[tilespmem:$0x1FF10] =	vst v44;
	v16 =	vmax.f32 v44, v43;
	v44 =	vmovc v18;
	v18 =	vmin.f32 v22, v35;
	v22 =	vmul.f32 $5.000000000e-01, v3  }
0x9f: {  	[tilespmem:$0x1FF60] =	vst v21;
	v35 =	vmovc v21;
	v21 =	vmul.f32 $5.000000000e-01, v13;
	v5 =	vmin.f32 v47, v48;
	v8 =	vmin.f32 v49, v50  }
0xa0: {  	[tilespmem:$0x1FE80] =	vst v53;
	v53 =	vmax.f32 v9, v14;
	v54 =	vmin.f32 v9, v14;
	v9 =	vmax.f32 v12, v15  }
0xa1: {  	[tilespmem:$0x1FEA0] =	vst v60;
	v14 =	vmax.f32 v32, v63;
	v63 =	vmax.f32 v36, v39;
	v0 =	vmax.f32 v16, v19  }
0xa2: {  	[tilespmem:$0x1FF70] =	vst v20;
	v60 =	vmin.f32 v16, v19;
	v32 =	vmovc v20;
	v12 =	vmax.f32 v51, v61;
	v20 =	vmul.f32 $5.000000000e-01, v7  }
0xa3: {  	v36 =	vmovc v23;
	v19 =	vmul.f32 $5.000000000e-01, v10;
	v10 =	vmax.f32 v47, v48;
	v15 =	vmax.f32 v49, v50  }
0xa4: {  	v23 =	vmovc v62;
	v62 =	vmax.f32 v52, v46;
	v46 =	vmin.f32 v52, v46;
	v61 =	vmax.f32 v14, v63  }
0xa5: {  	v39 =	vmovc v24;
	v14 =	vmin.f32 v14, v63;
	v63 =	vmax.f32 v0, v6;
	v0 =	vmin.f32 v0, v6  }
0xa6: {  	v24 =	vmovc v34;
	v34 =	vmax.f32 v12, v10;
	v51 =	vmax.f32 v20, v22;
	v13 =	vmax.f32 v19, v21  }
0xa7: {  	[tilespmem:$0x1FE20] =	vst v11;
	v7 =	vmax.f32 v51, v13;
	v11 =	vmin.f32 v51, v13;
	v13 =	vmax.f32 v53, v9  }
0xa8: {  	[tilespmem:$0x1FF00] =	vst v45;
	v10 =	vmin.f32 v12, v10;
	v45 =	vmax.f32 v13, v61;
	v13 =	vmin.f32 v13, v61  }
0xa9: {  	v9 =	vmin.f32 v53, v9;
	v47 =	vmax.f32 v15, v7;
	v16 =	vmax.f32 v13, v62  }
0xaa: {  	v7 =	vmin.f32 v15, v7;
	v13 =	vmin.f32 v13, v62;
	v61 =	vmin.f32 v45, v16  }
0xab: {  	v50 =	vmax.f32 v13, v63;
	v12 =	vmax.f32 v45, v16;
	v13 =	vmin.f32 v13, v63  }
0xac: {  	v62 =	vmax.f32 v61, v50;
	v15 =	vmin.f32 v61, v50;
	v3 =	vmax.f32 v13, v34  }
0xad: {  	[tilespmem:$0x1FDF0] =	vst v31;
	v6 =	vmin.f32 v13, v34;
	v63 =	vmax.f32 v12, v62;
	v12 =	vmin.f32 v12, v62  }
0xae: {  	v31 =	vmovc v4;
	[tilespmem:$0x1FF90] =	vst v4;
	v4 =	vmax.f32 v15, v3;
	v15 =	vmin.f32 v15, v3;
	v3 =	vmul.f32 $5.000000000e-01, v2  }
0xaf: {  	v45 =	vmax.f32 v6, v47;
	v6 =	vmin.f32 v6, v47;
	v16 =	vmax.f32 v12, v4  }
0xb0: {  	v12 =	vmin.f32 v12, v4;
	v47 =	vmax.f32 v15, v45;
	v13 =	vmin.f32 v15, v45  }
0xb1: {  	v45 =	vmax.f32 v9, v14;
	v9 =	vmin.f32 v9, v14;
	v34 =	vmax.f32 v63, v16  }
0xb2: {  	v16 =	vmin.f32 v63, v16;
	v48 =	vmax.f32 v12, v47;
	v53 =	vmax.f32 v6, v3  }
0xb3: {  	v12 =	vmin.f32 v12, v47;
	v47 =	vmax.f32 v46, v0;
	v0 =	vmin.f32 v46, v0  }
0xb4: {  	v49 =	vmax.f32 v16, v48;
	v50 =	vmax.f32 v13, v53;
	v15 =	vmin.f32 v16, v48  }
0xb5: {  	v52 =	vmin.f32 v13, v53;
	v48 =	vmax.f32 v10, v7;
	v7 =	vmin.f32 v10, v7  }
0xb6: {  	v14 =	vmin.f32 v45, v47;
	v61 =	vmax.f32 v34, v49;
	v62 =	vmax.f32 v12, v50  }
0xb7: {  	v2 =	vmin.f32 v34, v49;
	v53 =	vmin.f32 v12, v50;
	v49 =	vmax.f32 v45, v47  }
0xb8: {  	v50 =	vmax.f32 v9, v0;
	v0 =	vmin.f32 v9, v0;
	v51 =	vmax.f32 v14, v48  }
0xb9: {  	v14 =	vmin.f32 v14, v48;
	v1 =	vmax.f32 v15, v62;
	v4 =	vmin.f32 v15, v62  }
0xba: {  	v63 =	vmax.f32 v49, v51;
	v9 =	vmin.f32 v49, v51;
	v34 =	vmax.f32 v2, v1  }
0xbb: {  	v13 =	vmax.f32 v61, v34;
	v12 =	vmin.f32 v61, v34;
	v61 =	vmax.f32 v50, v7  }
0xbc: {  	v2 =	vmin.f32 v2, v1;
	v7 =	vmin.f32 v50, v7;
	v62 =	vmin.f32 v61, v0  }
0xbd: {  	v0 =	vmax.f32 v61, v0;
	v61 =	vmin.f32 v6, v3;
	v7 =	vmax.f32 v7, v62  }
0xbe: {  	v16 =	vmax.f32 v63, v0;
	v15 =	vmin.f32 v63, v0;
	v45 =	vmin.f32 v9, v0  }
0xbf: {  	v0 =	vmin.f32 v14, v0;
	v1 =	vmin.f32 v63, v7;
	v34 =	vmax.f32 v9, v7  }
0xc0: {  	v9 =	vmin.f32 v9, v7;
	v49 =	vmin.f32 v13, v16;
	v10 =	vmax.f32 v14, v1  }
0xc1: {  	v15 =	vmax.f32 v34, v15;
	v14 =	vmin.f32 v14, v7;
	v46 =	vmax.f32 v10, v45  }
0xc2: {  	v45 =	vmax.f32 v9, v0;
	v50 =	vmax.f32 v12, v15;
	v51 =	vmin.f32 v13, v15  }
0xc3: {  	[tilespmem:$0x1FFB0] =	vst v3;
	v1 =	vmin.f32 v12, v15;
	v3 =	vmin.f32 v2, v15;
	v10 =	vmax.f32 v13, v16  }
0xc4: {  	v47 =	vmin.f32 v13, v46;
	v48 =	vmax.f32 v4, v45;
	v63 =	vmax.f32 v2, v46  }
0xc5: {  	v9 =	vmax.f32 v50, v49;
	v49 =	vmin.f32 v2, v16;
	v50 =	vmin.f32 v13, v14  }
0xc6: {  	v0 =	vmax.f32 v48, v47;
	v34 =	vmax.f32 v63, v51;
	v48 =	vmin.f32 v12, v16  }
0xc7: {  	v51 =	vmin.f32 v13, v45;
	v47 =	vmax.f32 v0, v1;
	v0 =	vmax.f32 v34, v48  }
0xc8: {  	v1 =	vmax.f32 v52, v50;
	v34 =	vmax.f32 v53, v14;
	v48 =	vmin.f32 v12, v46  }
0xc9: {  	v50 =	vmin.f32 v2, v46;
	v63 =	vmax.f32 v47, v49;
	v47 =	vmin.f32 v12, v45  }
0xca: {  	v7 =	vmax.f32 v34, v51;
	v49 =	vmin.f32 v12, v14;
	v34 =	vmin.f32 v4, v15  }
0xcb: {  	v1 =	vmax.f32 v1, v47;
	v6 =	vmax.f32 v7, v48;
	v51 =	vmax.f32 v61, v49  }
0xcc: {  	v47 =	vmin.f32 v2, v45;
	v49 =	vmin.f32 v4, v16;
	v2 =	vmin.f32 v2, v14  }
0xcd: {  	v1 =	vmax.f32 v1, v50;
	v6 =	vmax.f32 v6, v3;
	v48 =	vmax.f32 v51, v47  }
0xce: {  	v50 =	vmin.f32 v53, v16;
	v51 =	vmin.f32 v4, v46;
	v47 =	vmin.f32 v4, v45  }
0xcf: {  	v4 =	vmin.f32 v4, v14;
	v3 =	vmin.f32 v53, v45;
	v45 =	vmin.f32 v52, v45  }
0xd0: {  	v1 =	vmax.f32 v1, v34;
	v6 =	vmax.f32 v6, v49;
	v62 =	vmax.f32 v48, v51  }
0xd1: {  	v34 =	vmin.f32 v53, v15;
	v2 =	vmax.f32 v2, v47;
	v48 =	vmin.f32 v53, v46  }
0xd2: {  	v49 =	vmin.f32 v52, v16;
	v4 =	vmax.f32 v4, v3;
	v47 =	vmin.f32 v61, v15  }
0xd3: {  	v7 =	vmax.f32 v1, v50;
	v1 =	vmax.f32 v62, v34;
	v2 =	vmax.f32 v2, v48  }
0xd4: {  	v50 =	vmin.f32 v52, v15;
	v62 =	vmin.f32 v61, v16;
	v16 =	vmin.f32 v52, v46  }
0xd5: {  	v34 =	vmin.f32 v53, v14;
	v48 =	vmin.f32 v61, v46;
	v15 =	vmin.f32 v56, v57  }
0xd6: {  	v46 =	vmin.f32 v58, v59;
	v61 =	vmax.f32 v8, v11;
	v8 =	vmin.f32 v8, v11  }
0xd7: {  	v12 =	vmax.f32 v1, v49;
	v51 =	vmax.f32 v2, v50;
	v1 =	vmax.f32 v4, v16  }
0xd8: {  	v2 =	vmax.f32 v34, v45;
	v49 =	vmax.f32 v54, v55;
	v50 =	vmax.f32 v56, v57  }
0xd9: {  	v57 =	vmax.f32 v58, v59;
	v59 =	vmax.f32 v60, v18;
	v18 =	vmin.f32 v60, v18  }
0xda: {  	v60 =	vmax.f32 v17, v5;
	v5 =	vmin.f32 v17, v5;
	v13 =	vmax.f32 v51, v62  }
0xdb: {  	v14 =	vmax.f32 v1, v47;
	v16 =	vmax.f32 v2, v48;
	v2 =	vmin.f32 v54, v55  }
0xdc: {  	v62 =	vmax.f32 v49, v50;
	v1 =	vmin.f32 v49, v50;
	v34 =	vmax.f32 v57, v59  }
0xdd: {  	v45 =	vmin.f32 v57, v59;
	v47 =	vmax.f32 v60, v61;
	v17 =	vmin.f32 v60, v61  }
0xde: {  	v48 =	vmin.f32 v62, v34;
	v4 =	vmax.f32 v62, v34;
	v50 =	vmax.f32 v1, v45  }
0xdf: {  	v1 =	vmin.f32 v1, v45;
	v34 =	vmax.f32 v2, v15;
	v2 =	vmin.f32 v2, v15  }
0xe0: {  	v49 =	vmax.f32 v48, v47;
	v52 =	vmin.f32 v48, v47;
	v57 =	vmax.f32 v50, v17  }
0xe1: {  	v17 =	vmin.f32 v50, v17;
	v48 =	vmax.f32 v46, v18;
	v18 =	vmin.f32 v46, v18  }
0xe2: {  	v58 =	vmax.f32 v4, v49;
	v59 =	vmin.f32 v57, v1;
	v4 =	vmin.f32 v4, v49  }
0xe3: {  	v1 =	vmax.f32 v57, v1;
	v49 =	vmax.f32 v5, v8;
	v5 =	vmin.f32 v5, v8  }
0xe4: {  	v50 =	vmax.f32 v34, v48;
	v15 =	vmin.f32 v34, v48;
	v2 =	vmax.f32 v2, v18  }
0xe5: {  	v11 =	vmax.f32 v17, v59;
	v60 =	vmin.f32 v58, v1;
	v3 =	vmin.f32 v4, v1  }
0xe6: {  	v51 =	vmax.f32 v50, v49;
	v8 =	vmin.f32 v50, v49;
	v2 =	vmax.f32 v2, v5  }
0xe7: {  	v61 =	vmax.f32 v4, v11;
	v54 =	vmin.f32 v58, v11;
	v55 =	vmax.f32 v51, v15  }
0xe8: {  	v15 =	vmin.f32 v51, v15;
	v58 =	vmax.f32 v58, v1;
	v4 =	vmin.f32 v4, v11  }
0xe9: {  	v1 =	vmin.f32 v52, v1;
	v17 =	vmax.f32 v61, v60;
	v62 =	vmax.f32 v52, v54  }
0xea: {  	v56 =	vmax.f32 v8, v15;
	v57 =	vmax.f32 v55, v2;
	v2 =	vmin.f32 v55, v2  }
0xeb: {  	v1 =	vmax.f32 v4, v1;
	v61 =	vmin.f32 v52, v11;
	v45 =	vmax.f32 v62, v3  }
0xec: {  	v2 =	vmax.f32 v56, v2;
	v59 =	vmin.f32 v58, v57;
	v62 =	vmin.f32 v17, v57  }
0xed: {  	v5 =	vmax.f32 v58, v57;
	v60 =	vmax.f32 v17, v2;
	v17 =	vmin.f32 v17, v2  }
0xee: {  	v3 =	vmin.f32 v58, v2;
	v34 =	vmin.f32 v45, v57;
	v2 =	vmin.f32 v45, v2  }
0xef: {  	v48 =	vmin.f32 v10, v5;
	v50 =	vmin.f32 v9, v5;
	v11 =	vmax.f32 v60, v59  }
0xf0: {  	v18 =	vmax.f32 v45, v3;
	v17 =	vmax.f32 v1, v17;
	v1 =	vmin.f32 v1, v57  }
0xf1: {  	v2 =	vmax.f32 v61, v2;
	v60 =	vmin.f32 v0, v5;
	v45 =	vmin.f32 v63, v5  }
0xf2: {  	v15 =	vmax.f32 v18, v62;
	v17 =	vmax.f32 v17, v34;
	v1 =	vmax.f32 v2, v1  }
0xf3: {  	v46 =	vmin.f32 v10, v11;
	v49 =	vmax.f32 v9, v11;
	v53 =	vmin.f32 v9, v11  }
0xf4: {  	v61 =	vmin.f32 v0, v11;
	v18 =	vmin.f32 v7, v11;
	v47 =	vmax.f32 v0, v15  }
0xf5: {  	v51 =	vmin.f32 v10, v15;
	v59 =	vmax.f32 v49, v48;
	v54 =	vmin.f32 v10, v17  }
0xf6: {  	v55 =	vmax.f32 v6, v1;
	v58 =	vmin.f32 v9, v15;
	v34 =	vmin.f32 v10, v1  }
0xf7: {  	v48 =	vmin.f32 v0, v15;
	v49 =	vmin.f32 v9, v1;
	v8 =	vmin.f32 v6, v15  }
0xf8: {  	v2 =	vmax.f32 v47, v46;
	v46 =	vmax.f32 v63, v17;
	v57 =	vmax.f32 v55, v54  }
0xf9: {  	v56 =	vmax.f32 v2, v50;
	v52 =	vmax.f32 v46, v51;
	v4 =	vmax.f32 v57, v58  }
0xfa: {  	v46 =	vmin.f32 v9, v17;
	v50 =	vmin.f32 v63, v11;
	v51 =	vmin.f32 v0, v17  }
0xfb: {  	v0 =	vmin.f32 v0, v1;
	v9 =	vmin.f32 v6, v17;
	v2 =	vmax.f32 v52, v53  }
0xfc: {  	v62 =	vmax.f32 v4, v61;
	v4 =	vmax.f32 v7, v34;
	v52 =	vmin.f32 v6, v5  }
0xfd: {  	v53 =	vmin.f32 v63, v15;
	v61 =	vmin.f32 v7, v5;
	v0 =	vmax.f32 v13, v0  }
0xfe: {  	v34 =	vmin.f32 v7, v15;
	v55 =	vmax.f32 v2, v60;
	v54 =	vmax.f32 v62, v45  }
0xff: {  	v47 =	vmax.f32 v4, v46;
	v4 =	vmax.f32 v12, v49;
	v60 =	vmin.f32 v6, v11  }
0x100: {  	v62 =	vmin.f32 v63, v17;
	v63 =	vmin.f32 v63, v1;
	v45 =	vmin.f32 v12, v11  }
0x101: {  	v46 =	vmin.f32 v12, v5;
	v2 =	vmax.f32 v47, v48;
	v4 =	vmax.f32 v4, v51  }
0x102: {  	v49 =	vmin.f32 v12, v15;
	v12 =	vld [tilespmem:$0x1FE40];
	v2 =	vmax.f32 v2, v50;
	v58 =	vmax.f32 v4, v53  }
0x103: {  	v15 =	vld [tilespmem:$0x1FE50];
	v0 =	vmax.f32 v0, v62;
	v57 =	vmax.f32 v2, v52;
	v2 =	vmax.f32 v58, v60  }
0x104: {  	v48 =	vmin.f32 v7, v17;
	v17 =	vld [tilespmem:$0x1FE70];
	v58 =	vmax.f32 v2, v61;
	v2 =	vmax.f32 v14, v63  }
0x105: {  	v1 =	vmin.f32 v6, v1;
	v0 =	vmax.f32 v0, v8;
	v8 =	vld [tilespmem:$0x1FE10];
	v2 =	vmax.f32 v2, v9  }
0x106: {  	v1 =	vmax.f32 v16, v1;
	v50 =	vmin.f32 v13, v11;
	v11 =	vld [tilespmem:$0x1FE20];
	v2 =	vmax.f32 v2, v34  }
0x107: {  	v47 =	vmin.f32 v13, v5;
	v1 =	vmax.f32 v1, v48;
	v48 =	vld [tilespmem:$0x1FB70];
	v2 =	vmax.f32 v2, v45  }
0x108: {  	v60 =	vmax.f32 v2, v47;
	v47 =	vld [tilespmem:$0x1FB50]  }
0x109: {  	v52 =	vld [tilespmem:$0x1FDE0]  }
0x10a: {  	v1 =	vmax.f32 v1, v49;
	v49 =	vld [tilespmem:$0x1FB90]  }
0x10b: {  	v0 =	vmax.f32 v0, v18;
	v18 =	vld [tilespmem:$0x1FE60]  }
0x10c: {  	v63 =	vmax.f32 v10, v5;
	v10 =	vld [tilespmem:$0x1FE30]  }
0x10d: {  	v51 =	vmin.f32 v38, v47;
	v38 =	vld [tilespmem:$0x1FB60]  }
0x10e: {  	v1 =	vmax.f32 v1, v50;
	v50 =	vld [tilespmem:$0x1FBA0]  }
0x10f: {  	v3 =	vmax.f32 v0, v46;
	v46 =	vld [tilespmem:$0x1FE90]  }
0x110: {  	v61 =	vld [tilespmem:$0x1FEB0]  }
0x111: {  	v9 =	vld [tilespmem:$0x1FDF0]  }
0x112: {  	v53 =	vmin.f32 v38, v52;
	v52 =	vld [tilespmem:$0x1FE80]  }
0x113: {  	v45 =	vmin.f32 v18, v17;
	v17 =	vld [tilespmem:$0x1FEE0]  }
0x114: {  	v62 =	vmin.f32 v14, v5;
	v18 =	vld [tilespmem:$0x1FED0]  }
0x115: {  	v34 =	vmax.f32 v1, v62;
	v1 =	vmax.f32 v51, v53;
	v4 =	vmin.f32 v51, v53;
	v53 =	vld [tilespmem:$0x1FEA0]  }
0x116: {  	v51 =	vld [tilespmem:$0x1FB80]  }
0x117: {  	v6 =	vmin.f32 v11, v10;
	v10 =	vmin.f32 v52, v46;
	v46 =	vld [tilespmem:$0x1FF00]  }
0x118: {  	[tilespmem:$0x1FFA0] =	vst v22;
	v22 =	vmin.f32 v20, v22;
	v52 =	vld [tilespmem:$0x1FEF0]  }
0x119: {  	v0 =	vmin.f32 v44, v40;
	v13 =	vmin.f32 v12, v48;
	v2 =	vmin.f32 v36, v39  }
0x11a: {  	v16 =	vmin.f32 v50, v15;
	v5 =	vmin.f32 v9, v8;
	v62 =	vmin.f32 v53, v61;
	v61 =	vld [tilespmem:$0x1FF10]  }
0x11b: {  	v11 =	vmax.f32 v16, v45;
	v8 =	vmin.f32 v16, v45;
	v9 =	vmax.f32 v5, v6  }
0x11c: {  	v5 =	vmin.f32 v5, v6;
	v45 =	vmin.f32 v18, v17;
	v14 =	vmin.f32 v49, v51  }
0x11d: {  	v6 =	vmax.f32 v13, v14;
	v7 =	vmin.f32 v13, v14;
	v53 =	vmin.f32 v52, v46  }
0x11e: {  	v15 =	vmax.f32 v10, v62;
	v10 =	vmin.f32 v10, v62;
	v12 =	vmax.f32 v45, v53  }
0x11f: {  	[tilespmem:$0x1FF20] =	vst v43;
	v13 =	vmin.f32 v45, v53;
	v62 =	vmin.f32 v61, v43;
	v43 =	vmin.f32 v41, v42  }
0x120: {  	v61 =	vmin.f32 v35, v32;
	v53 =	vmin.f32 v26, v25;
	v17 =	vmax.f32 v62, v0  }
0x121: {  	v14 =	vmin.f32 v62, v0;
	v62 =	vmin.f32 v33, v31;
	v52 =	vmax.f32 v2, v43  }
0x122: {  	v32 =	vmovc v27;
	v16 =	vmin.f32 v2, v43;
	v0 =	vmin.f32 v30, v29;
	v2 =	vmin.f32 v28, v27  }
0x123: {  	v31 =	vmovc v26;
	v18 =	vmax.f32 v61, v62;
	v45 =	vmin.f32 v61, v62;
	v61 =	vmax.f32 v0, v2  }
0x124: {  	v26 =	vmovc v23;
	v46 =	vmin.f32 v0, v2;
	v62 =	vmin.f32 v23, v24;
	v23 =	vmin.f32 v19, v21  }
0x125: {  	v27 =	vmovc v24;
	v24 =	vmax.f32 v1, v9;
	v1 =	vmin.f32 v1, v9;
	v0 =	vmax.f32 v6, v11  }
0x126: {  	v6 =	vmin.f32 v6, v11;
	v11 =	vmax.f32 v15, v12;
	v12 =	vmin.f32 v15, v12  }
0x127: {  	v35 =	vmovc v21;
	v21 =	vmax.f32 v17, v52;
	v17 =	vmin.f32 v17, v52;
	v44 =	vmax.f32 v53, v62  }
0x128: {  	v33 =	vmovc v29;
	v53 =	vmin.f32 v53, v62;
	v62 =	vmax.f32 v22, v23;
	v2 =	vmin.f32 v22, v23  }
0x129: {  	v29 =	vmovc v25;
	v22 =	vmax.f32 v18, v61;
	v18 =	vmin.f32 v18, v61;
	v23 =	vmax.f32 v24, v0  }
0x12a: {  	v25 =	vmovc v20;
	v9 =	vmin.f32 v24, v0;
	v20 =	vmax.f32 v11, v21;
	v11 =	vmin.f32 v11, v21  }
0x12b: {  	v52 =	vmax.f32 v12, v17;
	v12 =	vmin.f32 v12, v17;
	v24 =	vmax.f32 v44, v62  }
0x12c: {  	v21 =	vmax.f32 v23, v20;
	v0 =	vmin.f32 v23, v20;
	v15 =	vmax.f32 v22, v24  }
0x12d: {  	v43 =	vmin.f32 v22, v24;
	v22 =	vmax.f32 v9, v11;
	v9 =	vmin.f32 v9, v11  }
0x12e: {  	v23 =	vmax.f32 v0, v15;
	v24 =	vmax.f32 v22, v43;
	v43 =	vmin.f32 v22, v43  }
0x12f: {  	v0 =	vmin.f32 v0, v15;
	v61 =	vmax.f32 v21, v23;
	v20 =	vmin.f32 v24, v9  }
0x130: {  	v11 =	vmin.f32 v21, v23;
	v9 =	vmax.f32 v24, v9;
	v21 =	vmin.f32 v44, v62  }
0x131: {  	[tilespmem:$0x1FF40] =	vst v41;
	v24 =	vmax.f32 v1, v6;
	v1 =	vmin.f32 v1, v6;
	v41 =	vmax.f32 v43, v20  }
0x132: {  	v22 =	vmin.f32 v61, v9;
	v62 =	vmax.f32 v18, v21;
	v18 =	vmin.f32 v18, v21  }
0x133: {  	v20 =	vmax.f32 v24, v52;
	v6 =	vmin.f32 v24, v52;
	v1 =	vmax.f32 v1, v12  }
0x134: {  	v24 =	vmin.f32 v11, v9;
	v23 =	vmax.f32 v11, v41;
	v21 =	vmax.f32 v20, v62  }
0x135: {  	v17 =	vmin.f32 v20, v62;
	v1 =	vmax.f32 v1, v18;
	v11 =	vmin.f32 v11, v41  }
0x136: {  	v62 =	vmax.f32 v7, v8;
	v7 =	vmin.f32 v7, v8;
	v20 =	vmax.f32 v10, v13  }
0x137: {  	v10 =	vmin.f32 v10, v13;
	v15 =	vmax.f32 v23, v22;
	v22 =	vmax.f32 v21, v6  }
0x138: {  	v6 =	vmin.f32 v21, v6;
	v23 =	vmin.f32 v61, v41;
	v21 =	vmax.f32 v14, v16  }
0x139: {  	v14 =	vmin.f32 v14, v16;
	v6 =	vmax.f32 v17, v6;
	v12 =	vmax.f32 v0, v23  }
0x13a: {  	v18 =	vmin.f32 v22, v1;
	v1 =	vmax.f32 v22, v1;
	v17 =	vmax.f32 v61, v9  }
0x13b: {  	v9 =	vmin.f32 v0, v9;
	v0 =	vmin.f32 v0, v41;
	v61 =	vmax.f32 v4, v5  }
0x13c: {  	v4 =	vmin.f32 v4, v5;
	v22 =	vmax.f32 v45, v46;
	v23 =	vmin.f32 v45, v46  }
0x13d: {  	v46 =	vmax.f32 v20, v21;
	v8 =	vmin.f32 v20, v21;
	v12 =	vmax.f32 v12, v24  }
0x13e: {  	[tilespmem:$0x1FF50] =	vst v42;
	v6 =	vmax.f32 v6, v18;
	v9 =	vmax.f32 v11, v9;
	v42 =	vmin.f32 v17, v1  }
0x13f: {  	v44 =	vmin.f32 v15, v1;
	v24 =	vmax.f32 v53, v2;
	v2 =	vmin.f32 v53, v2  }
0x140: {  	v45 =	vmax.f32 v61, v62;
	v5 =	vmin.f32 v61, v62;
	v4 =	vmax.f32 v4, v7  }
0x141: {  	v18 =	vmax.f32 v15, v6;
	v43 =	vmin.f32 v17, v6;
	v15 =	vmin.f32 v15, v6  }
0x142: {  	v52 =	vmin.f32 v12, v1;
	v6 =	vmin.f32 v12, v6;
	v16 =	vmin.f32 v22, v24  }
0x143: {  	v53 =	vmax.f32 v45, v46;
	v4 =	vmax.f32 v4, v10;
	v5 =	vmax.f32 v5, v8  }
0x144: {  	v11 =	vmax.f32 v18, v42;
	v18 =	vmax.f32 v12, v43;
	v15 =	vmax.f32 v9, v15  }
0x145: {  	v12 =	vmin.f32 v45, v46;
	v4 =	vmax.f32 v4, v14;
	v5 =	vmax.f32 v5, v16  }
0x146: {  	v16 =	vmax.f32 v17, v1;
	v1 =	vmin.f32 v9, v1;
	v0 =	vmax.f32 v0, v6  }
0x147: {  	v18 =	vmax.f32 v18, v44;
	v15 =	vmax.f32 v15, v52;
	v52 =	vmax.f32 v22, v24  }
0x148: {  	v4 =	vmax.f32 v4, v23;
	v61 =	vmax.f32 v53, v52;
	v13 =	vmin.f32 v53, v52  }
0x149: {  	v2 =	vmax.f32 v4, v2;
	v62 =	vmax.f32 v61, v12;
	v7 =	vmin.f32 v61, v12  }
0x14a: {  	v7 =	vmax.f32 v13, v7;
	v13 =	vmax.f32 v62, v5;
	v5 =	vmin.f32 v62, v5  }
0x14b: {  	v14 =	vmax.f32 v7, v5;
	v17 =	vmin.f32 v13, v2;
	v2 =	vmax.f32 v13, v2  }
0x14c: {  	v0 =	vmax.f32 v0, v1;
	v4 =	vmax.f32 v14, v17;
	v20 =	vmin.f32 v16, v2  }
0x14d: {  	v22 =	vmin.f32 v11, v2;
	v41 =	vmin.f32 v18, v2;
	v5 =	vmax.f32 v16, v2  }
0x14e: {  	v2 =	vmin.f32 v15, v2;
	v7 =	vmax.f32 v11, v4;
	v21 =	vmin.f32 v16, v4  }
0x14f: {  	v23 =	vmin.f32 v11, v4;
	v4 =	vmin.f32 v18, v4;
	v42 =	vmin.f32 v63, v5  }
0x150: {  	v52 =	vmin.f32 v59, v5;
	v1 =	vmax.f32 v7, v20;
	v6 =	vmax.f32 v18, v21  }
0x151: {  	v24 =	vmax.f32 v15, v23;
	v0 =	vmax.f32 v0, v4;
	v15 =	vmin.f32 v56, v5  }
0x152: {  	v6 =	vmax.f32 v6, v22;
	v7 =	vmax.f32 v24, v41;
	v43 =	vmax.f32 v59, v1  }
0x153: {  	v44 =	vmin.f32 v63, v1;
	v0 =	vmax.f32 v0, v2;
	v12 =	vmin.f32 v59, v1  }
0x154: {  	v18 =	vmin.f32 v56, v1;
	v22 =	vmin.f32 v55, v5;
	v23 =	vmin.f32 v55, v1  }
0x155: {  	v41 =	vmin.f32 v54, v5;
	v45 =	vmax.f32 v56, v6;
	v2 =	vmax.f32 v43, v42  }
0x156: {  	v53 =	vmin.f32 v63, v6;
	v61 =	vmax.f32 v55, v7;
	v13 =	vmin.f32 v63, v7  }
0x157: {  	v14 =	vmax.f32 v54, v0;
	v16 =	vmin.f32 v59, v6;
	v17 =	vmin.f32 v63, v0  }
0x158: {  	v20 =	vmin.f32 v59, v7;
	v21 =	vmin.f32 v56, v6;
	v24 =	vmin.f32 v59, v0  }
0x159: {  	v42 =	vmin.f32 v56, v7;
	v43 =	vmin.f32 v55, v6;
	v59 =	vmin.f32 v55, v0  }
0x15a: {  	v63 =	vmax.f32 v63, v5;
	v46 =	vmax.f32 v45, v44;
	v62 =	vmax.f32 v61, v53  }
0x15b: {  	v9 =	vmax.f32 v14, v13;
	v10 =	vmax.f32 v57, v17;
	v11 =	vmax.f32 v58, v24  }
0x15c: {  	v44 =	vmin.f32 v56, v0;
	v45 =	vmin.f32 v54, v1;
	v53 =	vmin.f32 v54, v6  }
0x15d: {  	v56 =	vmin.f32 v57, v1;
	v61 =	vmin.f32 v58, v5;
	v13 =	vmax.f32 v60, v59  }
0x15e: {  	v24 =	vmin.f32 v3, v5;
	v0 =	vmin.f32 v54, v0;
	v4 =	vmax.f32 v46, v52  }
0x15f: {  	v8 =	vmax.f32 v62, v12;
	v9 =	vmax.f32 v9, v16;
	v10 =	vmax.f32 v10, v20  }
0x160: {  	v11 =	vmax.f32 v11, v42;
	v12 =	vmax.f32 v3, v44;
	v46 =	vmin.f32 v55, v7  }
0x161: {  	v52 =	vmin.f32 v57, v5;
	v62 =	vmin.f32 v54, v7;
	v20 =	vmin.f32 v57, v6  }
0x162: {  	v7 =	vmin.f32 v57, v7;
	v0 =	vmax.f32 v34, v0;
	v6 =	vmin.f32 v58, v6  }
0x163: {  	v5 =	vmin.f32 v60, v5;
	v8 =	vmax.f32 v8, v15;
	v9 =	vmax.f32 v9, v18  }
0x164: {  	v10 =	vmax.f32 v10, v21;
	v11 =	vmax.f32 v11, v43;
	v12 =	vmax.f32 v12, v46  }
0x165: {  	v13 =	vmax.f32 v13, v62;
	v21 =	vmin.f32 v58, v1;
	v0 =	vmax.f32 v0, v7  }
0x166: {  	v1 =	vmin.f32 v3, v1;
	v9 =	vmax.f32 v9, v22;
	v22 =	vmax.f32 v63, v2  }
0x167: {  	v10 =	vmax.f32 v10, v23;
	v11 =	vmax.f32 v11, v45;
	v23 =	vmax.f32 v22, v4  }
0x168: {  	v12 =	vmax.f32 v12, v53;
	v13 =	vmax.f32 v13, v20;
	v15 =	vmax.f32 v23, v8  }
0x169: {  	v10 =	vmax.f32 v10, v41;
	v11 =	vmax.f32 v11, v52;
	v15 =	vmax.f32 v15, v9  }
0x16a: {  	v12 =	vmax.f32 v12, v56;
	v13 =	vmax.f32 v13, v21;
	v21 =	vld [tilespmem:$0x1FFC0];
	v41 =	vmax.f32 v15, v10  }
0x16b: {  	v0 =	vmax.f32 v0, v6;
	v12 =	vmax.f32 v12, v61;
	v42 =	vmax.f32 v41, v11  }
0x16c: {  	v0 =	vmax.f32 v0, v1;
	v13 =	vmax.f32 v13, v24;
	v43 =	vmax.f32 v42, v12  }
0x16d: {  	v22 =	vld [tilespmem:$0x1FFD0];
	v0 =	vmax.f32 v0, v5;
	v1 =	vmax.f32 v43, v13  }
0x16e: {  	v1 =	vmax.f32 v1, v0  }
0x16f: {  	v44 =	vperm.xlane v1, v21  }
0x170: {  	v23 =	vld [tilespmem:$0x1FFE0]  }
0x171: {  	v1 =	vmax.f32 v1, v44  }
0x172: {  	v3 =	vperm.xlane v1, v22  }
0x173: {  	v24 =	vld [tilespmem:$0x1FFF0]  }
0x174: {  	v1 =	vmax.f32 v1, v3  }
0x175: {  	v3 =	vperm.xlane v1, v23;
	_ =	sdelay $0x1  }
0x176: {  	v1 =	vmax.f32 v1, v3  }
0x177: {  	v3 =	vperm.xlane v1, v24;
	_ =	sdelay $0x1  }
0x178: {  	v57 =	vmax.f32 v1, v3  }
0x179: {  	vm1 =	veq.f32 v63, v57;
	vm2 =	veq.f32 v2, v57  }
0x17a: {  	vm0 =	veq.f32 v4, v57;
	v53 =	vsel vm1, $0xFF800000, v63;
	v2 =	vsel vm2, $0xFF800000, v2  }
0x17b: {  	vm10 =	veq.f32 v8, v57;
	v55 =	vsel vm0, $0xFF800000, v4;
	v56 =	vmax.f32 v53, v2  }
0x17c: {  	vm11 =	veq.f32 v9, v57;
	v59 =	vsel vm10, $0xFF800000, v8;
	v4 =	vmax.f32 v56, v55  }
0x17d: {  	vm12 =	veq.f32 v10, v57;
	v15 =	vsel vm11, $0xFF800000, v9;
	v4 =	vmax.f32 v4, v59  }
0x17e: {  	vm13 =	veq.f32 v11, v57;
	v17 =	vsel vm12, $0xFF800000, v10;
	v4 =	vmax.f32 v4, v15  }
0x17f: {  	vm14 =	veq.f32 v12, v57;
	v20 =	vsel vm13, $0xFF800000, v11;
	v4 =	vmax.f32 v4, v17  }
0x180: {  	vm15 =	veq.f32 v13, v57;
	v41 =	vsel vm14, $0xFF800000, v12;
	v4 =	vmax.f32 v4, v20  }
0x181: {  	vm4 =	veq.f32 v0, v57;
	v43 =	vsel vm15, $0xFF800000, v13;
	v4 =	vmax.f32 v4, v41  }
0x182: {  	v0 =	vsel vm4, $0xFF800000, v0;
	v4 =	vmax.f32 v4, v43  }
0x183: {  	v4 =	vmax.f32 v4, v0  }
0x184: {  	v44 =	vperm.xlane v4, v21;
	_ =	sdelay $0x1  }
0x185: {  	v4 =	vmax.f32 v4, v44  }
0x186: {  	v11 =	vperm.xlane v4, v22  }
0x187: {  	v14 =	vimm.s32 $0x0;
	v54 =	vimm.s32 $0x0;
	v16 =	vimm.s32 $0x0  }
0x188: {  	v34 =	vimm.s32 $0x0;
	v46 =	vimm.s32 $0x0;
	v4 =	vmax.f32 v4, v11  }
0x189: {  	v58 =	vimm.s32 $0x0;
	v18 =	vimm.s32 $0x0;
	v11 =	vperm.xlane v4, v23  }
0x18a: {  	v45 =	vimm.s32 $0x0;
	v52 =	vimm.s32 $0x0;
	v42 =	vimm.s32 $0x0  }
0x18b: {  	v1 =	vsel vm1, $0xFFFFFFFF, v45;
	v3 =	vsel vm10, $0xFFFFFFFF, v54;
	v4 =	vmax.f32 v4, v11  }
0x18c: {  	v5 =	vsel vm11, $0xFFFFFFFF, v58;
	v6 =	vsel vm12, $0xFFFFFFFF, v14;
	v11 =	vperm.xlane v4, v24  }
0x18d: {  	v7 =	vsel vm13, $0xFFFFFFFF, v16;
	v8 =	vsel vm14, $0xFFFFFFFF, v18;
	v9 =	vsel vm15, $0xFFFFFFFF, v34  }
0x18e: {  	v10 =	vsel vm4, $0xFFFFFFFF, v42;
	[tilespmem:$0x1FBB0] =	vst v1;
	v1 =	vsel vm2, $0xFFFFFFFF, v46;
	v60 =	vmax.f32 v4, v11  }
0x18f: {  	[tilespmem:$0x1FBC0] =	vst v1;
	v1 =	vsel vm0, $0xFFFFFFFF, v52;
	vm12 =	veq.f32 v53, v60;
	vm11 =	veq.f32 v2, v60  }
0x190: {  	[tilespmem:$0x1FBD0] =	vst v1;
	vm15 =	veq.f32 v55, v60;
	v1 =	vsel vm12, $0xFF800000, v53;
	v2 =	vsel vm11, $0xFF800000, v2  }
0x191: {  	[tilespmem:$0x1FBE0] =	vst v3;
	vm13 =	veq.f32 v59, v60;
	v3 =	vsel vm15, $0xFF800000, v55;
	v45 =	vmax.f32 v1, v2  }
0x192: {  	[tilespmem:$0x1FBF0] =	vst v5;
	vm9 =	veq.f32 v15, v60;
	v5 =	vsel vm13, $0xFF800000, v59;
	v4 =	vmax.f32 v45, v3  }
0x193: {  	[tilespmem:$0x1FC00] =	vst v6;
	vm6 =	veq.f32 v17, v60;
	v6 =	vsel vm9, $0xFF800000, v15;
	v4 =	vmax.f32 v4, v5  }
0x194: {  	[tilespmem:$0x1FC10] =	vst v7;
	vm2 =	veq.f32 v20, v60;
	v7 =	vsel vm6, $0xFF800000, v17;
	v4 =	vmax.f32 v4, v6  }
0x195: {  	[tilespmem:$0x1FC20] =	vst v8;
	vm1 =	veq.f32 v41, v60;
	v8 =	vsel vm2, $0xFF800000, v20;
	v4 =	vmax.f32 v4, v7  }
0x196: {  	[tilespmem:$0x1FC30] =	vst v9;
	vm0 =	veq.f32 v43, v60;
	v9 =	vsel vm1, $0xFF800000, v41;
	v4 =	vmax.f32 v4, v8  }
0x197: {  	[tilespmem:$0x1FC40] =	vst v10;
	vm5 =	veq.f32 v0, v60;
	v10 =	vsel vm0, $0xFF800000, v43;
	v4 =	vmax.f32 v4, v9  }
0x198: {  	v0 =	vsel vm5, $0xFF800000, v0;
	v4 =	vmax.f32 v4, v10  }
0x199: {  	v4 =	vmax.f32 v4, v0  }
0x19a: {  	v46 =	vimm.s32 $0x0;
	v53 =	vperm.xlane v4, v21  }
0x19b: {  	v52 =	vimm.s32 $0x0;
	v11 =	vsel vm0, $0xFFFFFFFF, v46  }
0x19c: {  	[tilespmem:$0x1FC50] =	vst v11;
	v11 =	vsel vm5, $0xFFFFFFFF, v52;
	v4 =	vmax.f32 v4, v53  }
0x19d: {  	[tilespmem:$0x1FC60] =	vst v11;
	v11 =	vperm.xlane v4, v22;
	_ =	sdelay $0x1  }
0x19e: {  	v4 =	vmax.f32 v4, v11  }
0x19f: {  	v11 =	vperm.xlane v4, v23;
	_ =	sdelay $0x1  }
0x1a0: {  	v4 =	vmax.f32 v4, v11  }
0x1a1: {  	v11 =	vperm.xlane v4, v24  }
0x1a2: {  	v62 =	vimm.s32 $0x0;
	v61 =	vimm.s32 $0x0;
	v54 =	vimm.s32 $0x0  }
0x1a3: {  	v63 =	vimm.s32 $0x0;
	v12 =	vimm.s32 $0x0;
	v59 =	vmax.f32 v4, v11  }
0x1a4: {  	v56 =	vimm.s32 $0x0;
	v55 =	vimm.s32 $0x0;
	vm3 =	veq.f32 v1, v59  }
0x1a5: {  	vm7 =	veq.f32 v2, v59;
	vm8 =	veq.f32 v3, v59;
	vm10 =	veq.f32 v5, v59  }
0x1a6: {  	vm14 =	veq.f32 v6, v59;
	vm4 =	veq.f32 v7, v59;
	v4 =	vsel vm3, $0xFFFFFFFF, v54  }
0x1a7: {  	v1 =	vsel vm3, $0xFF800000, v1;
	v2 =	vsel vm7, $0xFF800000, v2;
	[tilespmem:$0x1FC70] =	vst v4;
	v4 =	vsel vm7, $0xFFFFFFFF, v55  }
0x1a8: {  	v3 =	vsel vm8, $0xFF800000, v3;
	v58 =	vmax.f32 v1, v2;
	[tilespmem:$0x1FC80] =	vst v4;
	v4 =	vsel vm8, $0xFFFFFFFF, v56  }
0x1a9: {  	vm5 =	veq.f32 v8, v59;
	v5 =	vsel vm10, $0xFF800000, v5;
	[tilespmem:$0x1FC90] =	vst v4;
	v4 =	vmax.f32 v58, v3  }
0x1aa: {  	v11 =	vsel vm10, $0xFFFFFFFF, v61;
	v6 =	vsel vm14, $0xFF800000, v6;
	v4 =	vmax.f32 v4, v5  }
0x1ab: {  	v7 =	vsel vm4, $0xFF800000, v7;
	v8 =	vsel vm5, $0xFF800000, v8;
	v4 =	vmax.f32 v4, v6  }
0x1ac: {  	vm10 =	veq.f32 v0, v59;
	vm7 =	veq.f32 v9, v59;
	v4 =	vmax.f32 v4, v7  }
0x1ad: {  	v9 =	vsel vm7, $0xFF800000, v9;
	vm8 =	veq.f32 v10, v59;
	v4 =	vmax.f32 v4, v8  }
0x1ae: {  	[tilespmem:$0x1FCA0] =	vst v11;
	v11 =	vsel vm14, $0xFFFFFFFF, v62;
	v10 =	vsel vm8, $0xFF800000, v10;
	v4 =	vmax.f32 v4, v9  }
0x1af: {  	v0 =	vsel vm10, $0xFF800000, v0;
	[tilespmem:$0x1FCB0] =	vst v11;
	v11 =	vsel vm4, $0xFFFFFFFF, v63;
	v4 =	vmax.f32 v4, v10  }
0x1b0: {  	v13 =	vimm.s32 $0x0;
	[tilespmem:$0x1FCC0] =	vst v11;
	v11 =	vsel vm5, $0xFFFFFFFF, v12;
	v4 =	vmax.f32 v4, v0  }
0x1b1: {  	v14 =	vimm.s32 $0x0;
	[tilespmem:$0x1FCD0] =	vst v11;
	v11 =	vsel vm7, $0xFFFFFFFF, v13;
	v16 =	vperm.xlane v4, v21  }
0x1b2: {  	v15 =	vimm.s32 $0x0;
	[tilespmem:$0x1FCE0] =	vst v11;
	v11 =	vsel vm8, $0xFFFFFFFF, v14  }
0x1b3: {  	[tilespmem:$0x1FCF0] =	vst v11;
	v11 =	vsel vm10, $0xFFFFFFFF, v15;
	v4 =	vmax.f32 v4, v16  }
0x1b4: {  	[tilespmem:$0x1FD00] =	vst v11;
	v11 =	vperm.xlane v4, v22;
	_ =	sdelay $0x1  }
0x1b5: {  	v4 =	vmax.f32 v4, v11  }
0x1b6: {  	v11 =	vperm.xlane v4, v23;
	_ =	sdelay $0x1  }
0x1b7: {  	v4 =	vmax.f32 v4, v11  }
0x1b8: {  	v11 =	vperm.xlane v4, v24;
	_ =	sdelay $0x1  }
0x1b9: {  	v18 =	vimm.s32 $0x0;
	v56 =	vmax.f32 v4, v11  }
0x1ba: {  	v34 =	vimm.s32 $0x0;
	v20 =	vimm.s32 $0x0;
	vm3 =	veq.f32 v1, v56  }
0x1bb: {  	vm4 =	veq.f32 v2, v56;
	vm7 =	veq.f32 v3, v56;
	vm5 =	veq.f32 v5, v56  }
0x1bc: {  	vm10 =	veq.f32 v6, v56;
	vm8 =	veq.f32 v7, v56;
	vm14 =	veq.f32 v8, v56  }
0x1bd: {  	vm0 =	veq.f32 v9, v56;
	v1 =	vsel vm3, $0xFF800000, v1;
	v2 =	vsel vm4, $0xFF800000, v2  }
0x1be: {  	v3 =	vsel vm7, $0xFF800000, v3;
	v5 =	vsel vm5, $0xFF800000, v5;
	v6 =	vsel vm10, $0xFF800000, v6  }
0x1bf: {  	v42 =	vld [tilespmem:$0x1FBB0];
	v7 =	vsel vm8, $0xFF800000, v7;
	v11 =	vsel vm0, $0xFFFFFFFF, v18;
	v17 =	vmax.f32 v1, v2  }
0x1c0: {  	v43 =	vld [tilespmem:$0x1FBC0];
	v9 =	vsel vm0, $0xFF800000, v9;
	vm0 =	veq.f32 v10, v56;
	v4 =	vmax.f32 v17, v3  }
0x1c1: {  	v8 =	vsel vm14, $0xFF800000, v8;
	[tilespmem:$0x1FD10] =	vst v11;
	v11 =	vsel vm0, $0xFFFFFFFF, v20;
	v4 =	vmax.f32 v4, v5  }
0x1c2: {  	v45 =	vld [tilespmem:$0x1FBD0];
	v10 =	vsel vm0, $0xFF800000, v10;
	vm0 =	veq.f32 v0, v56;
	v4 =	vmax.f32 v4, v6  }
0x1c3: {  	v46 =	vld [tilespmem:$0x1FBE0];
	[tilespmem:$0x1FD20] =	vst v11;
	v11 =	vsel vm0, $0xFFFFFFFF, v34;
	v0 =	vsel vm0, $0xFF800000, v0;
	v4 =	vmax.f32 v4, v7  }
0x1c4: {  	vm0 =	vnez.u8 v42;
	v42 =	vsel vm12, $0x3F800000, v37;
	v4 =	vmax.f32 v4, v8  }
0x1c5: {  	v52 =	vld [tilespmem:$0x1FBF0];
	[tilespmem:$0x1FD30] =	vst v11;
	v11 =	vsel vm0, $0x3F800000, v37;
	vm0 =	vnez.u8 v43;
	v4 =	vmax.f32 v4, v9  }
0x1c6: {  	v43 =	vsel vm11, $0x3F800000, v37;
	v12 =	vsel vm0, $0x3F800000, v37;
	v4 =	vmax.f32 v4, v10  }
0x1c7: {  	v53 =	vld [tilespmem:$0x1FC00];
	vm0 =	vnez.u8 v45;
	v45 =	vsel vm9, $0x3F800000, v37;
	v4 =	vmax.f32 v4, v0  }
0x1c8: {  	v54 =	vld [tilespmem:$0x1FC10];
	v14 =	vsel vm0, $0x3F800000, v37;
	vm0 =	vnez.u8 v46;
	v41 =	vperm.xlane v4, v21  }
0x1c9: {  	v11 =	vadd.f32 v12, v11;
	v12 =	vsel vm15, $0x3F800000, v37;
	v46 =	vsel vm6, $0x3F800000, v37  }
0x1ca: {  	v55 =	vld [tilespmem:$0x1FC20];
	v15 =	vsel vm0, $0x3F800000, v37;
	vm0 =	vnez.u8 v52;
	v4 =	vmax.f32 v4, v41  }
0x1cb: {  	v52 =	vsel vm1, $0x3F800000, v37;
	v16 =	vsel vm0, $0x3F800000, v37;
	v44 =	vperm.xlane v4, v22  }
0x1cc: {  	v61 =	vld [tilespmem:$0x1FC30];
	vm0 =	vnez.u8 v53;
	v11 =	vadd.f32 v11, v14;
	v14 =	vsel vm13, $0x3F800000, v37  }
0x1cd: {  	v62 =	vld [tilespmem:$0x1FC40];
	v17 =	vsel vm0, $0x3F800000, v37;
	vm0 =	vnez.u8 v54;
	v4 =	vmax.f32 v4, v44  }
0x1ce: {  	v53 =	vimm.s32 $0x0;
	v18 =	vsel vm0, $0x3F800000, v37;
	v58 =	vperm.xlane v4, v23  }
0x1cf: {  	vm0 =	vnez.u8 v55;
	v11 =	vadd.f32 v11, v15;
	v15 =	vsel vm2, $0x3F800000, v37  }
0x1d0: {  	v55 =	vimm.s32 $0x0;
	v13 =	vsel vm0, $0x3F800000, v37;
	v4 =	vmax.f32 v4, v58  }
0x1d1: {  	vm0 =	vnez.u8 v61;
	v61 =	vimm.s32 $0x0;
	v63 =	vperm.xlane v4, v24  }
0x1d2: {  	v20 =	vsel vm0, $0x3F800000, v37;
	vm0 =	vnez.u8 v62;
	v34 =	vadd.f32 v11, v16  }
0x1d3: {  	v41 =	vsel vm0, $0x3F800000, v37;
	v58 =	vimm.s32 $0x0;
	v54 =	vmax.f32 v4, v63  }
0x1d4: {  	v4 =	vadd.f32 v34, v17;
	v63 =	vadd.f32 v43, v42;
	vm0 =	veq.f32 v1, v54  }
0x1d5: {  	vm12 =	veq.f32 v2, v54;
	vm6 =	veq.f32 v3, v54;
	vm9 =	veq.f32 v5, v54  }
0x1d6: {  	vm11 =	veq.f32 v6, v54;
	vm13 =	veq.f32 v7, v54;
	vm15 =	veq.f32 v10, v54  }
0x1d7: {  	vm2 =	veq.f32 v0, v54;
	v1 =	vsel vm0, $0xFF800000, v1;
	v2 =	vsel vm12, $0xFF800000, v2  }
0x1d8: {  	v3 =	vsel vm6, $0xFF800000, v3;
	v5 =	vsel vm9, $0xFF800000, v5;
	v16 =	vsel vm11, $0xFFFFFFFF, v53  }
0x1d9: {  	v6 =	vsel vm11, $0xFF800000, v6;
	v7 =	vsel vm13, $0xFF800000, v7;
	vm11 =	veq.f32 v8, v54  }
0x1da: {  	v62 =	vld [tilespmem:$0x1FC50];
	v10 =	vsel vm15, $0xFF800000, v10;
	v0 =	vsel vm2, $0xFF800000, v0;
	v44 =	vmax.f32 v1, v2  }
0x1db: {  	v4 =	vadd.f32 v4, v18;
	v12 =	vadd.f32 v63, v12;
	v11 =	vmax.f32 v44, v3  }
0x1dc: {  	[tilespmem:$0x1FD40] =	vst v16;
	v16 =	vsel vm13, $0xFFFFFFFF, v55;
	vm13 =	veq.f32 v9, v54;
	v11 =	vmax.f32 v11, v5  }
0x1dd: {  	v8 =	vsel vm11, $0xFF800000, v8;
	v55 =	vld [tilespmem:$0x1FC60];
	v9 =	vsel vm13, $0xFF800000, v9;
	v11 =	vmax.f32 v11, v6  }
0x1de: {  	[tilespmem:$0x1FD50] =	vst v16;
	v16 =	vsel vm15, $0xFFFFFFFF, v58;
	v4 =	vadd.f32 v4, v13;
	v11 =	vmax.f32 v11, v7  }
0x1df: {  	vm15 =	vnez.u8 v62;
	v58 =	vld [tilespmem:$0x1FC70];
	v12 =	vadd.f32 v12, v14;
	v11 =	vmax.f32 v11, v8  }
0x1e0: {  	[tilespmem:$0x1FD60] =	vst v16;
	v16 =	vsel vm2, $0xFFFFFFFF, v61;
	v4 =	vadd.f32 v4, v20;
	v11 =	vmax.f32 v11, v9  }
0x1e1: {  	v62 =	vld [tilespmem:$0x1FC80];
	[tilespmem:$0x1FD70] =	vst v16;
	v16 =	vsel vm15, $0x3F800000, v37;
	v12 =	vadd.f32 v12, v45;
	v11 =	vmax.f32 v11, v10  }
0x1e2: {  	v63 =	vld [tilespmem:$0x1FC90];
	vm15 =	vnez.u8 v55;
	v4 =	vadd.f32 v4, v41;
	v11 =	vmax.f32 v11, v0  }
0x1e3: {  	v34 =	vld [tilespmem:$0x1FCA0];
	v12 =	vadd.f32 v12, v46;
	v41 =	vsel vm3, $0x3F800000, v37;
	v61 =	vperm.xlane v11, v21  }
0x1e4: {  	v46 =	vsel vm4, $0x3F800000, v37;
	v42 =	vsel vm15, $0x3F800000, v37;
	vm15 =	vnez.u8 v58  }
0x1e5: {  	v41 =	vadd.f32 v46, v41;
	v43 =	vsel vm15, $0x3F800000, v37;
	v11 =	vmax.f32 v11, v61;
	v61 =	vld [tilespmem:$0x1FCB0]  }
0x1e6: {  	vm15 =	vnez.u8 v62;
	v62 =	vld [tilespmem:$0x1FCC0];
	v12 =	vadd.f32 v12, v15;
	v15 =	vsel vm10, $0x3F800000, v37  }
0x1e7: {  	v53 =	vsel vm15, $0x3F800000, v37;
	vm15 =	vnez.u8 v63;
	v63 =	vld [tilespmem:$0x1FCD0];
	v55 =	vperm.xlane v11, v22  }
0x1e8: {  	v17 =	vsel vm15, $0x3F800000, v37;
	vm15 =	vnez.u8 v34;
	v34 =	vld [tilespmem:$0x1FCE0];
	v43 =	vadd.f32 v53, v43  }
0x1e9: {  	v45 =	vld [tilespmem:$0x1FCF0];
	v12 =	vadd.f32 v12, v52;
	v53 =	vimm.s32 $0x0;
	v11 =	vmax.f32 v11, v55  }
0x1ea: {  	v18 =	vsel vm15, $0x3F800000, v37;
	v55 =	vperm.xlane v11, v23;
	vm15 =	vnez.u8 v61  }
0x1eb: {  	v12 =	vadd.f32 v12, v16;
	v14 =	vsel vm15, $0x3F800000, v37;
	vm15 =	vnez.u8 v62  }
0x1ec: {  	v11 =	vmax.f32 v11, v55;
	v44 =	vsel vm15, $0x3F800000, v37;
	vm15 =	vnez.u8 v63;
	v63 =	vld [tilespmem:$0x1FD00]  }
0x1ed: {  	v58 =	vsel vm15, $0x3F800000, v37;
	vm15 =	vnez.u8 v34;
	v34 =	vperm.xlane v4, v21  }
0x1ee: {  	v13 =	vsel vm15, $0x3F800000, v37;
	vm15 =	vnez.u8 v45;
	v45 =	vperm.xlane v11, v24  }
0x1ef: {  	v12 =	vadd.f32 v12, v42;
	v62 =	vsel vm7, $0x3F800000, v37;
	v20 =	vsel vm15, $0x3F800000, v37  }
0x1f0: {  	v4 =	vadd.f32 v4, v34;
	v55 =	vmax.f32 v11, v45;
	v11 =	vadd.f32 v43, v17  }
0x1f1: {  	v17 =	vsel vm8, $0x3F800000, v37;
	v43 =	vsel vm14, $0x3F800000, v37;
	vm15 =	vnez.u8 v63  }
0x1f2: {  	v63 =	vsel vm5, $0x3F800000, v37;
	vm10 =	veq.f32 v1, v55;
	vm4 =	veq.f32 v2, v55  }
0x1f3: {  	vm1 =	veq.f32 v3, v55;
	vm2 =	veq.f32 v5, v55;
	vm8 =	veq.f32 v6, v55  }
0x1f4: {  	vm5 =	veq.f32 v7, v55;
	vm3 =	veq.f32 v8, v55;
	vm14 =	veq.f32 v10, v55  }
0x1f5: {  	v61 =	vsel vm15, $0x3F800000, v37;
	v1 =	vsel vm10, $0xFF800000, v1;
	v2 =	vsel vm4, $0xFF800000, v2  }
0x1f6: {  	v3 =	vsel vm1, $0xFF800000, v3;
	v5 =	vsel vm2, $0xFF800000, v5;
	v34 =	vsel vm8, $0xFFFFFFFF, v53  }
0x1f7: {  	v10 =	vsel vm14, $0xFF800000, v10;
	v11 =	vadd.f32 v11, v18;
	v52 =	vmax.f32 v1, v2  }
0x1f8: {  	v53 =	vimm.s32 $0x0;
	v45 =	vmax.f32 v52, v3;
	v52 =	vimm.s32 $0x0  }
0x1f9: {  	[tilespmem:$0x1FD80] =	vst v34;
	v11 =	vadd.f32 v11, v14;
	v34 =	vsel vm14, $0xFFFFFFFF, v52;
	vm14 =	veq.f32 v0, v55  }
0x1fa: {  	v6 =	vsel vm8, $0xFF800000, v6;
	v45 =	vmax.f32 v45, v5;
	[tilespmem:$0x1FD90] =	vst v34;
	v34 =	vsel vm14, $0xFFFFFFFF, v53;
	v53 =	vld [tilespmem:$0x1FD10]  }
0x1fb: {  	v7 =	vsel vm5, $0xFF800000, v7;
	v45 =	vmax.f32 v45, v6;
	v11 =	vadd.f32 v11, v44  }
0x1fc: {  	v8 =	vsel vm3, $0xFF800000, v8;
	vm15 =	veq.f32 v9, v55;
	v45 =	vmax.f32 v45, v7;
	[tilespmem:$0x1FDA0] =	vst v34;
	v34 =	vld [tilespmem:$0x1FD20]  }
0x1fd: {  	v9 =	vsel vm15, $0xFF800000, v9;
	v45 =	vmax.f32 v45, v8;
	v11 =	vadd.f32 v11, v58  }
0x1fe: {  	v41 =	vadd.f32 v41, v62;
	v0 =	vsel vm14, $0xFF800000, v0;
	v45 =	vmax.f32 v45, v9  }
0x1ff: {  	v52 =	vmax.f32 v45, v10;
	v11 =	vadd.f32 v11, v13;
	vm14 =	vnez.u8 v53  }
0x200: {  	v18 =	vmax.f32 v52, v0;
	v52 =	vperm.xlane v4, v22;
	v45 =	vsel vm14, $0x3F800000, v37  }
0x201: {  	v53 =	vld [tilespmem:$0x1FD30];
	v14 =	vperm.xlane v18, v21;
	vm14 =	vnez.u8 v34;
	v34 =	vperm.xlane v12, v21  }
0x202: {  	v11 =	vadd.f32 v11, v20;
	v20 =	vsel vm11, $0x3F800000, v37;
	v4 =	vadd.f32 v4, v52  }
0x203: {  	v16 =	vsel vm14, $0x3F800000, v37;
	v14 =	vmax.f32 v18, v14;
	v12 =	vadd.f32 v12, v34  }
0x204: {  	v11 =	vadd.f32 v11, v61;
	v61 =	vld [tilespmem:$0x1FD40];
	v42 =	vperm.xlane v4, v23;
	v44 =	vperm.xlane v14, v22  }
0x205: {  	v52 =	vsel vm12, $0x3F800000, v37;
	v18 =	vsel vm0, $0x3F800000, v37;
	v62 =	vperm.xlane v12, v22  }
0x206: {  	vm14 =	vnez.u8 v53;
	v4 =	vadd.f32 v4, v42;
	v14 =	vmax.f32 v14, v44  }
0x207: {  	v53 =	vsel vm14, $0x3F800000, v37;
	v34 =	vperm.xlane v14, v23;
	v12 =	vadd.f32 v12, v62;
	v62 =	vld [tilespmem:$0x1FD50]  }
0x208: {  	v42 =	vsel vm6, $0x3F800000, v37;
	v44 =	vsel vm9, $0x3F800000, v37;
	v58 =	vperm.xlane v4, v24  }
0x209: {  	vm7 =	vnez.u8 v61;
	v13 =	vmax.f32 v14, v34;
	v34 =	vadd.f32 v41, v63  }
0x20a: {  	v61 =	vld [tilespmem:$0x1FD70];
	v41 =	vsel vm13, $0x3F800000, v37;
	v4 =	vadd.f32 v4, v58;
	v58 =	vperm.xlane v13, v24  }
0x20b: {  	v63 =	vimm.s32 $0x0;
	v14 =	vadd.f32 v34, v15;
	v15 =	vadd.f32 v52, v18  }
0x20c: {  	v58 =	vmax.f32 v13, v58;
	v13 =	vsel vm7, $0x3F800000, v37;
	vm8 =	vnez.u8 v62  }
0x20d: {  	v62 =	vimm.s32 $0x0;
	v4 =	vmin.f32 v4, $1.000000000e+01;
	vm7 =	veq.f32 v1, v58  }
0x20e: {  	v18 =	vsel vm8, $0x3F800000, v37;
	vm0 =	veq.f32 v2, v58;
	vm14 =	veq.f32 v3, v58  }
0x20f: {  	vm9 =	veq.f32 v5, v58;
	vm12 =	vnez.u8 v61;
	vm13 =	veq.f32 v7, v58  }
0x210: {  	vm8 =	veq.f32 v0, v58;
	v14 =	vadd.f32 v14, v17;
	v15 =	vadd.f32 v15, v42  }
0x211: {  	v52 =	vld [tilespmem:$0x1FD60];
	v1 =	vsel vm7, $0xFF800000, v1;
	v2 =	vsel vm0, $0xFF800000, v2;
	v3 =	vsel vm14, $0xFF800000, v3  }
0x212: {  	v34 =	vsel vm9, $0xFFFFFFFF, v63;
	v5 =	vsel vm9, $0xFF800000, v5;
	v61 =	vsel vm12, $0x3F800000, v37  }
0x213: {  	v7 =	vsel vm13, $0xFF800000, v7;
	vm12 =	veq.f32 v10, v58;
	v63 =	vimm.s32 $0x0  }
0x214: {  	v0 =	vsel vm8, $0xFF800000, v0;
	[tilespmem:$0x1FDB0] =	vst v34;
	v34 =	vmax.f32 v1, v2;
	v10 =	vsel vm12, $0xFF800000, v10  }
0x215: {  	v14 =	vadd.f32 v14, v43;
	v15 =	vadd.f32 v15, v44;
	v46 =	vmax.f32 v34, v3  }
0x216: {  	vm11 =	vnez.u8 v52;
	v34 =	vsel vm13, $0xFFFFFFFF, v62;
	v62 =	vsel vm10, $0x3F800000, v37  }
0x217: {  	vm13 =	veq.f32 v8, v58;
	v52 =	vsel vm11, $0x3F800000, v37;
	vm11 =	veq.f32 v6, v58  }
0x218: {  	vm10 =	veq.f32 v9, v58;
	v46 =	vmax.f32 v46, v5;
	v6 =	vsel vm11, $0xFF800000, v6  }
0x219: {  	v8 =	vsel vm13, $0xFF800000, v8;
	v9 =	vsel vm10, $0xFF800000, v9;
	v46 =	vmax.f32 v46, v6  }
0x21a: {  	[tilespmem:$0x1FDC0] =	vst v34;
	v34 =	vsel vm8, $0xFFFFFFFF, v63;
	v14 =	vadd.f32 v14, v45;
	v46 =	vmax.f32 v46, v7  }
0x21b: {  	v13 =	vadd.f32 v15, v13;
	[tilespmem:$0x1FE00] =	vst v34;
	v34 =	vperm.xlane v12, v23;
	v46 =	vmax.f32 v46, v8  }
0x21c: {  	v63 =	vsel vm4, $0x3F800000, v37;
	v14 =	vadd.f32 v14, v16;
	v46 =	vmax.f32 v46, v9  }
0x21d: {  	v13 =	vadd.f32 v13, v18;
	v12 =	vadd.f32 v12, v34;
	v46 =	vmax.f32 v46, v10  }
0x21e: {  	v45 =	vsel vm1, $0x3F800000, v37;
	v14 =	vadd.f32 v14, v53;
	v17 =	vmax.f32 v46, v0  }
0x21f: {  	v13 =	vadd.f32 v13, v20;
	v42 =	vperm.xlane v12, v24;
	v34 =	vperm.xlane v17, v21  }
0x220: {  	v20 =	vsel vm5, $0x3F800000, v37;
	v53 =	vperm.xlane v14, v21;
	v46 =	vperm.xlane v11, v21  }
0x221: {  	v13 =	vadd.f32 v13, v41;
	v41 =	vsel vm3, $0x3F800000, v37;
	v17 =	vmax.f32 v17, v34  }
0x222: {  	v14 =	vadd.f32 v14, v53;
	v53 =	vld [tilespmem:$0x1FD90];
	v11 =	vadd.f32 v11, v46;
	v34 =	vperm.xlane v17, v22  }
0x223: {  	v12 =	vadd.f32 v12, v42;
	v42 =	vsel vm15, $0x3F800000, v37;
	v13 =	vadd.f32 v13, v52  }
0x224: {  	v52 =	vsel vm11, $0x3F800000, v37;
	v43 =	vperm.xlane v11, v22;
	v44 =	vmax.f32 v17, v34  }
0x225: {  	v34 =	vsub.f32 $1.000000000e+01, v4;
	v4 =	vmul.f32 v4, v57;
	v57 =	vadd.f32 v63, v62  }
0x226: {  	v13 =	vadd.f32 v13, v61;
	v11 =	vadd.f32 v11, v43;
	v46 =	vperm.xlane v44, v23  }
0x227: {  	v17 =	vsel vm2, $0x3F800000, v37;
	vm9 =	vnez.u8 v53;
	v63 =	vadd.f32 v57, v45;
	v45 =	vld [tilespmem:$0x1FD80]  }
0x228: {  	v12 =	vmin.f32 v12, v34;
	v4 =	vadd.f32 $0.0e+00, v4;
	v15 =	vmax.f32 v44, v46  }
0x229: {  	v46 =	vperm.xlane v11, v23;
	v18 =	vsub.f32 v34, v12;
	v62 =	vperm.xlane v15, v24  }
0x22a: {  	v12 =	vmul.f32 v12, v60;
	v44 =	vsel vm9, $0x3F800000, v37;
	v16 =	vadd.f32 v63, v17  }
0x22b: {  	v63 =	vimm.s32 $0x0;
	v11 =	vadd.f32 v11, v46;
	v57 =	vmax.f32 v15, v62  }
0x22c: {  	v60 =	vld [tilespmem:$0x1FDA0];
	v4 =	vadd.f32 v12, v4;
	vm8 =	vnez.u8 v45;
	vm2 =	veq.f32 v1, v57  }
0x22d: {  	vm5 =	veq.f32 v2, v57;
	vm3 =	veq.f32 v3, v57;
	vm6 =	veq.f32 v5, v57  }
0x22e: {  	vm4 =	veq.f32 v6, v57;
	vm9 =	veq.f32 v7, v57;
	vm1 =	veq.f32 v9, v57  }
0x22f: {  	v53 =	vperm.xlane v11, v24;
	v15 =	vsel vm8, $0x3F800000, v37;
	v1 =	vsel vm2, $0xFF800000, v1  }
0x230: {  	v2 =	vsel vm5, $0xFF800000, v2;
	v3 =	vsel vm3, $0xFF800000, v3;
	v5 =	vsel vm6, $0xFF800000, v5  }
0x231: {  	vm15 =	vnez.u8 v60;
	v6 =	vsel vm4, $0xFF800000, v6;
	v7 =	vsel vm9, $0xFF800000, v7  }
0x232: {  	[tilespmem:$0x7A0] =	vst v49;
	v9 =	vsel vm1, $0xFF800000, v9;
	vm8 =	veq.f32 v0, v57;
	v49 =	vsel vm1, $0x3F800000, v37  }
0x233: {  	v46 =	vmax.f32 v1, v2;
	v45 =	vsel vm15, $0x3F800000, v37;
	vm15 =	veq.f32 v10, v57  }
0x234: {  	v34 =	vsel vm8, $0xFFFFFFFF, v63;
	v0 =	vsel vm8, $0xFF800000, v0;
	v43 =	vmax.f32 v46, v3  }
0x235: {  	v11 =	vadd.f32 v11, v53;
	v15 =	vadd.f32 v16, v15;
	v43 =	vmax.f32 v43, v5  }
0x236: {  	v46 =	vsel vm7, $0x3F800000, v37;
	vm7 =	veq.f32 v8, v57;
	v43 =	vmax.f32 v43, v6  }
0x237: {  	v63 =	vsel vm14, $0x3F800000, v37;
	v8 =	vsel vm7, $0xFF800000, v8;
	v62 =	vmax.f32 v43, v7  }
0x238: {  	v10 =	vsel vm15, $0xFF800000, v10;
	[tilespmem:$0x1FEC0] =	vst v34;
	v34 =	vperm.xlane v14, v22;
	v17 =	vmax.f32 v62, v8  }
0x239: {  	v11 =	vmin.f32 v11, v18;
	v15 =	vadd.f32 v15, v20;
	v17 =	vmax.f32 v17, v9  }
0x23a: {  	v14 =	vadd.f32 v14, v34;
	v60 =	vmul.f32 v11, v59;
	v17 =	vmax.f32 v17, v10  }
0x23b: {  	v34 =	vperm.xlane v13, v21;
	v43 =	vsel vm0, $0x3F800000, v37;
	v17 =	vmax.f32 v17, v0  }
0x23c: {  	v11 =	vsub.f32 v18, v11;
	v59 =	vadd.f32 v43, v46;
	v53 =	vperm.xlane v17, v21  }
0x23d: {  	v18 =	vsel vm13, $0x3F800000, v37;
	v15 =	vadd.f32 v15, v41;
	v61 =	vperm.xlane v14, v23  }
0x23e: {  	v41 =	vsel vm12, $0x3F800000, v37;
	v16 =	vmax.f32 v17, v53;
	v17 =	vadd.f32 v59, v63;
	v63 =	vld [tilespmem:$0x1FDB0]  }
0x23f: {  	v13 =	vadd.f32 v13, v34;
	v12 =	vadd.f32 v14, v61;
	v62 =	vperm.xlane v16, v22  }
0x240: {  	v4 =	vadd.f32 v60, v4;
	v43 =	vsel vm5, $0x3F800000, v37;
	v15 =	vadd.f32 v15, v42  }
0x241: {  	v61 =	vperm.xlane v13, v22;
	v60 =	vperm.xlane v12, v24;
	v53 =	vmax.f32 v16, v62  }
0x242: {  	v42 =	vsel vm2, $0x3F800000, v37;
	v15 =	vadd.f32 v15, v44;
	v16 =	vperm.xlane v53, v23  }
0x243: {  	v13 =	vadd.f32 v13, v61;
	v12 =	vadd.f32 v12, v60;
	vm8 =	vnez.u8 v63  }
0x244: {  	v15 =	vadd.f32 v15, v45;
	v14 =	vmax.f32 v53, v16;
	v20 =	vsel vm8, $0x3F800000, v37;
	v53 =	vld [tilespmem:$0x1FDC0]  }
0x245: {  	v12 =	vmin.f32 v12, v11;
	v62 =	vperm.xlane v14, v24;
	v34 =	vadd.f32 v17, v20  }
0x246: {  	v45 =	vsel vm3, $0x3F800000, v37;
	v11 =	vsub.f32 v11, v12;
	v20 =	vsel vm10, $0x3F800000, v37  }
0x247: {  	v59 =	vmax.f32 v14, v62;
	v63 =	vadd.f32 v34, v52;
	v34 =	vmul.f32 v12, v56  }
0x248: {  	v52 =	vsel vm6, $0x3F800000, v37;
	vm0 =	veq.f32 v1, v59;
	vm8 =	veq.f32 v2, v59  }
0x249: {  	vm13 =	veq.f32 v5, v59;
	vm14 =	vnez.u8 v53;
	v1 =	vsel vm0, $0xFF800000, v1  }
0x24a: {  	v2 =	vsel vm8, $0xFF800000, v2;
	v17 =	vsel vm14, $0x3F800000, v37;
	vm14 =	veq.f32 v3, v59  }
0x24b: {  	vm12 =	veq.f32 v6, v59;
	v60 =	vmax.f32 v1, v2;
	v3 =	vsel vm14, $0xFF800000, v3  }
0x24c: {  	vm11 =	veq.f32 v7, v59;
	v44 =	vsel vm13, $0xFF800000, v5;
	v61 =	vmax.f32 v60, v3  }
0x24d: {  	vm10 =	veq.f32 v8, v59;
	v6 =	vsel vm12, $0xFF800000, v6;
	v5 =	vmax.f32 v61, v44  }
0x24e: {  	vm2 =	veq.f32 v9, v59;
	v7 =	vsel vm11, $0xFF800000, v7;
	v5 =	vmax.f32 v5, v6  }
0x24f: {  	vm5 =	veq.f32 v10, v59;
	v8 =	vsel vm10, $0xFF800000, v8;
	v5 =	vmax.f32 v5, v7  }
0x250: {  	vm3 =	veq.f32 v0, v59;
	v9 =	vsel vm2, $0xFF800000, v9;
	v5 =	vmax.f32 v5, v8  }
0x251: {  	v10 =	vsel vm5, $0xFF800000, v10;
	v46 =	vsel vm3, $0xFF800000, v0;
	v5 =	vmax.f32 v5, v9  }
0x252: {  	v63 =	vadd.f32 v63, v17;
	v61 =	vperm.xlane v13, v23;
	v62 =	vmax.f32 v5, v10  }
0x253: {  	v0 =	vadd.f32 v34, v4;
	v53 =	vadd.f32 v43, v42;
	v43 =	vld [tilespmem:$0x1FDE0];
	v60 =	vmax.f32 v62, v46  }
0x254: {  	v4 =	vadd.f32 v63, v18;
	v13 =	vadd.f32 v13, v61;
	v62 =	vperm.xlane v60, v21  }
0x255: {  	[tilespmem:$0x7B0] =	vst v51;
	v34 =	vperm.xlane v15, v21;
	v42 =	vsel vm4, $0x3F800000, v37;
	v51 =	vsel vm13, $0x3F800000, v37  }
0x256: {  	v61 =	vld [tilespmem:$0x1FDD0];
	v4 =	vadd.f32 v4, v20;
	v63 =	vperm.xlane v13, v24;
	v16 =	vmax.f32 v60, v62  }
0x257: {  	v5 =	vadd.f32 v15, v34;
	v62 =	vadd.f32 v53, v45;
	v45 =	vld [tilespmem:$0x1FDF0];
	v60 =	vperm.xlane v16, v22  }
0x258: {  	v18 =	vsel vm11, $0x3F800000, v37;
	[tilespmem:$0x730] =	vst v43;
	v43 =	vsel vm7, $0x3F800000, v37;
	v4 =	vadd.f32 v4, v41;
	v53 =	vld [tilespmem:$0x1FE00]  }
0x259: {  	[tilespmem:$0x8B0] =	vst v40;
	v13 =	vadd.f32 v13, v63;
	v34 =	vperm.xlane v5, v22;
	v15 =	vmax.f32 v16, v60  }
0x25a: {  	[tilespmem:$0x720] =	vst v38;
	v63 =	vsel vm0, $0x3F800000, v37;
	v12 =	vadd.f32 v62, v52;
	v38 =	vperm.xlane v15, v23  }
0x25b: {  	[tilespmem:$0x710] =	vst v47;
	v16 =	vadd.f32 v5, v34;
	v60 =	vsel vm9, $0x3F800000, v37;
	v34 =	vsel vm8, $0x3F800000, v37  }
0x25c: {  	[tilespmem:$0x700] =	vst v61;
	v47 =	vadd.f32 v12, v42;
	v17 =	vadd.f32 v34, v63;
	v52 =	vmax.f32 v15, v38  }
0x25d: {  	[tilespmem:$0x740] =	vst v45;
	vm4 =	vnez.u8 v53;
	v45 =	vsel vm14, $0x3F800000, v37;
	v61 =	vperm.xlane v52, v24  }
0x25e: {  	[tilespmem:$0x790] =	vst v48;
	v42 =	vld [tilespmem:$0x1FE40];
	v34 =	vperm.xlane v16, v23;
	v14 =	vsel vm4, $0x3F800000, v37;
	v48 =	vadd.f32 v17, v45  }
0x25f: {  	[tilespmem:$0x960] =	vst v28;
	v4 =	vadd.f32 v4, v14;
	v14 =	vadd.f32 v47, v60;
	v5 =	vmax.f32 v52, v61  }
0x260: {  	[tilespmem:$0x940] =	vst v30;
	v60 =	vsel vm15, $0x3F800000, v37;
	vm4 =	veq.f32 v1, v5;
	vm6 =	veq.f32 v2, v5  }
0x261: {  	[tilespmem:$0x8C0] =	vst v36;
	v41 =	vperm.xlane v4, v21;
	v47 =	vsel vm4, $0x3F800000, v37;
	v2 =	vsel vm6, $0x3F800000, v37  }
0x262: {  	[tilespmem:$0x8D0] =	vst v39;
	v38 =	vld [tilespmem:$0x1FE30];
	v61 =	vsel vm12, $0x3F800000, v37;
	vm7 =	veq.f32 v3, v5;
	v2 =	vadd.f32 v2, v47  }
0x263: {  	v56 =	vld [tilespmem:$0x1FE10];
	[tilespmem:$0x780] =	vst v42;
	v42 =	vsel vm10, $0x3F800000, v37;
	v3 =	vadd.f32 v48, v51;
	v52 =	vsel vm7, $0x3F800000, v37  }
0x264: {  	[tilespmem:$0x9E0] =	vst v19;
	v62 =	vld [tilespmem:$0x1FE20];
	v1 =	vadd.f32 v14, v43;
	vm8 =	veq.f32 v44, v5;
	v2 =	vadd.f32 v2, v52  }
0x265: {  	[tilespmem:$0x7C0] =	vst v50;
	vm9 =	veq.f32 v6, v5;
	v44 =	vld [tilespmem:$0x1FEC0];
	v63 =	vsel vm8, $0x3F800000, v37;
	v3 =	vadd.f32 v3, v61  }
0x266: {  	[tilespmem:$0x970] =	vst v32;
	vm10 =	veq.f32 v7, v5;
	v48 =	vsel vm2, $0x3F800000, v37;
	v2 =	vadd.f32 v2, v63  }
0x267: {  	vm12 =	veq.f32 v8, v5;
	[tilespmem:$0x770] =	vst v38;
	v38 =	vsel vm9, $0x3F800000, v37;
	v3 =	vadd.f32 v3, v18  }
0x268: {  	[tilespmem:$0x750] =	vst v56;
	v56 =	vld [tilespmem:$0x1FE60];
	vm13 =	veq.f32 v9, v5;
	v1 =	vadd.f32 v1, v49;
	v2 =	vadd.f32 v2, v38  }
0x269: {  	[tilespmem:$0x760] =	vst v62;
	v62 =	vld [tilespmem:$0x1FE70];
	vm14 =	veq.f32 v10, v5;
	v45 =	vsel vm10, $0x3F800000, v37;
	v3 =	vadd.f32 v3, v42  }
0x26a: {  	[tilespmem:$0x9F0] =	vst v35;
	v1 =	vadd.f32 v1, v60;
	vm11 =	vnez.u8 v44;
	v2 =	vadd.f32 v2, v45  }
0x26b: {  	[tilespmem:$0x950] =	vst v33;
	v50 =	vsel vm12, $0x3F800000, v37;
	v7 =	vsel vm11, $0x3F800000, v37;
	v3 =	vadd.f32 v3, v48  }
0x26c: {  	[tilespmem:$0x980] =	vst v31;
	v17 =	vld [tilespmem:$0x1FE80];
	v52 =	vsel vm5, $0x3F800000, v37;
	v1 =	vadd.f32 v1, v7;
	v2 =	vadd.f32 v2, v50  }
0x26d: {  	v20 =	vld [tilespmem:$0x1FE90];
	[tilespmem:$0x7E0] =	vst v56;
	v4 =	vadd.f32 v4, v41;
	v60 =	vsel vm13, $0x3F800000, v37;
	v3 =	vadd.f32 v3, v52  }
0x26e: {  	[tilespmem:$0x7F0] =	vst v62;
	v62 =	vsel vm3, $0x3F800000, v37;
	v56 =	vperm.xlane v1, v21;
	v2 =	vadd.f32 v2, v60  }
0x26f: {  	[tilespmem:$0x990] =	vst v29;
	v53 =	vld [tilespmem:$0x1FE50];
	v14 =	vsel vm14, $0x3F800000, v37;
	v12 =	vperm.xlane v4, v22;
	v3 =	vadd.f32 v3, v62  }
0x270: {  	[tilespmem:$0x9A0] =	vst v26;
	vm15 =	veq.f32 v46, v5;
	v1 =	vadd.f32 v1, v56;
	v2 =	vadd.f32 v2, v14  }
0x271: {  	v15 =	vld [tilespmem:$0x1FF30];
	[tilespmem:$0x800] =	vst v17;
	v18 =	vsel vm15, $0x3F800000, v37;
	v4 =	vadd.f32 v4, v12;
	v17 =	vperm.xlane v3, v21  }
0x272: {  	[tilespmem:$0x810] =	vst v20;
	v43 =	vld [tilespmem:$0x1FEB0];
	v6 =	vadd.f32 v16, v34;
	v20 =	vperm.xlane v1, v22;
	v2 =	vadd.f32 v2, v18  }
0x273: {  	[tilespmem:$0x9B0] =	vst v27;
	v51 =	vld [tilespmem:$0x1FEF0];
	v34 =	vmin.f32 v13, v11;
	v36 =	vperm.xlane v4, v23;
	v3 =	vadd.f32 v3, v17  }
0x274: {  	[tilespmem:$0x7D0] =	vst v53;
	v53 =	vld [tilespmem:$0x1FF00];
	v39 =	vperm.xlane v6, v24;
	v1 =	vadd.f32 v1, v20;
	v40 =	vperm.xlane v2, v21  }
0x275: {  	[tilespmem:$0x9C0] =	vst v25;
	v41 =	vld [tilespmem:$0x1FEA0];
	v11 =	vsub.f32 v11, v34;
	v4 =	vadd.f32 v4, v36;
	v42 =	vperm.xlane v3, v22  }
0x276: {  	[tilespmem:$0x8A0] =	vst v15;
	v47 =	vld [tilespmem:$0x1FED0];
	v6 =	vadd.f32 v6, v39;
	v44 =	vperm.xlane v1, v23;
	v2 =	vadd.f32 v2, v40  }
0x277: {  	v8 =	vmul.f32 v34, v54;
	v49 =	vld [tilespmem:$0x1FEE0];
	[tilespmem:$0x830] =	vst v43;
	v46 =	vperm.xlane v4, v24;
	v3 =	vadd.f32 v3, v42  }
0x278: {  	v61 =	vld [tilespmem:$0x1FF10];
	[tilespmem:$0x860] =	vst v51;
	v6 =	vmin.f32 v6, v11;
	v1 =	vadd.f32 v1, v44;
	v48 =	vperm.xlane v2, v22  }
0x279: {  	[tilespmem:$0x870] =	vst v53;
	v43 =	vld [tilespmem:$0x1FF60];
	v50 =	vsub.f32 v11, v6;
	v4 =	vadd.f32 v4, v46;
	v51 =	vperm.xlane v3, v23  }
0x27a: {  	v0 =	vadd.f32 v8, v0;
	[tilespmem:$0x820] =	vst v41;
	v63 =	vld [tilespmem:$0x1FF20];
	v52 =	vperm.xlane v1, v24;
	v2 =	vadd.f32 v2, v48  }
0x27b: {  	v41 =	vld [tilespmem:$0x1FF50];
	[tilespmem:$0x840] =	vst v47;
	v6 =	vmul.f32 v6, v55;
	v4 =	vmin.f32 v4, v50;
	v3 =	vadd.f32 v3, v51  }
0x27c: {  	[tilespmem:$0x850] =	vst v49;
	v47 =	vld [tilespmem:$0x1FF80];
	v53 =	vsub.f32 v50, v4;
	v1 =	vadd.f32 v1, v52;
	v54 =	vperm.xlane v2, v23  }
0x27d: {  	[tilespmem:$0x880] =	vst v61;
	v49 =	vld [tilespmem:$0x1FF90];
	v9 =	vperm.xlane v3, v24  }
0x27e: {  	v38 =	vld [tilespmem:$0x1FF40];
	[tilespmem:$0x900] =	vst v43;
	v0 =	vadd.f32 v6, v0;
	v1 =	vmin.f32 v1, v53;
	v2 =	vadd.f32 v2, v54  }
0x27f: {  	v45 =	vld [tilespmem:$0x1FF70];
	[tilespmem:$0x890] =	vst v63;
	v4 =	vmul.f32 v4, v58;
	v55 =	vsub.f32 v53, v1;
	v3 =	vadd.f32 v3, v9  }
0x280: {  	[tilespmem:$0x8F0] =	vst v41;
	v63 =	vld [tilespmem:$0x1FFB0];
	v56 =	vperm.xlane v2, v24  }
0x281: {  	[tilespmem:$0x920] =	vst v47;
	v60 =	vld [tilespmem:$0x1FFA0];
	v0 =	vadd.f32 v4, v0;
	v1 =	vmul.f32 v1, v57;
	v3 =	vmin.f32 v3, v55  }
0x282: {  	[tilespmem:$0x930] =	vst v49;
	v58 =	vsub.f32 v55, v3;
	v2 =	vadd.f32 v2, v56  }
0x283: {  	[tilespmem:$0x8E0] =	vst v38;
	v0 =	vadd.f32 v1, v0;
	v61 =	vmul.f32 v3, v59  }
0x284: {  	[tilespmem:$0x910] =	vst v45;
	v2 =	vmin.f32 v2, v58  }
0x285: {  	[tilespmem:$0xA00] =	vst v63;
	v0 =	vadd.f32 v61, v0;
	v62 =	vmul.f32 v2, v5  }
0x286: {  	[tilespmem:$0x9D0] =	vst v60  }
0x287: {  	[hbm4b:s4+s2] =	stream.linear.scatter [tilespmem:s10], [sflag:$0x1], $0x310, $0x38;
	v0 =	vadd.f32 v62, v0;
	[tilespmem:$0xB00] =	vst v63  }
0x288: {  	_ =	swait.ge [sflag:s8], $0x310  }
0x289: {  	[sflag:s8] =	ssyncset.done $0x0;
	v0 =	vmul.f32 $1.000000010e-01, v0  }
0x28a: {  	p0 =	sne.s32 s7, $0x1;
	[sflag:s8] =	ssyncadd.s32 $0xFFFFFCF0  }
.Ltmp1:
0x28b: {  	[tilespmem:$0xA80] =	vst v0;
	(pc) =	sbr.rel @p0 .LBB2_2-.Ltmp1, $4  }
0x28c: {  	[hbm4b:s5+s2] =	stream.linear.scatter [tilespmem:s11], [sflag:$0x1], $0x80, $0x38;
	[tilespmem:$0xB00] =	vst v63  }
0x28d: {  	_ =	swait.ge [sflag:s8], $0x80  }
0x28e: {  	[sflag:s8] =	ssyncset.done $0x0  }
0x28f: {  	s7 =	sadd.s32 $0xFFFFFFFF, s7;
	[sflag:s8] =	ssyncadd.s32 $0xFFFFFF80  }
.LBB2_3:
0x290: {  	_ =	sfence.sel $0x180000  }
0x291: {  	[bflag:$0x0] =	sbarrier.arrive $0xFFFF  }
0x292: {  	p0 =	sne.s32 s1, $0x0;
	_ =	strace $0x90000047  }
0x293: {  	s0 =	sadd.s32 @!p0 $0x100000, s0;
	[bflag:$0x2] =	sbarrier.arrive $0xFFFF  }
0x294: {  	[sflag:s0] =	ssyncadd.tile.s32 @!p0 $0x1;
	_ =	shalt  }
.Lfunc_end2:
_tile_overlayer_lowered:
.L_overlay_start_2:
0x295: {  	(tag) =	ssettag $0x2  }
0x296: {  	s0 =	rddreg [dreg:$0x0];
	s2 =	stileid.u32  }
0x297: {  	s1 =	rddreg [dreg:$0x1];
	p0 =	sne.s32 s2, $0x0  }
0x298: {  	s3 =	rddreg [dreg:$0x2];
	[bflag:$0x3] =	sbarrier.arrive $0xFFFF;
	s2 =	simm.s32 @!p0 $0x1C01  }
0x299: {  	[timem:s3], [sflag:s2] =	dma.local @!p0 [hbm:s0], s1  }
0x29a: {  	s0 =	simm.s32 @!p0 $0x1  }
0x29b: {  	_ =	swait.ge @!p0 [sflag:s0], s1  }
0x29c: {  	s1 =	ssub.s32 @!p0 $0x0, s1;
	[sflag:s0] =	ssyncset.done @!p0 $0x0  }
0x29d: {  	[sflag:s0] =	ssyncadd.s32 @!p0 s1  }
0x29e: {  	[bflag:$0x3] =	sbarrier.arrive $0xFFFF  }
0x29f: {  	_ =	shalt  }

</sc_bundles>
